<compile_context>
chip_gen: v7x
topology: tpu7x:2x2x1
jax: 0.10.2.dev20260603
libtpu: 0.0.44.dev20260713+nightly
codegen_flags: <defaults>
</compile_context>

<pallas_src>
import jax
import jax.numpy as jnp
from jax import lax
from jax.experimental import pallas as pl
from jax.experimental.pallas import tpu as pltpu
from jax.experimental.pallas import tpu_sc as plsc

N_NODES = 10000
N_PAD = 10240
D = 128
NC = 2
NS = 16
NW = NC * NS
CHUNK = 128
IDX_BLK = 16
ROWS_PER_SUB = N_PAD // NS


def _sc_aggregate(n_outer, with_cnt=False):
    mesh = plsc.VectorSubcoreMesh(
        core_axis_name="c", subcore_axis_name="s", num_cores=NC, num_subcores=NS
    )

    out_type = [jax.ShapeDtypeStruct((NC, N_PAD, D), jnp.float32)]
    if with_cnt:
        out_type.append(jax.ShapeDtypeStruct((NC, N_PAD, D), jnp.float32))

    def body(feat, src3, dst3, zeros, ones, *refs):
        if with_cnt:
            p_out, c_out, s_sh, idx_s, idx_d, rows0, rows1, sem = refs
        else:
            p_out, s_sh, idx_s, idx_d, rows0, rows1, sem = refs
        c = lax.axis_index("c")
        s = lax.axis_index("s")
        w = c * NS + s
        base = s * ROWS_PER_SUB
        pltpu.sync_copy(zeros, s_sh.at[pl.ds(base, ROWS_PER_SUB)])
        bufs = [rows0, rows1]

        if with_cnt:
            pltpu.sync_copy(ones, rows0)
            plsc.subcore_barrier()

            def cnt_outer(o, carry):
                pltpu.sync_copy(dst3.at[w, pl.ds(o * IDX_BLK, IDX_BLK)], idx_d)
                for j in range(IDX_BLK):
                    pltpu.sync_copy(rows0, s_sh.at[idx_d.at[j]], add=True)
                return carry

            lax.fori_loop(0, n_outer, cnt_outer, 0)
            plsc.subcore_barrier()
            pltpu.sync_copy(
                s_sh.at[pl.ds(base, ROWS_PER_SUB)],
                c_out.at[c, pl.ds(base, ROWS_PER_SUB)],
            )
            pltpu.sync_copy(zeros, s_sh.at[pl.ds(base, ROWS_PER_SUB)])
        plsc.subcore_barrier()

        def outer(o, carry):
            pltpu.sync_copy(src3.at[w, pl.ds(o * IDX_BLK, IDX_BLK)], idx_s)
            pltpu.sync_copy(dst3.at[w, pl.ds(o * IDX_BLK, IDX_BLK)], idx_d)
            d = pltpu.async_copy(feat.at[idx_s.at[0]], bufs[0], sem)
            for j in range(IDX_BLK):
                d.wait()
                if j + 1 < IDX_BLK:
                    d = pltpu.async_copy(
                        feat.at[idx_s.at[j + 1]], bufs[(j + 1) % 2], sem
                    )
                pltpu.sync_copy(bufs[j % 2], s_sh.at[idx_d.at[j]], add=True)
            return carry

        lax.fori_loop(0, n_outer, outer, 0)
        plsc.subcore_barrier()
        pltpu.sync_copy(
            s_sh.at[pl.ds(base, ROWS_PER_SUB)],
            p_out.at[c, pl.ds(base, ROWS_PER_SUB)],
        )

    return pl.kernel(
        body,
        out_type=out_type,
        mesh=mesh,
        scratch_types=[
            pltpu.VMEM_SHARED((N_PAD, D), jnp.float32),
            pltpu.VMEM((IDX_BLK, CHUNK), jnp.int32),
            pltpu.VMEM((IDX_BLK, CHUNK), jnp.int32),
            pltpu.VMEM((CHUNK, D), jnp.float32),
            pltpu.VMEM((CHUNK, D), jnp.float32),
            pltpu.SemaphoreType.DMA,
        ],
    )


def _tc_layer(relu, n_pad, cw):
    R = 256
    grid = (n_pad // R,)

    def body(p_ref, c_ref, x_ref, wl_ref, wr_ref, b_ref, o_ref):
        ssum = p_ref[0] + p_ref[1]
        cnt = c_ref[0][:, 0:1] + c_ref[1][:, 0:1]
        inv = 1.0 / jnp.maximum(cnt, 1.0)
        acc = jnp.dot(ssum * inv, wl_ref[...], preferred_element_type=jnp.float32)
        acc = acc + jnp.dot(x_ref[...], wr_ref[...], preferred_element_type=jnp.float32)
        acc = acc + b_ref[...]
        if relu:
            acc = jnp.maximum(acc, 0.0)
        o_ref[...] = acc

    return pl.pallas_call(
        body,
        grid=grid,
        in_specs=[
            pl.BlockSpec((NC, R, D), lambda i: (0, i, 0)),
            pl.BlockSpec((NC, R, cw), lambda i: (0, i, 0)),
            pl.BlockSpec((R, D), lambda i: (i, 0)),
            pl.BlockSpec((D, D), lambda i: (0, 0)),
            pl.BlockSpec((D, D), lambda i: (0, 0)),
            pl.BlockSpec((1, D), lambda i: (0, 0)),
        ],
        out_specs=pl.BlockSpec((R, D), lambda i: (i, 0)),
        out_shape=jax.ShapeDtypeStruct((n_pad, D), jnp.float32),
    )


def kernel(x, edge_index, Wl0, bl0, Wr0, Wl1, bl1, Wr1, Wl2, bl2, Wr2):
    e = edge_index.shape[1]
    per_w = -(-e // NW)
    n_chunks = -(-per_w // CHUNK)
    n_chunks = -(-n_chunks // IDX_BLK) * IDX_BLK
    e_pad = NW * n_chunks * CHUNK

    src = edge_index[0]
    dst = edge_index[1]
    per_w_real = e // NW
    pad_w = n_chunks * CHUNK - per_w_real
    dummy_src = (jnp.arange(NW * pad_w, dtype=jnp.int32) * 37) % N_NODES
    n_spare = N_PAD - N_NODES - 1
    dummy_dst = N_NODES + (jnp.arange(NW * pad_w, dtype=jnp.int32) % n_spare)
    src3 = jnp.concatenate(
        [src.reshape(NW, per_w_real), dummy_src.reshape(NW, pad_w)], axis=1
    ).reshape(NW, n_chunks, CHUNK)
    dst3 = jnp.concatenate(
        [dst.reshape(NW, per_w_real), dummy_dst.reshape(NW, pad_w)], axis=1
    ).reshape(NW, n_chunks, CHUNK)

    x_pad = jnp.pad(x, ((0, N_PAD - x.shape[0]), (0, 0)))
    ones = jnp.ones((CHUNK, D), jnp.float32)
    zeros = jnp.zeros((ROWS_PER_SUB, D), jnp.float32)

    agg0 = _sc_aggregate(n_chunks // IDX_BLK, with_cnt=True)
    agg = _sc_aggregate(n_chunks // IDX_BLK)
    layer_relu = _tc_layer(True, N_PAD, D)
    layer_lin = _tc_layer(False, N_PAD, D)

    p0, cnt = agg0(x_pad, src3, dst3, zeros, ones)
    h1 = layer_relu(p0, cnt, x_pad, Wl0.T, Wr0.T, bl0.reshape(1, D))
    (p1,) = agg(h1, src3, dst3, zeros, ones)
    h2 = layer_relu(p1, cnt, h1, Wl1.T, Wr1.T, bl1.reshape(1, D))
    (p2,) = agg(h2, src3, dst3, zeros, ones)
    out = layer_lin(p2, cnt, h2, Wl2.T, Wr2.T, bl2.reshape(1, D))
    return out[:N_NODES]

# --- scband reference (transcript-rebuilt; emitter-appended) ---
"""Pipeline reference for scband-sage-68118181314633 (READ-ONLY COPY).

The authoritative reference and input builder live on the scoring server;
editing this copy changes nothing except your own understanding.
"""

import jax, jax.numpy as jnp
import numpy as np

N = 10000
E = 320000
D_IN = 128
D_HID = 128
D_OUT = 128


def _lin_init(key, out_f, in_f):
    bound = 1.0 / np.sqrt(in_f)
    return jax.random.uniform(key, (out_f, in_f), dtype=jnp.float32, minval=-bound, maxval=bound)


def setup_inputs(seed: int = 0) -> dict:
    key = jax.random.key(seed)
    ks = jax.random.split(key, 12)
    x = jax.random.normal(ks[0], (N, D_IN), dtype=jnp.float32)
    edge_index = jax.random.randint(ks[1], (2, E), 0, N, dtype=jnp.int32)
    # SAGEConv params: lin_l (applied to mean-aggregated neighbors, with bias),
    # lin_r (applied to root features, no bias)
    Wl0 = _lin_init(ks[2], D_HID, D_IN)
    bl0 = jnp.zeros((D_HID,), dtype=jnp.float32)
    Wr0 = _lin_init(ks[3], D_HID, D_IN)
    Wl1 = _lin_init(ks[4], D_HID, D_HID)
    bl1 = jnp.zeros((D_HID,), dtype=jnp.float32)
    Wr1 = _lin_init(ks[5], D_HID, D_HID)
    Wl2 = _lin_init(ks[6], D_OUT, D_HID)
    bl2 = jnp.zeros((D_OUT,), dtype=jnp.float32)
    Wr2 = _lin_init(ks[7], D_OUT, D_HID)
    return {
        "x": x, "edge_index": edge_index,
        "Wl0": Wl0, "bl0": bl0, "Wr0": Wr0,
        "Wl1": Wl1, "bl1": bl1, "Wr1": Wr1,
        "Wl2": Wl2, "bl2": bl2, "Wr2": Wr2,
    }


def _sage_conv(x, edge_index, Wl, bl, Wr):
    src = edge_index[0]
    dst = edge_index[1]
    msgs = x[src]  # gather neighbor features: [E, d]
    summed = jax.ops.segment_sum(msgs, dst, num_segments=x.shape[0])
    cnt = jax.ops.segment_sum(jnp.ones((edge_index.shape[1],), dtype=x.dtype), dst,
                              num_segments=x.shape[0])
    mean = summed / jnp.maximum(cnt, 1.0)[:, None]
    return mean @ Wl.T + bl + x @ Wr.T


def reference(x, edge_index, Wl0, bl0, Wr0, Wl1, bl1, Wr1, Wl2, bl2, Wr2):
    # eval mode: dropout is identity
    h = jax.nn.relu(_sage_conv(x, edge_index, Wl0, bl0, Wr0))
    h = jax.nn.relu(_sage_conv(h, edge_index, Wl1, bl1, Wr1))
    out = _sage_conv(h, edge_index, Wl2, bl2, Wr2)
    return out

if __name__ == "__main__":
    import jax
    _d = setup_inputs()
    print(jax.jit(kernel)(*tuple(_d.values())))

</pallas_src>

<mosaic_0001>
#map = affine_map<(d0, d1) -> (0, 0)>
#map1 = affine_map<(d0, d1) -> (0, 0, 0)>
module attributes {stable_mosaic.version = 14 : i64} {
  func.func @body(%arg0: i32, %arg1: i32, %arg2: memref<10240x128xf32, #tpu.memory_space<hbm>>, %arg3: memref<32x80x128xi32, #tpu.memory_space<hbm>>, %arg4: memref<32x80x128xi32, #tpu.memory_space<hbm>>, %arg5: memref<640x128xf32, #tpu.memory_space<hbm>>, %arg6: memref<128x128xf32, #tpu.memory_space<hbm>>, %arg7: memref<2x10240x128xf32, #tpu.memory_space<hbm>>, %arg8: memref<2x10240x128xf32, #tpu.memory_space<hbm>>, %arg9: memref<10240x128xf32, #tpu.memory_space<vmem_shared>>, %arg10: memref<16x128xi32, #tpu.memory_space<vmem>>, %arg11: memref<16x128xi32, #tpu.memory_space<vmem>>, %arg12: memref<128x128xf32, #tpu.memory_space<vmem>>, %arg13: memref<128x128xf32, #tpu.memory_space<vmem>>, %arg14: memref<!tpu.dma_semaphore, #tpu.memory_space<semaphore_mem>>) attributes {dimension_semantics = [#tpu.dimension_semantics<core_parallel>, #tpu.dimension_semantics<subcore_parallel>], iteration_bounds = array<i64: 2, 16>, scalar_prefetch = 0 : i64, scratch_operands = 6 : i64, tpu.core_type = #tpu.core_type<sc_vector_subcore>, window_params = [{transform_indices = #map}, {transform_indices = #map1}, {transform_indices = #map1}, {transform_indices = #map}, {transform_indices = #map}, {transform_indices = #map1}, {transform_indices = #map1}]} {
    %mul3A = arith.constant 16 : i32
    %mul3A_0 = arith.muli %arg0, %mul3A : i32
    %add3A = arith.addi %mul3A_0, %arg1 : i32
    %mul3A_1 = arith.constant 640 : i32
    %mul3A_2 = arith.muli %arg1, %mul3A_1 : i32
    "tpu.region"() ({
      %run_scoped3A = tpu.sem_alloc : memref<!tpu.dma_semaphore, #tpu.memory_space<semaphore_mem>>
      %dma_start3A = arith.constant 0 : i32
      %dma_start3A_17 = tpu.memref_slice %arg9[%mul3A_2, %dma_start3A] : memref<10240x128xf32, #tpu.memory_space<vmem_shared>> -> memref<640x128xf32, #tpu.memory_space<vmem_shared>>
      tpu.enqueue_dma source(%arg5 : memref<640x128xf32, #tpu.memory_space<hbm>>) target(%dma_start3A_17 : memref<640x128xf32, #tpu.memory_space<vmem_shared>>) target_semaphore(%run_scoped3A : memref<!tpu.dma_semaphore, #tpu.memory_space<semaphore_mem>>)
      %dma_wait3A = arith.constant 0 : i32
      %dma_wait3A_18 = tpu.memref_slice %arg9[%mul3A_2, %dma_wait3A] : memref<10240x128xf32, #tpu.memory_space<vmem_shared>> -> memref<640x128xf32, #tpu.memory_space<vmem_shared>>
      tpu.wait_dma2 semaphore(%run_scoped3A : memref<!tpu.dma_semaphore, #tpu.memory_space<semaphore_mem>>) src(%arg5 : memref<640x128xf32, #tpu.memory_space<hbm>>) dst(%dma_wait3A_18 : memref<640x128xf32, #tpu.memory_space<vmem_shared>>)
      tpu.yield
    }) : () -> ()
    "tpu.region"() ({
      %run_scoped3A = tpu.sem_alloc : memref<!tpu.dma_semaphore, #tpu.memory_space<semaphore_mem>>
      tpu.enqueue_dma source(%arg6 : memref<128x128xf32, #tpu.memory_space<hbm>>) target(%arg12 : memref<128x128xf32, #tpu.memory_space<vmem>>) target_semaphore(%run_scoped3A : memref<!tpu.dma_semaphore, #tpu.memory_space<semaphore_mem>>)
      tpu.wait_dma2 semaphore(%run_scoped3A : memref<!tpu.dma_semaphore, #tpu.memory_space<semaphore_mem>>) src(%arg6 : memref<128x128xf32, #tpu.memory_space<hbm>>) dst(%arg12 : memref<128x128xf32, #tpu.memory_space<vmem>>)
      tpu.yield
    }) : () -> ()
    %barrier3A = arith.constant 0 : index
    tpu.barrier barrier_id(%barrier3A)
    %scan3A = arith.constant 0 : i32
    %scan3A_3 = arith.constant 0 : i32
    %scan3A_4 = arith.constant 5 : i32
    %scan3A_5 = arith.addi %scan3A_3, %scan3A_4 : i32
    %scan3A_6 = arith.constant 1 : i32
    scf.for %scan3A_17 = %scan3A_3 to %scan3A_5 step %scan3A_6  : i32 {
      %mul3A_18 = arith.constant 16 : i32
      %mul3A_19 = arith.muli %scan3A_17, %mul3A_18 : i32
      "tpu.region"() ({
        %run_scoped3A_35 = tpu.sem_alloc : memref<!tpu.dma_semaphore, #tpu.memory_space<semaphore_mem>>
        %dma_start3A = arith.constant 0 : i32
        %dma_start3A_36 = tpu.memref_slice %arg4[%add3A, %mul3A_19, %dma_start3A] : memref<32x80x128xi32, #tpu.memory_space<hbm>> -> memref<1x16x128xi32, #tpu.memory_space<hbm>>
        %dma_start3A_37 = tpu.memref_squeeze %dma_start3A_36 : memref<1x16x128xi32, #tpu.memory_space<hbm>> -> memref<16x128xi32, #tpu.memory_space<hbm>>
        %dma_start3A_38 = arith.constant 0 : i32
        %dma_start3A_39 = tpu.memref_slice %arg4[%add3A, %mul3A_19, %dma_start3A_38] : memref<32x80x128xi32, #tpu.memory_space<hbm>> -> memref<1x16x128xi32, #tpu.memory_space<hbm>>
        %dma_start3A_40 = tpu.memref_squeeze %dma_start3A_39 : memref<1x16x128xi32, #tpu.memory_space<hbm>> -> memref<16x128xi32, #tpu.memory_space<hbm>>
        tpu.enqueue_dma source(%dma_start3A_40 : memref<16x128xi32, #tpu.memory_space<hbm>>) target(%arg11 : memref<16x128xi32, #tpu.memory_space<vmem>>) target_semaphore(%run_scoped3A_35 : memref<!tpu.dma_semaphore, #tpu.memory_space<semaphore_mem>>)
        %dma_wait3A = arith.constant 0 : i32
        %dma_wait3A_41 = tpu.memref_slice %arg4[%add3A, %mul3A_19, %dma_wait3A] : memref<32x80x128xi32, #tpu.memory_space<hbm>> -> memref<1x16x128xi32, #tpu.memory_space<hbm>>
        %dma_wait3A_42 = tpu.memref_squeeze %dma_wait3A_41 : memref<1x16x128xi32, #tpu.memory_space<hbm>> -> memref<16x128xi32, #tpu.memory_space<hbm>>
        %dma_wait3A_43 = arith.constant 0 : i32
        %dma_wait3A_44 = tpu.memref_slice %arg4[%add3A, %mul3A_19, %dma_wait3A_43] : memref<32x80x128xi32, #tpu.memory_space<hbm>> -> memref<1x16x128xi32, #tpu.memory_space<hbm>>
        %dma_wait3A_45 = tpu.memref_squeeze %dma_wait3A_44 : memref<1x16x128xi32, #tpu.memory_space<hbm>> -> memref<16x128xi32, #tpu.memory_space<hbm>>
        tpu.wait_dma2 semaphore(%run_scoped3A_35 : memref<!tpu.dma_semaphore, #tpu.memory_space<semaphore_mem>>) src(%dma_wait3A_45 : memref<16x128xi32, #tpu.memory_space<hbm>>) dst(%arg11 : memref<16x128xi32, #tpu.memory_space<vmem>>)
        tpu.yield
      }) : () -> ()
      %run_scoped3A = arith.constant 0 : i32
      "tpu.region"() ({
        %run_scoped3A_35 = tpu.sem_alloc : memref<!tpu.dma_semaphore, #tpu.memory_space<semaphore_mem>>
        %dma_start3A = arith.constant 0 : i32
        %dma_start3A_36 = tpu.memref_slice %arg11[%run_scoped3A, %dma_start3A] : memref<16x128xi32, #tpu.memory_space<vmem>> -> memref<1x128xi32, #tpu.memory_space<vmem>>
        %dma_start3A_37 = tpu.memref_squeeze %dma_start3A_36 : memref<1x128xi32, #tpu.memory_space<vmem>> -> memref<128xi32, #tpu.memory_space<vmem>>
        %dma_start3A_38 = arith.constant 0 : i32
        %dma_start3A_39 = arith.constant 0 : i32
        %dma_start3A_40 = tpu.memref_slice %arg9[%dma_start3A_38, %dma_start3A_39] : memref<10240x128xf32, #tpu.memory_space<vmem_shared>> -> memref<10240x128xf32, #tpu.memory_space<vmem_shared>>
        tpu.enqueue_indirect_dma source(%arg12 : memref<128x128xf32, #tpu.memory_space<vmem>>) target(%dma_start3A_40 : memref<10240x128xf32, #tpu.memory_space<vmem_shared>>) offsets(%dma_start3A_37 : memref<128xi32, #tpu.memory_space<vmem>>) semaphore(%run_scoped3A_35 : memref<!tpu.dma_semaphore, #tpu.memory_space<semaphore_mem>>) {add = true}
        %dma_wait3A = arith.constant 0 : i32
        %dma_wait3A_41 = tpu.memref_slice %arg11[%run_scoped3A, %dma_wait3A] : memref<16x128xi32, #tpu.memory_space<vmem>> -> memref<1x128xi32, #tpu.memory_space<vmem>>
        %dma_wait3A_42 = tpu.memref_squeeze %dma_wait3A_41 : memref<1x128xi32, #tpu.memory_space<vmem>> -> memref<128xi32, #tpu.memory_space<vmem>>
        %dma_wait3A_43 = arith.constant 0 : i32
        %dma_wait3A_44 = arith.constant 0 : i32
        %dma_wait3A_45 = tpu.memref_slice %arg9[%dma_wait3A_43, %dma_wait3A_44] : memref<10240x128xf32, #tpu.memory_space<vmem_shared>> -> memref<10240x128xf32, #tpu.memory_space<vmem_shared>>
        tpu.wait_indirect_dma semaphore(%run_scoped3A_35 : memref<!tpu.dma_semaphore, #tpu.memory_space<semaphore_mem>>) src(%arg12 : memref<128x128xf32, #tpu.memory_space<vmem>>) dst(%dma_wait3A_45 : memref<10240x128xf32, #tpu.memory_space<vmem_shared>>)
        tpu.yield
      }) : () -> ()
      %run_scoped3A_20 = arith.constant 1 : i32
      "tpu.region"() ({
        %run_scoped3A_35 = tpu.sem_alloc : memref<!tpu.dma_semaphore, #tpu.memory_space<semaphore_mem>>
        %dma_start3A = arith.constant 0 : i32
        %dma_start3A_36 = tpu.memref_slice %arg11[%run_scoped3A_20, %dma_start3A] : memref<16x128xi32, #tpu.memory_space<vmem>> -> memref<1x128xi32, #tpu.memory_space<vmem>>
        %dma_start3A_37 = tpu.memref_squeeze %dma_start3A_36 : memref<1x128xi32, #tpu.memory_space<vmem>> -> memref<128xi32, #tpu.memory_space<vmem>>
        %dma_start3A_38 = arith.constant 0 : i32
        %dma_start3A_39 = arith.constant 0 : i32
        %dma_start3A_40 = tpu.memref_slice %arg9[%dma_start3A_38, %dma_start3A_39] : memref<10240x128xf32, #tpu.memory_space<vmem_shared>> -> memref<10240x128xf32, #tpu.memory_space<vmem_shared>>
        tpu.enqueue_indirect_dma source(%arg12 : memref<128x128xf32, #tpu.memory_space<vmem>>) target(%dma_start3A_40 : memref<10240x128xf32, #tpu.memory_space<vmem_shared>>) offsets(%dma_start3A_37 : memref<128xi32, #tpu.memory_space<vmem>>) semaphore(%run_scoped3A_35 : memref<!tpu.dma_semaphore, #tpu.memory_space<semaphore_mem>>) {add = true}
        %dma_wait3A = arith.constant 0 : i32
        %dma_wait3A_41 = tpu.memref_slice %arg11[%run_scoped3A_20, %dma_wait3A] : memref<16x128xi32, #tpu.memory_space<vmem>> -> memref<1x128xi32, #tpu.memory_space<vmem>>
        %dma_wait3A_42 = tpu.memref_squeeze %dma_wait3A_41 : memref<1x128xi32, #tpu.memory_space<vmem>> -> memref<128xi32, #tpu.memory_space<vmem>>
        %dma_wait3A_43 = arith.constant 0 : i32
        %dma_wait3A_44 = arith.constant 0 : i32
        %dma_wait3A_45 = tpu.memref_slice %arg9[%dma_wait3A_43, %dma_wait3A_44] : memref<10240x128xf32, #tpu.memory_space<vmem_shared>> -> memref<10240x128xf32, #tpu.memory_space<vmem_shared>>
        tpu.wait_indirect_dma semaphore(%run_scoped3A_35 : memref<!tpu.dma_semaphore, #tpu.memory_space<semaphore_mem>>) src(%arg12 : memref<128x128xf32, #tpu.memory_space<vmem>>) dst(%dma_wait3A_45 : memref<10240x128xf32, #tpu.memory_space<vmem_shared>>)
        tpu.yield
      }) : () -> ()
      %run_scoped3A_21 = arith.constant 2 : i32
      "tpu.region"() ({
        %run_scoped3A_35 = tpu.sem_alloc : memref<!tpu.dma_semaphore, #tpu.memory_space<semaphore_mem>>
        %dma_start3A = arith.constant 0 : i32
        %dma_start3A_36 = tpu.memref_slice %arg11[%run_scoped3A_21, %dma_start3A] : memref<16x128xi32, #tpu.memory_space<vmem>> -> memref<1x128xi32, #tpu.memory_space<vmem>>
        %dma_start3A_37 = tpu.memref_squeeze %dma_start3A_36 : memref<1x128xi32, #tpu.memory_space<vmem>> -> memref<128xi32, #tpu.memory_space<vmem>>
        %dma_start3A_38 = arith.constant 0 : i32
        %dma_start3A_39 = arith.constant 0 : i32
        %dma_start3A_40 = tpu.memref_slice %arg9[%dma_start3A_38, %dma_start3A_39] : memref<10240x128xf32, #tpu.memory_space<vmem_shared>> -> memref<10240x128xf32, #tpu.memory_space<vmem_shared>>
        tpu.enqueue_indirect_dma source(%arg12 : memref<128x128xf32, #tpu.memory_space<vmem>>) target(%dma_start3A_40 : memref<10240x128xf32, #tpu.memory_space<vmem_shared>>) offsets(%dma_start3A_37 : memref<128xi32, #tpu.memory_space<vmem>>) semaphore(%run_scoped3A_35 : memref<!tpu.dma_semaphore, #tpu.memory_space<semaphore_mem>>) {add = true}
        %dma_wait3A = arith.constant 0 : i32
        %dma_wait3A_41 = tpu.memref_slice %arg11[%run_scoped3A_21, %dma_wait3A] : memref<16x128xi32, #tpu.memory_space<vmem>> -> memref<1x128xi32, #tpu.memory_space<vmem>>
        %dma_wait3A_42 = tpu.memref_squeeze %dma_wait3A_41 : memref<1x128xi32, #tpu.memory_space<vmem>> -> memref<128xi32, #tpu.memory_space<vmem>>
        %dma_wait3A_43 = arith.constant 0 : i32
        %dma_wait3A_44 = arith.constant 0 : i32
        %dma_wait3A_45 = tpu.memref_slice %arg9[%dma_wait3A_43, %dma_wait3A_44] : memref<10240x128xf32, #tpu.memory_space<vmem_shared>> -> memref<10240x128xf32, #tpu.memory_space<vmem_shared>>
        tpu.wait_indirect_dma semaphore(%run_scoped3A_35 : memref<!tpu.dma_semaphore, #tpu.memory_space<semaphore_mem>>) src(%arg12 : memref<128x128xf32, #tpu.memory_space<vmem>>) dst(%dma_wait3A_45 : memref<10240x128xf32, #tpu.memory_space<vmem_shared>>)
        tpu.yield
      }) : () -> ()
      %run_scoped3A_22 = arith.constant 3 : i32
      "tpu.region"() ({
        %run_scoped3A_35 = tpu.sem_alloc : memref<!tpu.dma_semaphore, #tpu.memory_space<semaphore_mem>>
        %dma_start3A = arith.constant 0 : i32
        %dma_start3A_36 = tpu.memref_slice %arg11[%run_scoped3A_22, %dma_start3A] : memref<16x128xi32, #tpu.memory_space<vmem>> -> memref<1x128xi32, #tpu.memory_space<vmem>>
        %dma_start3A_37 = tpu.memref_squeeze %dma_start3A_36 : memref<1x128xi32, #tpu.memory_space<vmem>> -> memref<128xi32, #tpu.memory_space<vmem>>
        %dma_start3A_38 = arith.constant 0 : i32
        %dma_start3A_39 = arith.constant 0 : i32
        %dma_start3A_40 = tpu.memref_slice %arg9[%dma_start3A_38, %dma_start3A_39] : memref<10240x128xf32, #tpu.memory_space<vmem_shared>> -> memref<10240x128xf32, #tpu.memory_space<vmem_shared>>
        tpu.enqueue_indirect_dma source(%arg12 : memref<128x128xf32, #tpu.memory_space<vmem>>) target(%dma_start3A_40 : memref<10240x128xf32, #tpu.memory_space<vmem_shared>>) offsets(%dma_start3A_37 : memref<128xi32, #tpu.memory_space<vmem>>) semaphore(%run_scoped3A_35 : memref<!tpu.dma_semaphore, #tpu.memory_space<semaphore_mem>>) {add = true}
        %dma_wait3A = arith.constant 0 : i32
        %dma_wait3A_41 = tpu.memref_slice %arg11[%run_scoped3A_22, %dma_wait3A] : memref<16x128xi32, #tpu.memory_space<vmem>> -> memref<1x128xi32, #tpu.memory_space<vmem>>
        %dma_wait3A_42 = tpu.memref_squeeze %dma_wait3A_41 : memref<1x128xi32, #tpu.memory_space<vmem>> -> memref<128xi32, #tpu.memory_space<vmem>>
        %dma_wait3A_43 = arith.constant 0 : i32
        %dma_wait3A_44 = arith.constant 0 : i32
        %dma_wait3A_45 = tpu.memref_slice %arg9[%dma_wait3A_43, %dma_wait3A_44] : memref<10240x128xf32, #tpu.memory_space<vmem_shared>> -> memref<10240x128xf32, #tpu.memory_space<vmem_shared>>
        tpu.wait_indirect_dma semaphore(%run_scoped3A_35 : memref<!tpu.dma_semaphore, #tpu.memory_space<semaphore_mem>>) src(%arg12 : memref<128x128xf32, #tpu.memory_space<vmem>>) dst(%dma_wait3A_45 : memref<10240x128xf32, #tpu.memory_space<vmem_shared>>)
        tpu.yield
      }) : () -> ()
      %run_scoped3A_23 = arith.constant 4 : i32
      "tpu.region"() ({
        %run_scoped3A_35 = tpu.sem_alloc : memref<!tpu.dma_semaphore, #tpu.memory_space<semaphore_mem>>
        %dma_start3A = arith.constant 0 : i32
        %dma_start3A_36 = tpu.memref_slice %arg11[%run_scoped3A_23, %dma_start3A] : memref<16x128xi32, #tpu.memory_space<vmem>> -> memref<1x128xi32, #tpu.memory_space<vmem>>
        %dma_start3A_37 = tpu.memref_squeeze %dma_start3A_36 : memref<1x128xi32, #tpu.memory_space<vmem>> -> memref<128xi32, #tpu.memory_space<vmem>>
        %dma_start3A_38 = arith.constant 0 : i32
        %dma_start3A_39 = arith.constant 0 : i32
        %dma_start3A_40 = tpu.memref_slice %arg9[%dma_start3A_38, %dma_start3A_39] : memref<10240x128xf32, #tpu.memory_space<vmem_shared>> -> memref<10240x128xf32, #tpu.memory_space<vmem_shared>>
        tpu.enqueue_indirect_dma source(%arg12 : memref<128x128xf32, #tpu.memory_space<vmem>>) target(%dma_start3A_40 : memref<10240x128xf32, #tpu.memory_space<vmem_shared>>) offsets(%dma_start3A_37 : memref<128xi32, #tpu.memory_space<vmem>>) semaphore(%run_scoped3A_35 : memref<!tpu.dma_semaphore, #tpu.memory_space<semaphore_mem>>) {add = true}
        %dma_wait3A = arith.constant 0 : i32
        %dma_wait3A_41 = tpu.memref_slice %arg11[%run_scoped3A_23, %dma_wait3A] : memref<16x128xi32, #tpu.memory_space<vmem>> -> memref<1x128xi32, #tpu.memory_space<vmem>>
        %dma_wait3A_42 = tpu.memref_squeeze %dma_wait3A_41 : memref<1x128xi32, #tpu.memory_space<vmem>> -> memref<128xi32, #tpu.memory_space<vmem>>
        %dma_wait3A_43 = arith.constant 0 : i32
        %dma_wait3A_44 = arith.constant 0 : i32
        %dma_wait3A_45 = tpu.memref_slice %arg9[%dma_wait3A_43, %dma_wait3A_44] : memref<10240x128xf32, #tpu.memory_space<vmem_shared>> -> memref<10240x128xf32, #tpu.memory_space<vmem_shared>>
        tpu.wait_indirect_dma semaphore(%run_scoped3A_35 : memref<!tpu.dma_semaphore, #tpu.memory_space<semaphore_mem>>) src(%arg12 : memref<128x128xf32, #tpu.memory_space<vmem>>) dst(%dma_wait3A_45 : memref<10240x128xf32, #tpu.memory_space<vmem_shared>>)
        tpu.yield
      }) : () -> ()
      %run_scoped3A_24 = arith.constant 5 : i32
      "tpu.region"() ({
        %run_scoped3A_35 = tpu.sem_alloc : memref<!tpu.dma_semaphore, #tpu.memory_space<semaphore_mem>>
        %dma_start3A = arith.constant 0 : i32
        %dma_start3A_36 = tpu.memref_slice %arg11[%run_scoped3A_24, %dma_start3A] : memref<16x128xi32, #tpu.memory_space<vmem>> -> memref<1x128xi32, #tpu.memory_space<vmem>>
        %dma_start3A_37 = tpu.memref_squeeze %dma_start3A_36 : memref<1x128xi32, #tpu.memory_space<vmem>> -> memref<128xi32, #tpu.memory_space<vmem>>
        %dma_start3A_38 = arith.constant 0 : i32
        %dma_start3A_39 = arith.constant 0 : i32
        %dma_start3A_40 = tpu.memref_slice %arg9[%dma_start3A_38, %dma_start3A_39] : memref<10240x128xf32, #tpu.memory_space<vmem_shared>> -> memref<10240x128xf32, #tpu.memory_space<vmem_shared>>
        tpu.enqueue_indirect_dma source(%arg12 : memref<128x128xf32, #tpu.memory_space<vmem>>) target(%dma_start3A_40 : memref<10240x128xf32, #tpu.memory_space<vmem_shared>>) offsets(%dma_start3A_37 : memref<128xi32, #tpu.memory_space<vmem>>) semaphore(%run_scoped3A_35 : memref<!tpu.dma_semaphore, #tpu.memory_space<semaphore_mem>>) {add = true}
        %dma_wait3A = arith.constant 0 : i32
        %dma_wait3A_41 = tpu.memref_slice %arg11[%run_scoped3A_24, %dma_wait3A] : memref<16x128xi32, #tpu.memory_space<vmem>> -> memref<1x128xi32, #tpu.memory_space<vmem>>
        %dma_wait3A_42 = tpu.memref_squeeze %dma_wait3A_41 : memref<1x128xi32, #tpu.memory_space<vmem>> -> memref<128xi32, #tpu.memory_space<vmem>>
        %dma_wait3A_43 = arith.constant 0 : i32
        %dma_wait3A_44 = arith.constant 0 : i32
        %dma_wait3A_45 = tpu.memref_slice %arg9[%dma_wait3A_43, %dma_wait3A_44] : memref<10240x128xf32, #tpu.memory_space<vmem_shared>> -> memref<10240x128xf32, #tpu.memory_space<vmem_shared>>
        tpu.wait_indirect_dma semaphore(%run_scoped3A_35 : memref<!tpu.dma_semaphore, #tpu.memory_space<semaphore_mem>>) src(%arg12 : memref<128x128xf32, #tpu.memory_space<vmem>>) dst(%dma_wait3A_45 : memref<10240x128xf32, #tpu.memory_space<vmem_shared>>)
        tpu.yield
      }) : () -> ()
      %run_scoped3A_25 = arith.constant 6 : i32
      "tpu.region"() ({
        %run_scoped3A_35 = tpu.sem_alloc : memref<!tpu.dma_semaphore, #tpu.memory_space<semaphore_mem>>
        %dma_start3A = arith.constant 0 : i32
        %dma_start3A_36 = tpu.memref_slice %arg11[%run_scoped3A_25, %dma_start3A] : memref<16x128xi32, #tpu.memory_space<vmem>> -> memref<1x128xi32, #tpu.memory_space<vmem>>
        %dma_start3A_37 = tpu.memref_squeeze %dma_start3A_36 : memref<1x128xi32, #tpu.memory_space<vmem>> -> memref<128xi32, #tpu.memory_space<vmem>>
        %dma_start3A_38 = arith.constant 0 : i32
        %dma_start3A_39 = arith.constant 0 : i32
        %dma_start3A_40 = tpu.memref_slice %arg9[%dma_start3A_38, %dma_start3A_39] : memref<10240x128xf32, #tpu.memory_space<vmem_shared>> -> memref<10240x128xf32, #tpu.memory_space<vmem_shared>>
        tpu.enqueue_indirect_dma source(%arg12 : memref<128x128xf32, #tpu.memory_space<vmem>>) target(%dma_start3A_40 : memref<10240x128xf32, #tpu.memory_space<vmem_shared>>) offsets(%dma_start3A_37 : memref<128xi32, #tpu.memory_space<vmem>>) semaphore(%run_scoped3A_35 : memref<!tpu.dma_semaphore, #tpu.memory_space<semaphore_mem>>) {add = true}
        %dma_wait3A = arith.constant 0 : i32
        %dma_wait3A_41 = tpu.memref_slice %arg11[%run_scoped3A_25, %dma_wait3A] : memref<16x128xi32, #tpu.memory_space<vmem>> -> memref<1x128xi32, #tpu.memory_space<vmem>>
        %dma_wait3A_42 = tpu.memref_squeeze %dma_wait3A_41 : memref<1x128xi32, #tpu.memory_space<vmem>> -> memref<128xi32, #tpu.memory_space<vmem>>
        %dma_wait3A_43 = arith.constant 0 : i32
        %dma_wait3A_44 = arith.constant 0 : i32
        %dma_wait3A_45 = tpu.memref_slice %arg9[%dma_wait3A_43, %dma_wait3A_44] : memref<10240x128xf32, #tpu.memory_space<vmem_shared>> -> memref<10240x128xf32, #tpu.memory_space<vmem_shared>>
        tpu.wait_indirect_dma semaphore(%run_scoped3A_35 : memref<!tpu.dma_semaphore, #tpu.memory_space<semaphore_mem>>) src(%arg12 : memref<128x128xf32, #tpu.memory_space<vmem>>) dst(%dma_wait3A_45 : memref<10240x128xf32, #tpu.memory_space<vmem_shared>>)
        tpu.yield
      }) : () -> ()
      %run_scoped3A_26 = arith.constant 7 : i32
      "tpu.region"() ({
        %run_scoped3A_35 = tpu.sem_alloc : memref<!tpu.dma_semaphore, #tpu.memory_space<semaphore_mem>>
        %dma_start3A = arith.constant 0 : i32
        %dma_start3A_36 = tpu.memref_slice %arg11[%run_scoped3A_26, %dma_start3A] : memref<16x128xi32, #tpu.memory_space<vmem>> -> memref<1x128xi32, #tpu.memory_space<vmem>>
        %dma_start3A_37 = tpu.memref_squeeze %dma_start3A_36 : memref<1x128xi32, #tpu.memory_space<vmem>> -> memref<128xi32, #tpu.memory_space<vmem>>
        %dma_start3A_38 = arith.constant 0 : i32
        %dma_start3A_39 = arith.constant 0 : i32
        %dma_start3A_40 = tpu.memref_slice %arg9[%dma_start3A_38, %dma_start3A_39] : memref<10240x128xf32, #tpu.memory_space<vmem_shared>> -> memref<10240x128xf32, #tpu.memory_space<vmem_shared>>
        tpu.enqueue_indirect_dma source(%arg12 : memref<128x128xf32, #tpu.memory_space<vmem>>) target(%dma_start3A_40 : memref<10240x128xf32, #tpu.memory_space<vmem_shared>>) offsets(%dma_start3A_37 : memref<128xi32, #tpu.memory_space<vmem>>) semaphore(%run_scoped3A_35 : memref<!tpu.dma_semaphore, #tpu.memory_space<semaphore_mem>>) {add = true}
        %dma_wait3A = arith.constant 0 : i32
        %dma_wait3A_41 = tpu.memref_slice %arg11[%run_scoped3A_26, %dma_wait3A] : memref<16x128xi32, #tpu.memory_space<vmem>> -> memref<1x128xi32, #tpu.memory_space<vmem>>
        %dma_wait3A_42 = tpu.memref_squeeze %dma_wait3A_41 : memref<1x128xi32, #tpu.memory_space<vmem>> -> memref<128xi32, #tpu.memory_space<vmem>>
        %dma_wait3A_43 = arith.constant 0 : i32
        %dma_wait3A_44 = arith.constant 0 : i32
        %dma_wait3A_45 = tpu.memref_slice %arg9[%dma_wait3A_43, %dma_wait3A_44] : memref<10240x128xf32, #tpu.memory_space<vmem_shared>> -> memref<10240x128xf32, #tpu.memory_space<vmem_shared>>
        tpu.wait_indirect_dma semaphore(%run_scoped3A_35 : memref<!tpu.dma_semaphore, #tpu.memory_space<semaphore_mem>>) src(%arg12 : memref<128x128xf32, #tpu.memory_space<vmem>>) dst(%dma_wait3A_45 : memref<10240x128xf32, #tpu.memory_space<vmem_shared>>)
        tpu.yield
      }) : () -> ()
      %run_scoped3A_27 = arith.constant 8 : i32
      "tpu.region"() ({
        %run_scoped3A_35 = tpu.sem_alloc : memref<!tpu.dma_semaphore, #tpu.memory_space<semaphore_mem>>
        %dma_start3A = arith.constant 0 : i32
        %dma_start3A_36 = tpu.memref_slice %arg11[%run_scoped3A_27, %dma_start3A] : memref<16x128xi32, #tpu.memory_space<vmem>> -> memref<1x128xi32, #tpu.memory_space<vmem>>
        %dma_start3A_37 = tpu.memref_squeeze %dma_start3A_36 : memref<1x128xi32, #tpu.memory_space<vmem>> -> memref<128xi32, #tpu.memory_space<vmem>>
        %dma_start3A_38 = arith.constant 0 : i32
        %dma_start3A_39 = arith.constant 0 : i32
        %dma_start3A_40 = tpu.memref_slice %arg9[%dma_start3A_38, %dma_start3A_39] : memref<10240x128xf32, #tpu.memory_space<vmem_shared>> -> memref<10240x128xf32, #tpu.memory_space<vmem_shared>>
        tpu.enqueue_indirect_dma source(%arg12 : memref<128x128xf32, #tpu.memory_space<vmem>>) target(%dma_start3A_40 : memref<10240x128xf32, #tpu.memory_space<vmem_shared>>) offsets(%dma_start3A_37 : memref<128xi32, #tpu.memory_space<vmem>>) semaphore(%run_scoped3A_35 : memref<!tpu.dma_semaphore, #tpu.memory_space<semaphore_mem>>) {add = true}
        %dma_wait3A = arith.constant 0 : i32
        %dma_wait3A_41 = tpu.memref_slice %arg11[%run_scoped3A_27, %dma_wait3A] : memref<16x128xi32, #tpu.memory_space<vmem>> -> memref<1x128xi32, #tpu.memory_space<vmem>>
        %dma_wait3A_42 = tpu.memref_squeeze %dma_wait3A_41 : memref<1x128xi32, #tpu.memory_space<vmem>> -> memref<128xi32, #tpu.memory_space<vmem>>
        %dma_wait3A_43 = arith.constant 0 : i32
        %dma_wait3A_44 = arith.constant 0 : i32
        %dma_wait3A_45 = tpu.memref_slice %arg9[%dma_wait3A_43, %dma_wait3A_44] : memref<10240x128xf32, #tpu.memory_space<vmem_shared>> -> memref<10240x128xf32, #tpu.memory_space<vmem_shared>>
        tpu.wait_indirect_dma semaphore(%run_scoped3A_35 : memref<!tpu.dma_semaphore, #tpu.memory_space<semaphore_mem>>) src(%arg12 : memref<128x128xf32, #tpu.memory_space<vmem>>) dst(%dma_wait3A_45 : memref<10240x128xf32, #tpu.memory_space<vmem_shared>>)
        tpu.yield
      }) : () -> ()
      %run_scoped3A_28 = arith.constant 9 : i32
      "tpu.region"() ({
        %run_scoped3A_35 = tpu.sem_alloc : memref<!tpu.dma_semaphore, #tpu.memory_space<semaphore_mem>>
        %dma_start3A = arith.constant 0 : i32
        %dma_start3A_36 = tpu.memref_slice %arg11[%run_scoped3A_28, %dma_start3A] : memref<16x128xi32, #tpu.memory_space<vmem>> -> memref<1x128xi32, #tpu.memory_space<vmem>>
        %dma_start3A_37 = tpu.memref_squeeze %dma_start3A_36 : memref<1x128xi32, #tpu.memory_space<vmem>> -> memref<128xi32, #tpu.memory_space<vmem>>
        %dma_start3A_38 = arith.constant 0 : i32
        %dma_start3A_39 = arith.constant 0 : i32
        %dma_start3A_40 = tpu.memref_slice %arg9[%dma_start3A_38, %dma_start3A_39] : memref<10240x128xf32, #tpu.memory_space<vmem_shared>> -> memref<10240x128xf32, #tpu.memory_space<vmem_shared>>
        tpu.enqueue_indirect_dma source(%arg12 : memref<128x128xf32, #tpu.memory_space<vmem>>) target(%dma_start3A_40 : memref<10240x128xf32, #tpu.memory_space<vmem_shared>>) offsets(%dma_start3A_37 : memref<128xi32, #tpu.memory_space<vmem>>) semaphore(%run_scoped3A_35 : memref<!tpu.dma_semaphore, #tpu.memory_space<semaphore_mem>>) {add = true}
        %dma_wait3A = arith.constant 0 : i32
        %dma_wait3A_41 = tpu.memref_slice %arg11[%run_scoped3A_28, %dma_wait3A] : memref<16x128xi32, #tpu.memory_space<vmem>> -> memref<1x128xi32, #tpu.memory_space<vmem>>
        %dma_wait3A_42 = tpu.memref_squeeze %dma_wait3A_41 : memref<1x128xi32, #tpu.memory_space<vmem>> -> memref<128xi32, #tpu.memory_space<vmem>>
        %dma_wait3A_43 = arith.constant 0 : i32
        %dma_wait3A_44 = arith.constant 0 : i32
        %dma_wait3A_45 = tpu.memref_slice %arg9[%dma_wait3A_43, %dma_wait3A_44] : memref<10240x128xf32, #tpu.memory_space<vmem_shared>> -> memref<10240x128xf32, #tpu.memory_space<vmem_shared>>
        tpu.wait_indirect_dma semaphore(%run_scoped3A_35 : memref<!tpu.dma_semaphore, #tpu.memory_space<semaphore_mem>>) src(%arg12 : memref<128x128xf32, #tpu.memory_space<vmem>>) dst(%dma_wait3A_45 : memref<10240x128xf32, #tpu.memory_space<vmem_shared>>)
        tpu.yield
      }) : () -> ()
      %run_scoped3A_29 = arith.constant 10 : i32
      "tpu.region"() ({
        %run_scoped3A_35 = tpu.sem_alloc : memref<!tpu.dma_semaphore, #tpu.memory_space<semaphore_mem>>
        %dma_start3A = arith.constant 0 : i32
        %dma_start3A_36 = tpu.memref_slice %arg11[%run_scoped3A_29, %dma_start3A] : memref<16x128xi32, #tpu.memory_space<vmem>> -> memref<1x128xi32, #tpu.memory_space<vmem>>
        %dma_start3A_37 = tpu.memref_squeeze %dma_start3A_36 : memref<1x128xi32, #tpu.memory_space<vmem>> -> memref<128xi32, #tpu.memory_space<vmem>>
        %dma_start3A_38 = arith.constant 0 : i32
        %dma_start3A_39 = arith.constant 0 : i32
        %dma_start3A_40 = tpu.memref_slice %arg9[%dma_start3A_38, %dma_start3A_39] : memref<10240x128xf32, #tpu.memory_space<vmem_shared>> -> memref<10240x128xf32, #tpu.memory_space<vmem_shared>>
        tpu.enqueue_indirect_dma source(%arg12 : memref<128x128xf32, #tpu.memory_space<vmem>>) target(%dma_start3A_40 : memref<10240x128xf32, #tpu.memory_space<vmem_shared>>) offsets(%dma_start3A_37 : memref<128xi32, #tpu.memory_space<vmem>>) semaphore(%run_scoped3A_35 : memref<!tpu.dma_semaphore, #tpu.memory_space<semaphore_mem>>) {add = true}
        %dma_wait3A = arith.constant 0 : i32
        %dma_wait3A_41 = tpu.memref_slice %arg11[%run_scoped3A_29, %dma_wait3A] : memref<16x128xi32, #tpu.memory_space<vmem>> -> memref<1x128xi32, #tpu.memory_space<vmem>>
        %dma_wait3A_42 = tpu.memref_squeeze %dma_wait3A_41 : memref<1x128xi32, #tpu.memory_space<vmem>> -> memref<128xi32, #tpu.memory_space<vmem>>
        %dma_wait3A_43 = arith.constant 0 : i32
        %dma_wait3A_44 = arith.constant 0 : i32
        %dma_wait3A_45 = tpu.memref_slice %arg9[%dma_wait3A_43, %dma_wait3A_44] : memref<10240x128xf32, #tpu.memory_space<vmem_shared>> -> memref<10240x128xf32, #tpu.memory_space<vmem_shared>>
        tpu.wait_indirect_dma semaphore(%run_scoped3A_35 : memref<!tpu.dma_semaphore, #tpu.memory_space<semaphore_mem>>) src(%arg12 : memref<128x128xf32, #tpu.memory_space<vmem>>) dst(%dma_wait3A_45 : memref<10240x128xf32, #tpu.memory_space<vmem_shared>>)
        tpu.yield
      }) : () -> ()
      %run_scoped3A_30 = arith.constant 11 : i32
      "tpu.region"() ({
        %run_scoped3A_35 = tpu.sem_alloc : memref<!tpu.dma_semaphore, #tpu.memory_space<semaphore_mem>>
        %dma_start3A = arith.constant 0 : i32
        %dma_start3A_36 = tpu.memref_slice %arg11[%run_scoped3A_30, %dma_start3A] : memref<16x128xi32, #tpu.memory_space<vmem>> -> memref<1x128xi32, #tpu.memory_space<vmem>>
        %dma_start3A_37 = tpu.memref_squeeze %dma_start3A_36 : memref<1x128xi32, #tpu.memory_space<vmem>> -> memref<128xi32, #tpu.memory_space<vmem>>
        %dma_start3A_38 = arith.constant 0 : i32
        %dma_start3A_39 = arith.constant 0 : i32
        %dma_start3A_40 = tpu.memref_slice %arg9[%dma_start3A_38, %dma_start3A_39] : memref<10240x128xf32, #tpu.memory_space<vmem_shared>> -> memref<10240x128xf32, #tpu.memory_space<vmem_shared>>
        tpu.enqueue_indirect_dma source(%arg12 : memref<128x128xf32, #tpu.memory_space<vmem>>) target(%dma_start3A_40 : memref<10240x128xf32, #tpu.memory_space<vmem_shared>>) offsets(%dma_start3A_37 : memref<128xi32, #tpu.memory_space<vmem>>) semaphore(%run_scoped3A_35 : memref<!tpu.dma_semaphore, #tpu.memory_space<semaphore_mem>>) {add = true}
        %dma_wait3A = arith.constant 0 : i32
        %dma_wait3A_41 = tpu.memref_slice %arg11[%run_scoped3A_30, %dma_wait3A] : memref<16x128xi32, #tpu.memory_space<vmem>> -> memref<1x128xi32, #tpu.memory_space<vmem>>
        %dma_wait3A_42 = tpu.memref_squeeze %dma_wait3A_41 : memref<1x128xi32, #tpu.memory_space<vmem>> -> memref<128xi32, #tpu.memory_space<vmem>>
        %dma_wait3A_43 = arith.constant 0 : i32
        %dma_wait3A_44 = arith.constant 0 : i32
        %dma_wait3A_45 = tpu.memref_slice %arg9[%dma_wait3A_43, %dma_wait3A_44] : memref<10240x128xf32, #tpu.memory_space<vmem_shared>> -> memref<10240x128xf32, #tpu.memory_space<vmem_shared>>
        tpu.wait_indirect_dma semaphore(%run_scoped3A_35 : memref<!tpu.dma_semaphore, #tpu.memory_space<semaphore_mem>>) src(%arg12 : memref<128x128xf32, #tpu.memory_space<vmem>>) dst(%dma_wait3A_45 : memref<10240x128xf32, #tpu.memory_space<vmem_shared>>)
        tpu.yield
      }) : () -> ()
      %run_scoped3A_31 = arith.constant 12 : i32
      "tpu.region"() ({
        %run_scoped3A_35 = tpu.sem_alloc : memref<!tpu.dma_semaphore, #tpu.memory_space<semaphore_mem>>
        %dma_start3A = arith.constant 0 : i32
        %dma_start3A_36 = tpu.memref_slice %arg11[%run_scoped3A_31, %dma_start3A] : memref<16x128xi32, #tpu.memory_space<vmem>> -> memref<1x128xi32, #tpu.memory_space<vmem>>
        %dma_start3A_37 = tpu.memref_squeeze %dma_start3A_36 : memref<1x128xi32, #tpu.memory_space<vmem>> -> memref<128xi32, #tpu.memory_space<vmem>>
        %dma_start3A_38 = arith.constant 0 : i32
        %dma_start3A_39 = arith.constant 0 : i32
        %dma_start3A_40 = tpu.memref_slice %arg9[%dma_start3A_38, %dma_start3A_39] : memref<10240x128xf32, #tpu.memory_space<vmem_shared>> -> memref<10240x128xf32, #tpu.memory_space<vmem_shared>>
        tpu.enqueue_indirect_dma source(%arg12 : memref<128x128xf32, #tpu.memory_space<vmem>>) target(%dma_start3A_40 : memref<10240x128xf32, #tpu.memory_space<vmem_shared>>) offsets(%dma_start3A_37 : memref<128xi32, #tpu.memory_space<vmem>>) semaphore(%run_scoped3A_35 : memref<!tpu.dma_semaphore, #tpu.memory_space<semaphore_mem>>) {add = true}
        %dma_wait3A = arith.constant 0 : i32
        %dma_wait3A_41 = tpu.memref_slice %arg11[%run_scoped3A_31, %dma_wait3A] : memref<16x128xi32, #tpu.memory_space<vmem>> -> memref<1x128xi32, #tpu.memory_space<vmem>>
        %dma_wait3A_42 = tpu.memref_squeeze %dma_wait3A_41 : memref<1x128xi32, #tpu.memory_space<vmem>> -> memref<128xi32, #tpu.memory_space<vmem>>
        %dma_wait3A_43 = arith.constant 0 : i32
        %dma_wait3A_44 = arith.constant 0 : i32
        %dma_wait3A_45 = tpu.memref_slice %arg9[%dma_wait3A_43, %dma_wait3A_44] : memref<10240x128xf32, #tpu.memory_space<vmem_shared>> -> memref<10240x128xf32, #tpu.memory_space<vmem_shared>>
        tpu.wait_indirect_dma semaphore(%run_scoped3A_35 : memref<!tpu.dma_semaphore, #tpu.memory_space<semaphore_mem>>) src(%arg12 : memref<128x128xf32, #tpu.memory_space<vmem>>) dst(%dma_wait3A_45 : memref<10240x128xf32, #tpu.memory_space<vmem_shared>>)
        tpu.yield
      }) : () -> ()
      %run_scoped3A_32 = arith.constant 13 : i32
      "tpu.region"() ({
        %run_scoped3A_35 = tpu.sem_alloc : memref<!tpu.dma_semaphore, #tpu.memory_space<semaphore_mem>>
        %dma_start3A = arith.constant 0 : i32
        %dma_start3A_36 = tpu.memref_slice %arg11[%run_scoped3A_32, %dma_start3A] : memref<16x128xi32, #tpu.memory_space<vmem>> -> memref<1x128xi32, #tpu.memory_space<vmem>>
        %dma_start3A_37 = tpu.memref_squeeze %dma_start3A_36 : memref<1x128xi32, #tpu.memory_space<vmem>> -> memref<128xi32, #tpu.memory_space<vmem>>
        %dma_start3A_38 = arith.constant 0 : i32
        %dma_start3A_39 = arith.constant 0 : i32
        %dma_start3A_40 = tpu.memref_slice %arg9[%dma_start3A_38, %dma_start3A_39] : memref<10240x128xf32, #tpu.memory_space<vmem_shared>> -> memref<10240x128xf32, #tpu.memory_space<vmem_shared>>
        tpu.enqueue_indirect_dma source(%arg12 : memref<128x128xf32, #tpu.memory_space<vmem>>) target(%dma_start3A_40 : memref<10240x128xf32, #tpu.memory_space<vmem_shared>>) offsets(%dma_start3A_37 : memref<128xi32, #tpu.memory_space<vmem>>) semaphore(%run_scoped3A_35 : memref<!tpu.dma_semaphore, #tpu.memory_space<semaphore_mem>>) {add = true}
        %dma_wait3A = arith.constant 0 : i32
        %dma_wait3A_41 = tpu.memref_slice %arg11[%run_scoped3A_32, %dma_wait3A] : memref<16x128xi32, #tpu.memory_space<vmem>> -> memref<1x128xi32, #tpu.memory_space<vmem>>
        %dma_wait3A_42 = tpu.memref_squeeze %dma_wait3A_41 : memref<1x128xi32, #tpu.memory_space<vmem>> -> memref<128xi32, #tpu.memory_space<vmem>>
        %dma_wait3A_43 = arith.constant 0 : i32
        %dma_wait3A_44 = arith.constant 0 : i32
        %dma_wait3A_45 = tpu.memref_slice %arg9[%dma_wait3A_43, %dma_wait3A_44] : memref<10240x128xf32, #tpu.memory_space<vmem_shared>> -> memref<10240x128xf32, #tpu.memory_space<vmem_shared>>
        tpu.wait_indirect_dma semaphore(%run_scoped3A_35 : memref<!tpu.dma_semaphore, #tpu.memory_space<semaphore_mem>>) src(%arg12 : memref<128x128xf32, #tpu.memory_space<vmem>>) dst(%dma_wait3A_45 : memref<10240x128xf32, #tpu.memory_space<vmem_shared>>)
        tpu.yield
      }) : () -> ()
      %run_scoped3A_33 = arith.constant 14 : i32
      "tpu.region"() ({
        %run_scoped3A_35 = tpu.sem_alloc : memref<!tpu.dma_semaphore, #tpu.memory_space<semaphore_mem>>
        %dma_start3A = arith.constant 0 : i32
        %dma_start3A_36 = tpu.memref_slice %arg11[%run_scoped3A_33, %dma_start3A] : memref<16x128xi32, #tpu.memory_space<vmem>> -> memref<1x128xi32, #tpu.memory_space<vmem>>
        %dma_start3A_37 = tpu.memref_squeeze %dma_start3A_36 : memref<1x128xi32, #tpu.memory_space<vmem>> -> memref<128xi32, #tpu.memory_space<vmem>>
        %dma_start3A_38 = arith.constant 0 : i32
        %dma_start3A_39 = arith.constant 0 : i32
        %dma_start3A_40 = tpu.memref_slice %arg9[%dma_start3A_38, %dma_start3A_39] : memref<10240x128xf32, #tpu.memory_space<vmem_shared>> -> memref<10240x128xf32, #tpu.memory_space<vmem_shared>>
        tpu.enqueue_indirect_dma source(%arg12 : memref<128x128xf32, #tpu.memory_space<vmem>>) target(%dma_start3A_40 : memref<10240x128xf32, #tpu.memory_space<vmem_shared>>) offsets(%dma_start3A_37 : memref<128xi32, #tpu.memory_space<vmem>>) semaphore(%run_scoped3A_35 : memref<!tpu.dma_semaphore, #tpu.memory_space<semaphore_mem>>) {add = true}
        %dma_wait3A = arith.constant 0 : i32
        %dma_wait3A_41 = tpu.memref_slice %arg11[%run_scoped3A_33, %dma_wait3A] : memref<16x128xi32, #tpu.memory_space<vmem>> -> memref<1x128xi32, #tpu.memory_space<vmem>>
        %dma_wait3A_42 = tpu.memref_squeeze %dma_wait3A_41 : memref<1x128xi32, #tpu.memory_space<vmem>> -> memref<128xi32, #tpu.memory_space<vmem>>
        %dma_wait3A_43 = arith.constant 0 : i32
        %dma_wait3A_44 = arith.constant 0 : i32
        %dma_wait3A_45 = tpu.memref_slice %arg9[%dma_wait3A_43, %dma_wait3A_44] : memref<10240x128xf32, #tpu.memory_space<vmem_shared>> -> memref<10240x128xf32, #tpu.memory_space<vmem_shared>>
        tpu.wait_indirect_dma semaphore(%run_scoped3A_35 : memref<!tpu.dma_semaphore, #tpu.memory_space<semaphore_mem>>) src(%arg12 : memref<128x128xf32, #tpu.memory_space<vmem>>) dst(%dma_wait3A_45 : memref<10240x128xf32, #tpu.memory_space<vmem_shared>>)
        tpu.yield
      }) : () -> ()
      %run_scoped3A_34 = arith.constant 15 : i32
      "tpu.region"() ({
        %run_scoped3A_35 = tpu.sem_alloc : memref<!tpu.dma_semaphore, #tpu.memory_space<semaphore_mem>>
        %dma_start3A = arith.constant 0 : i32
        %dma_start3A_36 = tpu.memref_slice %arg11[%run_scoped3A_34, %dma_start3A] : memref<16x128xi32, #tpu.memory_space<vmem>> -> memref<1x128xi32, #tpu.memory_space<vmem>>
        %dma_start3A_37 = tpu.memref_squeeze %dma_start3A_36 : memref<1x128xi32, #tpu.memory_space<vmem>> -> memref<128xi32, #tpu.memory_space<vmem>>
        %dma_start3A_38 = arith.constant 0 : i32
        %dma_start3A_39 = arith.constant 0 : i32
        %dma_start3A_40 = tpu.memref_slice %arg9[%dma_start3A_38, %dma_start3A_39] : memref<10240x128xf32, #tpu.memory_space<vmem_shared>> -> memref<10240x128xf32, #tpu.memory_space<vmem_shared>>
        tpu.enqueue_indirect_dma source(%arg12 : memref<128x128xf32, #tpu.memory_space<vmem>>) target(%dma_start3A_40 : memref<10240x128xf32, #tpu.memory_space<vmem_shared>>) offsets(%dma_start3A_37 : memref<128xi32, #tpu.memory_space<vmem>>) semaphore(%run_scoped3A_35 : memref<!tpu.dma_semaphore, #tpu.memory_space<semaphore_mem>>) {add = true}
        %dma_wait3A = arith.constant 0 : i32
        %dma_wait3A_41 = tpu.memref_slice %arg11[%run_scoped3A_34, %dma_wait3A] : memref<16x128xi32, #tpu.memory_space<vmem>> -> memref<1x128xi32, #tpu.memory_space<vmem>>
        %dma_wait3A_42 = tpu.memref_squeeze %dma_wait3A_41 : memref<1x128xi32, #tpu.memory_space<vmem>> -> memref<128xi32, #tpu.memory_space<vmem>>
        %dma_wait3A_43 = arith.constant 0 : i32
        %dma_wait3A_44 = arith.constant 0 : i32
        %dma_wait3A_45 = tpu.memref_slice %arg9[%dma_wait3A_43, %dma_wait3A_44] : memref<10240x128xf32, #tpu.memory_space<vmem_shared>> -> memref<10240x128xf32, #tpu.memory_space<vmem_shared>>
        tpu.wait_indirect_dma semaphore(%run_scoped3A_35 : memref<!tpu.dma_semaphore, #tpu.memory_space<semaphore_mem>>) src(%arg12 : memref<128x128xf32, #tpu.memory_space<vmem>>) dst(%dma_wait3A_45 : memref<10240x128xf32, #tpu.memory_space<vmem_shared>>)
        tpu.yield
      }) : () -> ()
    }
    %scan3A_7 = arith.constant 5 : i32
    %barrier3A_8 = arith.constant 0 : index
    tpu.barrier barrier_id(%barrier3A_8)
    "tpu.region"() ({
      %run_scoped3A = tpu.sem_alloc : memref<!tpu.dma_semaphore, #tpu.memory_space<semaphore_mem>>
      %dma_start3A = arith.constant 0 : i32
      %dma_start3A_17 = tpu.memref_slice %arg8[%arg0, %mul3A_2, %dma_start3A] : memref<2x10240x128xf32, #tpu.memory_space<hbm>> -> memref<1x640x128xf32, #tpu.memory_space<hbm>>
      %dma_start3A_18 = tpu.memref_squeeze %dma_start3A_17 : memref<1x640x128xf32, #tpu.memory_space<hbm>> -> memref<640x128xf32, #tpu.memory_space<hbm>>
      %dma_start3A_19 = arith.constant 0 : i32
      %dma_start3A_20 = tpu.memref_slice %arg9[%mul3A_2, %dma_start3A_19] : memref<10240x128xf32, #tpu.memory_space<vmem_shared>> -> memref<640x128xf32, #tpu.memory_space<vmem_shared>>
      tpu.enqueue_dma source(%dma_start3A_20 : memref<640x128xf32, #tpu.memory_space<vmem_shared>>) target(%dma_start3A_18 : memref<640x128xf32, #tpu.memory_space<hbm>>) target_semaphore(%run_scoped3A : memref<!tpu.dma_semaphore, #tpu.memory_space<semaphore_mem>>)
      %dma_wait3A = arith.constant 0 : i32
      %dma_wait3A_21 = tpu.memref_slice %arg8[%arg0, %mul3A_2, %dma_wait3A] : memref<2x10240x128xf32, #tpu.memory_space<hbm>> -> memref<1x640x128xf32, #tpu.memory_space<hbm>>
      %dma_wait3A_22 = tpu.memref_squeeze %dma_wait3A_21 : memref<1x640x128xf32, #tpu.memory_space<hbm>> -> memref<640x128xf32, #tpu.memory_space<hbm>>
      %dma_wait3A_23 = arith.constant 0 : i32
      %dma_wait3A_24 = tpu.memref_slice %arg9[%mul3A_2, %dma_wait3A_23] : memref<10240x128xf32, #tpu.memory_space<vmem_shared>> -> memref<640x128xf32, #tpu.memory_space<vmem_shared>>
      tpu.wait_dma2 semaphore(%run_scoped3A : memref<!tpu.dma_semaphore, #tpu.memory_space<semaphore_mem>>) src(%dma_wait3A_24 : memref<640x128xf32, #tpu.memory_space<vmem_shared>>) dst(%dma_wait3A_22 : memref<640x128xf32, #tpu.memory_space<hbm>>)
      tpu.yield
    }) : () -> ()
    "tpu.region"() ({
      %run_scoped3A = tpu.sem_alloc : memref<!tpu.dma_semaphore, #tpu.memory_space<semaphore_mem>>
      %dma_start3A = arith.constant 0 : i32
      %dma_start3A_17 = tpu.memref_slice %arg9[%mul3A_2, %dma_start3A] : memref<10240x128xf32, #tpu.memory_space<vmem_shared>> -> memref<640x128xf32, #tpu.memory_space<vmem_shared>>
      tpu.enqueue_dma source(%arg5 : memref<640x128xf32, #tpu.memory_space<hbm>>) target(%dma_start3A_17 : memref<640x128xf32, #tpu.memory_space<vmem_shared>>) target_semaphore(%run_scoped3A : memref<!tpu.dma_semaphore, #tpu.memory_space<semaphore_mem>>)
      %dma_wait3A = arith.constant 0 : i32
      %dma_wait3A_18 = tpu.memref_slice %arg9[%mul3A_2, %dma_wait3A] : memref<10240x128xf32, #tpu.memory_space<vmem_shared>> -> memref<640x128xf32, #tpu.memory_space<vmem_shared>>
      tpu.wait_dma2 semaphore(%run_scoped3A : memref<!tpu.dma_semaphore, #tpu.memory_space<semaphore_mem>>) src(%arg5 : memref<640x128xf32, #tpu.memory_space<hbm>>) dst(%dma_wait3A_18 : memref<640x128xf32, #tpu.memory_space<vmem_shared>>)
      tpu.yield
    }) : () -> ()
    %barrier3A_9 = arith.constant 0 : index
    tpu.barrier barrier_id(%barrier3A_9)
    %scan3A_10 = arith.constant 0 : i32
    %scan3A_11 = arith.constant 0 : i32
    %scan3A_12 = arith.constant 5 : i32
    %scan3A_13 = arith.addi %scan3A_11, %scan3A_12 : i32
    %scan3A_14 = arith.constant 1 : i32
    scf.for %scan3A_17 = %scan3A_11 to %scan3A_13 step %scan3A_14  : i32 {
      %mul3A_18 = arith.constant 16 : i32
      %mul3A_19 = arith.muli %scan3A_17, %mul3A_18 : i32
      "tpu.region"() ({
        %run_scoped3A_259 = tpu.sem_alloc : memref<!tpu.dma_semaphore, #tpu.memory_space<semaphore_mem>>
        %dma_start3A_260 = arith.constant 0 : i32
        %dma_start3A_261 = tpu.memref_slice %arg3[%add3A, %mul3A_19, %dma_start3A_260] : memref<32x80x128xi32, #tpu.memory_space<hbm>> -> memref<1x16x128xi32, #tpu.memory_space<hbm>>
        %dma_start3A_262 = tpu.memref_squeeze %dma_start3A_261 : memref<1x16x128xi32, #tpu.memory_space<hbm>> -> memref<16x128xi32, #tpu.memory_space<hbm>>
        %dma_start3A_263 = arith.constant 0 : i32
        %dma_start3A_264 = tpu.memref_slice %arg3[%add3A, %mul3A_19, %dma_start3A_263] : memref<32x80x128xi32, #tpu.memory_space<hbm>> -> memref<1x16x128xi32, #tpu.memory_space<hbm>>
        %dma_start3A_265 = tpu.memref_squeeze %dma_start3A_264 : memref<1x16x128xi32, #tpu.memory_space<hbm>> -> memref<16x128xi32, #tpu.memory_space<hbm>>
        tpu.enqueue_dma source(%dma_start3A_265 : memref<16x128xi32, #tpu.memory_space<hbm>>) target(%arg10 : memref<16x128xi32, #tpu.memory_space<vmem>>) target_semaphore(%run_scoped3A_259 : memref<!tpu.dma_semaphore, #tpu.memory_space<semaphore_mem>>)
        %dma_wait3A_266 = arith.constant 0 : i32
        %dma_wait3A_267 = tpu.memref_slice %arg3[%add3A, %mul3A_19, %dma_wait3A_266] : memref<32x80x128xi32, #tpu.memory_space<hbm>> -> memref<1x16x128xi32, #tpu.memory_space<hbm>>
        %dma_wait3A_268 = tpu.memref_squeeze %dma_wait3A_267 : memref<1x16x128xi32, #tpu.memory_space<hbm>> -> memref<16x128xi32, #tpu.memory_space<hbm>>
        %dma_wait3A_269 = arith.constant 0 : i32
        %dma_wait3A_270 = tpu.memref_slice %arg3[%add3A, %mul3A_19, %dma_wait3A_269] : memref<32x80x128xi32, #tpu.memory_space<hbm>> -> memref<1x16x128xi32, #tpu.memory_space<hbm>>
        %dma_wait3A_271 = tpu.memref_squeeze %dma_wait3A_270 : memref<1x16x128xi32, #tpu.memory_space<hbm>> -> memref<16x128xi32, #tpu.memory_space<hbm>>
        tpu.wait_dma2 semaphore(%run_scoped3A_259 : memref<!tpu.dma_semaphore, #tpu.memory_space<semaphore_mem>>) src(%dma_wait3A_271 : memref<16x128xi32, #tpu.memory_space<hbm>>) dst(%arg10 : memref<16x128xi32, #tpu.memory_space<vmem>>)
        tpu.yield
      }) : () -> ()
      %mul3A_20 = arith.constant 16 : i32
      %mul3A_21 = arith.muli %scan3A_17, %mul3A_20 : i32
      "tpu.region"() ({
        %run_scoped3A_259 = tpu.sem_alloc : memref<!tpu.dma_semaphore, #tpu.memory_space<semaphore_mem>>
        %dma_start3A_260 = arith.constant 0 : i32
        %dma_start3A_261 = tpu.memref_slice %arg4[%add3A, %mul3A_21, %dma_start3A_260] : memref<32x80x128xi32, #tpu.memory_space<hbm>> -> memref<1x16x128xi32, #tpu.memory_space<hbm>>
        %dma_start3A_262 = tpu.memref_squeeze %dma_start3A_261 : memref<1x16x128xi32, #tpu.memory_space<hbm>> -> memref<16x128xi32, #tpu.memory_space<hbm>>
        %dma_start3A_263 = arith.constant 0 : i32
        %dma_start3A_264 = tpu.memref_slice %arg4[%add3A, %mul3A_21, %dma_start3A_263] : memref<32x80x128xi32, #tpu.memory_space<hbm>> -> memref<1x16x128xi32, #tpu.memory_space<hbm>>
        %dma_start3A_265 = tpu.memref_squeeze %dma_start3A_264 : memref<1x16x128xi32, #tpu.memory_space<hbm>> -> memref<16x128xi32, #tpu.memory_space<hbm>>
        tpu.enqueue_dma source(%dma_start3A_265 : memref<16x128xi32, #tpu.memory_space<hbm>>) target(%arg11 : memref<16x128xi32, #tpu.memory_space<vmem>>) target_semaphore(%run_scoped3A_259 : memref<!tpu.dma_semaphore, #tpu.memory_space<semaphore_mem>>)
        %dma_wait3A_266 = arith.constant 0 : i32
        %dma_wait3A_267 = tpu.memref_slice %arg4[%add3A, %mul3A_21, %dma_wait3A_266] : memref<32x80x128xi32, #tpu.memory_space<hbm>> -> memref<1x16x128xi32, #tpu.memory_space<hbm>>
        %dma_wait3A_268 = tpu.memref_squeeze %dma_wait3A_267 : memref<1x16x128xi32, #tpu.memory_space<hbm>> -> memref<16x128xi32, #tpu.memory_space<hbm>>
        %dma_wait3A_269 = arith.constant 0 : i32
        %dma_wait3A_270 = tpu.memref_slice %arg4[%add3A, %mul3A_21, %dma_wait3A_269] : memref<32x80x128xi32, #tpu.memory_space<hbm>> -> memref<1x16x128xi32, #tpu.memory_space<hbm>>
        %dma_wait3A_271 = tpu.memref_squeeze %dma_wait3A_270 : memref<1x16x128xi32, #tpu.memory_space<hbm>> -> memref<16x128xi32, #tpu.memory_space<hbm>>
        tpu.wait_dma2 semaphore(%run_scoped3A_259 : memref<!tpu.dma_semaphore, #tpu.memory_space<semaphore_mem>>) src(%dma_wait3A_271 : memref<16x128xi32, #tpu.memory_space<hbm>>) dst(%arg11 : memref<16x128xi32, #tpu.memory_space<vmem>>)
        tpu.yield
      }) : () -> ()
      %dma_start3A = arith.constant 0 : i32
      %dma_start3A_22 = arith.constant 0 : i32
      %dma_start3A_23 = tpu.memref_slice %arg10[%dma_start3A, %dma_start3A_22] : memref<16x128xi32, #tpu.memory_space<vmem>> -> memref<1x128xi32, #tpu.memory_space<vmem>>
      %dma_start3A_24 = tpu.memref_squeeze %dma_start3A_23 : memref<1x128xi32, #tpu.memory_space<vmem>> -> memref<128xi32, #tpu.memory_space<vmem>>
      %dma_start3A_25 = arith.constant 0 : i32
      %dma_start3A_26 = arith.constant 0 : i32
      %dma_start3A_27 = tpu.memref_slice %arg2[%dma_start3A_25, %dma_start3A_26] : memref<10240x128xf32, #tpu.memory_space<hbm>> -> memref<10240x128xf32, #tpu.memory_space<hbm>>
      tpu.enqueue_indirect_dma source(%dma_start3A_27 : memref<10240x128xf32, #tpu.memory_space<hbm>>) target(%arg12 : memref<128x128xf32, #tpu.memory_space<vmem>>) offsets(%dma_start3A_24 : memref<128xi32, #tpu.memory_space<vmem>>) semaphore(%arg14 : memref<!tpu.dma_semaphore, #tpu.memory_space<semaphore_mem>>)
      %dma_wait3A = arith.constant 0 : i32
      %dma_wait3A_28 = arith.constant 0 : i32
      %dma_wait3A_29 = tpu.memref_slice %arg10[%dma_wait3A, %dma_wait3A_28] : memref<16x128xi32, #tpu.memory_space<vmem>> -> memref<1x128xi32, #tpu.memory_space<vmem>>
      %dma_wait3A_30 = tpu.memref_squeeze %dma_wait3A_29 : memref<1x128xi32, #tpu.memory_space<vmem>> -> memref<128xi32, #tpu.memory_space<vmem>>
      %dma_wait3A_31 = arith.constant 0 : i32
      %dma_wait3A_32 = arith.constant 0 : i32
      %dma_wait3A_33 = tpu.memref_slice %arg2[%dma_wait3A_31, %dma_wait3A_32] : memref<10240x128xf32, #tpu.memory_space<hbm>> -> memref<10240x128xf32, #tpu.memory_space<hbm>>
      tpu.wait_indirect_dma semaphore(%arg14 : memref<!tpu.dma_semaphore, #tpu.memory_space<semaphore_mem>>) src(%dma_wait3A_33 : memref<10240x128xf32, #tpu.memory_space<hbm>>) dst(%arg12 : memref<128x128xf32, #tpu.memory_space<vmem>>)
      %dma_start3A_34 = arith.constant 1 : i32
      %dma_start3A_35 = arith.constant 0 : i32
      %dma_start3A_36 = tpu.memref_slice %arg10[%dma_start3A_34, %dma_start3A_35] : memref<16x128xi32, #tpu.memory_space<vmem>> -> memref<1x128xi32, #tpu.memory_space<vmem>>
      %dma_start3A_37 = tpu.memref_squeeze %dma_start3A_36 : memref<1x128xi32, #tpu.memory_space<vmem>> -> memref<128xi32, #tpu.memory_space<vmem>>
      %dma_start3A_38 = arith.constant 0 : i32
      %dma_start3A_39 = arith.constant 0 : i32
      %dma_start3A_40 = tpu.memref_slice %arg2[%dma_start3A_38, %dma_start3A_39] : memref<10240x128xf32, #tpu.memory_space<hbm>> -> memref<10240x128xf32, #tpu.memory_space<hbm>>
      tpu.enqueue_indirect_dma source(%dma_start3A_40 : memref<10240x128xf32, #tpu.memory_space<hbm>>) target(%arg13 : memref<128x128xf32, #tpu.memory_space<vmem>>) offsets(%dma_start3A_37 : memref<128xi32, #tpu.memory_space<vmem>>) semaphore(%arg14 : memref<!tpu.dma_semaphore, #tpu.memory_space<semaphore_mem>>)
      %run_scoped3A = arith.constant 0 : i32
      "tpu.region"() ({
        %run_scoped3A_259 = tpu.sem_alloc : memref<!tpu.dma_semaphore, #tpu.memory_space<semaphore_mem>>
        %dma_start3A_260 = arith.constant 0 : i32
        %dma_start3A_261 = tpu.memref_slice %arg11[%run_scoped3A, %dma_start3A_260] : memref<16x128xi32, #tpu.memory_space<vmem>> -> memref<1x128xi32, #tpu.memory_space<vmem>>
        %dma_start3A_262 = tpu.memref_squeeze %dma_start3A_261 : memref<1x128xi32, #tpu.memory_space<vmem>> -> memref<128xi32, #tpu.memory_space<vmem>>
        %dma_start3A_263 = arith.constant 0 : i32
        %dma_start3A_264 = arith.constant 0 : i32
        %dma_start3A_265 = tpu.memref_slice %arg9[%dma_start3A_263, %dma_start3A_264] : memref<10240x128xf32, #tpu.memory_space<vmem_shared>> -> memref<10240x128xf32, #tpu.memory_space<vmem_shared>>
        tpu.enqueue_indirect_dma source(%arg12 : memref<128x128xf32, #tpu.memory_space<vmem>>) target(%dma_start3A_265 : memref<10240x128xf32, #tpu.memory_space<vmem_shared>>) offsets(%dma_start3A_262 : memref<128xi32, #tpu.memory_space<vmem>>) semaphore(%run_scoped3A_259 : memref<!tpu.dma_semaphore, #tpu.memory_space<semaphore_mem>>) {add = true}
        %dma_wait3A_266 = arith.constant 0 : i32
        %dma_wait3A_267 = tpu.memref_slice %arg11[%run_scoped3A, %dma_wait3A_266] : memref<16x128xi32, #tpu.memory_space<vmem>> -> memref<1x128xi32, #tpu.memory_space<vmem>>
        %dma_wait3A_268 = tpu.memref_squeeze %dma_wait3A_267 : memref<1x128xi32, #tpu.memory_space<vmem>> -> memref<128xi32, #tpu.memory_space<vmem>>
        %dma_wait3A_269 = arith.constant 0 : i32
        %dma_wait3A_270 = arith.constant 0 : i32
        %dma_wait3A_271 = tpu.memref_slice %arg9[%dma_wait3A_269, %dma_wait3A_270] : memref<10240x128xf32, #tpu.memory_space<vmem_shared>> -> memref<10240x128xf32, #tpu.memory_space<vmem_shared>>
        tpu.wait_indirect_dma semaphore(%run_scoped3A_259 : memref<!tpu.dma_semaphore, #tpu.memory_space<semaphore_mem>>) src(%arg12 : memref<128x128xf32, #tpu.memory_space<vmem>>) dst(%dma_wait3A_271 : memref<10240x128xf32, #tpu.memory_space<vmem_shared>>)
        tpu.yield
      }) : () -> ()
      %dma_wait3A_41 = arith.constant 1 : i32
      %dma_wait3A_42 = arith.constant 0 : i32
      %dma_wait3A_43 = tpu.memref_slice %arg10[%dma_wait3A_41, %dma_wait3A_42] : memref<16x128xi32, #tpu.memory_space<vmem>> -> memref<1x128xi32, #tpu.memory_space<vmem>>
      %dma_wait3A_44 = tpu.memref_squeeze %dma_wait3A_43 : memref<1x128xi32, #tpu.memory_space<vmem>> -> memref<128xi32, #tpu.memory_space<vmem>>
      %dma_wait3A_45 = arith.constant 0 : i32
      %dma_wait3A_46 = arith.constant 0 : i32
      %dma_wait3A_47 = tpu.memref_slice %arg2[%dma_wait3A_45, %dma_wait3A_46] : memref<10240x128xf32, #tpu.memory_space<hbm>> -> memref<10240x128xf32, #tpu.memory_space<hbm>>
      tpu.wait_indirect_dma semaphore(%arg14 : memref<!tpu.dma_semaphore, #tpu.memory_space<semaphore_mem>>) src(%dma_wait3A_47 : memref<10240x128xf32, #tpu.memory_space<hbm>>) dst(%arg13 : memref<128x128xf32, #tpu.memory_space<vmem>>)
      %dma_start3A_48 = arith.constant 2 : i32
      %dma_start3A_49 = arith.constant 0 : i32
      %dma_start3A_50 = tpu.memref_slice %arg10[%dma_start3A_48, %dma_start3A_49] : memref<16x128xi32, #tpu.memory_space<vmem>> -> memref<1x128xi32, #tpu.memory_space<vmem>>
      %dma_start3A_51 = tpu.memref_squeeze %dma_start3A_50 : memref<1x128xi32, #tpu.memory_space<vmem>> -> memref<128xi32, #tpu.memory_space<vmem>>
      %dma_start3A_52 = arith.constant 0 : i32
      %dma_start3A_53 = arith.constant 0 : i32
      %dma_start3A_54 = tpu.memref_slice %arg2[%dma_start3A_52, %dma_start3A_53] : memref<10240x128xf32, #tpu.memory_space<hbm>> -> memref<10240x128xf32, #tpu.memory_space<hbm>>
      tpu.enqueue_indirect_dma source(%dma_start3A_54 : memref<10240x128xf32, #tpu.memory_space<hbm>>) target(%arg12 : memref<128x128xf32, #tpu.memory_space<vmem>>) offsets(%dma_start3A_51 : memref<128xi32, #tpu.memory_space<vmem>>) semaphore(%arg14 : memref<!tpu.dma_semaphore, #tpu.memory_space<semaphore_mem>>)
      %run_scoped3A_55 = arith.constant 1 : i32
      "tpu.region"() ({
        %run_scoped3A_259 = tpu.sem_alloc : memref<!tpu.dma_semaphore, #tpu.memory_space<semaphore_mem>>
        %dma_start3A_260 = arith.constant 0 : i32
        %dma_start3A_261 = tpu.memref_slice %arg11[%run_scoped3A_55, %dma_start3A_260] : memref<16x128xi32, #tpu.memory_space<vmem>> -> memref<1x128xi32, #tpu.memory_space<vmem>>
        %dma_start3A_262 = tpu.memref_squeeze %dma_start3A_261 : memref<1x128xi32, #tpu.memory_space<vmem>> -> memref<128xi32, #tpu.memory_space<vmem>>
        %dma_start3A_263 = arith.constant 0 : i32
        %dma_start3A_264 = arith.constant 0 : i32
        %dma_start3A_265 = tpu.memref_slice %arg9[%dma_start3A_263, %dma_start3A_264] : memref<10240x128xf32, #tpu.memory_space<vmem_shared>> -> memref<10240x128xf32, #tpu.memory_space<vmem_shared>>
        tpu.enqueue_indirect_dma source(%arg13 : memref<128x128xf32, #tpu.memory_space<vmem>>) target(%dma_start3A_265 : memref<10240x128xf32, #tpu.memory_space<vmem_shared>>) offsets(%dma_start3A_262 : memref<128xi32, #tpu.memory_space<vmem>>) semaphore(%run_scoped3A_259 : memref<!tpu.dma_semaphore, #tpu.memory_space<semaphore_mem>>) {add = true}
        %dma_wait3A_266 = arith.constant 0 : i32
        %dma_wait3A_267 = tpu.memref_slice %arg11[%run_scoped3A_55, %dma_wait3A_266] : memref<16x128xi32, #tpu.memory_space<vmem>> -> memref<1x128xi32, #tpu.memory_space<vmem>>
        %dma_wait3A_268 = tpu.memref_squeeze %dma_wait3A_267 : memref<1x128xi32, #tpu.memory_space<vmem>> -> memref<128xi32, #tpu.memory_space<vmem>>
        %dma_wait3A_269 = arith.constant 0 : i32
        %dma_wait3A_270 = arith.constant 0 : i32
        %dma_wait3A_271 = tpu.memref_slice %arg9[%dma_wait3A_269, %dma_wait3A_270] : memref<10240x128xf32, #tpu.memory_space<vmem_shared>> -> memref<10240x128xf32, #tpu.memory_space<vmem_shared>>
        tpu.wait_indirect_dma semaphore(%run_scoped3A_259 : memref<!tpu.dma_semaphore, #tpu.memory_space<semaphore_mem>>) src(%arg13 : memref<128x128xf32, #tpu.memory_space<vmem>>) dst(%dma_wait3A_271 : memref<10240x128xf32, #tpu.memory_space<vmem_shared>>)
        tpu.yield
      }) : () -> ()
      %dma_wait3A_56 = arith.constant 2 : i32
      %dma_wait3A_57 = arith.constant 0 : i32
      %dma_wait3A_58 = tpu.memref_slice %arg10[%dma_wait3A_56, %dma_wait3A_57] : memref<16x128xi32, #tpu.memory_space<vmem>> -> memref<1x128xi32, #tpu.memory_space<vmem>>
      %dma_wait3A_59 = tpu.memref_squeeze %dma_wait3A_58 : memref<1x128xi32, #tpu.memory_space<vmem>> -> memref<128xi32, #tpu.memory_space<vmem>>
      %dma_wait3A_60 = arith.constant 0 : i32
      %dma_wait3A_61 = arith.constant 0 : i32
      %dma_wait3A_62 = tpu.memref_slice %arg2[%dma_wait3A_60, %dma_wait3A_61] : memref<10240x128xf32, #tpu.memory_space<hbm>> -> memref<10240x128xf32, #tpu.memory_space<hbm>>
      tpu.wait_indirect_dma semaphore(%arg14 : memref<!tpu.dma_semaphore, #tpu.memory_space<semaphore_mem>>) src(%dma_wait3A_62 : memref<10240x128xf32, #tpu.memory_space<hbm>>) dst(%arg12 : memref<128x128xf32, #tpu.memory_space<vmem>>)
      %dma_start3A_63 = arith.constant 3 : i32
      %dma_start3A_64 = arith.constant 0 : i32
      %dma_start3A_65 = tpu.memref_slice %arg10[%dma_start3A_63, %dma_start3A_64] : memref<16x128xi32, #tpu.memory_space<vmem>> -> memref<1x128xi32, #tpu.memory_space<vmem>>
      %dma_start3A_66 = tpu.memref_squeeze %dma_start3A_65 : memref<1x128xi32, #tpu.memory_space<vmem>> -> memref<128xi32, #tpu.memory_space<vmem>>
      %dma_start3A_67 = arith.constant 0 : i32
      %dma_start3A_68 = arith.constant 0 : i32
      %dma_start3A_69 = tpu.memref_slice %arg2[%dma_start3A_67, %dma_start3A_68] : memref<10240x128xf32, #tpu.memory_space<hbm>> -> memref<10240x128xf32, #tpu.memory_space<hbm>>
      tpu.enqueue_indirect_dma source(%dma_start3A_69 : memref<10240x128xf32, #tpu.memory_space<hbm>>) target(%arg13 : memref<128x128xf32, #tpu.memory_space<vmem>>) offsets(%dma_start3A_66 : memref<128xi32, #tpu.memory_space<vmem>>) semaphore(%arg14 : memref<!tpu.dma_semaphore, #tpu.memory_space<semaphore_mem>>)
      %run_scoped3A_70 = arith.constant 2 : i32
      "tpu.region"() ({
        %run_scoped3A_259 = tpu.sem_alloc : memref<!tpu.dma_semaphore, #tpu.memory_space<semaphore_mem>>
        %dma_start3A_260 = arith.constant 0 : i32
        %dma_start3A_261 = tpu.memref_slice %arg11[%run_scoped3A_70, %dma_start3A_260] : memref<16x128xi32, #tpu.memory_space<vmem>> -> memref<1x128xi32, #tpu.memory_space<vmem>>
        %dma_start3A_262 = tpu.memref_squeeze %dma_start3A_261 : memref<1x128xi32, #tpu.memory_space<vmem>> -> memref<128xi32, #tpu.memory_space<vmem>>
        %dma_start3A_263 = arith.constant 0 : i32
        %dma_start3A_264 = arith.constant 0 : i32
        %dma_start3A_265 = tpu.memref_slice %arg9[%dma_start3A_263, %dma_start3A_264] : memref<10240x128xf32, #tpu.memory_space<vmem_shared>> -> memref<10240x128xf32, #tpu.memory_space<vmem_shared>>
        tpu.enqueue_indirect_dma source(%arg12 : memref<128x128xf32, #tpu.memory_space<vmem>>) target(%dma_start3A_265 : memref<10240x128xf32, #tpu.memory_space<vmem_shared>>) offsets(%dma_start3A_262 : memref<128xi32, #tpu.memory_space<vmem>>) semaphore(%run_scoped3A_259 : memref<!tpu.dma_semaphore, #tpu.memory_space<semaphore_mem>>) {add = true}
        %dma_wait3A_266 = arith.constant 0 : i32
        %dma_wait3A_267 = tpu.memref_slice %arg11[%run_scoped3A_70, %dma_wait3A_266] : memref<16x128xi32, #tpu.memory_space<vmem>> -> memref<1x128xi32, #tpu.memory_space<vmem>>
        %dma_wait3A_268 = tpu.memref_squeeze %dma_wait3A_267 : memref<1x128xi32, #tpu.memory_space<vmem>> -> memref<128xi32, #tpu.memory_space<vmem>>
        %dma_wait3A_269 = arith.constant 0 : i32
        %dma_wait3A_270 = arith.constant 0 : i32
        %dma_wait3A_271 = tpu.memref_slice %arg9[%dma_wait3A_269, %dma_wait3A_270] : memref<10240x128xf32, #tpu.memory_space<vmem_shared>> -> memref<10240x128xf32, #tpu.memory_space<vmem_shared>>
        tpu.wait_indirect_dma semaphore(%run_scoped3A_259 : memref<!tpu.dma_semaphore, #tpu.memory_space<semaphore_mem>>) src(%arg12 : memref<128x128xf32, #tpu.memory_space<vmem>>) dst(%dma_wait3A_271 : memref<10240x128xf32, #tpu.memory_space<vmem_shared>>)
        tpu.yield
      }) : () -> ()
      %dma_wait3A_71 = arith.constant 3 : i32
      %dma_wait3A_72 = arith.constant 0 : i32
      %dma_wait3A_73 = tpu.memref_slice %arg10[%dma_wait3A_71, %dma_wait3A_72] : memref<16x128xi32, #tpu.memory_space<vmem>> -> memref<1x128xi32, #tpu.memory_space<vmem>>
      %dma_wait3A_74 = tpu.memref_squeeze %dma_wait3A_73 : memref<1x128xi32, #tpu.memory_space<vmem>> -> memref<128xi32, #tpu.memory_space<vmem>>
      %dma_wait3A_75 = arith.constant 0 : i32
      %dma_wait3A_76 = arith.constant 0 : i32
      %dma_wait3A_77 = tpu.memref_slice %arg2[%dma_wait3A_75, %dma_wait3A_76] : memref<10240x128xf32, #tpu.memory_space<hbm>> -> memref<10240x128xf32, #tpu.memory_space<hbm>>
      tpu.wait_indirect_dma semaphore(%arg14 : memref<!tpu.dma_semaphore, #tpu.memory_space<semaphore_mem>>) src(%dma_wait3A_77 : memref<10240x128xf32, #tpu.memory_space<hbm>>) dst(%arg13 : memref<128x128xf32, #tpu.memory_space<vmem>>)
      %dma_start3A_78 = arith.constant 4 : i32
      %dma_start3A_79 = arith.constant 0 : i32
      %dma_start3A_80 = tpu.memref_slice %arg10[%dma_start3A_78, %dma_start3A_79] : memref<16x128xi32, #tpu.memory_space<vmem>> -> memref<1x128xi32, #tpu.memory_space<vmem>>
      %dma_start3A_81 = tpu.memref_squeeze %dma_start3A_80 : memref<1x128xi32, #tpu.memory_space<vmem>> -> memref<128xi32, #tpu.memory_space<vmem>>
      %dma_start3A_82 = arith.constant 0 : i32
      %dma_start3A_83 = arith.constant 0 : i32
      %dma_start3A_84 = tpu.memref_slice %arg2[%dma_start3A_82, %dma_start3A_83] : memref<10240x128xf32, #tpu.memory_space<hbm>> -> memref<10240x128xf32, #tpu.memory_space<hbm>>
      tpu.enqueue_indirect_dma source(%dma_start3A_84 : memref<10240x128xf32, #tpu.memory_space<hbm>>) target(%arg12 : memref<128x128xf32, #tpu.memory_space<vmem>>) offsets(%dma_start3A_81 : memref<128xi32, #tpu.memory_space<vmem>>) semaphore(%arg14 : memref<!tpu.dma_semaphore, #tpu.memory_space<semaphore_mem>>)
      %run_scoped3A_85 = arith.constant 3 : i32
      "tpu.region"() ({
        %run_scoped3A_259 = tpu.sem_alloc : memref<!tpu.dma_semaphore, #tpu.memory_space<semaphore_mem>>
        %dma_start3A_260 = arith.constant 0 : i32
        %dma_start3A_261 = tpu.memref_slice %arg11[%run_scoped3A_85, %dma_start3A_260] : memref<16x128xi32, #tpu.memory_space<vmem>> -> memref<1x128xi32, #tpu.memory_space<vmem>>
        %dma_start3A_262 = tpu.memref_squeeze %dma_start3A_261 : memref<1x128xi32, #tpu.memory_space<vmem>> -> memref<128xi32, #tpu.memory_space<vmem>>
        %dma_start3A_263 = arith.constant 0 : i32
        %dma_start3A_264 = arith.constant 0 : i32
        %dma_start3A_265 = tpu.memref_slice %arg9[%dma_start3A_263, %dma_start3A_264] : memref<10240x128xf32, #tpu.memory_space<vmem_shared>> -> memref<10240x128xf32, #tpu.memory_space<vmem_shared>>
        tpu.enqueue_indirect_dma source(%arg13 : memref<128x128xf32, #tpu.memory_space<vmem>>) target(%dma_start3A_265 : memref<10240x128xf32, #tpu.memory_space<vmem_shared>>) offsets(%dma_start3A_262 : memref<128xi32, #tpu.memory_space<vmem>>) semaphore(%run_scoped3A_259 : memref<!tpu.dma_semaphore, #tpu.memory_space<semaphore_mem>>) {add = true}
        %dma_wait3A_266 = arith.constant 0 : i32
        %dma_wait3A_267 = tpu.memref_slice %arg11[%run_scoped3A_85, %dma_wait3A_266] : memref<16x128xi32, #tpu.memory_space<vmem>> -> memref<1x128xi32, #tpu.memory_space<vmem>>
        %dma_wait3A_268 = tpu.memref_squeeze %dma_wait3A_267 : memref<1x128xi32, #tpu.memory_space<vmem>> -> memref<128xi32, #tpu.memory_space<vmem>>
        %dma_wait3A_269 = arith.constant 0 : i32
        %dma_wait3A_270 = arith.constant 0 : i32
        %dma_wait3A_271 = tpu.memref_slice %arg9[%dma_wait3A_269, %dma_wait3A_270] : memref<10240x128xf32, #tpu.memory_space<vmem_shared>> -> memref<10240x128xf32, #tpu.memory_space<vmem_shared>>
        tpu.wait_indirect_dma semaphore(%run_scoped3A_259 : memref<!tpu.dma_semaphore, #tpu.memory_space<semaphore_mem>>) src(%arg13 : memref<128x128xf32, #tpu.memory_space<vmem>>) dst(%dma_wait3A_271 : memref<10240x128xf32, #tpu.memory_space<vmem_shared>>)
        tpu.yield
      }) : () -> ()
      %dma_wait3A_86 = arith.constant 4 : i32
      %dma_wait3A_87 = arith.constant 0 : i32
      %dma_wait3A_88 = tpu.memref_slice %arg10[%dma_wait3A_86, %dma_wait3A_87] : memref<16x128xi32, #tpu.memory_space<vmem>> -> memref<1x128xi32, #tpu.memory_space<vmem>>
      %dma_wait3A_89 = tpu.memref_squeeze %dma_wait3A_88 : memref<1x128xi32, #tpu.memory_space<vmem>> -> memref<128xi32, #tpu.memory_space<vmem>>
      %dma_wait3A_90 = arith.constant 0 : i32
      %dma_wait3A_91 = arith.constant 0 : i32
      %dma_wait3A_92 = tpu.memref_slice %arg2[%dma_wait3A_90, %dma_wait3A_91] : memref<10240x128xf32, #tpu.memory_space<hbm>> -> memref<10240x128xf32, #tpu.memory_space<hbm>>
      tpu.wait_indirect_dma semaphore(%arg14 : memref<!tpu.dma_semaphore, #tpu.memory_space<semaphore_mem>>) src(%dma_wait3A_92 : memref<10240x128xf32, #tpu.memory_space<hbm>>) dst(%arg12 : memref<128x128xf32, #tpu.memory_space<vmem>>)
      %dma_start3A_93 = arith.constant 5 : i32
      %dma_start3A_94 = arith.constant 0 : i32
      %dma_start3A_95 = tpu.memref_slice %arg10[%dma_start3A_93, %dma_start3A_94] : memref<16x128xi32, #tpu.memory_space<vmem>> -> memref<1x128xi32, #tpu.memory_space<vmem>>
      %dma_start3A_96 = tpu.memref_squeeze %dma_start3A_95 : memref<1x128xi32, #tpu.memory_space<vmem>> -> memref<128xi32, #tpu.memory_space<vmem>>
      %dma_start3A_97 = arith.constant 0 : i32
      %dma_start3A_98 = arith.constant 0 : i32
      %dma_start3A_99 = tpu.memref_slice %arg2[%dma_start3A_97, %dma_start3A_98] : memref<10240x128xf32, #tpu.memory_space<hbm>> -> memref<10240x128xf32, #tpu.memory_space<hbm>>
      tpu.enqueue_indirect_dma source(%dma_start3A_99 : memref<10240x128xf32, #tpu.memory_space<hbm>>) target(%arg13 : memref<128x128xf32, #tpu.memory_space<vmem>>) offsets(%dma_start3A_96 : memref<128xi32, #tpu.memory_space<vmem>>) semaphore(%arg14 : memref<!tpu.dma_semaphore, #tpu.memory_space<semaphore_mem>>)
      %run_scoped3A_100 = arith.constant 4 : i32
      "tpu.region"() ({
        %run_scoped3A_259 = tpu.sem_alloc : memref<!tpu.dma_semaphore, #tpu.memory_space<semaphore_mem>>
        %dma_start3A_260 = arith.constant 0 : i32
        %dma_start3A_261 = tpu.memref_slice %arg11[%run_scoped3A_100, %dma_start3A_260] : memref<16x128xi32, #tpu.memory_space<vmem>> -> memref<1x128xi32, #tpu.memory_space<vmem>>
        %dma_start3A_262 = tpu.memref_squeeze %dma_start3A_261 : memref<1x128xi32, #tpu.memory_space<vmem>> -> memref<128xi32, #tpu.memory_space<vmem>>
        %dma_start3A_263 = arith.constant 0 : i32
        %dma_start3A_264 = arith.constant 0 : i32
        %dma_start3A_265 = tpu.memref_slice %arg9[%dma_start3A_263, %dma_start3A_264] : memref<10240x128xf32, #tpu.memory_space<vmem_shared>> -> memref<10240x128xf32, #tpu.memory_space<vmem_shared>>
        tpu.enqueue_indirect_dma source(%arg12 : memref<128x128xf32, #tpu.memory_space<vmem>>) target(%dma_start3A_265 : memref<10240x128xf32, #tpu.memory_space<vmem_shared>>) offsets(%dma_start3A_262 : memref<128xi32, #tpu.memory_space<vmem>>) semaphore(%run_scoped3A_259 : memref<!tpu.dma_semaphore, #tpu.memory_space<semaphore_mem>>) {add = true}
        %dma_wait3A_266 = arith.constant 0 : i32
        %dma_wait3A_267 = tpu.memref_slice %arg11[%run_scoped3A_100, %dma_wait3A_266] : memref<16x128xi32, #tpu.memory_space<vmem>> -> memref<1x128xi32, #tpu.memory_space<vmem>>
        %dma_wait3A_268 = tpu.memref_squeeze %dma_wait3A_267 : memref<1x128xi32, #tpu.memory_space<vmem>> -> memref<128xi32, #tpu.memory_space<vmem>>
        %dma_wait3A_269 = arith.constant 0 : i32
        %dma_wait3A_270 = arith.constant 0 : i32
        %dma_wait3A_271 = tpu.memref_slice %arg9[%dma_wait3A_269, %dma_wait3A_270] : memref<10240x128xf32, #tpu.memory_space<vmem_shared>> -> memref<10240x128xf32, #tpu.memory_space<vmem_shared>>
        tpu.wait_indirect_dma semaphore(%run_scoped3A_259 : memref<!tpu.dma_semaphore, #tpu.memory_space<semaphore_mem>>) src(%arg12 : memref<128x128xf32, #tpu.memory_space<vmem>>) dst(%dma_wait3A_271 : memref<10240x128xf32, #tpu.memory_space<vmem_shared>>)
        tpu.yield
      }) : () -> ()
      %dma_wait3A_101 = arith.constant 5 : i32
      %dma_wait3A_102 = arith.constant 0 : i32
      %dma_wait3A_103 = tpu.memref_slice %arg10[%dma_wait3A_101, %dma_wait3A_102] : memref<16x128xi32, #tpu.memory_space<vmem>> -> memref<1x128xi32, #tpu.memory_space<vmem>>
      %dma_wait3A_104 = tpu.memref_squeeze %dma_wait3A_103 : memref<1x128xi32, #tpu.memory_space<vmem>> -> memref<128xi32, #tpu.memory_space<vmem>>
      %dma_wait3A_105 = arith.constant 0 : i32
      %dma_wait3A_106 = arith.constant 0 : i32
      %dma_wait3A_107 = tpu.memref_slice %arg2[%dma_wait3A_105, %dma_wait3A_106] : memref<10240x128xf32, #tpu.memory_space<hbm>> -> memref<10240x128xf32, #tpu.memory_space<hbm>>
      tpu.wait_indirect_dma semaphore(%arg14 : memref<!tpu.dma_semaphore, #tpu.memory_space<semaphore_mem>>) src(%dma_wait3A_107 : memref<10240x128xf32, #tpu.memory_space<hbm>>) dst(%arg13 : memref<128x128xf32, #tpu.memory_space<vmem>>)
      %dma_start3A_108 = arith.constant 6 : i32
      %dma_start3A_109 = arith.constant 0 : i32
      %dma_start3A_110 = tpu.memref_slice %arg10[%dma_start3A_108, %dma_start3A_109] : memref<16x128xi32, #tpu.memory_space<vmem>> -> memref<1x128xi32, #tpu.memory_space<vmem>>
      %dma_start3A_111 = tpu.memref_squeeze %dma_start3A_110 : memref<1x128xi32, #tpu.memory_space<vmem>> -> memref<128xi32, #tpu.memory_space<vmem>>
      %dma_start3A_112 = arith.constant 0 : i32
      %dma_start3A_113 = arith.constant 0 : i32
      %dma_start3A_114 = tpu.memref_slice %arg2[%dma_start3A_112, %dma_start3A_113] : memref<10240x128xf32, #tpu.memory_space<hbm>> -> memref<10240x128xf32, #tpu.memory_space<hbm>>
      tpu.enqueue_indirect_dma source(%dma_start3A_114 : memref<10240x128xf32, #tpu.memory_space<hbm>>) target(%arg12 : memref<128x128xf32, #tpu.memory_space<vmem>>) offsets(%dma_start3A_111 : memref<128xi32, #tpu.memory_space<vmem>>) semaphore(%arg14 : memref<!tpu.dma_semaphore, #tpu.memory_space<semaphore_mem>>)
      %run_scoped3A_115 = arith.constant 5 : i32
      "tpu.region"() ({
        %run_scoped3A_259 = tpu.sem_alloc : memref<!tpu.dma_semaphore, #tpu.memory_space<semaphore_mem>>
        %dma_start3A_260 = arith.constant 0 : i32
        %dma_start3A_261 = tpu.memref_slice %arg11[%run_scoped3A_115, %dma_start3A_260] : memref<16x128xi32, #tpu.memory_space<vmem>> -> memref<1x128xi32, #tpu.memory_space<vmem>>
        %dma_start3A_262 = tpu.memref_squeeze %dma_start3A_261 : memref<1x128xi32, #tpu.memory_space<vmem>> -> memref<128xi32, #tpu.memory_space<vmem>>
        %dma_start3A_263 = arith.constant 0 : i32
        %dma_start3A_264 = arith.constant 0 : i32
        %dma_start3A_265 = tpu.memref_slice %arg9[%dma_start3A_263, %dma_start3A_264] : memref<10240x128xf32, #tpu.memory_space<vmem_shared>> -> memref<10240x128xf32, #tpu.memory_space<vmem_shared>>
        tpu.enqueue_indirect_dma source(%arg13 : memref<128x128xf32, #tpu.memory_space<vmem>>) target(%dma_start3A_265 : memref<10240x128xf32, #tpu.memory_space<vmem_shared>>) offsets(%dma_start3A_262 : memref<128xi32, #tpu.memory_space<vmem>>) semaphore(%run_scoped3A_259 : memref<!tpu.dma_semaphore, #tpu.memory_space<semaphore_mem>>) {add = true}
        %dma_wait3A_266 = arith.constant 0 : i32
        %dma_wait3A_267 = tpu.memref_slice %arg11[%run_scoped3A_115, %dma_wait3A_266] : memref<16x128xi32, #tpu.memory_space<vmem>> -> memref<1x128xi32, #tpu.memory_space<vmem>>
        %dma_wait3A_268 = tpu.memref_squeeze %dma_wait3A_267 : memref<1x128xi32, #tpu.memory_space<vmem>> -> memref<128xi32, #tpu.memory_space<vmem>>
        %dma_wait3A_269 = arith.constant 0 : i32
        %dma_wait3A_270 = arith.constant 0 : i32
        %dma_wait3A_271 = tpu.memref_slice %arg9[%dma_wait3A_269, %dma_wait3A_270] : memref<10240x128xf32, #tpu.memory_space<vmem_shared>> -> memref<10240x128xf32, #tpu.memory_space<vmem_shared>>
        tpu.wait_indirect_dma semaphore(%run_scoped3A_259 : memref<!tpu.dma_semaphore, #tpu.memory_space<semaphore_mem>>) src(%arg13 : memref<128x128xf32, #tpu.memory_space<vmem>>) dst(%dma_wait3A_271 : memref<10240x128xf32, #tpu.memory_space<vmem_shared>>)
        tpu.yield
      }) : () -> ()
      %dma_wait3A_116 = arith.constant 6 : i32
      %dma_wait3A_117 = arith.constant 0 : i32
      %dma_wait3A_118 = tpu.memref_slice %arg10[%dma_wait3A_116, %dma_wait3A_117] : memref<16x128xi32, #tpu.memory_space<vmem>> -> memref<1x128xi32, #tpu.memory_space<vmem>>
      %dma_wait3A_119 = tpu.memref_squeeze %dma_wait3A_118 : memref<1x128xi32, #tpu.memory_space<vmem>> -> memref<128xi32, #tpu.memory_space<vmem>>
      %dma_wait3A_120 = arith.constant 0 : i32
      %dma_wait3A_121 = arith.constant 0 : i32
      %dma_wait3A_122 = tpu.memref_slice %arg2[%dma_wait3A_120, %dma_wait3A_121] : memref<10240x128xf32, #tpu.memory_space<hbm>> -> memref<10240x128xf32, #tpu.memory_space<hbm>>
      tpu.wait_indirect_dma semaphore(%arg14 : memref<!tpu.dma_semaphore, #tpu.memory_space<semaphore_mem>>) src(%dma_wait3A_122 : memref<10240x128xf32, #tpu.memory_space<hbm>>) dst(%arg12 : memref<128x128xf32, #tpu.memory_space<vmem>>)
      %dma_start3A_123 = arith.constant 7 : i32
      %dma_start3A_124 = arith.constant 0 : i32
      %dma_start3A_125 = tpu.memref_slice %arg10[%dma_start3A_123, %dma_start3A_124] : memref<16x128xi32, #tpu.memory_space<vmem>> -> memref<1x128xi32, #tpu.memory_space<vmem>>
      %dma_start3A_126 = tpu.memref_squeeze %dma_start3A_125 : memref<1x128xi32, #tpu.memory_space<vmem>> -> memref<128xi32, #tpu.memory_space<vmem>>
      %dma_start3A_127 = arith.constant 0 : i32
      %dma_start3A_128 = arith.constant 0 : i32
      %dma_start3A_129 = tpu.memref_slice %arg2[%dma_start3A_127, %dma_start3A_128] : memref<10240x128xf32, #tpu.memory_space<hbm>> -> memref<10240x128xf32, #tpu.memory_space<hbm>>
      tpu.enqueue_indirect_dma source(%dma_start3A_129 : memref<10240x128xf32, #tpu.memory_space<hbm>>) target(%arg13 : memref<128x128xf32, #tpu.memory_space<vmem>>) offsets(%dma_start3A_126 : memref<128xi32, #tpu.memory_space<vmem>>) semaphore(%arg14 : memref<!tpu.dma_semaphore, #tpu.memory_space<semaphore_mem>>)
      %run_scoped3A_130 = arith.constant 6 : i32
      "tpu.region"() ({
        %run_scoped3A_259 = tpu.sem_alloc : memref<!tpu.dma_semaphore, #tpu.memory_space<semaphore_mem>>
        %dma_start3A_260 = arith.constant 0 : i32
        %dma_start3A_261 = tpu.memref_slice %arg11[%run_scoped3A_130, %dma_start3A_260] : memref<16x128xi32, #tpu.memory_space<vmem>> -> memref<1x128xi32, #tpu.memory_space<vmem>>
        %dma_start3A_262 = tpu.memref_squeeze %dma_start3A_261 : memref<1x128xi32, #tpu.memory_space<vmem>> -> memref<128xi32, #tpu.memory_space<vmem>>
        %dma_start3A_263 = arith.constant 0 : i32
        %dma_start3A_264 = arith.constant 0 : i32
        %dma_start3A_265 = tpu.memref_slice %arg9[%dma_start3A_263, %dma_start3A_264] : memref<10240x128xf32, #tpu.memory_space<vmem_shared>> -> memref<10240x128xf32, #tpu.memory_space<vmem_shared>>
        tpu.enqueue_indirect_dma source(%arg12 : memref<128x128xf32, #tpu.memory_space<vmem>>) target(%dma_start3A_265 : memref<10240x128xf32, #tpu.memory_space<vmem_shared>>) offsets(%dma_start3A_262 : memref<128xi32, #tpu.memory_space<vmem>>) semaphore(%run_scoped3A_259 : memref<!tpu.dma_semaphore, #tpu.memory_space<semaphore_mem>>) {add = true}
        %dma_wait3A_266 = arith.constant 0 : i32
        %dma_wait3A_267 = tpu.memref_slice %arg11[%run_scoped3A_130, %dma_wait3A_266] : memref<16x128xi32, #tpu.memory_space<vmem>> -> memref<1x128xi32, #tpu.memory_space<vmem>>
        %dma_wait3A_268 = tpu.memref_squeeze %dma_wait3A_267 : memref<1x128xi32, #tpu.memory_space<vmem>> -> memref<128xi32, #tpu.memory_space<vmem>>
        %dma_wait3A_269 = arith.constant 0 : i32
        %dma_wait3A_270 = arith.constant 0 : i32
        %dma_wait3A_271 = tpu.memref_slice %arg9[%dma_wait3A_269, %dma_wait3A_270] : memref<10240x128xf32, #tpu.memory_space<vmem_shared>> -> memref<10240x128xf32, #tpu.memory_space<vmem_shared>>
        tpu.wait_indirect_dma semaphore(%run_scoped3A_259 : memref<!tpu.dma_semaphore, #tpu.memory_space<semaphore_mem>>) src(%arg12 : memref<128x128xf32, #tpu.memory_space<vmem>>) dst(%dma_wait3A_271 : memref<10240x128xf32, #tpu.memory_space<vmem_shared>>)
        tpu.yield
      }) : () -> ()
      %dma_wait3A_131 = arith.constant 7 : i32
      %dma_wait3A_132 = arith.constant 0 : i32
      %dma_wait3A_133 = tpu.memref_slice %arg10[%dma_wait3A_131, %dma_wait3A_132] : memref<16x128xi32, #tpu.memory_space<vmem>> -> memref<1x128xi32, #tpu.memory_space<vmem>>
      %dma_wait3A_134 = tpu.memref_squeeze %dma_wait3A_133 : memref<1x128xi32, #tpu.memory_space<vmem>> -> memref<128xi32, #tpu.memory_space<vmem>>
      %dma_wait3A_135 = arith.constant 0 : i32
      %dma_wait3A_136 = arith.constant 0 : i32
      %dma_wait3A_137 = tpu.memref_slice %arg2[%dma_wait3A_135, %dma_wait3A_136] : memref<10240x128xf32, #tpu.memory_space<hbm>> -> memref<10240x128xf32, #tpu.memory_space<hbm>>
      tpu.wait_indirect_dma semaphore(%arg14 : memref<!tpu.dma_semaphore, #tpu.memory_space<semaphore_mem>>) src(%dma_wait3A_137 : memref<10240x128xf32, #tpu.memory_space<hbm>>) dst(%arg13 : memref<128x128xf32, #tpu.memory_space<vmem>>)
      %dma_start3A_138 = arith.constant 8 : i32
      %dma_start3A_139 = arith.constant 0 : i32
      %dma_start3A_140 = tpu.memref_slice %arg10[%dma_start3A_138, %dma_start3A_139] : memref<16x128xi32, #tpu.memory_space<vmem>> -> memref<1x128xi32, #tpu.memory_space<vmem>>
      %dma_start3A_141 = tpu.memref_squeeze %dma_start3A_140 : memref<1x128xi32, #tpu.memory_space<vmem>> -> memref<128xi32, #tpu.memory_space<vmem>>
      %dma_start3A_142 = arith.constant 0 : i32
      %dma_start3A_143 = arith.constant 0 : i32
      %dma_start3A_144 = tpu.memref_slice %arg2[%dma_start3A_142, %dma_start3A_143] : memref<10240x128xf32, #tpu.memory_space<hbm>> -> memref<10240x128xf32, #tpu.memory_space<hbm>>
      tpu.enqueue_indirect_dma source(%dma_start3A_144 : memref<10240x128xf32, #tpu.memory_space<hbm>>) target(%arg12 : memref<128x128xf32, #tpu.memory_space<vmem>>) offsets(%dma_start3A_141 : memref<128xi32, #tpu.memory_space<vmem>>) semaphore(%arg14 : memref<!tpu.dma_semaphore, #tpu.memory_space<semaphore_mem>>)
      %run_scoped3A_145 = arith.constant 7 : i32
      "tpu.region"() ({
        %run_scoped3A_259 = tpu.sem_alloc : memref<!tpu.dma_semaphore, #tpu.memory_space<semaphore_mem>>
        %dma_start3A_260 = arith.constant 0 : i32
        %dma_start3A_261 = tpu.memref_slice %arg11[%run_scoped3A_145, %dma_start3A_260] : memref<16x128xi32, #tpu.memory_space<vmem>> -> memref<1x128xi32, #tpu.memory_space<vmem>>
        %dma_start3A_262 = tpu.memref_squeeze %dma_start3A_261 : memref<1x128xi32, #tpu.memory_space<vmem>> -> memref<128xi32, #tpu.memory_space<vmem>>
        %dma_start3A_263 = arith.constant 0 : i32
        %dma_start3A_264 = arith.constant 0 : i32
        %dma_start3A_265 = tpu.memref_slice %arg9[%dma_start3A_263, %dma_start3A_264] : memref<10240x128xf32, #tpu.memory_space<vmem_shared>> -> memref<10240x128xf32, #tpu.memory_space<vmem_shared>>
        tpu.enqueue_indirect_dma source(%arg13 : memref<128x128xf32, #tpu.memory_space<vmem>>) target(%dma_start3A_265 : memref<10240x128xf32, #tpu.memory_space<vmem_shared>>) offsets(%dma_start3A_262 : memref<128xi32, #tpu.memory_space<vmem>>) semaphore(%run_scoped3A_259 : memref<!tpu.dma_semaphore, #tpu.memory_space<semaphore_mem>>) {add = true}
        %dma_wait3A_266 = arith.constant 0 : i32
        %dma_wait3A_267 = tpu.memref_slice %arg11[%run_scoped3A_145, %dma_wait3A_266] : memref<16x128xi32, #tpu.memory_space<vmem>> -> memref<1x128xi32, #tpu.memory_space<vmem>>
        %dma_wait3A_268 = tpu.memref_squeeze %dma_wait3A_267 : memref<1x128xi32, #tpu.memory_space<vmem>> -> memref<128xi32, #tpu.memory_space<vmem>>
        %dma_wait3A_269 = arith.constant 0 : i32
        %dma_wait3A_270 = arith.constant 0 : i32
        %dma_wait3A_271 = tpu.memref_slice %arg9[%dma_wait3A_269, %dma_wait3A_270] : memref<10240x128xf32, #tpu.memory_space<vmem_shared>> -> memref<10240x128xf32, #tpu.memory_space<vmem_shared>>
        tpu.wait_indirect_dma semaphore(%run_scoped3A_259 : memref<!tpu.dma_semaphore, #tpu.memory_space<semaphore_mem>>) src(%arg13 : memref<128x128xf32, #tpu.memory_space<vmem>>) dst(%dma_wait3A_271 : memref<10240x128xf32, #tpu.memory_space<vmem_shared>>)
        tpu.yield
      }) : () -> ()
      %dma_wait3A_146 = arith.constant 8 : i32
      %dma_wait3A_147 = arith.constant 0 : i32
      %dma_wait3A_148 = tpu.memref_slice %arg10[%dma_wait3A_146, %dma_wait3A_147] : memref<16x128xi32, #tpu.memory_space<vmem>> -> memref<1x128xi32, #tpu.memory_space<vmem>>
      %dma_wait3A_149 = tpu.memref_squeeze %dma_wait3A_148 : memref<1x128xi32, #tpu.memory_space<vmem>> -> memref<128xi32, #tpu.memory_space<vmem>>
      %dma_wait3A_150 = arith.constant 0 : i32
      %dma_wait3A_151 = arith.constant 0 : i32
      %dma_wait3A_152 = tpu.memref_slice %arg2[%dma_wait3A_150, %dma_wait3A_151] : memref<10240x128xf32, #tpu.memory_space<hbm>> -> memref<10240x128xf32, #tpu.memory_space<hbm>>
      tpu.wait_indirect_dma semaphore(%arg14 : memref<!tpu.dma_semaphore, #tpu.memory_space<semaphore_mem>>) src(%dma_wait3A_152 : memref<10240x128xf32, #tpu.memory_space<hbm>>) dst(%arg12 : memref<128x128xf32, #tpu.memory_space<vmem>>)
      %dma_start3A_153 = arith.constant 9 : i32
      %dma_start3A_154 = arith.constant 0 : i32
      %dma_start3A_155 = tpu.memref_slice %arg10[%dma_start3A_153, %dma_start3A_154] : memref<16x128xi32, #tpu.memory_space<vmem>> -> memref<1x128xi32, #tpu.memory_space<vmem>>
      %dma_start3A_156 = tpu.memref_squeeze %dma_start3A_155 : memref<1x128xi32, #tpu.memory_space<vmem>> -> memref<128xi32, #tpu.memory_space<vmem>>
      %dma_start3A_157 = arith.constant 0 : i32
      %dma_start3A_158 = arith.constant 0 : i32
      %dma_start3A_159 = tpu.memref_slice %arg2[%dma_start3A_157, %dma_start3A_158] : memref<10240x128xf32, #tpu.memory_space<hbm>> -> memref<10240x128xf32, #tpu.memory_space<hbm>>
      tpu.enqueue_indirect_dma source(%dma_start3A_159 : memref<10240x128xf32, #tpu.memory_space<hbm>>) target(%arg13 : memref<128x128xf32, #tpu.memory_space<vmem>>) offsets(%dma_start3A_156 : memref<128xi32, #tpu.memory_space<vmem>>) semaphore(%arg14 : memref<!tpu.dma_semaphore, #tpu.memory_space<semaphore_mem>>)
      %run_scoped3A_160 = arith.constant 8 : i32
      "tpu.region"() ({
        %run_scoped3A_259 = tpu.sem_alloc : memref<!tpu.dma_semaphore, #tpu.memory_space<semaphore_mem>>
        %dma_start3A_260 = arith.constant 0 : i32
        %dma_start3A_261 = tpu.memref_slice %arg11[%run_scoped3A_160, %dma_start3A_260] : memref<16x128xi32, #tpu.memory_space<vmem>> -> memref<1x128xi32, #tpu.memory_space<vmem>>
        %dma_start3A_262 = tpu.memref_squeeze %dma_start3A_261 : memref<1x128xi32, #tpu.memory_space<vmem>> -> memref<128xi32, #tpu.memory_space<vmem>>
        %dma_start3A_263 = arith.constant 0 : i32
        %dma_start3A_264 = arith.constant 0 : i32
        %dma_start3A_265 = tpu.memref_slice %arg9[%dma_start3A_263, %dma_start3A_264] : memref<10240x128xf32, #tpu.memory_space<vmem_shared>> -> memref<10240x128xf32, #tpu.memory_space<vmem_shared>>
        tpu.enqueue_indirect_dma source(%arg12 : memref<128x128xf32, #tpu.memory_space<vmem>>) target(%dma_start3A_265 : memref<10240x128xf32, #tpu.memory_space<vmem_shared>>) offsets(%dma_start3A_262 : memref<128xi32, #tpu.memory_space<vmem>>) semaphore(%run_scoped3A_259 : memref<!tpu.dma_semaphore, #tpu.memory_space<semaphore_mem>>) {add = true}
        %dma_wait3A_266 = arith.constant 0 : i32
        %dma_wait3A_267 = tpu.memref_slice %arg11[%run_scoped3A_160, %dma_wait3A_266] : memref<16x128xi32, #tpu.memory_space<vmem>> -> memref<1x128xi32, #tpu.memory_space<vmem>>
        %dma_wait3A_268 = tpu.memref_squeeze %dma_wait3A_267 : memref<1x128xi32, #tpu.memory_space<vmem>> -> memref<128xi32, #tpu.memory_space<vmem>>
        %dma_wait3A_269 = arith.constant 0 : i32
        %dma_wait3A_270 = arith.constant 0 : i32
        %dma_wait3A_271 = tpu.memref_slice %arg9[%dma_wait3A_269, %dma_wait3A_270] : memref<10240x128xf32, #tpu.memory_space<vmem_shared>> -> memref<10240x128xf32, #tpu.memory_space<vmem_shared>>
        tpu.wait_indirect_dma semaphore(%run_scoped3A_259 : memref<!tpu.dma_semaphore, #tpu.memory_space<semaphore_mem>>) src(%arg12 : memref<128x128xf32, #tpu.memory_space<vmem>>) dst(%dma_wait3A_271 : memref<10240x128xf32, #tpu.memory_space<vmem_shared>>)
        tpu.yield
      }) : () -> ()
      %dma_wait3A_161 = arith.constant 9 : i32
      %dma_wait3A_162 = arith.constant 0 : i32
      %dma_wait3A_163 = tpu.memref_slice %arg10[%dma_wait3A_161, %dma_wait3A_162] : memref<16x128xi32, #tpu.memory_space<vmem>> -> memref<1x128xi32, #tpu.memory_space<vmem>>
      %dma_wait3A_164 = tpu.memref_squeeze %dma_wait3A_163 : memref<1x128xi32, #tpu.memory_space<vmem>> -> memref<128xi32, #tpu.memory_space<vmem>>
      %dma_wait3A_165 = arith.constant 0 : i32
      %dma_wait3A_166 = arith.constant 0 : i32
      %dma_wait3A_167 = tpu.memref_slice %arg2[%dma_wait3A_165, %dma_wait3A_166] : memref<10240x128xf32, #tpu.memory_space<hbm>> -> memref<10240x128xf32, #tpu.memory_space<hbm>>
      tpu.wait_indirect_dma semaphore(%arg14 : memref<!tpu.dma_semaphore, #tpu.memory_space<semaphore_mem>>) src(%dma_wait3A_167 : memref<10240x128xf32, #tpu.memory_space<hbm>>) dst(%arg13 : memref<128x128xf32, #tpu.memory_space<vmem>>)
      %dma_start3A_168 = arith.constant 10 : i32
      %dma_start3A_169 = arith.constant 0 : i32
      %dma_start3A_170 = tpu.memref_slice %arg10[%dma_start3A_168, %dma_start3A_169] : memref<16x128xi32, #tpu.memory_space<vmem>> -> memref<1x128xi32, #tpu.memory_space<vmem>>
      %dma_start3A_171 = tpu.memref_squeeze %dma_start3A_170 : memref<1x128xi32, #tpu.memory_space<vmem>> -> memref<128xi32, #tpu.memory_space<vmem>>
      %dma_start3A_172 = arith.constant 0 : i32
      %dma_start3A_173 = arith.constant 0 : i32
      %dma_start3A_174 = tpu.memref_slice %arg2[%dma_start3A_172, %dma_start3A_173] : memref<10240x128xf32, #tpu.memory_space<hbm>> -> memref<10240x128xf32, #tpu.memory_space<hbm>>
      tpu.enqueue_indirect_dma source(%dma_start3A_174 : memref<10240x128xf32, #tpu.memory_space<hbm>>) target(%arg12 : memref<128x128xf32, #tpu.memory_space<vmem>>) offsets(%dma_start3A_171 : memref<128xi32, #tpu.memory_space<vmem>>) semaphore(%arg14 : memref<!tpu.dma_semaphore, #tpu.memory_space<semaphore_mem>>)
      %run_scoped3A_175 = arith.constant 9 : i32
      "tpu.region"() ({
        %run_scoped3A_259 = tpu.sem_alloc : memref<!tpu.dma_semaphore, #tpu.memory_space<semaphore_mem>>
        %dma_start3A_260 = arith.constant 0 : i32
        %dma_start3A_261 = tpu.memref_slice %arg11[%run_scoped3A_175, %dma_start3A_260] : memref<16x128xi32, #tpu.memory_space<vmem>> -> memref<1x128xi32, #tpu.memory_space<vmem>>
        %dma_start3A_262 = tpu.memref_squeeze %dma_start3A_261 : memref<1x128xi32, #tpu.memory_space<vmem>> -> memref<128xi32, #tpu.memory_space<vmem>>
        %dma_start3A_263 = arith.constant 0 : i32
        %dma_start3A_264 = arith.constant 0 : i32
        %dma_start3A_265 = tpu.memref_slice %arg9[%dma_start3A_263, %dma_start3A_264] : memref<10240x128xf32, #tpu.memory_space<vmem_shared>> -> memref<10240x128xf32, #tpu.memory_space<vmem_shared>>
        tpu.enqueue_indirect_dma source(%arg13 : memref<128x128xf32, #tpu.memory_space<vmem>>) target(%dma_start3A_265 : memref<10240x128xf32, #tpu.memory_space<vmem_shared>>) offsets(%dma_start3A_262 : memref<128xi32, #tpu.memory_space<vmem>>) semaphore(%run_scoped3A_259 : memref<!tpu.dma_semaphore, #tpu.memory_space<semaphore_mem>>) {add = true}
        %dma_wait3A_266 = arith.constant 0 : i32
        %dma_wait3A_267 = tpu.memref_slice %arg11[%run_scoped3A_175, %dma_wait3A_266] : memref<16x128xi32, #tpu.memory_space<vmem>> -> memref<1x128xi32, #tpu.memory_space<vmem>>
        %dma_wait3A_268 = tpu.memref_squeeze %dma_wait3A_267 : memref<1x128xi32, #tpu.memory_space<vmem>> -> memref<128xi32, #tpu.memory_space<vmem>>
        %dma_wait3A_269 = arith.constant 0 : i32
        %dma_wait3A_270 = arith.constant 0 : i32
        %dma_wait3A_271 = tpu.memref_slice %arg9[%dma_wait3A_269, %dma_wait3A_270] : memref<10240x128xf32, #tpu.memory_space<vmem_shared>> -> memref<10240x128xf32, #tpu.memory_space<vmem_shared>>
        tpu.wait_indirect_dma semaphore(%run_scoped3A_259 : memref<!tpu.dma_semaphore, #tpu.memory_space<semaphore_mem>>) src(%arg13 : memref<128x128xf32, #tpu.memory_space<vmem>>) dst(%dma_wait3A_271 : memref<10240x128xf32, #tpu.memory_space<vmem_shared>>)
        tpu.yield
      }) : () -> ()
      %dma_wait3A_176 = arith.constant 10 : i32
      %dma_wait3A_177 = arith.constant 0 : i32
      %dma_wait3A_178 = tpu.memref_slice %arg10[%dma_wait3A_176, %dma_wait3A_177] : memref<16x128xi32, #tpu.memory_space<vmem>> -> memref<1x128xi32, #tpu.memory_space<vmem>>
      %dma_wait3A_179 = tpu.memref_squeeze %dma_wait3A_178 : memref<1x128xi32, #tpu.memory_space<vmem>> -> memref<128xi32, #tpu.memory_space<vmem>>
      %dma_wait3A_180 = arith.constant 0 : i32
      %dma_wait3A_181 = arith.constant 0 : i32
      %dma_wait3A_182 = tpu.memref_slice %arg2[%dma_wait3A_180, %dma_wait3A_181] : memref<10240x128xf32, #tpu.memory_space<hbm>> -> memref<10240x128xf32, #tpu.memory_space<hbm>>
      tpu.wait_indirect_dma semaphore(%arg14 : memref<!tpu.dma_semaphore, #tpu.memory_space<semaphore_mem>>) src(%dma_wait3A_182 : memref<10240x128xf32, #tpu.memory_space<hbm>>) dst(%arg12 : memref<128x128xf32, #tpu.memory_space<vmem>>)
      %dma_start3A_183 = arith.constant 11 : i32
      %dma_start3A_184 = arith.constant 0 : i32
      %dma_start3A_185 = tpu.memref_slice %arg10[%dma_start3A_183, %dma_start3A_184] : memref<16x128xi32, #tpu.memory_space<vmem>> -> memref<1x128xi32, #tpu.memory_space<vmem>>
      %dma_start3A_186 = tpu.memref_squeeze %dma_start3A_185 : memref<1x128xi32, #tpu.memory_space<vmem>> -> memref<128xi32, #tpu.memory_space<vmem>>
      %dma_start3A_187 = arith.constant 0 : i32
      %dma_start3A_188 = arith.constant 0 : i32
      %dma_start3A_189 = tpu.memref_slice %arg2[%dma_start3A_187, %dma_start3A_188] : memref<10240x128xf32, #tpu.memory_space<hbm>> -> memref<10240x128xf32, #tpu.memory_space<hbm>>
      tpu.enqueue_indirect_dma source(%dma_start3A_189 : memref<10240x128xf32, #tpu.memory_space<hbm>>) target(%arg13 : memref<128x128xf32, #tpu.memory_space<vmem>>) offsets(%dma_start3A_186 : memref<128xi32, #tpu.memory_space<vmem>>) semaphore(%arg14 : memref<!tpu.dma_semaphore, #tpu.memory_space<semaphore_mem>>)
      %run_scoped3A_190 = arith.constant 10 : i32
      "tpu.region"() ({
        %run_scoped3A_259 = tpu.sem_alloc : memref<!tpu.dma_semaphore, #tpu.memory_space<semaphore_mem>>
        %dma_start3A_260 = arith.constant 0 : i32
        %dma_start3A_261 = tpu.memref_slice %arg11[%run_scoped3A_190, %dma_start3A_260] : memref<16x128xi32, #tpu.memory_space<vmem>> -> memref<1x128xi32, #tpu.memory_space<vmem>>
        %dma_start3A_262 = tpu.memref_squeeze %dma_start3A_261 : memref<1x128xi32, #tpu.memory_space<vmem>> -> memref<128xi32, #tpu.memory_space<vmem>>
        %dma_start3A_263 = arith.constant 0 : i32
        %dma_start3A_264 = arith.constant 0 : i32
        %dma_start3A_265 = tpu.memref_slice %arg9[%dma_start3A_263, %dma_start3A_264] : memref<10240x128xf32, #tpu.memory_space<vmem_shared>> -> memref<10240x128xf32, #tpu.memory_space<vmem_shared>>
        tpu.enqueue_indirect_dma source(%arg12 : memref<128x128xf32, #tpu.memory_space<vmem>>) target(%dma_start3A_265 : memref<10240x128xf32, #tpu.memory_space<vmem_shared>>) offsets(%dma_start3A_262 : memref<128xi32, #tpu.memory_space<vmem>>) semaphore(%run_scoped3A_259 : memref<!tpu.dma_semaphore, #tpu.memory_space<semaphore_mem>>) {add = true}
        %dma_wait3A_266 = arith.constant 0 : i32
        %dma_wait3A_267 = tpu.memref_slice %arg11[%run_scoped3A_190, %dma_wait3A_266] : memref<16x128xi32, #tpu.memory_space<vmem>> -> memref<1x128xi32, #tpu.memory_space<vmem>>
        %dma_wait3A_268 = tpu.memref_squeeze %dma_wait3A_267 : memref<1x128xi32, #tpu.memory_space<vmem>> -> memref<128xi32, #tpu.memory_space<vmem>>
        %dma_wait3A_269 = arith.constant 0 : i32
        %dma_wait3A_270 = arith.constant 0 : i32
        %dma_wait3A_271 = tpu.memref_slice %arg9[%dma_wait3A_269, %dma_wait3A_270] : memref<10240x128xf32, #tpu.memory_space<vmem_shared>> -> memref<10240x128xf32, #tpu.memory_space<vmem_shared>>
        tpu.wait_indirect_dma semaphore(%run_scoped3A_259 : memref<!tpu.dma_semaphore, #tpu.memory_space<semaphore_mem>>) src(%arg12 : memref<128x128xf32, #tpu.memory_space<vmem>>) dst(%dma_wait3A_271 : memref<10240x128xf32, #tpu.memory_space<vmem_shared>>)
        tpu.yield
      }) : () -> ()
      %dma_wait3A_191 = arith.constant 11 : i32
      %dma_wait3A_192 = arith.constant 0 : i32
      %dma_wait3A_193 = tpu.memref_slice %arg10[%dma_wait3A_191, %dma_wait3A_192] : memref<16x128xi32, #tpu.memory_space<vmem>> -> memref<1x128xi32, #tpu.memory_space<vmem>>
      %dma_wait3A_194 = tpu.memref_squeeze %dma_wait3A_193 : memref<1x128xi32, #tpu.memory_space<vmem>> -> memref<128xi32, #tpu.memory_space<vmem>>
      %dma_wait3A_195 = arith.constant 0 : i32
      %dma_wait3A_196 = arith.constant 0 : i32
      %dma_wait3A_197 = tpu.memref_slice %arg2[%dma_wait3A_195, %dma_wait3A_196] : memref<10240x128xf32, #tpu.memory_space<hbm>> -> memref<10240x128xf32, #tpu.memory_space<hbm>>
      tpu.wait_indirect_dma semaphore(%arg14 : memref<!tpu.dma_semaphore, #tpu.memory_space<semaphore_mem>>) src(%dma_wait3A_197 : memref<10240x128xf32, #tpu.memory_space<hbm>>) dst(%arg13 : memref<128x128xf32, #tpu.memory_space<vmem>>)
      %dma_start3A_198 = arith.constant 12 : i32
      %dma_start3A_199 = arith.constant 0 : i32
      %dma_start3A_200 = tpu.memref_slice %arg10[%dma_start3A_198, %dma_start3A_199] : memref<16x128xi32, #tpu.memory_space<vmem>> -> memref<1x128xi32, #tpu.memory_space<vmem>>
      %dma_start3A_201 = tpu.memref_squeeze %dma_start3A_200 : memref<1x128xi32, #tpu.memory_space<vmem>> -> memref<128xi32, #tpu.memory_space<vmem>>
      %dma_start3A_202 = arith.constant 0 : i32
      %dma_start3A_203 = arith.constant 0 : i32
      %dma_start3A_204 = tpu.memref_slice %arg2[%dma_start3A_202, %dma_start3A_203] : memref<10240x128xf32, #tpu.memory_space<hbm>> -> memref<10240x128xf32, #tpu.memory_space<hbm>>
      tpu.enqueue_indirect_dma source(%dma_start3A_204 : memref<10240x128xf32, #tpu.memory_space<hbm>>) target(%arg12 : memref<128x128xf32, #tpu.memory_space<vmem>>) offsets(%dma_start3A_201 : memref<128xi32, #tpu.memory_space<vmem>>) semaphore(%arg14 : memref<!tpu.dma_semaphore, #tpu.memory_space<semaphore_mem>>)
      %run_scoped3A_205 = arith.constant 11 : i32
      "tpu.region"() ({
        %run_scoped3A_259 = tpu.sem_alloc : memref<!tpu.dma_semaphore, #tpu.memory_space<semaphore_mem>>
        %dma_start3A_260 = arith.constant 0 : i32
        %dma_start3A_261 = tpu.memref_slice %arg11[%run_scoped3A_205, %dma_start3A_260] : memref<16x128xi32, #tpu.memory_space<vmem>> -> memref<1x128xi32, #tpu.memory_space<vmem>>
        %dma_start3A_262 = tpu.memref_squeeze %dma_start3A_261 : memref<1x128xi32, #tpu.memory_space<vmem>> -> memref<128xi32, #tpu.memory_space<vmem>>
        %dma_start3A_263 = arith.constant 0 : i32
        %dma_start3A_264 = arith.constant 0 : i32
        %dma_start3A_265 = tpu.memref_slice %arg9[%dma_start3A_263, %dma_start3A_264] : memref<10240x128xf32, #tpu.memory_space<vmem_shared>> -> memref<10240x128xf32, #tpu.memory_space<vmem_shared>>
        tpu.enqueue_indirect_dma source(%arg13 : memref<128x128xf32, #tpu.memory_space<vmem>>) target(%dma_start3A_265 : memref<10240x128xf32, #tpu.memory_space<vmem_shared>>) offsets(%dma_start3A_262 : memref<128xi32, #tpu.memory_space<vmem>>) semaphore(%run_scoped3A_259 : memref<!tpu.dma_semaphore, #tpu.memory_space<semaphore_mem>>) {add = true}
        %dma_wait3A_266 = arith.constant 0 : i32
        %dma_wait3A_267 = tpu.memref_slice %arg11[%run_scoped3A_205, %dma_wait3A_266] : memref<16x128xi32, #tpu.memory_space<vmem>> -> memref<1x128xi32, #tpu.memory_space<vmem>>
        %dma_wait3A_268 = tpu.memref_squeeze %dma_wait3A_267 : memref<1x128xi32, #tpu.memory_space<vmem>> -> memref<128xi32, #tpu.memory_space<vmem>>
        %dma_wait3A_269 = arith.constant 0 : i32
        %dma_wait3A_270 = arith.constant 0 : i32
        %dma_wait3A_271 = tpu.memref_slice %arg9[%dma_wait3A_269, %dma_wait3A_270] : memref<10240x128xf32, #tpu.memory_space<vmem_shared>> -> memref<10240x128xf32, #tpu.memory_space<vmem_shared>>
        tpu.wait_indirect_dma semaphore(%run_scoped3A_259 : memref<!tpu.dma_semaphore, #tpu.memory_space<semaphore_mem>>) src(%arg13 : memref<128x128xf32, #tpu.memory_space<vmem>>) dst(%dma_wait3A_271 : memref<10240x128xf32, #tpu.memory_space<vmem_shared>>)
        tpu.yield
      }) : () -> ()
      %dma_wait3A_206 = arith.constant 12 : i32
      %dma_wait3A_207 = arith.constant 0 : i32
      %dma_wait3A_208 = tpu.memref_slice %arg10[%dma_wait3A_206, %dma_wait3A_207] : memref<16x128xi32, #tpu.memory_space<vmem>> -> memref<1x128xi32, #tpu.memory_space<vmem>>
      %dma_wait3A_209 = tpu.memref_squeeze %dma_wait3A_208 : memref<1x128xi32, #tpu.memory_space<vmem>> -> memref<128xi32, #tpu.memory_space<vmem>>
      %dma_wait3A_210 = arith.constant 0 : i32
      %dma_wait3A_211 = arith.constant 0 : i32
      %dma_wait3A_212 = tpu.memref_slice %arg2[%dma_wait3A_210, %dma_wait3A_211] : memref<10240x128xf32, #tpu.memory_space<hbm>> -> memref<10240x128xf32, #tpu.memory_space<hbm>>
      tpu.wait_indirect_dma semaphore(%arg14 : memref<!tpu.dma_semaphore, #tpu.memory_space<semaphore_mem>>) src(%dma_wait3A_212 : memref<10240x128xf32, #tpu.memory_space<hbm>>) dst(%arg12 : memref<128x128xf32, #tpu.memory_space<vmem>>)
      %dma_start3A_213 = arith.constant 13 : i32
      %dma_start3A_214 = arith.constant 0 : i32
      %dma_start3A_215 = tpu.memref_slice %arg10[%dma_start3A_213, %dma_start3A_214] : memref<16x128xi32, #tpu.memory_space<vmem>> -> memref<1x128xi32, #tpu.memory_space<vmem>>
      %dma_start3A_216 = tpu.memref_squeeze %dma_start3A_215 : memref<1x128xi32, #tpu.memory_space<vmem>> -> memref<128xi32, #tpu.memory_space<vmem>>
      %dma_start3A_217 = arith.constant 0 : i32
      %dma_start3A_218 = arith.constant 0 : i32
      %dma_start3A_219 = tpu.memref_slice %arg2[%dma_start3A_217, %dma_start3A_218] : memref<10240x128xf32, #tpu.memory_space<hbm>> -> memref<10240x128xf32, #tpu.memory_space<hbm>>
      tpu.enqueue_indirect_dma source(%dma_start3A_219 : memref<10240x128xf32, #tpu.memory_space<hbm>>) target(%arg13 : memref<128x128xf32, #tpu.memory_space<vmem>>) offsets(%dma_start3A_216 : memref<128xi32, #tpu.memory_space<vmem>>) semaphore(%arg14 : memref<!tpu.dma_semaphore, #tpu.memory_space<semaphore_mem>>)
      %run_scoped3A_220 = arith.constant 12 : i32
      "tpu.region"() ({
        %run_scoped3A_259 = tpu.sem_alloc : memref<!tpu.dma_semaphore, #tpu.memory_space<semaphore_mem>>
        %dma_start3A_260 = arith.constant 0 : i32
        %dma_start3A_261 = tpu.memref_slice %arg11[%run_scoped3A_220, %dma_start3A_260] : memref<16x128xi32, #tpu.memory_space<vmem>> -> memref<1x128xi32, #tpu.memory_space<vmem>>
        %dma_start3A_262 = tpu.memref_squeeze %dma_start3A_261 : memref<1x128xi32, #tpu.memory_space<vmem>> -> memref<128xi32, #tpu.memory_space<vmem>>
        %dma_start3A_263 = arith.constant 0 : i32
        %dma_start3A_264 = arith.constant 0 : i32
        %dma_start3A_265 = tpu.memref_slice %arg9[%dma_start3A_263, %dma_start3A_264] : memref<10240x128xf32, #tpu.memory_space<vmem_shared>> -> memref<10240x128xf32, #tpu.memory_space<vmem_shared>>
        tpu.enqueue_indirect_dma source(%arg12 : memref<128x128xf32, #tpu.memory_space<vmem>>) target(%dma_start3A_265 : memref<10240x128xf32, #tpu.memory_space<vmem_shared>>) offsets(%dma_start3A_262 : memref<128xi32, #tpu.memory_space<vmem>>) semaphore(%run_scoped3A_259 : memref<!tpu.dma_semaphore, #tpu.memory_space<semaphore_mem>>) {add = true}
        %dma_wait3A_266 = arith.constant 0 : i32
        %dma_wait3A_267 = tpu.memref_slice %arg11[%run_scoped3A_220, %dma_wait3A_266] : memref<16x128xi32, #tpu.memory_space<vmem>> -> memref<1x128xi32, #tpu.memory_space<vmem>>
        %dma_wait3A_268 = tpu.memref_squeeze %dma_wait3A_267 : memref<1x128xi32, #tpu.memory_space<vmem>> -> memref<128xi32, #tpu.memory_space<vmem>>
        %dma_wait3A_269 = arith.constant 0 : i32
        %dma_wait3A_270 = arith.constant 0 : i32
        %dma_wait3A_271 = tpu.memref_slice %arg9[%dma_wait3A_269, %dma_wait3A_270] : memref<10240x128xf32, #tpu.memory_space<vmem_shared>> -> memref<10240x128xf32, #tpu.memory_space<vmem_shared>>
        tpu.wait_indirect_dma semaphore(%run_scoped3A_259 : memref<!tpu.dma_semaphore, #tpu.memory_space<semaphore_mem>>) src(%arg12 : memref<128x128xf32, #tpu.memory_space<vmem>>) dst(%dma_wait3A_271 : memref<10240x128xf32, #tpu.memory_space<vmem_shared>>)
        tpu.yield
      }) : () -> ()
      %dma_wait3A_221 = arith.constant 13 : i32
      %dma_wait3A_222 = arith.constant 0 : i32
      %dma_wait3A_223 = tpu.memref_slice %arg10[%dma_wait3A_221, %dma_wait3A_222] : memref<16x128xi32, #tpu.memory_space<vmem>> -> memref<1x128xi32, #tpu.memory_space<vmem>>
      %dma_wait3A_224 = tpu.memref_squeeze %dma_wait3A_223 : memref<1x128xi32, #tpu.memory_space<vmem>> -> memref<128xi32, #tpu.memory_space<vmem>>
      %dma_wait3A_225 = arith.constant 0 : i32
      %dma_wait3A_226 = arith.constant 0 : i32
      %dma_wait3A_227 = tpu.memref_slice %arg2[%dma_wait3A_225, %dma_wait3A_226] : memref<10240x128xf32, #tpu.memory_space<hbm>> -> memref<10240x128xf32, #tpu.memory_space<hbm>>
      tpu.wait_indirect_dma semaphore(%arg14 : memref<!tpu.dma_semaphore, #tpu.memory_space<semaphore_mem>>) src(%dma_wait3A_227 : memref<10240x128xf32, #tpu.memory_space<hbm>>) dst(%arg13 : memref<128x128xf32, #tpu.memory_space<vmem>>)
      %dma_start3A_228 = arith.constant 14 : i32
      %dma_start3A_229 = arith.constant 0 : i32
      %dma_start3A_230 = tpu.memref_slice %arg10[%dma_start3A_228, %dma_start3A_229] : memref<16x128xi32, #tpu.memory_space<vmem>> -> memref<1x128xi32, #tpu.memory_space<vmem>>
      %dma_start3A_231 = tpu.memref_squeeze %dma_start3A_230 : memref<1x128xi32, #tpu.memory_space<vmem>> -> memref<128xi32, #tpu.memory_space<vmem>>
      %dma_start3A_232 = arith.constant 0 : i32
      %dma_start3A_233 = arith.constant 0 : i32
      %dma_start3A_234 = tpu.memref_slice %arg2[%dma_start3A_232, %dma_start3A_233] : memref<10240x128xf32, #tpu.memory_space<hbm>> -> memref<10240x128xf32, #tpu.memory_space<hbm>>
      tpu.enqueue_indirect_dma source(%dma_start3A_234 : memref<10240x128xf32, #tpu.memory_space<hbm>>) target(%arg12 : memref<128x128xf32, #tpu.memory_space<vmem>>) offsets(%dma_start3A_231 : memref<128xi32, #tpu.memory_space<vmem>>) semaphore(%arg14 : memref<!tpu.dma_semaphore, #tpu.memory_space<semaphore_mem>>)
      %run_scoped3A_235 = arith.constant 13 : i32
      "tpu.region"() ({
        %run_scoped3A_259 = tpu.sem_alloc : memref<!tpu.dma_semaphore, #tpu.memory_space<semaphore_mem>>
        %dma_start3A_260 = arith.constant 0 : i32
        %dma_start3A_261 = tpu.memref_slice %arg11[%run_scoped3A_235, %dma_start3A_260] : memref<16x128xi32, #tpu.memory_space<vmem>> -> memref<1x128xi32, #tpu.memory_space<vmem>>
        %dma_start3A_262 = tpu.memref_squeeze %dma_start3A_261 : memref<1x128xi32, #tpu.memory_space<vmem>> -> memref<128xi32, #tpu.memory_space<vmem>>
        %dma_start3A_263 = arith.constant 0 : i32
        %dma_start3A_264 = arith.constant 0 : i32
        %dma_start3A_265 = tpu.memref_slice %arg9[%dma_start3A_263, %dma_start3A_264] : memref<10240x128xf32, #tpu.memory_space<vmem_shared>> -> memref<10240x128xf32, #tpu.memory_space<vmem_shared>>
        tpu.enqueue_indirect_dma source(%arg13 : memref<128x128xf32, #tpu.memory_space<vmem>>) target(%dma_start3A_265 : memref<10240x128xf32, #tpu.memory_space<vmem_shared>>) offsets(%dma_start3A_262 : memref<128xi32, #tpu.memory_space<vmem>>) semaphore(%run_scoped3A_259 : memref<!tpu.dma_semaphore, #tpu.memory_space<semaphore_mem>>) {add = true}
        %dma_wait3A_266 = arith.constant 0 : i32
        %dma_wait3A_267 = tpu.memref_slice %arg11[%run_scoped3A_235, %dma_wait3A_266] : memref<16x128xi32, #tpu.memory_space<vmem>> -> memref<1x128xi32, #tpu.memory_space<vmem>>
        %dma_wait3A_268 = tpu.memref_squeeze %dma_wait3A_267 : memref<1x128xi32, #tpu.memory_space<vmem>> -> memref<128xi32, #tpu.memory_space<vmem>>
        %dma_wait3A_269 = arith.constant 0 : i32
        %dma_wait3A_270 = arith.constant 0 : i32
        %dma_wait3A_271 = tpu.memref_slice %arg9[%dma_wait3A_269, %dma_wait3A_270] : memref<10240x128xf32, #tpu.memory_space<vmem_shared>> -> memref<10240x128xf32, #tpu.memory_space<vmem_shared>>
        tpu.wait_indirect_dma semaphore(%run_scoped3A_259 : memref<!tpu.dma_semaphore, #tpu.memory_space<semaphore_mem>>) src(%arg13 : memref<128x128xf32, #tpu.memory_space<vmem>>) dst(%dma_wait3A_271 : memref<10240x128xf32, #tpu.memory_space<vmem_shared>>)
        tpu.yield
      }) : () -> ()
      %dma_wait3A_236 = arith.constant 14 : i32
      %dma_wait3A_237 = arith.constant 0 : i32
      %dma_wait3A_238 = tpu.memref_slice %arg10[%dma_wait3A_236, %dma_wait3A_237] : memref<16x128xi32, #tpu.memory_space<vmem>> -> memref<1x128xi32, #tpu.memory_space<vmem>>
      %dma_wait3A_239 = tpu.memref_squeeze %dma_wait3A_238 : memref<1x128xi32, #tpu.memory_space<vmem>> -> memref<128xi32, #tpu.memory_space<vmem>>
      %dma_wait3A_240 = arith.constant 0 : i32
      %dma_wait3A_241 = arith.constant 0 : i32
      %dma_wait3A_242 = tpu.memref_slice %arg2[%dma_wait3A_240, %dma_wait3A_241] : memref<10240x128xf32, #tpu.memory_space<hbm>> -> memref<10240x128xf32, #tpu.memory_space<hbm>>
      tpu.wait_indirect_dma semaphore(%arg14 : memref<!tpu.dma_semaphore, #tpu.memory_space<semaphore_mem>>) src(%dma_wait3A_242 : memref<10240x128xf32, #tpu.memory_space<hbm>>) dst(%arg12 : memref<128x128xf32, #tpu.memory_space<vmem>>)
      %dma_start3A_243 = arith.constant 15 : i32
      %dma_start3A_244 = arith.constant 0 : i32
      %dma_start3A_245 = tpu.memref_slice %arg10[%dma_start3A_243, %dma_start3A_244] : memref<16x128xi32, #tpu.memory_space<vmem>> -> memref<1x128xi32, #tpu.memory_space<vmem>>
      %dma_start3A_246 = tpu.memref_squeeze %dma_start3A_245 : memref<1x128xi32, #tpu.memory_space<vmem>> -> memref<128xi32, #tpu.memory_space<vmem>>
      %dma_start3A_247 = arith.constant 0 : i32
      %dma_start3A_248 = arith.constant 0 : i32
      %dma_start3A_249 = tpu.memref_slice %arg2[%dma_start3A_247, %dma_start3A_248] : memref<10240x128xf32, #tpu.memory_space<hbm>> -> memref<10240x128xf32, #tpu.memory_space<hbm>>
      tpu.enqueue_indirect_dma source(%dma_start3A_249 : memref<10240x128xf32, #tpu.memory_space<hbm>>) target(%arg13 : memref<128x128xf32, #tpu.memory_space<vmem>>) offsets(%dma_start3A_246 : memref<128xi32, #tpu.memory_space<vmem>>) semaphore(%arg14 : memref<!tpu.dma_semaphore, #tpu.memory_space<semaphore_mem>>)
      %run_scoped3A_250 = arith.constant 14 : i32
      "tpu.region"() ({
        %run_scoped3A_259 = tpu.sem_alloc : memref<!tpu.dma_semaphore, #tpu.memory_space<semaphore_mem>>
        %dma_start3A_260 = arith.constant 0 : i32
        %dma_start3A_261 = tpu.memref_slice %arg11[%run_scoped3A_250, %dma_start3A_260] : memref<16x128xi32, #tpu.memory_space<vmem>> -> memref<1x128xi32, #tpu.memory_space<vmem>>
        %dma_start3A_262 = tpu.memref_squeeze %dma_start3A_261 : memref<1x128xi32, #tpu.memory_space<vmem>> -> memref<128xi32, #tpu.memory_space<vmem>>
        %dma_start3A_263 = arith.constant 0 : i32
        %dma_start3A_264 = arith.constant 0 : i32
        %dma_start3A_265 = tpu.memref_slice %arg9[%dma_start3A_263, %dma_start3A_264] : memref<10240x128xf32, #tpu.memory_space<vmem_shared>> -> memref<10240x128xf32, #tpu.memory_space<vmem_shared>>
        tpu.enqueue_indirect_dma source(%arg12 : memref<128x128xf32, #tpu.memory_space<vmem>>) target(%dma_start3A_265 : memref<10240x128xf32, #tpu.memory_space<vmem_shared>>) offsets(%dma_start3A_262 : memref<128xi32, #tpu.memory_space<vmem>>) semaphore(%run_scoped3A_259 : memref<!tpu.dma_semaphore, #tpu.memory_space<semaphore_mem>>) {add = true}
        %dma_wait3A_266 = arith.constant 0 : i32
        %dma_wait3A_267 = tpu.memref_slice %arg11[%run_scoped3A_250, %dma_wait3A_266] : memref<16x128xi32, #tpu.memory_space<vmem>> -> memref<1x128xi32, #tpu.memory_space<vmem>>
        %dma_wait3A_268 = tpu.memref_squeeze %dma_wait3A_267 : memref<1x128xi32, #tpu.memory_space<vmem>> -> memref<128xi32, #tpu.memory_space<vmem>>
        %dma_wait3A_269 = arith.constant 0 : i32
        %dma_wait3A_270 = arith.constant 0 : i32
        %dma_wait3A_271 = tpu.memref_slice %arg9[%dma_wait3A_269, %dma_wait3A_270] : memref<10240x128xf32, #tpu.memory_space<vmem_shared>> -> memref<10240x128xf32, #tpu.memory_space<vmem_shared>>
        tpu.wait_indirect_dma semaphore(%run_scoped3A_259 : memref<!tpu.dma_semaphore, #tpu.memory_space<semaphore_mem>>) src(%arg12 : memref<128x128xf32, #tpu.memory_space<vmem>>) dst(%dma_wait3A_271 : memref<10240x128xf32, #tpu.memory_space<vmem_shared>>)
        tpu.yield
      }) : () -> ()
      %dma_wait3A_251 = arith.constant 15 : i32
      %dma_wait3A_252 = arith.constant 0 : i32
      %dma_wait3A_253 = tpu.memref_slice %arg10[%dma_wait3A_251, %dma_wait3A_252] : memref<16x128xi32, #tpu.memory_space<vmem>> -> memref<1x128xi32, #tpu.memory_space<vmem>>
      %dma_wait3A_254 = tpu.memref_squeeze %dma_wait3A_253 : memref<1x128xi32, #tpu.memory_space<vmem>> -> memref<128xi32, #tpu.memory_space<vmem>>
      %dma_wait3A_255 = arith.constant 0 : i32
      %dma_wait3A_256 = arith.constant 0 : i32
      %dma_wait3A_257 = tpu.memref_slice %arg2[%dma_wait3A_255, %dma_wait3A_256] : memref<10240x128xf32, #tpu.memory_space<hbm>> -> memref<10240x128xf32, #tpu.memory_space<hbm>>
      tpu.wait_indirect_dma semaphore(%arg14 : memref<!tpu.dma_semaphore, #tpu.memory_space<semaphore_mem>>) src(%dma_wait3A_257 : memref<10240x128xf32, #tpu.memory_space<hbm>>) dst(%arg13 : memref<128x128xf32, #tpu.memory_space<vmem>>)
      %run_scoped3A_258 = arith.constant 15 : i32
      "tpu.region"() ({
        %run_scoped3A_259 = tpu.sem_alloc : memref<!tpu.dma_semaphore, #tpu.memory_space<semaphore_mem>>
        %dma_start3A_260 = arith.constant 0 : i32
        %dma_start3A_261 = tpu.memref_slice %arg11[%run_scoped3A_258, %dma_start3A_260] : memref<16x128xi32, #tpu.memory_space<vmem>> -> memref<1x128xi32, #tpu.memory_space<vmem>>
        %dma_start3A_262 = tpu.memref_squeeze %dma_start3A_261 : memref<1x128xi32, #tpu.memory_space<vmem>> -> memref<128xi32, #tpu.memory_space<vmem>>
        %dma_start3A_263 = arith.constant 0 : i32
        %dma_start3A_264 = arith.constant 0 : i32
        %dma_start3A_265 = tpu.memref_slice %arg9[%dma_start3A_263, %dma_start3A_264] : memref<10240x128xf32, #tpu.memory_space<vmem_shared>> -> memref<10240x128xf32, #tpu.memory_space<vmem_shared>>
        tpu.enqueue_indirect_dma source(%arg13 : memref<128x128xf32, #tpu.memory_space<vmem>>) target(%dma_start3A_265 : memref<10240x128xf32, #tpu.memory_space<vmem_shared>>) offsets(%dma_start3A_262 : memref<128xi32, #tpu.memory_space<vmem>>) semaphore(%run_scoped3A_259 : memref<!tpu.dma_semaphore, #tpu.memory_space<semaphore_mem>>) {add = true}
        %dma_wait3A_266 = arith.constant 0 : i32
        %dma_wait3A_267 = tpu.memref_slice %arg11[%run_scoped3A_258, %dma_wait3A_266] : memref<16x128xi32, #tpu.memory_space<vmem>> -> memref<1x128xi32, #tpu.memory_space<vmem>>
        %dma_wait3A_268 = tpu.memref_squeeze %dma_wait3A_267 : memref<1x128xi32, #tpu.memory_space<vmem>> -> memref<128xi32, #tpu.memory_space<vmem>>
        %dma_wait3A_269 = arith.constant 0 : i32
        %dma_wait3A_270 = arith.constant 0 : i32
        %dma_wait3A_271 = tpu.memref_slice %arg9[%dma_wait3A_269, %dma_wait3A_270] : memref<10240x128xf32, #tpu.memory_space<vmem_shared>> -> memref<10240x128xf32, #tpu.memory_space<vmem_shared>>
        tpu.wait_indirect_dma semaphore(%run_scoped3A_259 : memref<!tpu.dma_semaphore, #tpu.memory_space<semaphore_mem>>) src(%arg13 : memref<128x128xf32, #tpu.memory_space<vmem>>) dst(%dma_wait3A_271 : memref<10240x128xf32, #tpu.memory_space<vmem_shared>>)
        tpu.yield
      }) : () -> ()
    }
    %scan3A_15 = arith.constant 5 : i32
    %barrier3A_16 = arith.constant 0 : index
    tpu.barrier barrier_id(%barrier3A_16)
    "tpu.region"() ({
      %run_scoped3A = tpu.sem_alloc : memref<!tpu.dma_semaphore, #tpu.memory_space<semaphore_mem>>
      %dma_start3A = arith.constant 0 : i32
      %dma_start3A_17 = tpu.memref_slice %arg7[%arg0, %mul3A_2, %dma_start3A] : memref<2x10240x128xf32, #tpu.memory_space<hbm>> -> memref<1x640x128xf32, #tpu.memory_space<hbm>>
      %dma_start3A_18 = tpu.memref_squeeze %dma_start3A_17 : memref<1x640x128xf32, #tpu.memory_space<hbm>> -> memref<640x128xf32, #tpu.memory_space<hbm>>
      %dma_start3A_19 = arith.constant 0 : i32
      %dma_start3A_20 = tpu.memref_slice %arg9[%mul3A_2, %dma_start3A_19] : memref<10240x128xf32, #tpu.memory_space<vmem_shared>> -> memref<640x128xf32, #tpu.memory_space<vmem_shared>>
      tpu.enqueue_dma source(%dma_start3A_20 : memref<640x128xf32, #tpu.memory_space<vmem_shared>>) target(%dma_start3A_18 : memref<640x128xf32, #tpu.memory_space<hbm>>) target_semaphore(%run_scoped3A : memref<!tpu.dma_semaphore, #tpu.memory_space<semaphore_mem>>)
      %dma_wait3A = arith.constant 0 : i32
      %dma_wait3A_21 = tpu.memref_slice %arg7[%arg0, %mul3A_2, %dma_wait3A] : memref<2x10240x128xf32, #tpu.memory_space<hbm>> -> memref<1x640x128xf32, #tpu.memory_space<hbm>>
      %dma_wait3A_22 = tpu.memref_squeeze %dma_wait3A_21 : memref<1x640x128xf32, #tpu.memory_space<hbm>> -> memref<640x128xf32, #tpu.memory_space<hbm>>
      %dma_wait3A_23 = arith.constant 0 : i32
      %dma_wait3A_24 = tpu.memref_slice %arg9[%mul3A_2, %dma_wait3A_23] : memref<10240x128xf32, #tpu.memory_space<vmem_shared>> -> memref<640x128xf32, #tpu.memory_space<vmem_shared>>
      tpu.wait_dma2 semaphore(%run_scoped3A : memref<!tpu.dma_semaphore, #tpu.memory_space<semaphore_mem>>) src(%dma_wait3A_24 : memref<640x128xf32, #tpu.memory_space<vmem_shared>>) dst(%dma_wait3A_22 : memref<640x128xf32, #tpu.memory_space<hbm>>)
      tpu.yield
    }) : () -> ()
    return
  }
}

#map = affine_map<(d0, d1) -> (0, 0)>
#map1 = affine_map<(d0, d1) -> (0, 0, 0)>
module attributes {stable_mosaic.version = 14 : i64} {
  func.func @body(%arg0: i32, %arg1: i32, %arg2: memref<10240x128xf32, #tpu.memory_space<hbm>>, %arg3: memref<32x80x128xi32, #tpu.memory_space<hbm>>, %arg4: memref<32x80x128xi32, #tpu.memory_space<hbm>>, %arg5: memref<640x128xf32, #tpu.memory_space<hbm>>, %arg6: memref<128x128xf32, #tpu.memory_space<hbm>>, %arg7: memref<2x10240x128xf32, #tpu.memory_space<hbm>>, %arg8: memref<10240x128xf32, #tpu.memory_space<vmem_shared>>, %arg9: memref<16x128xi32, #tpu.memory_space<vmem>>, %arg10: memref<16x128xi32, #tpu.memory_space<vmem>>, %arg11: memref<128x128xf32, #tpu.memory_space<vmem>>, %arg12: memref<128x128xf32, #tpu.memory_space<vmem>>, %arg13: memref<!tpu.dma_semaphore, #tpu.memory_space<semaphore_mem>>) attributes {dimension_semantics = [#tpu.dimension_semantics<core_parallel>, #tpu.dimension_semantics<subcore_parallel>], iteration_bounds = array<i64: 2, 16>, scalar_prefetch = 0 : i64, scratch_operands = 6 : i64, tpu.core_type = #tpu.core_type<sc_vector_subcore>, window_params = [{transform_indices = #map}, {transform_indices = #map1}, {transform_indices = #map1}, {transform_indices = #map}, {transform_indices = #map}, {transform_indices = #map1}]} {
    %mul3A = arith.constant 16 : i32
    %mul3A_0 = arith.muli %arg0, %mul3A : i32
    %add3A = arith.addi %mul3A_0, %arg1 : i32
    %mul3A_1 = arith.constant 640 : i32
    %mul3A_2 = arith.muli %arg1, %mul3A_1 : i32
    "tpu.region"() ({
      %run_scoped3A = tpu.sem_alloc : memref<!tpu.dma_semaphore, #tpu.memory_space<semaphore_mem>>
      %dma_start3A = arith.constant 0 : i32
      %dma_start3A_9 = tpu.memref_slice %arg8[%mul3A_2, %dma_start3A] : memref<10240x128xf32, #tpu.memory_space<vmem_shared>> -> memref<640x128xf32, #tpu.memory_space<vmem_shared>>
      tpu.enqueue_dma source(%arg5 : memref<640x128xf32, #tpu.memory_space<hbm>>) target(%dma_start3A_9 : memref<640x128xf32, #tpu.memory_space<vmem_shared>>) target_semaphore(%run_scoped3A : memref<!tpu.dma_semaphore, #tpu.memory_space<semaphore_mem>>)
      %dma_wait3A = arith.constant 0 : i32
      %dma_wait3A_10 = tpu.memref_slice %arg8[%mul3A_2, %dma_wait3A] : memref<10240x128xf32, #tpu.memory_space<vmem_shared>> -> memref<640x128xf32, #tpu.memory_space<vmem_shared>>
      tpu.wait_dma2 semaphore(%run_scoped3A : memref<!tpu.dma_semaphore, #tpu.memory_space<semaphore_mem>>) src(%arg5 : memref<640x128xf32, #tpu.memory_space<hbm>>) dst(%dma_wait3A_10 : memref<640x128xf32, #tpu.memory_space<vmem_shared>>)
      tpu.yield
    }) : () -> ()
    %barrier3A = arith.constant 0 : index
    tpu.barrier barrier_id(%barrier3A)
    %scan3A = arith.constant 0 : i32
    %scan3A_3 = arith.constant 0 : i32
    %scan3A_4 = arith.constant 5 : i32
    %scan3A_5 = arith.addi %scan3A_3, %scan3A_4 : i32
    %scan3A_6 = arith.constant 1 : i32
    scf.for %scan3A_9 = %scan3A_3 to %scan3A_5 step %scan3A_6  : i32 {
      %mul3A_10 = arith.constant 16 : i32
      %mul3A_11 = arith.muli %scan3A_9, %mul3A_10 : i32
      "tpu.region"() ({
        %run_scoped3A_251 = tpu.sem_alloc : memref<!tpu.dma_semaphore, #tpu.memory_space<semaphore_mem>>
        %dma_start3A_252 = arith.constant 0 : i32
        %dma_start3A_253 = tpu.memref_slice %arg3[%add3A, %mul3A_11, %dma_start3A_252] : memref<32x80x128xi32, #tpu.memory_space<hbm>> -> memref<1x16x128xi32, #tpu.memory_space<hbm>>
        %dma_start3A_254 = tpu.memref_squeeze %dma_start3A_253 : memref<1x16x128xi32, #tpu.memory_space<hbm>> -> memref<16x128xi32, #tpu.memory_space<hbm>>
        %dma_start3A_255 = arith.constant 0 : i32
        %dma_start3A_256 = tpu.memref_slice %arg3[%add3A, %mul3A_11, %dma_start3A_255] : memref<32x80x128xi32, #tpu.memory_space<hbm>> -> memref<1x16x128xi32, #tpu.memory_space<hbm>>
        %dma_start3A_257 = tpu.memref_squeeze %dma_start3A_256 : memref<1x16x128xi32, #tpu.memory_space<hbm>> -> memref<16x128xi32, #tpu.memory_space<hbm>>
        tpu.enqueue_dma source(%dma_start3A_257 : memref<16x128xi32, #tpu.memory_space<hbm>>) target(%arg9 : memref<16x128xi32, #tpu.memory_space<vmem>>) target_semaphore(%run_scoped3A_251 : memref<!tpu.dma_semaphore, #tpu.memory_space<semaphore_mem>>)
        %dma_wait3A_258 = arith.constant 0 : i32
        %dma_wait3A_259 = tpu.memref_slice %arg3[%add3A, %mul3A_11, %dma_wait3A_258] : memref<32x80x128xi32, #tpu.memory_space<hbm>> -> memref<1x16x128xi32, #tpu.memory_space<hbm>>
        %dma_wait3A_260 = tpu.memref_squeeze %dma_wait3A_259 : memref<1x16x128xi32, #tpu.memory_space<hbm>> -> memref<16x128xi32, #tpu.memory_space<hbm>>
        %dma_wait3A_261 = arith.constant 0 : i32
        %dma_wait3A_262 = tpu.memref_slice %arg3[%add3A, %mul3A_11, %dma_wait3A_261] : memref<32x80x128xi32, #tpu.memory_space<hbm>> -> memref<1x16x128xi32, #tpu.memory_space<hbm>>
        %dma_wait3A_263 = tpu.memref_squeeze %dma_wait3A_262 : memref<1x16x128xi32, #tpu.memory_space<hbm>> -> memref<16x128xi32, #tpu.memory_space<hbm>>
        tpu.wait_dma2 semaphore(%run_scoped3A_251 : memref<!tpu.dma_semaphore, #tpu.memory_space<semaphore_mem>>) src(%dma_wait3A_263 : memref<16x128xi32, #tpu.memory_space<hbm>>) dst(%arg9 : memref<16x128xi32, #tpu.memory_space<vmem>>)
        tpu.yield
      }) : () -> ()
      %mul3A_12 = arith.constant 16 : i32
      %mul3A_13 = arith.muli %scan3A_9, %mul3A_12 : i32
      "tpu.region"() ({
        %run_scoped3A_251 = tpu.sem_alloc : memref<!tpu.dma_semaphore, #tpu.memory_space<semaphore_mem>>
        %dma_start3A_252 = arith.constant 0 : i32
        %dma_start3A_253 = tpu.memref_slice %arg4[%add3A, %mul3A_13, %dma_start3A_252] : memref<32x80x128xi32, #tpu.memory_space<hbm>> -> memref<1x16x128xi32, #tpu.memory_space<hbm>>
        %dma_start3A_254 = tpu.memref_squeeze %dma_start3A_253 : memref<1x16x128xi32, #tpu.memory_space<hbm>> -> memref<16x128xi32, #tpu.memory_space<hbm>>
        %dma_start3A_255 = arith.constant 0 : i32
        %dma_start3A_256 = tpu.memref_slice %arg4[%add3A, %mul3A_13, %dma_start3A_255] : memref<32x80x128xi32, #tpu.memory_space<hbm>> -> memref<1x16x128xi32, #tpu.memory_space<hbm>>
        %dma_start3A_257 = tpu.memref_squeeze %dma_start3A_256 : memref<1x16x128xi32, #tpu.memory_space<hbm>> -> memref<16x128xi32, #tpu.memory_space<hbm>>
        tpu.enqueue_dma source(%dma_start3A_257 : memref<16x128xi32, #tpu.memory_space<hbm>>) target(%arg10 : memref<16x128xi32, #tpu.memory_space<vmem>>) target_semaphore(%run_scoped3A_251 : memref<!tpu.dma_semaphore, #tpu.memory_space<semaphore_mem>>)
        %dma_wait3A_258 = arith.constant 0 : i32
        %dma_wait3A_259 = tpu.memref_slice %arg4[%add3A, %mul3A_13, %dma_wait3A_258] : memref<32x80x128xi32, #tpu.memory_space<hbm>> -> memref<1x16x128xi32, #tpu.memory_space<hbm>>
        %dma_wait3A_260 = tpu.memref_squeeze %dma_wait3A_259 : memref<1x16x128xi32, #tpu.memory_space<hbm>> -> memref<16x128xi32, #tpu.memory_space<hbm>>
        %dma_wait3A_261 = arith.constant 0 : i32
        %dma_wait3A_262 = tpu.memref_slice %arg4[%add3A, %mul3A_13, %dma_wait3A_261] : memref<32x80x128xi32, #tpu.memory_space<hbm>> -> memref<1x16x128xi32, #tpu.memory_space<hbm>>
        %dma_wait3A_263 = tpu.memref_squeeze %dma_wait3A_262 : memref<1x16x128xi32, #tpu.memory_space<hbm>> -> memref<16x128xi32, #tpu.memory_space<hbm>>
        tpu.wait_dma2 semaphore(%run_scoped3A_251 : memref<!tpu.dma_semaphore, #tpu.memory_space<semaphore_mem>>) src(%dma_wait3A_263 : memref<16x128xi32, #tpu.memory_space<hbm>>) dst(%arg10 : memref<16x128xi32, #tpu.memory_space<vmem>>)
        tpu.yield
      }) : () -> ()
      %dma_start3A = arith.constant 0 : i32
      %dma_start3A_14 = arith.constant 0 : i32
      %dma_start3A_15 = tpu.memref_slice %arg9[%dma_start3A, %dma_start3A_14] : memref<16x128xi32, #tpu.memory_space<vmem>> -> memref<1x128xi32, #tpu.memory_space<vmem>>
      %dma_start3A_16 = tpu.memref_squeeze %dma_start3A_15 : memref<1x128xi32, #tpu.memory_space<vmem>> -> memref<128xi32, #tpu.memory_space<vmem>>
      %dma_start3A_17 = arith.constant 0 : i32
      %dma_start3A_18 = arith.constant 0 : i32
      %dma_start3A_19 = tpu.memref_slice %arg2[%dma_start3A_17, %dma_start3A_18] : memref<10240x128xf32, #tpu.memory_space<hbm>> -> memref<10240x128xf32, #tpu.memory_space<hbm>>
      tpu.enqueue_indirect_dma source(%dma_start3A_19 : memref<10240x128xf32, #tpu.memory_space<hbm>>) target(%arg11 : memref<128x128xf32, #tpu.memory_space<vmem>>) offsets(%dma_start3A_16 : memref<128xi32, #tpu.memory_space<vmem>>) semaphore(%arg13 : memref<!tpu.dma_semaphore, #tpu.memory_space<semaphore_mem>>)
      %dma_wait3A = arith.constant 0 : i32
      %dma_wait3A_20 = arith.constant 0 : i32
      %dma_wait3A_21 = tpu.memref_slice %arg9[%dma_wait3A, %dma_wait3A_20] : memref<16x128xi32, #tpu.memory_space<vmem>> -> memref<1x128xi32, #tpu.memory_space<vmem>>
      %dma_wait3A_22 = tpu.memref_squeeze %dma_wait3A_21 : memref<1x128xi32, #tpu.memory_space<vmem>> -> memref<128xi32, #tpu.memory_space<vmem>>
      %dma_wait3A_23 = arith.constant 0 : i32
      %dma_wait3A_24 = arith.constant 0 : i32
      %dma_wait3A_25 = tpu.memref_slice %arg2[%dma_wait3A_23, %dma_wait3A_24] : memref<10240x128xf32, #tpu.memory_space<hbm>> -> memref<10240x128xf32, #tpu.memory_space<hbm>>
      tpu.wait_indirect_dma semaphore(%arg13 : memref<!tpu.dma_semaphore, #tpu.memory_space<semaphore_mem>>) src(%dma_wait3A_25 : memref<10240x128xf32, #tpu.memory_space<hbm>>) dst(%arg11 : memref<128x128xf32, #tpu.memory_space<vmem>>)
      %dma_start3A_26 = arith.constant 1 : i32
      %dma_start3A_27 = arith.constant 0 : i32
      %dma_start3A_28 = tpu.memref_slice %arg9[%dma_start3A_26, %dma_start3A_27] : memref<16x128xi32, #tpu.memory_space<vmem>> -> memref<1x128xi32, #tpu.memory_space<vmem>>
      %dma_start3A_29 = tpu.memref_squeeze %dma_start3A_28 : memref<1x128xi32, #tpu.memory_space<vmem>> -> memref<128xi32, #tpu.memory_space<vmem>>
      %dma_start3A_30 = arith.constant 0 : i32
      %dma_start3A_31 = arith.constant 0 : i32
      %dma_start3A_32 = tpu.memref_slice %arg2[%dma_start3A_30, %dma_start3A_31] : memref<10240x128xf32, #tpu.memory_space<hbm>> -> memref<10240x128xf32, #tpu.memory_space<hbm>>
      tpu.enqueue_indirect_dma source(%dma_start3A_32 : memref<10240x128xf32, #tpu.memory_space<hbm>>) target(%arg12 : memref<128x128xf32, #tpu.memory_space<vmem>>) offsets(%dma_start3A_29 : memref<128xi32, #tpu.memory_space<vmem>>) semaphore(%arg13 : memref<!tpu.dma_semaphore, #tpu.memory_space<semaphore_mem>>)
      %run_scoped3A = arith.constant 0 : i32
      "tpu.region"() ({
        %run_scoped3A_251 = tpu.sem_alloc : memref<!tpu.dma_semaphore, #tpu.memory_space<semaphore_mem>>
        %dma_start3A_252 = arith.constant 0 : i32
        %dma_start3A_253 = tpu.memref_slice %arg10[%run_scoped3A, %dma_start3A_252] : memref<16x128xi32, #tpu.memory_space<vmem>> -> memref<1x128xi32, #tpu.memory_space<vmem>>
        %dma_start3A_254 = tpu.memref_squeeze %dma_start3A_253 : memref<1x128xi32, #tpu.memory_space<vmem>> -> memref<128xi32, #tpu.memory_space<vmem>>
        %dma_start3A_255 = arith.constant 0 : i32
        %dma_start3A_256 = arith.constant 0 : i32
        %dma_start3A_257 = tpu.memref_slice %arg8[%dma_start3A_255, %dma_start3A_256] : memref<10240x128xf32, #tpu.memory_space<vmem_shared>> -> memref<10240x128xf32, #tpu.memory_space<vmem_shared>>
        tpu.enqueue_indirect_dma source(%arg11 : memref<128x128xf32, #tpu.memory_space<vmem>>) target(%dma_start3A_257 : memref<10240x128xf32, #tpu.memory_space<vmem_shared>>) offsets(%dma_start3A_254 : memref<128xi32, #tpu.memory_space<vmem>>) semaphore(%run_scoped3A_251 : memref<!tpu.dma_semaphore, #tpu.memory_space<semaphore_mem>>) {add = true}
        %dma_wait3A_258 = arith.constant 0 : i32
        %dma_wait3A_259 = tpu.memref_slice %arg10[%run_scoped3A, %dma_wait3A_258] : memref<16x128xi32, #tpu.memory_space<vmem>> -> memref<1x128xi32, #tpu.memory_space<vmem>>
        %dma_wait3A_260 = tpu.memref_squeeze %dma_wait3A_259 : memref<1x128xi32, #tpu.memory_space<vmem>> -> memref<128xi32, #tpu.memory_space<vmem>>
        %dma_wait3A_261 = arith.constant 0 : i32
        %dma_wait3A_262 = arith.constant 0 : i32
        %dma_wait3A_263 = tpu.memref_slice %arg8[%dma_wait3A_261, %dma_wait3A_262] : memref<10240x128xf32, #tpu.memory_space<vmem_shared>> -> memref<10240x128xf32, #tpu.memory_space<vmem_shared>>
        tpu.wait_indirect_dma semaphore(%run_scoped3A_251 : memref<!tpu.dma_semaphore, #tpu.memory_space<semaphore_mem>>) src(%arg11 : memref<128x128xf32, #tpu.memory_space<vmem>>) dst(%dma_wait3A_263 : memref<10240x128xf32, #tpu.memory_space<vmem_shared>>)
        tpu.yield
      }) : () -> ()
      %dma_wait3A_33 = arith.constant 1 : i32
      %dma_wait3A_34 = arith.constant 0 : i32
      %dma_wait3A_35 = tpu.memref_slice %arg9[%dma_wait3A_33, %dma_wait3A_34] : memref<16x128xi32, #tpu.memory_space<vmem>> -> memref<1x128xi32, #tpu.memory_space<vmem>>
      %dma_wait3A_36 = tpu.memref_squeeze %dma_wait3A_35 : memref<1x128xi32, #tpu.memory_space<vmem>> -> memref<128xi32, #tpu.memory_space<vmem>>
      %dma_wait3A_37 = arith.constant 0 : i32
      %dma_wait3A_38 = arith.constant 0 : i32
      %dma_wait3A_39 = tpu.memref_slice %arg2[%dma_wait3A_37, %dma_wait3A_38] : memref<10240x128xf32, #tpu.memory_space<hbm>> -> memref<10240x128xf32, #tpu.memory_space<hbm>>
      tpu.wait_indirect_dma semaphore(%arg13 : memref<!tpu.dma_semaphore, #tpu.memory_space<semaphore_mem>>) src(%dma_wait3A_39 : memref<10240x128xf32, #tpu.memory_space<hbm>>) dst(%arg12 : memref<128x128xf32, #tpu.memory_space<vmem>>)
      %dma_start3A_40 = arith.constant 2 : i32
      %dma_start3A_41 = arith.constant 0 : i32
      %dma_start3A_42 = tpu.memref_slice %arg9[%dma_start3A_40, %dma_start3A_41] : memref<16x128xi32, #tpu.memory_space<vmem>> -> memref<1x128xi32, #tpu.memory_space<vmem>>
      %dma_start3A_43 = tpu.memref_squeeze %dma_start3A_42 : memref<1x128xi32, #tpu.memory_space<vmem>> -> memref<128xi32, #tpu.memory_space<vmem>>
      %dma_start3A_44 = arith.constant 0 : i32
      %dma_start3A_45 = arith.constant 0 : i32
      %dma_start3A_46 = tpu.memref_slice %arg2[%dma_start3A_44, %dma_start3A_45] : memref<10240x128xf32, #tpu.memory_space<hbm>> -> memref<10240x128xf32, #tpu.memory_space<hbm>>
      tpu.enqueue_indirect_dma source(%dma_start3A_46 : memref<10240x128xf32, #tpu.memory_space<hbm>>) target(%arg11 : memref<128x128xf32, #tpu.memory_space<vmem>>) offsets(%dma_start3A_43 : memref<128xi32, #tpu.memory_space<vmem>>) semaphore(%arg13 : memref<!tpu.dma_semaphore, #tpu.memory_space<semaphore_mem>>)
      %run_scoped3A_47 = arith.constant 1 : i32
      "tpu.region"() ({
        %run_scoped3A_251 = tpu.sem_alloc : memref<!tpu.dma_semaphore, #tpu.memory_space<semaphore_mem>>
        %dma_start3A_252 = arith.constant 0 : i32
        %dma_start3A_253 = tpu.memref_slice %arg10[%run_scoped3A_47, %dma_start3A_252] : memref<16x128xi32, #tpu.memory_space<vmem>> -> memref<1x128xi32, #tpu.memory_space<vmem>>
        %dma_start3A_254 = tpu.memref_squeeze %dma_start3A_253 : memref<1x128xi32, #tpu.memory_space<vmem>> -> memref<128xi32, #tpu.memory_space<vmem>>
        %dma_start3A_255 = arith.constant 0 : i32
        %dma_start3A_256 = arith.constant 0 : i32
        %dma_start3A_257 = tpu.memref_slice %arg8[%dma_start3A_255, %dma_start3A_256] : memref<10240x128xf32, #tpu.memory_space<vmem_shared>> -> memref<10240x128xf32, #tpu.memory_space<vmem_shared>>
        tpu.enqueue_indirect_dma source(%arg12 : memref<128x128xf32, #tpu.memory_space<vmem>>) target(%dma_start3A_257 : memref<10240x128xf32, #tpu.memory_space<vmem_shared>>) offsets(%dma_start3A_254 : memref<128xi32, #tpu.memory_space<vmem>>) semaphore(%run_scoped3A_251 : memref<!tpu.dma_semaphore, #tpu.memory_space<semaphore_mem>>) {add = true}
        %dma_wait3A_258 = arith.constant 0 : i32
        %dma_wait3A_259 = tpu.memref_slice %arg10[%run_scoped3A_47, %dma_wait3A_258] : memref<16x128xi32, #tpu.memory_space<vmem>> -> memref<1x128xi32, #tpu.memory_space<vmem>>
        %dma_wait3A_260 = tpu.memref_squeeze %dma_wait3A_259 : memref<1x128xi32, #tpu.memory_space<vmem>> -> memref<128xi32, #tpu.memory_space<vmem>>
        %dma_wait3A_261 = arith.constant 0 : i32
        %dma_wait3A_262 = arith.constant 0 : i32
        %dma_wait3A_263 = tpu.memref_slice %arg8[%dma_wait3A_261, %dma_wait3A_262] : memref<10240x128xf32, #tpu.memory_space<vmem_shared>> -> memref<10240x128xf32, #tpu.memory_space<vmem_shared>>
        tpu.wait_indirect_dma semaphore(%run_scoped3A_251 : memref<!tpu.dma_semaphore, #tpu.memory_space<semaphore_mem>>) src(%arg12 : memref<128x128xf32, #tpu.memory_space<vmem>>) dst(%dma_wait3A_263 : memref<10240x128xf32, #tpu.memory_space<vmem_shared>>)
        tpu.yield
      }) : () -> ()
      %dma_wait3A_48 = arith.constant 2 : i32
      %dma_wait3A_49 = arith.constant 0 : i32
      %dma_wait3A_50 = tpu.memref_slice %arg9[%dma_wait3A_48, %dma_wait3A_49] : memref<16x128xi32, #tpu.memory_space<vmem>> -> memref<1x128xi32, #tpu.memory_space<vmem>>
      %dma_wait3A_51 = tpu.memref_squeeze %dma_wait3A_50 : memref<1x128xi32, #tpu.memory_space<vmem>> -> memref<128xi32, #tpu.memory_space<vmem>>
      %dma_wait3A_52 = arith.constant 0 : i32
      %dma_wait3A_53 = arith.constant 0 : i32
      %dma_wait3A_54 = tpu.memref_slice %arg2[%dma_wait3A_52, %dma_wait3A_53] : memref<10240x128xf32, #tpu.memory_space<hbm>> -> memref<10240x128xf32, #tpu.memory_space<hbm>>
      tpu.wait_indirect_dma semaphore(%arg13 : memref<!tpu.dma_semaphore, #tpu.memory_space<semaphore_mem>>) src(%dma_wait3A_54 : memref<10240x128xf32, #tpu.memory_space<hbm>>) dst(%arg11 : memref<128x128xf32, #tpu.memory_space<vmem>>)
      %dma_start3A_55 = arith.constant 3 : i32
      %dma_start3A_56 = arith.constant 0 : i32
      %dma_start3A_57 = tpu.memref_slice %arg9[%dma_start3A_55, %dma_start3A_56] : memref<16x128xi32, #tpu.memory_space<vmem>> -> memref<1x128xi32, #tpu.memory_space<vmem>>
      %dma_start3A_58 = tpu.memref_squeeze %dma_start3A_57 : memref<1x128xi32, #tpu.memory_space<vmem>> -> memref<128xi32, #tpu.memory_space<vmem>>
      %dma_start3A_59 = arith.constant 0 : i32
      %dma_start3A_60 = arith.constant 0 : i32
      %dma_start3A_61 = tpu.memref_slice %arg2[%dma_start3A_59, %dma_start3A_60] : memref<10240x128xf32, #tpu.memory_space<hbm>> -> memref<10240x128xf32, #tpu.memory_space<hbm>>
      tpu.enqueue_indirect_dma source(%dma_start3A_61 : memref<10240x128xf32, #tpu.memory_space<hbm>>) target(%arg12 : memref<128x128xf32, #tpu.memory_space<vmem>>) offsets(%dma_start3A_58 : memref<128xi32, #tpu.memory_space<vmem>>) semaphore(%arg13 : memref<!tpu.dma_semaphore, #tpu.memory_space<semaphore_mem>>)
      %run_scoped3A_62 = arith.constant 2 : i32
      "tpu.region"() ({
        %run_scoped3A_251 = tpu.sem_alloc : memref<!tpu.dma_semaphore, #tpu.memory_space<semaphore_mem>>
        %dma_start3A_252 = arith.constant 0 : i32
        %dma_start3A_253 = tpu.memref_slice %arg10[%run_scoped3A_62, %dma_start3A_252] : memref<16x128xi32, #tpu.memory_space<vmem>> -> memref<1x128xi32, #tpu.memory_space<vmem>>
        %dma_start3A_254 = tpu.memref_squeeze %dma_start3A_253 : memref<1x128xi32, #tpu.memory_space<vmem>> -> memref<128xi32, #tpu.memory_space<vmem>>
        %dma_start3A_255 = arith.constant 0 : i32
        %dma_start3A_256 = arith.constant 0 : i32
        %dma_start3A_257 = tpu.memref_slice %arg8[%dma_start3A_255, %dma_start3A_256] : memref<10240x128xf32, #tpu.memory_space<vmem_shared>> -> memref<10240x128xf32, #tpu.memory_space<vmem_shared>>
        tpu.enqueue_indirect_dma source(%arg11 : memref<128x128xf32, #tpu.memory_space<vmem>>) target(%dma_start3A_257 : memref<10240x128xf32, #tpu.memory_space<vmem_shared>>) offsets(%dma_start3A_254 : memref<128xi32, #tpu.memory_space<vmem>>) semaphore(%run_scoped3A_251 : memref<!tpu.dma_semaphore, #tpu.memory_space<semaphore_mem>>) {add = true}
        %dma_wait3A_258 = arith.constant 0 : i32
        %dma_wait3A_259 = tpu.memref_slice %arg10[%run_scoped3A_62, %dma_wait3A_258] : memref<16x128xi32, #tpu.memory_space<vmem>> -> memref<1x128xi32, #tpu.memory_space<vmem>>
        %dma_wait3A_260 = tpu.memref_squeeze %dma_wait3A_259 : memref<1x128xi32, #tpu.memory_space<vmem>> -> memref<128xi32, #tpu.memory_space<vmem>>
        %dma_wait3A_261 = arith.constant 0 : i32
        %dma_wait3A_262 = arith.constant 0 : i32
        %dma_wait3A_263 = tpu.memref_slice %arg8[%dma_wait3A_261, %dma_wait3A_262] : memref<10240x128xf32, #tpu.memory_space<vmem_shared>> -> memref<10240x128xf32, #tpu.memory_space<vmem_shared>>
        tpu.wait_indirect_dma semaphore(%run_scoped3A_251 : memref<!tpu.dma_semaphore, #tpu.memory_space<semaphore_mem>>) src(%arg11 : memref<128x128xf32, #tpu.memory_space<vmem>>) dst(%dma_wait3A_263 : memref<10240x128xf32, #tpu.memory_space<vmem_shared>>)
        tpu.yield
      }) : () -> ()
      %dma_wait3A_63 = arith.constant 3 : i32
      %dma_wait3A_64 = arith.constant 0 : i32
      %dma_wait3A_65 = tpu.memref_slice %arg9[%dma_wait3A_63, %dma_wait3A_64] : memref<16x128xi32, #tpu.memory_space<vmem>> -> memref<1x128xi32, #tpu.memory_space<vmem>>
      %dma_wait3A_66 = tpu.memref_squeeze %dma_wait3A_65 : memref<1x128xi32, #tpu.memory_space<vmem>> -> memref<128xi32, #tpu.memory_space<vmem>>
      %dma_wait3A_67 = arith.constant 0 : i32
      %dma_wait3A_68 = arith.constant 0 : i32
      %dma_wait3A_69 = tpu.memref_slice %arg2[%dma_wait3A_67, %dma_wait3A_68] : memref<10240x128xf32, #tpu.memory_space<hbm>> -> memref<10240x128xf32, #tpu.memory_space<hbm>>
      tpu.wait_indirect_dma semaphore(%arg13 : memref<!tpu.dma_semaphore, #tpu.memory_space<semaphore_mem>>) src(%dma_wait3A_69 : memref<10240x128xf32, #tpu.memory_space<hbm>>) dst(%arg12 : memref<128x128xf32, #tpu.memory_space<vmem>>)
      %dma_start3A_70 = arith.constant 4 : i32
      %dma_start3A_71 = arith.constant 0 : i32
      %dma_start3A_72 = tpu.memref_slice %arg9[%dma_start3A_70, %dma_start3A_71] : memref<16x128xi32, #tpu.memory_space<vmem>> -> memref<1x128xi32, #tpu.memory_space<vmem>>
      %dma_start3A_73 = tpu.memref_squeeze %dma_start3A_72 : memref<1x128xi32, #tpu.memory_space<vmem>> -> memref<128xi32, #tpu.memory_space<vmem>>
      %dma_start3A_74 = arith.constant 0 : i32
      %dma_start3A_75 = arith.constant 0 : i32
      %dma_start3A_76 = tpu.memref_slice %arg2[%dma_start3A_74, %dma_start3A_75] : memref<10240x128xf32, #tpu.memory_space<hbm>> -> memref<10240x128xf32, #tpu.memory_space<hbm>>
      tpu.enqueue_indirect_dma source(%dma_start3A_76 : memref<10240x128xf32, #tpu.memory_space<hbm>>) target(%arg11 : memref<128x128xf32, #tpu.memory_space<vmem>>) offsets(%dma_start3A_73 : memref<128xi32, #tpu.memory_space<vmem>>) semaphore(%arg13 : memref<!tpu.dma_semaphore, #tpu.memory_space<semaphore_mem>>)
      %run_scoped3A_77 = arith.constant 3 : i32
      "tpu.region"() ({
        %run_scoped3A_251 = tpu.sem_alloc : memref<!tpu.dma_semaphore, #tpu.memory_space<semaphore_mem>>
        %dma_start3A_252 = arith.constant 0 : i32
        %dma_start3A_253 = tpu.memref_slice %arg10[%run_scoped3A_77, %dma_start3A_252] : memref<16x128xi32, #tpu.memory_space<vmem>> -> memref<1x128xi32, #tpu.memory_space<vmem>>
        %dma_start3A_254 = tpu.memref_squeeze %dma_start3A_253 : memref<1x128xi32, #tpu.memory_space<vmem>> -> memref<128xi32, #tpu.memory_space<vmem>>
        %dma_start3A_255 = arith.constant 0 : i32
        %dma_start3A_256 = arith.constant 0 : i32
        %dma_start3A_257 = tpu.memref_slice %arg8[%dma_start3A_255, %dma_start3A_256] : memref<10240x128xf32, #tpu.memory_space<vmem_shared>> -> memref<10240x128xf32, #tpu.memory_space<vmem_shared>>
        tpu.enqueue_indirect_dma source(%arg12 : memref<128x128xf32, #tpu.memory_space<vmem>>) target(%dma_start3A_257 : memref<10240x128xf32, #tpu.memory_space<vmem_shared>>) offsets(%dma_start3A_254 : memref<128xi32, #tpu.memory_space<vmem>>) semaphore(%run_scoped3A_251 : memref<!tpu.dma_semaphore, #tpu.memory_space<semaphore_mem>>) {add = true}
        %dma_wait3A_258 = arith.constant 0 : i32
        %dma_wait3A_259 = tpu.memref_slice %arg10[%run_scoped3A_77, %dma_wait3A_258] : memref<16x128xi32, #tpu.memory_space<vmem>> -> memref<1x128xi32, #tpu.memory_space<vmem>>
        %dma_wait3A_260 = tpu.memref_squeeze %dma_wait3A_259 : memref<1x128xi32, #tpu.memory_space<vmem>> -> memref<128xi32, #tpu.memory_space<vmem>>
        %dma_wait3A_261 = arith.constant 0 : i32
        %dma_wait3A_262 = arith.constant 0 : i32
        %dma_wait3A_263 = tpu.memref_slice %arg8[%dma_wait3A_261, %dma_wait3A_262] : memref<10240x128xf32, #tpu.memory_space<vmem_shared>> -> memref<10240x128xf32, #tpu.memory_space<vmem_shared>>
        tpu.wait_indirect_dma semaphore(%run_scoped3A_251 : memref<!tpu.dma_semaphore, #tpu.memory_space<semaphore_mem>>) src(%arg12 : memref<128x128xf32, #tpu.memory_space<vmem>>) dst(%dma_wait3A_263 : memref<10240x128xf32, #tpu.memory_space<vmem_shared>>)
        tpu.yield
      }) : () -> ()
      %dma_wait3A_78 = arith.constant 4 : i32
      %dma_wait3A_79 = arith.constant 0 : i32
      %dma_wait3A_80 = tpu.memref_slice %arg9[%dma_wait3A_78, %dma_wait3A_79] : memref<16x128xi32, #tpu.memory_space<vmem>> -> memref<1x128xi32, #tpu.memory_space<vmem>>
      %dma_wait3A_81 = tpu.memref_squeeze %dma_wait3A_80 : memref<1x128xi32, #tpu.memory_space<vmem>> -> memref<128xi32, #tpu.memory_space<vmem>>
      %dma_wait3A_82 = arith.constant 0 : i32
      %dma_wait3A_83 = arith.constant 0 : i32
      %dma_wait3A_84 = tpu.memref_slice %arg2[%dma_wait3A_82, %dma_wait3A_83] : memref<10240x128xf32, #tpu.memory_space<hbm>> -> memref<10240x128xf32, #tpu.memory_space<hbm>>
      tpu.wait_indirect_dma semaphore(%arg13 : memref<!tpu.dma_semaphore, #tpu.memory_space<semaphore_mem>>) src(%dma_wait3A_84 : memref<10240x128xf32, #tpu.memory_space<hbm>>) dst(%arg11 : memref<128x128xf32, #tpu.memory_space<vmem>>)
      %dma_start3A_85 = arith.constant 5 : i32
      %dma_start3A_86 = arith.constant 0 : i32
      %dma_start3A_87 = tpu.memref_slice %arg9[%dma_start3A_85, %dma_start3A_86] : memref<16x128xi32, #tpu.memory_space<vmem>> -> memref<1x128xi32, #tpu.memory_space<vmem>>
      %dma_start3A_88 = tpu.memref_squeeze %dma_start3A_87 : memref<1x128xi32, #tpu.memory_space<vmem>> -> memref<128xi32, #tpu.memory_space<vmem>>
      %dma_start3A_89 = arith.constant 0 : i32
      %dma_start3A_90 = arith.constant 0 : i32
      %dma_start3A_91 = tpu.memref_slice %arg2[%dma_start3A_89, %dma_start3A_90] : memref<10240x128xf32, #tpu.memory_space<hbm>> -> memref<10240x128xf32, #tpu.memory_space<hbm>>
      tpu.enqueue_indirect_dma source(%dma_start3A_91 : memref<10240x128xf32, #tpu.memory_space<hbm>>) target(%arg12 : memref<128x128xf32, #tpu.memory_space<vmem>>) offsets(%dma_start3A_88 : memref<128xi32, #tpu.memory_space<vmem>>) semaphore(%arg13 : memref<!tpu.dma_semaphore, #tpu.memory_space<semaphore_mem>>)
      %run_scoped3A_92 = arith.constant 4 : i32
      "tpu.region"() ({
        %run_scoped3A_251 = tpu.sem_alloc : memref<!tpu.dma_semaphore, #tpu.memory_space<semaphore_mem>>
        %dma_start3A_252 = arith.constant 0 : i32
        %dma_start3A_253 = tpu.memref_slice %arg10[%run_scoped3A_92, %dma_start3A_252] : memref<16x128xi32, #tpu.memory_space<vmem>> -> memref<1x128xi32, #tpu.memory_space<vmem>>
        %dma_start3A_254 = tpu.memref_squeeze %dma_start3A_253 : memref<1x128xi32, #tpu.memory_space<vmem>> -> memref<128xi32, #tpu.memory_space<vmem>>
        %dma_start3A_255 = arith.constant 0 : i32
        %dma_start3A_256 = arith.constant 0 : i32
        %dma_start3A_257 = tpu.memref_slice %arg8[%dma_start3A_255, %dma_start3A_256] : memref<10240x128xf32, #tpu.memory_space<vmem_shared>> -> memref<10240x128xf32, #tpu.memory_space<vmem_shared>>
        tpu.enqueue_indirect_dma source(%arg11 : memref<128x128xf32, #tpu.memory_space<vmem>>) target(%dma_start3A_257 : memref<10240x128xf32, #tpu.memory_space<vmem_shared>>) offsets(%dma_start3A_254 : memref<128xi32, #tpu.memory_space<vmem>>) semaphore(%run_scoped3A_251 : memref<!tpu.dma_semaphore, #tpu.memory_space<semaphore_mem>>) {add = true}
        %dma_wait3A_258 = arith.constant 0 : i32
        %dma_wait3A_259 = tpu.memref_slice %arg10[%run_scoped3A_92, %dma_wait3A_258] : memref<16x128xi32, #tpu.memory_space<vmem>> -> memref<1x128xi32, #tpu.memory_space<vmem>>
        %dma_wait3A_260 = tpu.memref_squeeze %dma_wait3A_259 : memref<1x128xi32, #tpu.memory_space<vmem>> -> memref<128xi32, #tpu.memory_space<vmem>>
        %dma_wait3A_261 = arith.constant 0 : i32
        %dma_wait3A_262 = arith.constant 0 : i32
        %dma_wait3A_263 = tpu.memref_slice %arg8[%dma_wait3A_261, %dma_wait3A_262] : memref<10240x128xf32, #tpu.memory_space<vmem_shared>> -> memref<10240x128xf32, #tpu.memory_space<vmem_shared>>
        tpu.wait_indirect_dma semaphore(%run_scoped3A_251 : memref<!tpu.dma_semaphore, #tpu.memory_space<semaphore_mem>>) src(%arg11 : memref<128x128xf32, #tpu.memory_space<vmem>>) dst(%dma_wait3A_263 : memref<10240x128xf32, #tpu.memory_space<vmem_shared>>)
        tpu.yield
      }) : () -> ()
      %dma_wait3A_93 = arith.constant 5 : i32
      %dma_wait3A_94 = arith.constant 0 : i32
      %dma_wait3A_95 = tpu.memref_slice %arg9[%dma_wait3A_93, %dma_wait3A_94] : memref<16x128xi32, #tpu.memory_space<vmem>> -> memref<1x128xi32, #tpu.memory_space<vmem>>
      %dma_wait3A_96 = tpu.memref_squeeze %dma_wait3A_95 : memref<1x128xi32, #tpu.memory_space<vmem>> -> memref<128xi32, #tpu.memory_space<vmem>>
      %dma_wait3A_97 = arith.constant 0 : i32
      %dma_wait3A_98 = arith.constant 0 : i32
      %dma_wait3A_99 = tpu.memref_slice %arg2[%dma_wait3A_97, %dma_wait3A_98] : memref<10240x128xf32, #tpu.memory_space<hbm>> -> memref<10240x128xf32, #tpu.memory_space<hbm>>
      tpu.wait_indirect_dma semaphore(%arg13 : memref<!tpu.dma_semaphore, #tpu.memory_space<semaphore_mem>>) src(%dma_wait3A_99 : memref<10240x128xf32, #tpu.memory_space<hbm>>) dst(%arg12 : memref<128x128xf32, #tpu.memory_space<vmem>>)
      %dma_start3A_100 = arith.constant 6 : i32
      %dma_start3A_101 = arith.constant 0 : i32
      %dma_start3A_102 = tpu.memref_slice %arg9[%dma_start3A_100, %dma_start3A_101] : memref<16x128xi32, #tpu.memory_space<vmem>> -> memref<1x128xi32, #tpu.memory_space<vmem>>
      %dma_start3A_103 = tpu.memref_squeeze %dma_start3A_102 : memref<1x128xi32, #tpu.memory_space<vmem>> -> memref<128xi32, #tpu.memory_space<vmem>>
      %dma_start3A_104 = arith.constant 0 : i32
      %dma_start3A_105 = arith.constant 0 : i32
      %dma_start3A_106 = tpu.memref_slice %arg2[%dma_start3A_104, %dma_start3A_105] : memref<10240x128xf32, #tpu.memory_space<hbm>> -> memref<10240x128xf32, #tpu.memory_space<hbm>>
      tpu.enqueue_indirect_dma source(%dma_start3A_106 : memref<10240x128xf32, #tpu.memory_space<hbm>>) target(%arg11 : memref<128x128xf32, #tpu.memory_space<vmem>>) offsets(%dma_start3A_103 : memref<128xi32, #tpu.memory_space<vmem>>) semaphore(%arg13 : memref<!tpu.dma_semaphore, #tpu.memory_space<semaphore_mem>>)
      %run_scoped3A_107 = arith.constant 5 : i32
      "tpu.region"() ({
        %run_scoped3A_251 = tpu.sem_alloc : memref<!tpu.dma_semaphore, #tpu.memory_space<semaphore_mem>>
        %dma_start3A_252 = arith.constant 0 : i32
        %dma_start3A_253 = tpu.memref_slice %arg10[%run_scoped3A_107, %dma_start3A_252] : memref<16x128xi32, #tpu.memory_space<vmem>> -> memref<1x128xi32, #tpu.memory_space<vmem>>
        %dma_start3A_254 = tpu.memref_squeeze %dma_start3A_253 : memref<1x128xi32, #tpu.memory_space<vmem>> -> memref<128xi32, #tpu.memory_space<vmem>>
        %dma_start3A_255 = arith.constant 0 : i32
        %dma_start3A_256 = arith.constant 0 : i32
        %dma_start3A_257 = tpu.memref_slice %arg8[%dma_start3A_255, %dma_start3A_256] : memref<10240x128xf32, #tpu.memory_space<vmem_shared>> -> memref<10240x128xf32, #tpu.memory_space<vmem_shared>>
        tpu.enqueue_indirect_dma source(%arg12 : memref<128x128xf32, #tpu.memory_space<vmem>>) target(%dma_start3A_257 : memref<10240x128xf32, #tpu.memory_space<vmem_shared>>) offsets(%dma_start3A_254 : memref<128xi32, #tpu.memory_space<vmem>>) semaphore(%run_scoped3A_251 : memref<!tpu.dma_semaphore, #tpu.memory_space<semaphore_mem>>) {add = true}
        %dma_wait3A_258 = arith.constant 0 : i32
        %dma_wait3A_259 = tpu.memref_slice %arg10[%run_scoped3A_107, %dma_wait3A_258] : memref<16x128xi32, #tpu.memory_space<vmem>> -> memref<1x128xi32, #tpu.memory_space<vmem>>
        %dma_wait3A_260 = tpu.memref_squeeze %dma_wait3A_259 : memref<1x128xi32, #tpu.memory_space<vmem>> -> memref<128xi32, #tpu.memory_space<vmem>>
        %dma_wait3A_261 = arith.constant 0 : i32
        %dma_wait3A_262 = arith.constant 0 : i32
        %dma_wait3A_263 = tpu.memref_slice %arg8[%dma_wait3A_261, %dma_wait3A_262] : memref<10240x128xf32, #tpu.memory_space<vmem_shared>> -> memref<10240x128xf32, #tpu.memory_space<vmem_shared>>
        tpu.wait_indirect_dma semaphore(%run_scoped3A_251 : memref<!tpu.dma_semaphore, #tpu.memory_space<semaphore_mem>>) src(%arg12 : memref<128x128xf32, #tpu.memory_space<vmem>>) dst(%dma_wait3A_263 : memref<10240x128xf32, #tpu.memory_space<vmem_shared>>)
        tpu.yield
      }) : () -> ()
      %dma_wait3A_108 = arith.constant 6 : i32
      %dma_wait3A_109 = arith.constant 0 : i32
      %dma_wait3A_110 = tpu.memref_slice %arg9[%dma_wait3A_108, %dma_wait3A_109] : memref<16x128xi32, #tpu.memory_space<vmem>> -> memref<1x128xi32, #tpu.memory_space<vmem>>
      %dma_wait3A_111 = tpu.memref_squeeze %dma_wait3A_110 : memref<1x128xi32, #tpu.memory_space<vmem>> -> memref<128xi32, #tpu.memory_space<vmem>>
      %dma_wait3A_112 = arith.constant 0 : i32
      %dma_wait3A_113 = arith.constant 0 : i32
      %dma_wait3A_114 = tpu.memref_slice %arg2[%dma_wait3A_112, %dma_wait3A_113] : memref<10240x128xf32, #tpu.memory_space<hbm>> -> memref<10240x128xf32, #tpu.memory_space<hbm>>
      tpu.wait_indirect_dma semaphore(%arg13 : memref<!tpu.dma_semaphore, #tpu.memory_space<semaphore_mem>>) src(%dma_wait3A_114 : memref<10240x128xf32, #tpu.memory_space<hbm>>) dst(%arg11 : memref<128x128xf32, #tpu.memory_space<vmem>>)
      %dma_start3A_115 = arith.constant 7 : i32
      %dma_start3A_116 = arith.constant 0 : i32
      %dma_start3A_117 = tpu.memref_slice %arg9[%dma_start3A_115, %dma_start3A_116] : memref<16x128xi32, #tpu.memory_space<vmem>> -> memref<1x128xi32, #tpu.memory_space<vmem>>
      %dma_start3A_118 = tpu.memref_squeeze %dma_start3A_117 : memref<1x128xi32, #tpu.memory_space<vmem>> -> memref<128xi32, #tpu.memory_space<vmem>>
      %dma_start3A_119 = arith.constant 0 : i32
      %dma_start3A_120 = arith.constant 0 : i32
      %dma_start3A_121 = tpu.memref_slice %arg2[%dma_start3A_119, %dma_start3A_120] : memref<10240x128xf32, #tpu.memory_space<hbm>> -> memref<10240x128xf32, #tpu.memory_space<hbm>>
      tpu.enqueue_indirect_dma source(%dma_start3A_121 : memref<10240x128xf32, #tpu.memory_space<hbm>>) target(%arg12 : memref<128x128xf32, #tpu.memory_space<vmem>>) offsets(%dma_start3A_118 : memref<128xi32, #tpu.memory_space<vmem>>) semaphore(%arg13 : memref<!tpu.dma_semaphore, #tpu.memory_space<semaphore_mem>>)
      %run_scoped3A_122 = arith.constant 6 : i32
      "tpu.region"() ({
        %run_scoped3A_251 = tpu.sem_alloc : memref<!tpu.dma_semaphore, #tpu.memory_space<semaphore_mem>>
        %dma_start3A_252 = arith.constant 0 : i32
        %dma_start3A_253 = tpu.memref_slice %arg10[%run_scoped3A_122, %dma_start3A_252] : memref<16x128xi32, #tpu.memory_space<vmem>> -> memref<1x128xi32, #tpu.memory_space<vmem>>
        %dma_start3A_254 = tpu.memref_squeeze %dma_start3A_253 : memref<1x128xi32, #tpu.memory_space<vmem>> -> memref<128xi32, #tpu.memory_space<vmem>>
        %dma_start3A_255 = arith.constant 0 : i32
        %dma_start3A_256 = arith.constant 0 : i32
        %dma_start3A_257 = tpu.memref_slice %arg8[%dma_start3A_255, %dma_start3A_256] : memref<10240x128xf32, #tpu.memory_space<vmem_shared>> -> memref<10240x128xf32, #tpu.memory_space<vmem_shared>>
        tpu.enqueue_indirect_dma source(%arg11 : memref<128x128xf32, #tpu.memory_space<vmem>>) target(%dma_start3A_257 : memref<10240x128xf32, #tpu.memory_space<vmem_shared>>) offsets(%dma_start3A_254 : memref<128xi32, #tpu.memory_space<vmem>>) semaphore(%run_scoped3A_251 : memref<!tpu.dma_semaphore, #tpu.memory_space<semaphore_mem>>) {add = true}
        %dma_wait3A_258 = arith.constant 0 : i32
        %dma_wait3A_259 = tpu.memref_slice %arg10[%run_scoped3A_122, %dma_wait3A_258] : memref<16x128xi32, #tpu.memory_space<vmem>> -> memref<1x128xi32, #tpu.memory_space<vmem>>
        %dma_wait3A_260 = tpu.memref_squeeze %dma_wait3A_259 : memref<1x128xi32, #tpu.memory_space<vmem>> -> memref<128xi32, #tpu.memory_space<vmem>>
        %dma_wait3A_261 = arith.constant 0 : i32
        %dma_wait3A_262 = arith.constant 0 : i32
        %dma_wait3A_263 = tpu.memref_slice %arg8[%dma_wait3A_261, %dma_wait3A_262] : memref<10240x128xf32, #tpu.memory_space<vmem_shared>> -> memref<10240x128xf32, #tpu.memory_space<vmem_shared>>
        tpu.wait_indirect_dma semaphore(%run_scoped3A_251 : memref<!tpu.dma_semaphore, #tpu.memory_space<semaphore_mem>>) src(%arg11 : memref<128x128xf32, #tpu.memory_space<vmem>>) dst(%dma_wait3A_263 : memref<10240x128xf32, #tpu.memory_space<vmem_shared>>)
        tpu.yield
      }) : () -> ()
      %dma_wait3A_123 = arith.constant 7 : i32
      %dma_wait3A_124 = arith.constant 0 : i32
      %dma_wait3A_125 = tpu.memref_slice %arg9[%dma_wait3A_123, %dma_wait3A_124] : memref<16x128xi32, #tpu.memory_space<vmem>> -> memref<1x128xi32, #tpu.memory_space<vmem>>
      %dma_wait3A_126 = tpu.memref_squeeze %dma_wait3A_125 : memref<1x128xi32, #tpu.memory_space<vmem>> -> memref<128xi32, #tpu.memory_space<vmem>>
      %dma_wait3A_127 = arith.constant 0 : i32
      %dma_wait3A_128 = arith.constant 0 : i32
      %dma_wait3A_129 = tpu.memref_slice %arg2[%dma_wait3A_127, %dma_wait3A_128] : memref<10240x128xf32, #tpu.memory_space<hbm>> -> memref<10240x128xf32, #tpu.memory_space<hbm>>
      tpu.wait_indirect_dma semaphore(%arg13 : memref<!tpu.dma_semaphore, #tpu.memory_space<semaphore_mem>>) src(%dma_wait3A_129 : memref<10240x128xf32, #tpu.memory_space<hbm>>) dst(%arg12 : memref<128x128xf32, #tpu.memory_space<vmem>>)
      %dma_start3A_130 = arith.constant 8 : i32
      %dma_start3A_131 = arith.constant 0 : i32
      %dma_start3A_132 = tpu.memref_slice %arg9[%dma_start3A_130, %dma_start3A_131] : memref<16x128xi32, #tpu.memory_space<vmem>> -> memref<1x128xi32, #tpu.memory_space<vmem>>
      %dma_start3A_133 = tpu.memref_squeeze %dma_start3A_132 : memref<1x128xi32, #tpu.memory_space<vmem>> -> memref<128xi32, #tpu.memory_space<vmem>>
      %dma_start3A_134 = arith.constant 0 : i32
      %dma_start3A_135 = arith.constant 0 : i32
      %dma_start3A_136 = tpu.memref_slice %arg2[%dma_start3A_134, %dma_start3A_135] : memref<10240x128xf32, #tpu.memory_space<hbm>> -> memref<10240x128xf32, #tpu.memory_space<hbm>>
      tpu.enqueue_indirect_dma source(%dma_start3A_136 : memref<10240x128xf32, #tpu.memory_space<hbm>>) target(%arg11 : memref<128x128xf32, #tpu.memory_space<vmem>>) offsets(%dma_start3A_133 : memref<128xi32, #tpu.memory_space<vmem>>) semaphore(%arg13 : memref<!tpu.dma_semaphore, #tpu.memory_space<semaphore_mem>>)
      %run_scoped3A_137 = arith.constant 7 : i32
      "tpu.region"() ({
        %run_scoped3A_251 = tpu.sem_alloc : memref<!tpu.dma_semaphore, #tpu.memory_space<semaphore_mem>>
        %dma_start3A_252 = arith.constant 0 : i32
        %dma_start3A_253 = tpu.memref_slice %arg10[%run_scoped3A_137, %dma_start3A_252] : memref<16x128xi32, #tpu.memory_space<vmem>> -> memref<1x128xi32, #tpu.memory_space<vmem>>
        %dma_start3A_254 = tpu.memref_squeeze %dma_start3A_253 : memref<1x128xi32, #tpu.memory_space<vmem>> -> memref<128xi32, #tpu.memory_space<vmem>>
        %dma_start3A_255 = arith.constant 0 : i32
        %dma_start3A_256 = arith.constant 0 : i32
        %dma_start3A_257 = tpu.memref_slice %arg8[%dma_start3A_255, %dma_start3A_256] : memref<10240x128xf32, #tpu.memory_space<vmem_shared>> -> memref<10240x128xf32, #tpu.memory_space<vmem_shared>>
        tpu.enqueue_indirect_dma source(%arg12 : memref<128x128xf32, #tpu.memory_space<vmem>>) target(%dma_start3A_257 : memref<10240x128xf32, #tpu.memory_space<vmem_shared>>) offsets(%dma_start3A_254 : memref<128xi32, #tpu.memory_space<vmem>>) semaphore(%run_scoped3A_251 : memref<!tpu.dma_semaphore, #tpu.memory_space<semaphore_mem>>) {add = true}
        %dma_wait3A_258 = arith.constant 0 : i32
        %dma_wait3A_259 = tpu.memref_slice %arg10[%run_scoped3A_137, %dma_wait3A_258] : memref<16x128xi32, #tpu.memory_space<vmem>> -> memref<1x128xi32, #tpu.memory_space<vmem>>
        %dma_wait3A_260 = tpu.memref_squeeze %dma_wait3A_259 : memref<1x128xi32, #tpu.memory_space<vmem>> -> memref<128xi32, #tpu.memory_space<vmem>>
        %dma_wait3A_261 = arith.constant 0 : i32
        %dma_wait3A_262 = arith.constant 0 : i32
        %dma_wait3A_263 = tpu.memref_slice %arg8[%dma_wait3A_261, %dma_wait3A_262] : memref<10240x128xf32, #tpu.memory_space<vmem_shared>> -> memref<10240x128xf32, #tpu.memory_space<vmem_shared>>
        tpu.wait_indirect_dma semaphore(%run_scoped3A_251 : memref<!tpu.dma_semaphore, #tpu.memory_space<semaphore_mem>>) src(%arg12 : memref<128x128xf32, #tpu.memory_space<vmem>>) dst(%dma_wait3A_263 : memref<10240x128xf32, #tpu.memory_space<vmem_shared>>)
        tpu.yield
      }) : () -> ()
      %dma_wait3A_138 = arith.constant 8 : i32
      %dma_wait3A_139 = arith.constant 0 : i32
      %dma_wait3A_140 = tpu.memref_slice %arg9[%dma_wait3A_138, %dma_wait3A_139] : memref<16x128xi32, #tpu.memory_space<vmem>> -> memref<1x128xi32, #tpu.memory_space<vmem>>
      %dma_wait3A_141 = tpu.memref_squeeze %dma_wait3A_140 : memref<1x128xi32, #tpu.memory_space<vmem>> -> memref<128xi32, #tpu.memory_space<vmem>>
      %dma_wait3A_142 = arith.constant 0 : i32
      %dma_wait3A_143 = arith.constant 0 : i32
      %dma_wait3A_144 = tpu.memref_slice %arg2[%dma_wait3A_142, %dma_wait3A_143] : memref<10240x128xf32, #tpu.memory_space<hbm>> -> memref<10240x128xf32, #tpu.memory_space<hbm>>
      tpu.wait_indirect_dma semaphore(%arg13 : memref<!tpu.dma_semaphore, #tpu.memory_space<semaphore_mem>>) src(%dma_wait3A_144 : memref<10240x128xf32, #tpu.memory_space<hbm>>) dst(%arg11 : memref<128x128xf32, #tpu.memory_space<vmem>>)
      %dma_start3A_145 = arith.constant 9 : i32
      %dma_start3A_146 = arith.constant 0 : i32
      %dma_start3A_147 = tpu.memref_slice %arg9[%dma_start3A_145, %dma_start3A_146] : memref<16x128xi32, #tpu.memory_space<vmem>> -> memref<1x128xi32, #tpu.memory_space<vmem>>
      %dma_start3A_148 = tpu.memref_squeeze %dma_start3A_147 : memref<1x128xi32, #tpu.memory_space<vmem>> -> memref<128xi32, #tpu.memory_space<vmem>>
      %dma_start3A_149 = arith.constant 0 : i32
      %dma_start3A_150 = arith.constant 0 : i32
      %dma_start3A_151 = tpu.memref_slice %arg2[%dma_start3A_149, %dma_start3A_150] : memref<10240x128xf32, #tpu.memory_space<hbm>> -> memref<10240x128xf32, #tpu.memory_space<hbm>>
      tpu.enqueue_indirect_dma source(%dma_start3A_151 : memref<10240x128xf32, #tpu.memory_space<hbm>>) target(%arg12 : memref<128x128xf32, #tpu.memory_space<vmem>>) offsets(%dma_start3A_148 : memref<128xi32, #tpu.memory_space<vmem>>) semaphore(%arg13 : memref<!tpu.dma_semaphore, #tpu.memory_space<semaphore_mem>>)
      %run_scoped3A_152 = arith.constant 8 : i32
      "tpu.region"() ({
        %run_scoped3A_251 = tpu.sem_alloc : memref<!tpu.dma_semaphore, #tpu.memory_space<semaphore_mem>>
        %dma_start3A_252 = arith.constant 0 : i32
        %dma_start3A_253 = tpu.memref_slice %arg10[%run_scoped3A_152, %dma_start3A_252] : memref<16x128xi32, #tpu.memory_space<vmem>> -> memref<1x128xi32, #tpu.memory_space<vmem>>
        %dma_start3A_254 = tpu.memref_squeeze %dma_start3A_253 : memref<1x128xi32, #tpu.memory_space<vmem>> -> memref<128xi32, #tpu.memory_space<vmem>>
        %dma_start3A_255 = arith.constant 0 : i32
        %dma_start3A_256 = arith.constant 0 : i32
        %dma_start3A_257 = tpu.memref_slice %arg8[%dma_start3A_255, %dma_start3A_256] : memref<10240x128xf32, #tpu.memory_space<vmem_shared>> -> memref<10240x128xf32, #tpu.memory_space<vmem_shared>>
        tpu.enqueue_indirect_dma source(%arg11 : memref<128x128xf32, #tpu.memory_space<vmem>>) target(%dma_start3A_257 : memref<10240x128xf32, #tpu.memory_space<vmem_shared>>) offsets(%dma_start3A_254 : memref<128xi32, #tpu.memory_space<vmem>>) semaphore(%run_scoped3A_251 : memref<!tpu.dma_semaphore, #tpu.memory_space<semaphore_mem>>) {add = true}
        %dma_wait3A_258 = arith.constant 0 : i32
        %dma_wait3A_259 = tpu.memref_slice %arg10[%run_scoped3A_152, %dma_wait3A_258] : memref<16x128xi32, #tpu.memory_space<vmem>> -> memref<1x128xi32, #tpu.memory_space<vmem>>
        %dma_wait3A_260 = tpu.memref_squeeze %dma_wait3A_259 : memref<1x128xi32, #tpu.memory_space<vmem>> -> memref<128xi32, #tpu.memory_space<vmem>>
        %dma_wait3A_261 = arith.constant 0 : i32
        %dma_wait3A_262 = arith.constant 0 : i32
        %dma_wait3A_263 = tpu.memref_slice %arg8[%dma_wait3A_261, %dma_wait3A_262] : memref<10240x128xf32, #tpu.memory_space<vmem_shared>> -> memref<10240x128xf32, #tpu.memory_space<vmem_shared>>
        tpu.wait_indirect_dma semaphore(%run_scoped3A_251 : memref<!tpu.dma_semaphore, #tpu.memory_space<semaphore_mem>>) src(%arg11 : memref<128x128xf32, #tpu.memory_space<vmem>>) dst(%dma_wait3A_263 : memref<10240x128xf32, #tpu.memory_space<vmem_shared>>)
        tpu.yield
      }) : () -> ()
      %dma_wait3A_153 = arith.constant 9 : i32
      %dma_wait3A_154 = arith.constant 0 : i32
      %dma_wait3A_155 = tpu.memref_slice %arg9[%dma_wait3A_153, %dma_wait3A_154] : memref<16x128xi32, #tpu.memory_space<vmem>> -> memref<1x128xi32, #tpu.memory_space<vmem>>
      %dma_wait3A_156 = tpu.memref_squeeze %dma_wait3A_155 : memref<1x128xi32, #tpu.memory_space<vmem>> -> memref<128xi32, #tpu.memory_space<vmem>>
      %dma_wait3A_157 = arith.constant 0 : i32
      %dma_wait3A_158 = arith.constant 0 : i32
      %dma_wait3A_159 = tpu.memref_slice %arg2[%dma_wait3A_157, %dma_wait3A_158] : memref<10240x128xf32, #tpu.memory_space<hbm>> -> memref<10240x128xf32, #tpu.memory_space<hbm>>
      tpu.wait_indirect_dma semaphore(%arg13 : memref<!tpu.dma_semaphore, #tpu.memory_space<semaphore_mem>>) src(%dma_wait3A_159 : memref<10240x128xf32, #tpu.memory_space<hbm>>) dst(%arg12 : memref<128x128xf32, #tpu.memory_space<vmem>>)
      %dma_start3A_160 = arith.constant 10 : i32
      %dma_start3A_161 = arith.constant 0 : i32
      %dma_start3A_162 = tpu.memref_slice %arg9[%dma_start3A_160, %dma_start3A_161] : memref<16x128xi32, #tpu.memory_space<vmem>> -> memref<1x128xi32, #tpu.memory_space<vmem>>
      %dma_start3A_163 = tpu.memref_squeeze %dma_start3A_162 : memref<1x128xi32, #tpu.memory_space<vmem>> -> memref<128xi32, #tpu.memory_space<vmem>>
      %dma_start3A_164 = arith.constant 0 : i32
      %dma_start3A_165 = arith.constant 0 : i32
      %dma_start3A_166 = tpu.memref_slice %arg2[%dma_start3A_164, %dma_start3A_165] : memref<10240x128xf32, #tpu.memory_space<hbm>> -> memref<10240x128xf32, #tpu.memory_space<hbm>>
      tpu.enqueue_indirect_dma source(%dma_start3A_166 : memref<10240x128xf32, #tpu.memory_space<hbm>>) target(%arg11 : memref<128x128xf32, #tpu.memory_space<vmem>>) offsets(%dma_start3A_163 : memref<128xi32, #tpu.memory_space<vmem>>) semaphore(%arg13 : memref<!tpu.dma_semaphore, #tpu.memory_space<semaphore_mem>>)
      %run_scoped3A_167 = arith.constant 9 : i32
      "tpu.region"() ({
        %run_scoped3A_251 = tpu.sem_alloc : memref<!tpu.dma_semaphore, #tpu.memory_space<semaphore_mem>>
        %dma_start3A_252 = arith.constant 0 : i32
        %dma_start3A_253 = tpu.memref_slice %arg10[%run_scoped3A_167, %dma_start3A_252] : memref<16x128xi32, #tpu.memory_space<vmem>> -> memref<1x128xi32, #tpu.memory_space<vmem>>
        %dma_start3A_254 = tpu.memref_squeeze %dma_start3A_253 : memref<1x128xi32, #tpu.memory_space<vmem>> -> memref<128xi32, #tpu.memory_space<vmem>>
        %dma_start3A_255 = arith.constant 0 : i32
        %dma_start3A_256 = arith.constant 0 : i32
        %dma_start3A_257 = tpu.memref_slice %arg8[%dma_start3A_255, %dma_start3A_256] : memref<10240x128xf32, #tpu.memory_space<vmem_shared>> -> memref<10240x128xf32, #tpu.memory_space<vmem_shared>>
        tpu.enqueue_indirect_dma source(%arg12 : memref<128x128xf32, #tpu.memory_space<vmem>>) target(%dma_start3A_257 : memref<10240x128xf32, #tpu.memory_space<vmem_shared>>) offsets(%dma_start3A_254 : memref<128xi32, #tpu.memory_space<vmem>>) semaphore(%run_scoped3A_251 : memref<!tpu.dma_semaphore, #tpu.memory_space<semaphore_mem>>) {add = true}
        %dma_wait3A_258 = arith.constant 0 : i32
        %dma_wait3A_259 = tpu.memref_slice %arg10[%run_scoped3A_167, %dma_wait3A_258] : memref<16x128xi32, #tpu.memory_space<vmem>> -> memref<1x128xi32, #tpu.memory_space<vmem>>
        %dma_wait3A_260 = tpu.memref_squeeze %dma_wait3A_259 : memref<1x128xi32, #tpu.memory_space<vmem>> -> memref<128xi32, #tpu.memory_space<vmem>>
        %dma_wait3A_261 = arith.constant 0 : i32
        %dma_wait3A_262 = arith.constant 0 : i32
        %dma_wait3A_263 = tpu.memref_slice %arg8[%dma_wait3A_261, %dma_wait3A_262] : memref<10240x128xf32, #tpu.memory_space<vmem_shared>> -> memref<10240x128xf32, #tpu.memory_space<vmem_shared>>
        tpu.wait_indirect_dma semaphore(%run_scoped3A_251 : memref<!tpu.dma_semaphore, #tpu.memory_space<semaphore_mem>>) src(%arg12 : memref<128x128xf32, #tpu.memory_space<vmem>>) dst(%dma_wait3A_263 : memref<10240x128xf32, #tpu.memory_space<vmem_shared>>)
        tpu.yield
      }) : () -> ()
      %dma_wait3A_168 = arith.constant 10 : i32
      %dma_wait3A_169 = arith.constant 0 : i32
      %dma_wait3A_170 = tpu.memref_slice %arg9[%dma_wait3A_168, %dma_wait3A_169] : memref<16x128xi32, #tpu.memory_space<vmem>> -> memref<1x128xi32, #tpu.memory_space<vmem>>
      %dma_wait3A_171 = tpu.memref_squeeze %dma_wait3A_170 : memref<1x128xi32, #tpu.memory_space<vmem>> -> memref<128xi32, #tpu.memory_space<vmem>>
      %dma_wait3A_172 = arith.constant 0 : i32
      %dma_wait3A_173 = arith.constant 0 : i32
      %dma_wait3A_174 = tpu.memref_slice %arg2[%dma_wait3A_172, %dma_wait3A_173] : memref<10240x128xf32, #tpu.memory_space<hbm>> -> memref<10240x128xf32, #tpu.memory_space<hbm>>
      tpu.wait_indirect_dma semaphore(%arg13 : memref<!tpu.dma_semaphore, #tpu.memory_space<semaphore_mem>>) src(%dma_wait3A_174 : memref<10240x128xf32, #tpu.memory_space<hbm>>) dst(%arg11 : memref<128x128xf32, #tpu.memory_space<vmem>>)
      %dma_start3A_175 = arith.constant 11 : i32
      %dma_start3A_176 = arith.constant 0 : i32
      %dma_start3A_177 = tpu.memref_slice %arg9[%dma_start3A_175, %dma_start3A_176] : memref<16x128xi32, #tpu.memory_space<vmem>> -> memref<1x128xi32, #tpu.memory_space<vmem>>
      %dma_start3A_178 = tpu.memref_squeeze %dma_start3A_177 : memref<1x128xi32, #tpu.memory_space<vmem>> -> memref<128xi32, #tpu.memory_space<vmem>>
      %dma_start3A_179 = arith.constant 0 : i32
      %dma_start3A_180 = arith.constant 0 : i32
      %dma_start3A_181 = tpu.memref_slice %arg2[%dma_start3A_179, %dma_start3A_180] : memref<10240x128xf32, #tpu.memory_space<hbm>> -> memref<10240x128xf32, #tpu.memory_space<hbm>>
      tpu.enqueue_indirect_dma source(%dma_start3A_181 : memref<10240x128xf32, #tpu.memory_space<hbm>>) target(%arg12 : memref<128x128xf32, #tpu.memory_space<vmem>>) offsets(%dma_start3A_178 : memref<128xi32, #tpu.memory_space<vmem>>) semaphore(%arg13 : memref<!tpu.dma_semaphore, #tpu.memory_space<semaphore_mem>>)
      %run_scoped3A_182 = arith.constant 10 : i32
      "tpu.region"() ({
        %run_scoped3A_251 = tpu.sem_alloc : memref<!tpu.dma_semaphore, #tpu.memory_space<semaphore_mem>>
        %dma_start3A_252 = arith.constant 0 : i32
        %dma_start3A_253 = tpu.memref_slice %arg10[%run_scoped3A_182, %dma_start3A_252] : memref<16x128xi32, #tpu.memory_space<vmem>> -> memref<1x128xi32, #tpu.memory_space<vmem>>
        %dma_start3A_254 = tpu.memref_squeeze %dma_start3A_253 : memref<1x128xi32, #tpu.memory_space<vmem>> -> memref<128xi32, #tpu.memory_space<vmem>>
        %dma_start3A_255 = arith.constant 0 : i32
        %dma_start3A_256 = arith.constant 0 : i32
        %dma_start3A_257 = tpu.memref_slice %arg8[%dma_start3A_255, %dma_start3A_256] : memref<10240x128xf32, #tpu.memory_space<vmem_shared>> -> memref<10240x128xf32, #tpu.memory_space<vmem_shared>>
        tpu.enqueue_indirect_dma source(%arg11 : memref<128x128xf32, #tpu.memory_space<vmem>>) target(%dma_start3A_257 : memref<10240x128xf32, #tpu.memory_space<vmem_shared>>) offsets(%dma_start3A_254 : memref<128xi32, #tpu.memory_space<vmem>>) semaphore(%run_scoped3A_251 : memref<!tpu.dma_semaphore, #tpu.memory_space<semaphore_mem>>) {add = true}
        %dma_wait3A_258 = arith.constant 0 : i32
        %dma_wait3A_259 = tpu.memref_slice %arg10[%run_scoped3A_182, %dma_wait3A_258] : memref<16x128xi32, #tpu.memory_space<vmem>> -> memref<1x128xi32, #tpu.memory_space<vmem>>
        %dma_wait3A_260 = tpu.memref_squeeze %dma_wait3A_259 : memref<1x128xi32, #tpu.memory_space<vmem>> -> memref<128xi32, #tpu.memory_space<vmem>>
        %dma_wait3A_261 = arith.constant 0 : i32
        %dma_wait3A_262 = arith.constant 0 : i32
        %dma_wait3A_263 = tpu.memref_slice %arg8[%dma_wait3A_261, %dma_wait3A_262] : memref<10240x128xf32, #tpu.memory_space<vmem_shared>> -> memref<10240x128xf32, #tpu.memory_space<vmem_shared>>
        tpu.wait_indirect_dma semaphore(%run_scoped3A_251 : memref<!tpu.dma_semaphore, #tpu.memory_space<semaphore_mem>>) src(%arg11 : memref<128x128xf32, #tpu.memory_space<vmem>>) dst(%dma_wait3A_263 : memref<10240x128xf32, #tpu.memory_space<vmem_shared>>)
        tpu.yield
      }) : () -> ()
      %dma_wait3A_183 = arith.constant 11 : i32
      %dma_wait3A_184 = arith.constant 0 : i32
      %dma_wait3A_185 = tpu.memref_slice %arg9[%dma_wait3A_183, %dma_wait3A_184] : memref<16x128xi32, #tpu.memory_space<vmem>> -> memref<1x128xi32, #tpu.memory_space<vmem>>
      %dma_wait3A_186 = tpu.memref_squeeze %dma_wait3A_185 : memref<1x128xi32, #tpu.memory_space<vmem>> -> memref<128xi32, #tpu.memory_space<vmem>>
      %dma_wait3A_187 = arith.constant 0 : i32
      %dma_wait3A_188 = arith.constant 0 : i32
      %dma_wait3A_189 = tpu.memref_slice %arg2[%dma_wait3A_187, %dma_wait3A_188] : memref<10240x128xf32, #tpu.memory_space<hbm>> -> memref<10240x128xf32, #tpu.memory_space<hbm>>
      tpu.wait_indirect_dma semaphore(%arg13 : memref<!tpu.dma_semaphore, #tpu.memory_space<semaphore_mem>>) src(%dma_wait3A_189 : memref<10240x128xf32, #tpu.memory_space<hbm>>) dst(%arg12 : memref<128x128xf32, #tpu.memory_space<vmem>>)
      %dma_start3A_190 = arith.constant 12 : i32
      %dma_start3A_191 = arith.constant 0 : i32
      %dma_start3A_192 = tpu.memref_slice %arg9[%dma_start3A_190, %dma_start3A_191] : memref<16x128xi32, #tpu.memory_space<vmem>> -> memref<1x128xi32, #tpu.memory_space<vmem>>
      %dma_start3A_193 = tpu.memref_squeeze %dma_start3A_192 : memref<1x128xi32, #tpu.memory_space<vmem>> -> memref<128xi32, #tpu.memory_space<vmem>>
      %dma_start3A_194 = arith.constant 0 : i32
      %dma_start3A_195 = arith.constant 0 : i32
      %dma_start3A_196 = tpu.memref_slice %arg2[%dma_start3A_194, %dma_start3A_195] : memref<10240x128xf32, #tpu.memory_space<hbm>> -> memref<10240x128xf32, #tpu.memory_space<hbm>>
      tpu.enqueue_indirect_dma source(%dma_start3A_196 : memref<10240x128xf32, #tpu.memory_space<hbm>>) target(%arg11 : memref<128x128xf32, #tpu.memory_space<vmem>>) offsets(%dma_start3A_193 : memref<128xi32, #tpu.memory_space<vmem>>) semaphore(%arg13 : memref<!tpu.dma_semaphore, #tpu.memory_space<semaphore_mem>>)
      %run_scoped3A_197 = arith.constant 11 : i32
      "tpu.region"() ({
        %run_scoped3A_251 = tpu.sem_alloc : memref<!tpu.dma_semaphore, #tpu.memory_space<semaphore_mem>>
        %dma_start3A_252 = arith.constant 0 : i32
        %dma_start3A_253 = tpu.memref_slice %arg10[%run_scoped3A_197, %dma_start3A_252] : memref<16x128xi32, #tpu.memory_space<vmem>> -> memref<1x128xi32, #tpu.memory_space<vmem>>
        %dma_start3A_254 = tpu.memref_squeeze %dma_start3A_253 : memref<1x128xi32, #tpu.memory_space<vmem>> -> memref<128xi32, #tpu.memory_space<vmem>>
        %dma_start3A_255 = arith.constant 0 : i32
        %dma_start3A_256 = arith.constant 0 : i32
        %dma_start3A_257 = tpu.memref_slice %arg8[%dma_start3A_255, %dma_start3A_256] : memref<10240x128xf32, #tpu.memory_space<vmem_shared>> -> memref<10240x128xf32, #tpu.memory_space<vmem_shared>>
        tpu.enqueue_indirect_dma source(%arg12 : memref<128x128xf32, #tpu.memory_space<vmem>>) target(%dma_start3A_257 : memref<10240x128xf32, #tpu.memory_space<vmem_shared>>) offsets(%dma_start3A_254 : memref<128xi32, #tpu.memory_space<vmem>>) semaphore(%run_scoped3A_251 : memref<!tpu.dma_semaphore, #tpu.memory_space<semaphore_mem>>) {add = true}
        %dma_wait3A_258 = arith.constant 0 : i32
        %dma_wait3A_259 = tpu.memref_slice %arg10[%run_scoped3A_197, %dma_wait3A_258] : memref<16x128xi32, #tpu.memory_space<vmem>> -> memref<1x128xi32, #tpu.memory_space<vmem>>
        %dma_wait3A_260 = tpu.memref_squeeze %dma_wait3A_259 : memref<1x128xi32, #tpu.memory_space<vmem>> -> memref<128xi32, #tpu.memory_space<vmem>>
        %dma_wait3A_261 = arith.constant 0 : i32
        %dma_wait3A_262 = arith.constant 0 : i32
        %dma_wait3A_263 = tpu.memref_slice %arg8[%dma_wait3A_261, %dma_wait3A_262] : memref<10240x128xf32, #tpu.memory_space<vmem_shared>> -> memref<10240x128xf32, #tpu.memory_space<vmem_shared>>
        tpu.wait_indirect_dma semaphore(%run_scoped3A_251 : memref<!tpu.dma_semaphore, #tpu.memory_space<semaphore_mem>>) src(%arg12 : memref<128x128xf32, #tpu.memory_space<vmem>>) dst(%dma_wait3A_263 : memref<10240x128xf32, #tpu.memory_space<vmem_shared>>)
        tpu.yield
      }) : () -> ()
      %dma_wait3A_198 = arith.constant 12 : i32
      %dma_wait3A_199 = arith.constant 0 : i32
      %dma_wait3A_200 = tpu.memref_slice %arg9[%dma_wait3A_198, %dma_wait3A_199] : memref<16x128xi32, #tpu.memory_space<vmem>> -> memref<1x128xi32, #tpu.memory_space<vmem>>
      %dma_wait3A_201 = tpu.memref_squeeze %dma_wait3A_200 : memref<1x128xi32, #tpu.memory_space<vmem>> -> memref<128xi32, #tpu.memory_space<vmem>>
      %dma_wait3A_202 = arith.constant 0 : i32
      %dma_wait3A_203 = arith.constant 0 : i32
      %dma_wait3A_204 = tpu.memref_slice %arg2[%dma_wait3A_202, %dma_wait3A_203] : memref<10240x128xf32, #tpu.memory_space<hbm>> -> memref<10240x128xf32, #tpu.memory_space<hbm>>
      tpu.wait_indirect_dma semaphore(%arg13 : memref<!tpu.dma_semaphore, #tpu.memory_space<semaphore_mem>>) src(%dma_wait3A_204 : memref<10240x128xf32, #tpu.memory_space<hbm>>) dst(%arg11 : memref<128x128xf32, #tpu.memory_space<vmem>>)
      %dma_start3A_205 = arith.constant 13 : i32
      %dma_start3A_206 = arith.constant 0 : i32
      %dma_start3A_207 = tpu.memref_slice %arg9[%dma_start3A_205, %dma_start3A_206] : memref<16x128xi32, #tpu.memory_space<vmem>> -> memref<1x128xi32, #tpu.memory_space<vmem>>
      %dma_start3A_208 = tpu.memref_squeeze %dma_start3A_207 : memref<1x128xi32, #tpu.memory_space<vmem>> -> memref<128xi32, #tpu.memory_space<vmem>>
      %dma_start3A_209 = arith.constant 0 : i32
      %dma_start3A_210 = arith.constant 0 : i32
      %dma_start3A_211 = tpu.memref_slice %arg2[%dma_start3A_209, %dma_start3A_210] : memref<10240x128xf32, #tpu.memory_space<hbm>> -> memref<10240x128xf32, #tpu.memory_space<hbm>>
      tpu.enqueue_indirect_dma source(%dma_start3A_211 : memref<10240x128xf32, #tpu.memory_space<hbm>>) target(%arg12 : memref<128x128xf32, #tpu.memory_space<vmem>>) offsets(%dma_start3A_208 : memref<128xi32, #tpu.memory_space<vmem>>) semaphore(%arg13 : memref<!tpu.dma_semaphore, #tpu.memory_space<semaphore_mem>>)
      %run_scoped3A_212 = arith.constant 12 : i32
      "tpu.region"() ({
        %run_scoped3A_251 = tpu.sem_alloc : memref<!tpu.dma_semaphore, #tpu.memory_space<semaphore_mem>>
        %dma_start3A_252 = arith.constant 0 : i32
        %dma_start3A_253 = tpu.memref_slice %arg10[%run_scoped3A_212, %dma_start3A_252] : memref<16x128xi32, #tpu.memory_space<vmem>> -> memref<1x128xi32, #tpu.memory_space<vmem>>
        %dma_start3A_254 = tpu.memref_squeeze %dma_start3A_253 : memref<1x128xi32, #tpu.memory_space<vmem>> -> memref<128xi32, #tpu.memory_space<vmem>>
        %dma_start3A_255 = arith.constant 0 : i32
        %dma_start3A_256 = arith.constant 0 : i32
        %dma_start3A_257 = tpu.memref_slice %arg8[%dma_start3A_255, %dma_start3A_256] : memref<10240x128xf32, #tpu.memory_space<vmem_shared>> -> memref<10240x128xf32, #tpu.memory_space<vmem_shared>>
        tpu.enqueue_indirect_dma source(%arg11 : memref<128x128xf32, #tpu.memory_space<vmem>>) target(%dma_start3A_257 : memref<10240x128xf32, #tpu.memory_space<vmem_shared>>) offsets(%dma_start3A_254 : memref<128xi32, #tpu.memory_space<vmem>>) semaphore(%run_scoped3A_251 : memref<!tpu.dma_semaphore, #tpu.memory_space<semaphore_mem>>) {add = true}
        %dma_wait3A_258 = arith.constant 0 : i32
        %dma_wait3A_259 = tpu.memref_slice %arg10[%run_scoped3A_212, %dma_wait3A_258] : memref<16x128xi32, #tpu.memory_space<vmem>> -> memref<1x128xi32, #tpu.memory_space<vmem>>
        %dma_wait3A_260 = tpu.memref_squeeze %dma_wait3A_259 : memref<1x128xi32, #tpu.memory_space<vmem>> -> memref<128xi32, #tpu.memory_space<vmem>>
        %dma_wait3A_261 = arith.constant 0 : i32
        %dma_wait3A_262 = arith.constant 0 : i32
        %dma_wait3A_263 = tpu.memref_slice %arg8[%dma_wait3A_261, %dma_wait3A_262] : memref<10240x128xf32, #tpu.memory_space<vmem_shared>> -> memref<10240x128xf32, #tpu.memory_space<vmem_shared>>
        tpu.wait_indirect_dma semaphore(%run_scoped3A_251 : memref<!tpu.dma_semaphore, #tpu.memory_space<semaphore_mem>>) src(%arg11 : memref<128x128xf32, #tpu.memory_space<vmem>>) dst(%dma_wait3A_263 : memref<10240x128xf32, #tpu.memory_space<vmem_shared>>)
        tpu.yield
      }) : () -> ()
      %dma_wait3A_213 = arith.constant 13 : i32
      %dma_wait3A_214 = arith.constant 0 : i32
      %dma_wait3A_215 = tpu.memref_slice %arg9[%dma_wait3A_213, %dma_wait3A_214] : memref<16x128xi32, #tpu.memory_space<vmem>> -> memref<1x128xi32, #tpu.memory_space<vmem>>
      %dma_wait3A_216 = tpu.memref_squeeze %dma_wait3A_215 : memref<1x128xi32, #tpu.memory_space<vmem>> -> memref<128xi32, #tpu.memory_space<vmem>>
      %dma_wait3A_217 = arith.constant 0 : i32
      %dma_wait3A_218 = arith.constant 0 : i32
      %dma_wait3A_219 = tpu.memref_slice %arg2[%dma_wait3A_217, %dma_wait3A_218] : memref<10240x128xf32, #tpu.memory_space<hbm>> -> memref<10240x128xf32, #tpu.memory_space<hbm>>
      tpu.wait_indirect_dma semaphore(%arg13 : memref<!tpu.dma_semaphore, #tpu.memory_space<semaphore_mem>>) src(%dma_wait3A_219 : memref<10240x128xf32, #tpu.memory_space<hbm>>) dst(%arg12 : memref<128x128xf32, #tpu.memory_space<vmem>>)
      %dma_start3A_220 = arith.constant 14 : i32
      %dma_start3A_221 = arith.constant 0 : i32
      %dma_start3A_222 = tpu.memref_slice %arg9[%dma_start3A_220, %dma_start3A_221] : memref<16x128xi32, #tpu.memory_space<vmem>> -> memref<1x128xi32, #tpu.memory_space<vmem>>
      %dma_start3A_223 = tpu.memref_squeeze %dma_start3A_222 : memref<1x128xi32, #tpu.memory_space<vmem>> -> memref<128xi32, #tpu.memory_space<vmem>>
      %dma_start3A_224 = arith.constant 0 : i32
      %dma_start3A_225 = arith.constant 0 : i32
      %dma_start3A_226 = tpu.memref_slice %arg2[%dma_start3A_224, %dma_start3A_225] : memref<10240x128xf32, #tpu.memory_space<hbm>> -> memref<10240x128xf32, #tpu.memory_space<hbm>>
      tpu.enqueue_indirect_dma source(%dma_start3A_226 : memref<10240x128xf32, #tpu.memory_space<hbm>>) target(%arg11 : memref<128x128xf32, #tpu.memory_space<vmem>>) offsets(%dma_start3A_223 : memref<128xi32, #tpu.memory_space<vmem>>) semaphore(%arg13 : memref<!tpu.dma_semaphore, #tpu.memory_space<semaphore_mem>>)
      %run_scoped3A_227 = arith.constant 13 : i32
      "tpu.region"() ({
        %run_scoped3A_251 = tpu.sem_alloc : memref<!tpu.dma_semaphore, #tpu.memory_space<semaphore_mem>>
        %dma_start3A_252 = arith.constant 0 : i32
        %dma_start3A_253 = tpu.memref_slice %arg10[%run_scoped3A_227, %dma_start3A_252] : memref<16x128xi32, #tpu.memory_space<vmem>> -> memref<1x128xi32, #tpu.memory_space<vmem>>
        %dma_start3A_254 = tpu.memref_squeeze %dma_start3A_253 : memref<1x128xi32, #tpu.memory_space<vmem>> -> memref<128xi32, #tpu.memory_space<vmem>>
        %dma_start3A_255 = arith.constant 0 : i32
        %dma_start3A_256 = arith.constant 0 : i32
        %dma_start3A_257 = tpu.memref_slice %arg8[%dma_start3A_255, %dma_start3A_256] : memref<10240x128xf32, #tpu.memory_space<vmem_shared>> -> memref<10240x128xf32, #tpu.memory_space<vmem_shared>>
        tpu.enqueue_indirect_dma source(%arg12 : memref<128x128xf32, #tpu.memory_space<vmem>>) target(%dma_start3A_257 : memref<10240x128xf32, #tpu.memory_space<vmem_shared>>) offsets(%dma_start3A_254 : memref<128xi32, #tpu.memory_space<vmem>>) semaphore(%run_scoped3A_251 : memref<!tpu.dma_semaphore, #tpu.memory_space<semaphore_mem>>) {add = true}
        %dma_wait3A_258 = arith.constant 0 : i32
        %dma_wait3A_259 = tpu.memref_slice %arg10[%run_scoped3A_227, %dma_wait3A_258] : memref<16x128xi32, #tpu.memory_space<vmem>> -> memref<1x128xi32, #tpu.memory_space<vmem>>
        %dma_wait3A_260 = tpu.memref_squeeze %dma_wait3A_259 : memref<1x128xi32, #tpu.memory_space<vmem>> -> memref<128xi32, #tpu.memory_space<vmem>>
        %dma_wait3A_261 = arith.constant 0 : i32
        %dma_wait3A_262 = arith.constant 0 : i32
        %dma_wait3A_263 = tpu.memref_slice %arg8[%dma_wait3A_261, %dma_wait3A_262] : memref<10240x128xf32, #tpu.memory_space<vmem_shared>> -> memref<10240x128xf32, #tpu.memory_space<vmem_shared>>
        tpu.wait_indirect_dma semaphore(%run_scoped3A_251 : memref<!tpu.dma_semaphore, #tpu.memory_space<semaphore_mem>>) src(%arg12 : memref<128x128xf32, #tpu.memory_space<vmem>>) dst(%dma_wait3A_263 : memref<10240x128xf32, #tpu.memory_space<vmem_shared>>)
        tpu.yield
      }) : () -> ()
      %dma_wait3A_228 = arith.constant 14 : i32
      %dma_wait3A_229 = arith.constant 0 : i32
      %dma_wait3A_230 = tpu.memref_slice %arg9[%dma_wait3A_228, %dma_wait3A_229] : memref<16x128xi32, #tpu.memory_space<vmem>> -> memref<1x128xi32, #tpu.memory_space<vmem>>
      %dma_wait3A_231 = tpu.memref_squeeze %dma_wait3A_230 : memref<1x128xi32, #tpu.memory_space<vmem>> -> memref<128xi32, #tpu.memory_space<vmem>>
      %dma_wait3A_232 = arith.constant 0 : i32
      %dma_wait3A_233 = arith.constant 0 : i32
      %dma_wait3A_234 = tpu.memref_slice %arg2[%dma_wait3A_232, %dma_wait3A_233] : memref<10240x128xf32, #tpu.memory_space<hbm>> -> memref<10240x128xf32, #tpu.memory_space<hbm>>
      tpu.wait_indirect_dma semaphore(%arg13 : memref<!tpu.dma_semaphore, #tpu.memory_space<semaphore_mem>>) src(%dma_wait3A_234 : memref<10240x128xf32, #tpu.memory_space<hbm>>) dst(%arg11 : memref<128x128xf32, #tpu.memory_space<vmem>>)
      %dma_start3A_235 = arith.constant 15 : i32
      %dma_start3A_236 = arith.constant 0 : i32
      %dma_start3A_237 = tpu.memref_slice %arg9[%dma_start3A_235, %dma_start3A_236] : memref<16x128xi32, #tpu.memory_space<vmem>> -> memref<1x128xi32, #tpu.memory_space<vmem>>
      %dma_start3A_238 = tpu.memref_squeeze %dma_start3A_237 : memref<1x128xi32, #tpu.memory_space<vmem>> -> memref<128xi32, #tpu.memory_space<vmem>>
      %dma_start3A_239 = arith.constant 0 : i32
      %dma_start3A_240 = arith.constant 0 : i32
      %dma_start3A_241 = tpu.memref_slice %arg2[%dma_start3A_239, %dma_start3A_240] : memref<10240x128xf32, #tpu.memory_space<hbm>> -> memref<10240x128xf32, #tpu.memory_space<hbm>>
      tpu.enqueue_indirect_dma source(%dma_start3A_241 : memref<10240x128xf32, #tpu.memory_space<hbm>>) target(%arg12 : memref<128x128xf32, #tpu.memory_space<vmem>>) offsets(%dma_start3A_238 : memref<128xi32, #tpu.memory_space<vmem>>) semaphore(%arg13 : memref<!tpu.dma_semaphore, #tpu.memory_space<semaphore_mem>>)
      %run_scoped3A_242 = arith.constant 14 : i32
      "tpu.region"() ({
        %run_scoped3A_251 = tpu.sem_alloc : memref<!tpu.dma_semaphore, #tpu.memory_space<semaphore_mem>>
        %dma_start3A_252 = arith.constant 0 : i32
        %dma_start3A_253 = tpu.memref_slice %arg10[%run_scoped3A_242, %dma_start3A_252] : memref<16x128xi32, #tpu.memory_space<vmem>> -> memref<1x128xi32, #tpu.memory_space<vmem>>
        %dma_start3A_254 = tpu.memref_squeeze %dma_start3A_253 : memref<1x128xi32, #tpu.memory_space<vmem>> -> memref<128xi32, #tpu.memory_space<vmem>>
        %dma_start3A_255 = arith.constant 0 : i32
        %dma_start3A_256 = arith.constant 0 : i32
        %dma_start3A_257 = tpu.memref_slice %arg8[%dma_start3A_255, %dma_start3A_256] : memref<10240x128xf32, #tpu.memory_space<vmem_shared>> -> memref<10240x128xf32, #tpu.memory_space<vmem_shared>>
        tpu.enqueue_indirect_dma source(%arg11 : memref<128x128xf32, #tpu.memory_space<vmem>>) target(%dma_start3A_257 : memref<10240x128xf32, #tpu.memory_space<vmem_shared>>) offsets(%dma_start3A_254 : memref<128xi32, #tpu.memory_space<vmem>>) semaphore(%run_scoped3A_251 : memref<!tpu.dma_semaphore, #tpu.memory_space<semaphore_mem>>) {add = true}
        %dma_wait3A_258 = arith.constant 0 : i32
        %dma_wait3A_259 = tpu.memref_slice %arg10[%run_scoped3A_242, %dma_wait3A_258] : memref<16x128xi32, #tpu.memory_space<vmem>> -> memref<1x128xi32, #tpu.memory_space<vmem>>
        %dma_wait3A_260 = tpu.memref_squeeze %dma_wait3A_259 : memref<1x128xi32, #tpu.memory_space<vmem>> -> memref<128xi32, #tpu.memory_space<vmem>>
        %dma_wait3A_261 = arith.constant 0 : i32
        %dma_wait3A_262 = arith.constant 0 : i32
        %dma_wait3A_263 = tpu.memref_slice %arg8[%dma_wait3A_261, %dma_wait3A_262] : memref<10240x128xf32, #tpu.memory_space<vmem_shared>> -> memref<10240x128xf32, #tpu.memory_space<vmem_shared>>
        tpu.wait_indirect_dma semaphore(%run_scoped3A_251 : memref<!tpu.dma_semaphore, #tpu.memory_space<semaphore_mem>>) src(%arg11 : memref<128x128xf32, #tpu.memory_space<vmem>>) dst(%dma_wait3A_263 : memref<10240x128xf32, #tpu.memory_space<vmem_shared>>)
        tpu.yield
      }) : () -> ()
      %dma_wait3A_243 = arith.constant 15 : i32
      %dma_wait3A_244 = arith.constant 0 : i32
      %dma_wait3A_245 = tpu.memref_slice %arg9[%dma_wait3A_243, %dma_wait3A_244] : memref<16x128xi32, #tpu.memory_space<vmem>> -> memref<1x128xi32, #tpu.memory_space<vmem>>
      %dma_wait3A_246 = tpu.memref_squeeze %dma_wait3A_245 : memref<1x128xi32, #tpu.memory_space<vmem>> -> memref<128xi32, #tpu.memory_space<vmem>>
      %dma_wait3A_247 = arith.constant 0 : i32
      %dma_wait3A_248 = arith.constant 0 : i32
      %dma_wait3A_249 = tpu.memref_slice %arg2[%dma_wait3A_247, %dma_wait3A_248] : memref<10240x128xf32, #tpu.memory_space<hbm>> -> memref<10240x128xf32, #tpu.memory_space<hbm>>
      tpu.wait_indirect_dma semaphore(%arg13 : memref<!tpu.dma_semaphore, #tpu.memory_space<semaphore_mem>>) src(%dma_wait3A_249 : memref<10240x128xf32, #tpu.memory_space<hbm>>) dst(%arg12 : memref<128x128xf32, #tpu.memory_space<vmem>>)
      %run_scoped3A_250 = arith.constant 15 : i32
      "tpu.region"() ({
        %run_scoped3A_251 = tpu.sem_alloc : memref<!tpu.dma_semaphore, #tpu.memory_space<semaphore_mem>>
        %dma_start3A_252 = arith.constant 0 : i32
        %dma_start3A_253 = tpu.memref_slice %arg10[%run_scoped3A_250, %dma_start3A_252] : memref<16x128xi32, #tpu.memory_space<vmem>> -> memref<1x128xi32, #tpu.memory_space<vmem>>
        %dma_start3A_254 = tpu.memref_squeeze %dma_start3A_253 : memref<1x128xi32, #tpu.memory_space<vmem>> -> memref<128xi32, #tpu.memory_space<vmem>>
        %dma_start3A_255 = arith.constant 0 : i32
        %dma_start3A_256 = arith.constant 0 : i32
        %dma_start3A_257 = tpu.memref_slice %arg8[%dma_start3A_255, %dma_start3A_256] : memref<10240x128xf32, #tpu.memory_space<vmem_shared>> -> memref<10240x128xf32, #tpu.memory_space<vmem_shared>>
        tpu.enqueue_indirect_dma source(%arg12 : memref<128x128xf32, #tpu.memory_space<vmem>>) target(%dma_start3A_257 : memref<10240x128xf32, #tpu.memory_space<vmem_shared>>) offsets(%dma_start3A_254 : memref<128xi32, #tpu.memory_space<vmem>>) semaphore(%run_scoped3A_251 : memref<!tpu.dma_semaphore, #tpu.memory_space<semaphore_mem>>) {add = true}
        %dma_wait3A_258 = arith.constant 0 : i32
        %dma_wait3A_259 = tpu.memref_slice %arg10[%run_scoped3A_250, %dma_wait3A_258] : memref<16x128xi32, #tpu.memory_space<vmem>> -> memref<1x128xi32, #tpu.memory_space<vmem>>
        %dma_wait3A_260 = tpu.memref_squeeze %dma_wait3A_259 : memref<1x128xi32, #tpu.memory_space<vmem>> -> memref<128xi32, #tpu.memory_space<vmem>>
        %dma_wait3A_261 = arith.constant 0 : i32
        %dma_wait3A_262 = arith.constant 0 : i32
        %dma_wait3A_263 = tpu.memref_slice %arg8[%dma_wait3A_261, %dma_wait3A_262] : memref<10240x128xf32, #tpu.memory_space<vmem_shared>> -> memref<10240x128xf32, #tpu.memory_space<vmem_shared>>
        tpu.wait_indirect_dma semaphore(%run_scoped3A_251 : memref<!tpu.dma_semaphore, #tpu.memory_space<semaphore_mem>>) src(%arg12 : memref<128x128xf32, #tpu.memory_space<vmem>>) dst(%dma_wait3A_263 : memref<10240x128xf32, #tpu.memory_space<vmem_shared>>)
        tpu.yield
      }) : () -> ()
    }
    %scan3A_7 = arith.constant 5 : i32
    %barrier3A_8 = arith.constant 0 : index
    tpu.barrier barrier_id(%barrier3A_8)
    "tpu.region"() ({
      %run_scoped3A = tpu.sem_alloc : memref<!tpu.dma_semaphore, #tpu.memory_space<semaphore_mem>>
      %dma_start3A = arith.constant 0 : i32
      %dma_start3A_9 = tpu.memref_slice %arg7[%arg0, %mul3A_2, %dma_start3A] : memref<2x10240x128xf32, #tpu.memory_space<hbm>> -> memref<1x640x128xf32, #tpu.memory_space<hbm>>
      %dma_start3A_10 = tpu.memref_squeeze %dma_start3A_9 : memref<1x640x128xf32, #tpu.memory_space<hbm>> -> memref<640x128xf32, #tpu.memory_space<hbm>>
      %dma_start3A_11 = arith.constant 0 : i32
      %dma_start3A_12 = tpu.memref_slice %arg8[%mul3A_2, %dma_start3A_11] : memref<10240x128xf32, #tpu.memory_space<vmem_shared>> -> memref<640x128xf32, #tpu.memory_space<vmem_shared>>
      tpu.enqueue_dma source(%dma_start3A_12 : memref<640x128xf32, #tpu.memory_space<vmem_shared>>) target(%dma_start3A_10 : memref<640x128xf32, #tpu.memory_space<hbm>>) target_semaphore(%run_scoped3A : memref<!tpu.dma_semaphore, #tpu.memory_space<semaphore_mem>>)
      %dma_wait3A = arith.constant 0 : i32
      %dma_wait3A_13 = tpu.memref_slice %arg7[%arg0, %mul3A_2, %dma_wait3A] : memref<2x10240x128xf32, #tpu.memory_space<hbm>> -> memref<1x640x128xf32, #tpu.memory_space<hbm>>
      %dma_wait3A_14 = tpu.memref_squeeze %dma_wait3A_13 : memref<1x640x128xf32, #tpu.memory_space<hbm>> -> memref<640x128xf32, #tpu.memory_space<hbm>>
      %dma_wait3A_15 = arith.constant 0 : i32
      %dma_wait3A_16 = tpu.memref_slice %arg8[%mul3A_2, %dma_wait3A_15] : memref<10240x128xf32, #tpu.memory_space<vmem_shared>> -> memref<640x128xf32, #tpu.memory_space<vmem_shared>>
      tpu.wait_dma2 semaphore(%run_scoped3A : memref<!tpu.dma_semaphore, #tpu.memory_space<semaphore_mem>>) src(%dma_wait3A_16 : memref<640x128xf32, #tpu.memory_space<vmem_shared>>) dst(%dma_wait3A_14 : memref<640x128xf32, #tpu.memory_space<hbm>>)
      tpu.yield
    }) : () -> ()
    return
  }
}

#map = affine_map<(d0, d1) -> (0, 0)>
#map1 = affine_map<(d0, d1) -> (0, 0, 0)>
module attributes {stable_mosaic.version = 14 : i64} {
  func.func @body(%arg0: i32, %arg1: i32, %arg2: memref<10240x128xf32, #tpu.memory_space<hbm>>, %arg3: memref<32x80x128xi32, #tpu.memory_space<hbm>>, %arg4: memref<32x80x128xi32, #tpu.memory_space<hbm>>, %arg5: memref<640x128xf32, #tpu.memory_space<hbm>>, %arg6: memref<128x128xf32, #tpu.memory_space<hbm>>, %arg7: memref<2x10240x128xf32, #tpu.memory_space<hbm>>, %arg8: memref<10240x128xf32, #tpu.memory_space<vmem_shared>>, %arg9: memref<16x128xi32, #tpu.memory_space<vmem>>, %arg10: memref<16x128xi32, #tpu.memory_space<vmem>>, %arg11: memref<128x128xf32, #tpu.memory_space<vmem>>, %arg12: memref<128x128xf32, #tpu.memory_space<vmem>>, %arg13: memref<!tpu.dma_semaphore, #tpu.memory_space<semaphore_mem>>) attributes {dimension_semantics = [#tpu.dimension_semantics<core_parallel>, #tpu.dimension_semantics<subcore_parallel>], iteration_bounds = array<i64: 2, 16>, scalar_prefetch = 0 : i64, scratch_operands = 6 : i64, tpu.core_type = #tpu.core_type<sc_vector_subcore>, window_params = [{transform_indices = #map}, {transform_indices = #map1}, {transform_indices = #map1}, {transform_indices = #map}, {transform_indices = #map}, {transform_indices = #map1}]} {
    %mul3A = arith.constant 16 : i32
    %mul3A_0 = arith.muli %arg0, %mul3A : i32
    %add3A = arith.addi %mul3A_0, %arg1 : i32
    %mul3A_1 = arith.constant 640 : i32
    %mul3A_2 = arith.muli %arg1, %mul3A_1 : i32
    "tpu.region"() ({
      %run_scoped3A = tpu.sem_alloc : memref<!tpu.dma_semaphore, #tpu.memory_space<semaphore_mem>>
      %dma_start3A = arith.constant 0 : i32
      %dma_start3A_9 = tpu.memref_slice %arg8[%mul3A_2, %dma_start3A] : memref<10240x128xf32, #tpu.memory_space<vmem_shared>> -> memref<640x128xf32, #tpu.memory_space<vmem_shared>>
      tpu.enqueue_dma source(%arg5 : memref<640x128xf32, #tpu.memory_space<hbm>>) target(%dma_start3A_9 : memref<640x128xf32, #tpu.memory_space<vmem_shared>>) target_semaphore(%run_scoped3A : memref<!tpu.dma_semaphore, #tpu.memory_space<semaphore_mem>>)
      %dma_wait3A = arith.constant 0 : i32
      %dma_wait3A_10 = tpu.memref_slice %arg8[%mul3A_2, %dma_wait3A] : memref<10240x128xf32, #tpu.memory_space<vmem_shared>> -> memref<640x128xf32, #tpu.memory_space<vmem_shared>>
      tpu.wait_dma2 semaphore(%run_scoped3A : memref<!tpu.dma_semaphore, #tpu.memory_space<semaphore_mem>>) src(%arg5 : memref<640x128xf32, #tpu.memory_space<hbm>>) dst(%dma_wait3A_10 : memref<640x128xf32, #tpu.memory_space<vmem_shared>>)
      tpu.yield
    }) : () -> ()
    %barrier3A = arith.constant 0 : index
    tpu.barrier barrier_id(%barrier3A)
    %scan3A = arith.constant 0 : i32
    %scan3A_3 = arith.constant 0 : i32
    %scan3A_4 = arith.constant 5 : i32
    %scan3A_5 = arith.addi %scan3A_3, %scan3A_4 : i32
    %scan3A_6 = arith.constant 1 : i32
    scf.for %scan3A_9 = %scan3A_3 to %scan3A_5 step %scan3A_6  : i32 {
      %mul3A_10 = arith.constant 16 : i32
      %mul3A_11 = arith.muli %scan3A_9, %mul3A_10 : i32
      "tpu.region"() ({
        %run_scoped3A_251 = tpu.sem_alloc : memref<!tpu.dma_semaphore, #tpu.memory_space<semaphore_mem>>
        %dma_start3A_252 = arith.constant 0 : i32
        %dma_start3A_253 = tpu.memref_slice %arg3[%add3A, %mul3A_11, %dma_start3A_252] : memref<32x80x128xi32, #tpu.memory_space<hbm>> -> memref<1x16x128xi32, #tpu.memory_space<hbm>>
        %dma_start3A_254 = tpu.memref_squeeze %dma_start3A_253 : memref<1x16x128xi32, #tpu.memory_space<hbm>> -> memref<16x128xi32, #tpu.memory_space<hbm>>
        %dma_start3A_255 = arith.constant 0 : i32
        %dma_start3A_256 = tpu.memref_slice %arg3[%add3A, %mul3A_11, %dma_start3A_255] : memref<32x80x128xi32, #tpu.memory_space<hbm>> -> memref<1x16x128xi32, #tpu.memory_space<hbm>>
        %dma_start3A_257 = tpu.memref_squeeze %dma_start3A_256 : memref<1x16x128xi32, #tpu.memory_space<hbm>> -> memref<16x128xi32, #tpu.memory_space<hbm>>
        tpu.enqueue_dma source(%dma_start3A_257 : memref<16x128xi32, #tpu.memory_space<hbm>>) target(%arg9 : memref<16x128xi32, #tpu.memory_space<vmem>>) target_semaphore(%run_scoped3A_251 : memref<!tpu.dma_semaphore, #tpu.memory_space<semaphore_mem>>)
        %dma_wait3A_258 = arith.constant 0 : i32
        %dma_wait3A_259 = tpu.memref_slice %arg3[%add3A, %mul3A_11, %dma_wait3A_258] : memref<32x80x128xi32, #tpu.memory_space<hbm>> -> memref<1x16x128xi32, #tpu.memory_space<hbm>>
        %dma_wait3A_260 = tpu.memref_squeeze %dma_wait3A_259 : memref<1x16x128xi32, #tpu.memory_space<hbm>> -> memref<16x128xi32, #tpu.memory_space<hbm>>
        %dma_wait3A_261 = arith.constant 0 : i32
        %dma_wait3A_262 = tpu.memref_slice %arg3[%add3A, %mul3A_11, %dma_wait3A_261] : memref<32x80x128xi32, #tpu.memory_space<hbm>> -> memref<1x16x128xi32, #tpu.memory_space<hbm>>
        %dma_wait3A_263 = tpu.memref_squeeze %dma_wait3A_262 : memref<1x16x128xi32, #tpu.memory_space<hbm>> -> memref<16x128xi32, #tpu.memory_space<hbm>>
        tpu.wait_dma2 semaphore(%run_scoped3A_251 : memref<!tpu.dma_semaphore, #tpu.memory_space<semaphore_mem>>) src(%dma_wait3A_263 : memref<16x128xi32, #tpu.memory_space<hbm>>) dst(%arg9 : memref<16x128xi32, #tpu.memory_space<vmem>>)
        tpu.yield
      }) : () -> ()
      %mul3A_12 = arith.constant 16 : i32
      %mul3A_13 = arith.muli %scan3A_9, %mul3A_12 : i32
      "tpu.region"() ({
        %run_scoped3A_251 = tpu.sem_alloc : memref<!tpu.dma_semaphore, #tpu.memory_space<semaphore_mem>>
        %dma_start3A_252 = arith.constant 0 : i32
        %dma_start3A_253 = tpu.memref_slice %arg4[%add3A, %mul3A_13, %dma_start3A_252] : memref<32x80x128xi32, #tpu.memory_space<hbm>> -> memref<1x16x128xi32, #tpu.memory_space<hbm>>
        %dma_start3A_254 = tpu.memref_squeeze %dma_start3A_253 : memref<1x16x128xi32, #tpu.memory_space<hbm>> -> memref<16x128xi32, #tpu.memory_space<hbm>>
        %dma_start3A_255 = arith.constant 0 : i32
        %dma_start3A_256 = tpu.memref_slice %arg4[%add3A, %mul3A_13, %dma_start3A_255] : memref<32x80x128xi32, #tpu.memory_space<hbm>> -> memref<1x16x128xi32, #tpu.memory_space<hbm>>
        %dma_start3A_257 = tpu.memref_squeeze %dma_start3A_256 : memref<1x16x128xi32, #tpu.memory_space<hbm>> -> memref<16x128xi32, #tpu.memory_space<hbm>>
        tpu.enqueue_dma source(%dma_start3A_257 : memref<16x128xi32, #tpu.memory_space<hbm>>) target(%arg10 : memref<16x128xi32, #tpu.memory_space<vmem>>) target_semaphore(%run_scoped3A_251 : memref<!tpu.dma_semaphore, #tpu.memory_space<semaphore_mem>>)
        %dma_wait3A_258 = arith.constant 0 : i32
        %dma_wait3A_259 = tpu.memref_slice %arg4[%add3A, %mul3A_13, %dma_wait3A_258] : memref<32x80x128xi32, #tpu.memory_space<hbm>> -> memref<1x16x128xi32, #tpu.memory_space<hbm>>
        %dma_wait3A_260 = tpu.memref_squeeze %dma_wait3A_259 : memref<1x16x128xi32, #tpu.memory_space<hbm>> -> memref<16x128xi32, #tpu.memory_space<hbm>>
        %dma_wait3A_261 = arith.constant 0 : i32
        %dma_wait3A_262 = tpu.memref_slice %arg4[%add3A, %mul3A_13, %dma_wait3A_261] : memref<32x80x128xi32, #tpu.memory_space<hbm>> -> memref<1x16x128xi32, #tpu.memory_space<hbm>>
        %dma_wait3A_263 = tpu.memref_squeeze %dma_wait3A_262 : memref<1x16x128xi32, #tpu.memory_space<hbm>> -> memref<16x128xi32, #tpu.memory_space<hbm>>
        tpu.wait_dma2 semaphore(%run_scoped3A_251 : memref<!tpu.dma_semaphore, #tpu.memory_space<semaphore_mem>>) src(%dma_wait3A_263 : memref<16x128xi32, #tpu.memory_space<hbm>>) dst(%arg10 : memref<16x128xi32, #tpu.memory_space<vmem>>)
        tpu.yield
      }) : () -> ()
      %dma_start3A = arith.constant 0 : i32
      %dma_start3A_14 = arith.constant 0 : i32
      %dma_start3A_15 = tpu.memref_slice %arg9[%dma_start3A, %dma_start3A_14] : memref<16x128xi32, #tpu.memory_space<vmem>> -> memref<1x128xi32, #tpu.memory_space<vmem>>
      %dma_start3A_16 = tpu.memref_squeeze %dma_start3A_15 : memref<1x128xi32, #tpu.memory_space<vmem>> -> memref<128xi32, #tpu.memory_space<vmem>>
      %dma_start3A_17 = arith.constant 0 : i32
      %dma_start3A_18 = arith.constant 0 : i32
      %dma_start3A_19 = tpu.memref_slice %arg2[%dma_start3A_17, %dma_start3A_18] : memref<10240x128xf32, #tpu.memory_space<hbm>> -> memref<10240x128xf32, #tpu.memory_space<hbm>>
      tpu.enqueue_indirect_dma source(%dma_start3A_19 : memref<10240x128xf32, #tpu.memory_space<hbm>>) target(%arg11 : memref<128x128xf32, #tpu.memory_space<vmem>>) offsets(%dma_start3A_16 : memref<128xi32, #tpu.memory_space<vmem>>) semaphore(%arg13 : memref<!tpu.dma_semaphore, #tpu.memory_space<semaphore_mem>>)
      %dma_wait3A = arith.constant 0 : i32
      %dma_wait3A_20 = arith.constant 0 : i32
      %dma_wait3A_21 = tpu.memref_slice %arg9[%dma_wait3A, %dma_wait3A_20] : memref<16x128xi32, #tpu.memory_space<vmem>> -> memref<1x128xi32, #tpu.memory_space<vmem>>
      %dma_wait3A_22 = tpu.memref_squeeze %dma_wait3A_21 : memref<1x128xi32, #tpu.memory_space<vmem>> -> memref<128xi32, #tpu.memory_space<vmem>>
      %dma_wait3A_23 = arith.constant 0 : i32
      %dma_wait3A_24 = arith.constant 0 : i32
      %dma_wait3A_25 = tpu.memref_slice %arg2[%dma_wait3A_23, %dma_wait3A_24] : memref<10240x128xf32, #tpu.memory_space<hbm>> -> memref<10240x128xf32, #tpu.memory_space<hbm>>
      tpu.wait_indirect_dma semaphore(%arg13 : memref<!tpu.dma_semaphore, #tpu.memory_space<semaphore_mem>>) src(%dma_wait3A_25 : memref<10240x128xf32, #tpu.memory_space<hbm>>) dst(%arg11 : memref<128x128xf32, #tpu.memory_space<vmem>>)
      %dma_start3A_26 = arith.constant 1 : i32
      %dma_start3A_27 = arith.constant 0 : i32
      %dma_start3A_28 = tpu.memref_slice %arg9[%dma_start3A_26, %dma_start3A_27] : memref<16x128xi32, #tpu.memory_space<vmem>> -> memref<1x128xi32, #tpu.memory_space<vmem>>
      %dma_start3A_29 = tpu.memref_squeeze %dma_start3A_28 : memref<1x128xi32, #tpu.memory_space<vmem>> -> memref<128xi32, #tpu.memory_space<vmem>>
      %dma_start3A_30 = arith.constant 0 : i32
      %dma_start3A_31 = arith.constant 0 : i32
      %dma_start3A_32 = tpu.memref_slice %arg2[%dma_start3A_30, %dma_start3A_31] : memref<10240x128xf32, #tpu.memory_space<hbm>> -> memref<10240x128xf32, #tpu.memory_space<hbm>>
      tpu.enqueue_indirect_dma source(%dma_start3A_32 : memref<10240x128xf32, #tpu.memory_space<hbm>>) target(%arg12 : memref<128x128xf32, #tpu.memory_space<vmem>>) offsets(%dma_start3A_29 : memref<128xi32, #tpu.memory_space<vmem>>) semaphore(%arg13 : memref<!tpu.dma_semaphore, #tpu.memory_space<semaphore_mem>>)
      %run_scoped3A = arith.constant 0 : i32
      "tpu.region"() ({
        %run_scoped3A_251 = tpu.sem_alloc : memref<!tpu.dma_semaphore, #tpu.memory_space<semaphore_mem>>
        %dma_start3A_252 = arith.constant 0 : i32
        %dma_start3A_253 = tpu.memref_slice %arg10[%run_scoped3A, %dma_start3A_252] : memref<16x128xi32, #tpu.memory_space<vmem>> -> memref<1x128xi32, #tpu.memory_space<vmem>>
        %dma_start3A_254 = tpu.memref_squeeze %dma_start3A_253 : memref<1x128xi32, #tpu.memory_space<vmem>> -> memref<128xi32, #tpu.memory_space<vmem>>
        %dma_start3A_255 = arith.constant 0 : i32
        %dma_start3A_256 = arith.constant 0 : i32
        %dma_start3A_257 = tpu.memref_slice %arg8[%dma_start3A_255, %dma_start3A_256] : memref<10240x128xf32, #tpu.memory_space<vmem_shared>> -> memref<10240x128xf32, #tpu.memory_space<vmem_shared>>
        tpu.enqueue_indirect_dma source(%arg11 : memref<128x128xf32, #tpu.memory_space<vmem>>) target(%dma_start3A_257 : memref<10240x128xf32, #tpu.memory_space<vmem_shared>>) offsets(%dma_start3A_254 : memref<128xi32, #tpu.memory_space<vmem>>) semaphore(%run_scoped3A_251 : memref<!tpu.dma_semaphore, #tpu.memory_space<semaphore_mem>>) {add = true}
        %dma_wait3A_258 = arith.constant 0 : i32
        %dma_wait3A_259 = tpu.memref_slice %arg10[%run_scoped3A, %dma_wait3A_258] : memref<16x128xi32, #tpu.memory_space<vmem>> -> memref<1x128xi32, #tpu.memory_space<vmem>>
        %dma_wait3A_260 = tpu.memref_squeeze %dma_wait3A_259 : memref<1x128xi32, #tpu.memory_space<vmem>> -> memref<128xi32, #tpu.memory_space<vmem>>
        %dma_wait3A_261 = arith.constant 0 : i32
        %dma_wait3A_262 = arith.constant 0 : i32
        %dma_wait3A_263 = tpu.memref_slice %arg8[%dma_wait3A_261, %dma_wait3A_262] : memref<10240x128xf32, #tpu.memory_space<vmem_shared>> -> memref<10240x128xf32, #tpu.memory_space<vmem_shared>>
        tpu.wait_indirect_dma semaphore(%run_scoped3A_251 : memref<!tpu.dma_semaphore, #tpu.memory_space<semaphore_mem>>) src(%arg11 : memref<128x128xf32, #tpu.memory_space<vmem>>) dst(%dma_wait3A_263 : memref<10240x128xf32, #tpu.memory_space<vmem_shared>>)
        tpu.yield
      }) : () -> ()
      %dma_wait3A_33 = arith.constant 1 : i32
      %dma_wait3A_34 = arith.constant 0 : i32
      %dma_wait3A_35 = tpu.memref_slice %arg9[%dma_wait3A_33, %dma_wait3A_34] : memref<16x128xi32, #tpu.memory_space<vmem>> -> memref<1x128xi32, #tpu.memory_space<vmem>>
      %dma_wait3A_36 = tpu.memref_squeeze %dma_wait3A_35 : memref<1x128xi32, #tpu.memory_space<vmem>> -> memref<128xi32, #tpu.memory_space<vmem>>
      %dma_wait3A_37 = arith.constant 0 : i32
      %dma_wait3A_38 = arith.constant 0 : i32
      %dma_wait3A_39 = tpu.memref_slice %arg2[%dma_wait3A_37, %dma_wait3A_38] : memref<10240x128xf32, #tpu.memory_space<hbm>> -> memref<10240x128xf32, #tpu.memory_space<hbm>>
      tpu.wait_indirect_dma semaphore(%arg13 : memref<!tpu.dma_semaphore, #tpu.memory_space<semaphore_mem>>) src(%dma_wait3A_39 : memref<10240x128xf32, #tpu.memory_space<hbm>>) dst(%arg12 : memref<128x128xf32, #tpu.memory_space<vmem>>)
      %dma_start3A_40 = arith.constant 2 : i32
      %dma_start3A_41 = arith.constant 0 : i32
      %dma_start3A_42 = tpu.memref_slice %arg9[%dma_start3A_40, %dma_start3A_41] : memref<16x128xi32, #tpu.memory_space<vmem>> -> memref<1x128xi32, #tpu.memory_space<vmem>>
      %dma_start3A_43 = tpu.memref_squeeze %dma_start3A_42 : memref<1x128xi32, #tpu.memory_space<vmem>> -> memref<128xi32, #tpu.memory_space<vmem>>
      %dma_start3A_44 = arith.constant 0 : i32
      %dma_start3A_45 = arith.constant 0 : i32
      %dma_start3A_46 = tpu.memref_slice %arg2[%dma_start3A_44, %dma_start3A_45] : memref<10240x128xf32, #tpu.memory_space<hbm>> -> memref<10240x128xf32, #tpu.memory_space<hbm>>
      tpu.enqueue_indirect_dma source(%dma_start3A_46 : memref<10240x128xf32, #tpu.memory_space<hbm>>) target(%arg11 : memref<128x128xf32, #tpu.memory_space<vmem>>) offsets(%dma_start3A_43 : memref<128xi32, #tpu.memory_space<vmem>>) semaphore(%arg13 : memref<!tpu.dma_semaphore, #tpu.memory_space<semaphore_mem>>)
      %run_scoped3A_47 = arith.constant 1 : i32
      "tpu.region"() ({
        %run_scoped3A_251 = tpu.sem_alloc : memref<!tpu.dma_semaphore, #tpu.memory_space<semaphore_mem>>
        %dma_start3A_252 = arith.constant 0 : i32
        %dma_start3A_253 = tpu.memref_slice %arg10[%run_scoped3A_47, %dma_start3A_252] : memref<16x128xi32, #tpu.memory_space<vmem>> -> memref<1x128xi32, #tpu.memory_space<vmem>>
        %dma_start3A_254 = tpu.memref_squeeze %dma_start3A_253 : memref<1x128xi32, #tpu.memory_space<vmem>> -> memref<128xi32, #tpu.memory_space<vmem>>
        %dma_start3A_255 = arith.constant 0 : i32
        %dma_start3A_256 = arith.constant 0 : i32
        %dma_start3A_257 = tpu.memref_slice %arg8[%dma_start3A_255, %dma_start3A_256] : memref<10240x128xf32, #tpu.memory_space<vmem_shared>> -> memref<10240x128xf32, #tpu.memory_space<vmem_shared>>
        tpu.enqueue_indirect_dma source(%arg12 : memref<128x128xf32, #tpu.memory_space<vmem>>) target(%dma_start3A_257 : memref<10240x128xf32, #tpu.memory_space<vmem_shared>>) offsets(%dma_start3A_254 : memref<128xi32, #tpu.memory_space<vmem>>) semaphore(%run_scoped3A_251 : memref<!tpu.dma_semaphore, #tpu.memory_space<semaphore_mem>>) {add = true}
        %dma_wait3A_258 = arith.constant 0 : i32
        %dma_wait3A_259 = tpu.memref_slice %arg10[%run_scoped3A_47, %dma_wait3A_258] : memref<16x128xi32, #tpu.memory_space<vmem>> -> memref<1x128xi32, #tpu.memory_space<vmem>>
        %dma_wait3A_260 = tpu.memref_squeeze %dma_wait3A_259 : memref<1x128xi32, #tpu.memory_space<vmem>> -> memref<128xi32, #tpu.memory_space<vmem>>
        %dma_wait3A_261 = arith.constant 0 : i32
        %dma_wait3A_262 = arith.constant 0 : i32
        %dma_wait3A_263 = tpu.memref_slice %arg8[%dma_wait3A_261, %dma_wait3A_262] : memref<10240x128xf32, #tpu.memory_space<vmem_shared>> -> memref<10240x128xf32, #tpu.memory_space<vmem_shared>>
        tpu.wait_indirect_dma semaphore(%run_scoped3A_251 : memref<!tpu.dma_semaphore, #tpu.memory_space<semaphore_mem>>) src(%arg12 : memref<128x128xf32, #tpu.memory_space<vmem>>) dst(%dma_wait3A_263 : memref<10240x128xf32, #tpu.memory_space<vmem_shared>>)
        tpu.yield
      }) : () -> ()
      %dma_wait3A_48 = arith.constant 2 : i32
      %dma_wait3A_49 = arith.constant 0 : i32
      %dma_wait3A_50 = tpu.memref_slice %arg9[%dma_wait3A_48, %dma_wait3A_49] : memref<16x128xi32, #tpu.memory_space<vmem>> -> memref<1x128xi32, #tpu.memory_space<vmem>>
      %dma_wait3A_51 = tpu.memref_squeeze %dma_wait3A_50 : memref<1x128xi32, #tpu.memory_space<vmem>> -> memref<128xi32, #tpu.memory_space<vmem>>
      %dma_wait3A_52 = arith.constant 0 : i32
      %dma_wait3A_53 = arith.constant 0 : i32
      %dma_wait3A_54 = tpu.memref_slice %arg2[%dma_wait3A_52, %dma_wait3A_53] : memref<10240x128xf32, #tpu.memory_space<hbm>> -> memref<10240x128xf32, #tpu.memory_space<hbm>>
      tpu.wait_indirect_dma semaphore(%arg13 : memref<!tpu.dma_semaphore, #tpu.memory_space<semaphore_mem>>) src(%dma_wait3A_54 : memref<10240x128xf32, #tpu.memory_space<hbm>>) dst(%arg11 : memref<128x128xf32, #tpu.memory_space<vmem>>)
      %dma_start3A_55 = arith.constant 3 : i32
      %dma_start3A_56 = arith.constant 0 : i32
      %dma_start3A_57 = tpu.memref_slice %arg9[%dma_start3A_55, %dma_start3A_56] : memref<16x128xi32, #tpu.memory_space<vmem>> -> memref<1x128xi32, #tpu.memory_space<vmem>>
      %dma_start3A_58 = tpu.memref_squeeze %dma_start3A_57 : memref<1x128xi32, #tpu.memory_space<vmem>> -> memref<128xi32, #tpu.memory_space<vmem>>
      %dma_start3A_59 = arith.constant 0 : i32
      %dma_start3A_60 = arith.constant 0 : i32
      %dma_start3A_61 = tpu.memref_slice %arg2[%dma_start3A_59, %dma_start3A_60] : memref<10240x128xf32, #tpu.memory_space<hbm>> -> memref<10240x128xf32, #tpu.memory_space<hbm>>
      tpu.enqueue_indirect_dma source(%dma_start3A_61 : memref<10240x128xf32, #tpu.memory_space<hbm>>) target(%arg12 : memref<128x128xf32, #tpu.memory_space<vmem>>) offsets(%dma_start3A_58 : memref<128xi32, #tpu.memory_space<vmem>>) semaphore(%arg13 : memref<!tpu.dma_semaphore, #tpu.memory_space<semaphore_mem>>)
      %run_scoped3A_62 = arith.constant 2 : i32
      "tpu.region"() ({
        %run_scoped3A_251 = tpu.sem_alloc : memref<!tpu.dma_semaphore, #tpu.memory_space<semaphore_mem>>
        %dma_start3A_252 = arith.constant 0 : i32
        %dma_start3A_253 = tpu.memref_slice %arg10[%run_scoped3A_62, %dma_start3A_252] : memref<16x128xi32, #tpu.memory_space<vmem>> -> memref<1x128xi32, #tpu.memory_space<vmem>>
        %dma_start3A_254 = tpu.memref_squeeze %dma_start3A_253 : memref<1x128xi32, #tpu.memory_space<vmem>> -> memref<128xi32, #tpu.memory_space<vmem>>
        %dma_start3A_255 = arith.constant 0 : i32
        %dma_start3A_256 = arith.constant 0 : i32
        %dma_start3A_257 = tpu.memref_slice %arg8[%dma_start3A_255, %dma_start3A_256] : memref<10240x128xf32, #tpu.memory_space<vmem_shared>> -> memref<10240x128xf32, #tpu.memory_space<vmem_shared>>
        tpu.enqueue_indirect_dma source(%arg11 : memref<128x128xf32, #tpu.memory_space<vmem>>) target(%dma_start3A_257 : memref<10240x128xf32, #tpu.memory_space<vmem_shared>>) offsets(%dma_start3A_254 : memref<128xi32, #tpu.memory_space<vmem>>) semaphore(%run_scoped3A_251 : memref<!tpu.dma_semaphore, #tpu.memory_space<semaphore_mem>>) {add = true}
        %dma_wait3A_258 = arith.constant 0 : i32
        %dma_wait3A_259 = tpu.memref_slice %arg10[%run_scoped3A_62, %dma_wait3A_258] : memref<16x128xi32, #tpu.memory_space<vmem>> -> memref<1x128xi32, #tpu.memory_space<vmem>>
        %dma_wait3A_260 = tpu.memref_squeeze %dma_wait3A_259 : memref<1x128xi32, #tpu.memory_space<vmem>> -> memref<128xi32, #tpu.memory_space<vmem>>
        %dma_wait3A_261 = arith.constant 0 : i32
        %dma_wait3A_262 = arith.constant 0 : i32
        %dma_wait3A_263 = tpu.memref_slice %arg8[%dma_wait3A_261, %dma_wait3A_262] : memref<10240x128xf32, #tpu.memory_space<vmem_shared>> -> memref<10240x128xf32, #tpu.memory_space<vmem_shared>>
        tpu.wait_indirect_dma semaphore(%run_scoped3A_251 : memref<!tpu.dma_semaphore, #tpu.memory_space<semaphore_mem>>) src(%arg11 : memref<128x128xf32, #tpu.memory_space<vmem>>) dst(%dma_wait3A_263 : memref<10240x128xf32, #tpu.memory_space<vmem_shared>>)
        tpu.yield
      }) : () -> ()
      %dma_wait3A_63 = arith.constant 3 : i32
      %dma_wait3A_64 = arith.constant 0 : i32
      %dma_wait3A_65 = tpu.memref_slice %arg9[%dma_wait3A_63, %dma_wait3A_64] : memref<16x128xi32, #tpu.memory_space<vmem>> -> memref<1x128xi32, #tpu.memory_space<vmem>>
      %dma_wait3A_66 = tpu.memref_squeeze %dma_wait3A_65 : memref<1x128xi32, #tpu.memory_space<vmem>> -> memref<128xi32, #tpu.memory_space<vmem>>
      %dma_wait3A_67 = arith.constant 0 : i32
      %dma_wait3A_68 = arith.constant 0 : i32
      %dma_wait3A_69 = tpu.memref_slice %arg2[%dma_wait3A_67, %dma_wait3A_68] : memref<10240x128xf32, #tpu.memory_space<hbm>> -> memref<10240x128xf32, #tpu.memory_space<hbm>>
      tpu.wait_indirect_dma semaphore(%arg13 : memref<!tpu.dma_semaphore, #tpu.memory_space<semaphore_mem>>) src(%dma_wait3A_69 : memref<10240x128xf32, #tpu.memory_space<hbm>>) dst(%arg12 : memref<128x128xf32, #tpu.memory_space<vmem>>)
      %dma_start3A_70 = arith.constant 4 : i32
      %dma_start3A_71 = arith.constant 0 : i32
      %dma_start3A_72 = tpu.memref_slice %arg9[%dma_start3A_70, %dma_start3A_71] : memref<16x128xi32, #tpu.memory_space<vmem>> -> memref<1x128xi32, #tpu.memory_space<vmem>>
      %dma_start3A_73 = tpu.memref_squeeze %dma_start3A_72 : memref<1x128xi32, #tpu.memory_space<vmem>> -> memref<128xi32, #tpu.memory_space<vmem>>
      %dma_start3A_74 = arith.constant 0 : i32
      %dma_start3A_75 = arith.constant 0 : i32
      %dma_start3A_76 = tpu.memref_slice %arg2[%dma_start3A_74, %dma_start3A_75] : memref<10240x128xf32, #tpu.memory_space<hbm>> -> memref<10240x128xf32, #tpu.memory_space<hbm>>
      tpu.enqueue_indirect_dma source(%dma_start3A_76 : memref<10240x128xf32, #tpu.memory_space<hbm>>) target(%arg11 : memref<128x128xf32, #tpu.memory_space<vmem>>) offsets(%dma_start3A_73 : memref<128xi32, #tpu.memory_space<vmem>>) semaphore(%arg13 : memref<!tpu.dma_semaphore, #tpu.memory_space<semaphore_mem>>)
      %run_scoped3A_77 = arith.constant 3 : i32
      "tpu.region"() ({
        %run_scoped3A_251 = tpu.sem_alloc : memref<!tpu.dma_semaphore, #tpu.memory_space<semaphore_mem>>
        %dma_start3A_252 = arith.constant 0 : i32
        %dma_start3A_253 = tpu.memref_slice %arg10[%run_scoped3A_77, %dma_start3A_252] : memref<16x128xi32, #tpu.memory_space<vmem>> -> memref<1x128xi32, #tpu.memory_space<vmem>>
        %dma_start3A_254 = tpu.memref_squeeze %dma_start3A_253 : memref<1x128xi32, #tpu.memory_space<vmem>> -> memref<128xi32, #tpu.memory_space<vmem>>
        %dma_start3A_255 = arith.constant 0 : i32
        %dma_start3A_256 = arith.constant 0 : i32
        %dma_start3A_257 = tpu.memref_slice %arg8[%dma_start3A_255, %dma_start3A_256] : memref<10240x128xf32, #tpu.memory_space<vmem_shared>> -> memref<10240x128xf32, #tpu.memory_space<vmem_shared>>
        tpu.enqueue_indirect_dma source(%arg12 : memref<128x128xf32, #tpu.memory_space<vmem>>) target(%dma_start3A_257 : memref<10240x128xf32, #tpu.memory_space<vmem_shared>>) offsets(%dma_start3A_254 : memref<128xi32, #tpu.memory_space<vmem>>) semaphore(%run_scoped3A_251 : memref<!tpu.dma_semaphore, #tpu.memory_space<semaphore_mem>>) {add = true}
        %dma_wait3A_258 = arith.constant 0 : i32
        %dma_wait3A_259 = tpu.memref_slice %arg10[%run_scoped3A_77, %dma_wait3A_258] : memref<16x128xi32, #tpu.memory_space<vmem>> -> memref<1x128xi32, #tpu.memory_space<vmem>>
        %dma_wait3A_260 = tpu.memref_squeeze %dma_wait3A_259 : memref<1x128xi32, #tpu.memory_space<vmem>> -> memref<128xi32, #tpu.memory_space<vmem>>
        %dma_wait3A_261 = arith.constant 0 : i32
        %dma_wait3A_262 = arith.constant 0 : i32
        %dma_wait3A_263 = tpu.memref_slice %arg8[%dma_wait3A_261, %dma_wait3A_262] : memref<10240x128xf32, #tpu.memory_space<vmem_shared>> -> memref<10240x128xf32, #tpu.memory_space<vmem_shared>>
        tpu.wait_indirect_dma semaphore(%run_scoped3A_251 : memref<!tpu.dma_semaphore, #tpu.memory_space<semaphore_mem>>) src(%arg12 : memref<128x128xf32, #tpu.memory_space<vmem>>) dst(%dma_wait3A_263 : memref<10240x128xf32, #tpu.memory_space<vmem_shared>>)
        tpu.yield
      }) : () -> ()
      %dma_wait3A_78 = arith.constant 4 : i32
      %dma_wait3A_79 = arith.constant 0 : i32
      %dma_wait3A_80 = tpu.memref_slice %arg9[%dma_wait3A_78, %dma_wait3A_79] : memref<16x128xi32, #tpu.memory_space<vmem>> -> memref<1x128xi32, #tpu.memory_space<vmem>>
      %dma_wait3A_81 = tpu.memref_squeeze %dma_wait3A_80 : memref<1x128xi32, #tpu.memory_space<vmem>> -> memref<128xi32, #tpu.memory_space<vmem>>
      %dma_wait3A_82 = arith.constant 0 : i32
      %dma_wait3A_83 = arith.constant 0 : i32
      %dma_wait3A_84 = tpu.memref_slice %arg2[%dma_wait3A_82, %dma_wait3A_83] : memref<10240x128xf32, #tpu.memory_space<hbm>> -> memref<10240x128xf32, #tpu.memory_space<hbm>>
      tpu.wait_indirect_dma semaphore(%arg13 : memref<!tpu.dma_semaphore, #tpu.memory_space<semaphore_mem>>) src(%dma_wait3A_84 : memref<10240x128xf32, #tpu.memory_space<hbm>>) dst(%arg11 : memref<128x128xf32, #tpu.memory_space<vmem>>)
      %dma_start3A_85 = arith.constant 5 : i32
      %dma_start3A_86 = arith.constant 0 : i32
      %dma_start3A_87 = tpu.memref_slice %arg9[%dma_start3A_85, %dma_start3A_86] : memref<16x128xi32, #tpu.memory_space<vmem>> -> memref<1x128xi32, #tpu.memory_space<vmem>>
      %dma_start3A_88 = tpu.memref_squeeze %dma_start3A_87 : memref<1x128xi32, #tpu.memory_space<vmem>> -> memref<128xi32, #tpu.memory_space<vmem>>
      %dma_start3A_89 = arith.constant 0 : i32
      %dma_start3A_90 = arith.constant 0 : i32
      %dma_start3A_91 = tpu.memref_slice %arg2[%dma_start3A_89, %dma_start3A_90] : memref<10240x128xf32, #tpu.memory_space<hbm>> -> memref<10240x128xf32, #tpu.memory_space<hbm>>
      tpu.enqueue_indirect_dma source(%dma_start3A_91 : memref<10240x128xf32, #tpu.memory_space<hbm>>) target(%arg12 : memref<128x128xf32, #tpu.memory_space<vmem>>) offsets(%dma_start3A_88 : memref<128xi32, #tpu.memory_space<vmem>>) semaphore(%arg13 : memref<!tpu.dma_semaphore, #tpu.memory_space<semaphore_mem>>)
      %run_scoped3A_92 = arith.constant 4 : i32
      "tpu.region"() ({
        %run_scoped3A_251 = tpu.sem_alloc : memref<!tpu.dma_semaphore, #tpu.memory_space<semaphore_mem>>
        %dma_start3A_252 = arith.constant 0 : i32
        %dma_start3A_253 = tpu.memref_slice %arg10[%run_scoped3A_92, %dma_start3A_252] : memref<16x128xi32, #tpu.memory_space<vmem>> -> memref<1x128xi32, #tpu.memory_space<vmem>>
        %dma_start3A_254 = tpu.memref_squeeze %dma_start3A_253 : memref<1x128xi32, #tpu.memory_space<vmem>> -> memref<128xi32, #tpu.memory_space<vmem>>
        %dma_start3A_255 = arith.constant 0 : i32
        %dma_start3A_256 = arith.constant 0 : i32
        %dma_start3A_257 = tpu.memref_slice %arg8[%dma_start3A_255, %dma_start3A_256] : memref<10240x128xf32, #tpu.memory_space<vmem_shared>> -> memref<10240x128xf32, #tpu.memory_space<vmem_shared>>
        tpu.enqueue_indirect_dma source(%arg11 : memref<128x128xf32, #tpu.memory_space<vmem>>) target(%dma_start3A_257 : memref<10240x128xf32, #tpu.memory_space<vmem_shared>>) offsets(%dma_start3A_254 : memref<128xi32, #tpu.memory_space<vmem>>) semaphore(%run_scoped3A_251 : memref<!tpu.dma_semaphore, #tpu.memory_space<semaphore_mem>>) {add = true}
        %dma_wait3A_258 = arith.constant 0 : i32
        %dma_wait3A_259 = tpu.memref_slice %arg10[%run_scoped3A_92, %dma_wait3A_258] : memref<16x128xi32, #tpu.memory_space<vmem>> -> memref<1x128xi32, #tpu.memory_space<vmem>>
        %dma_wait3A_260 = tpu.memref_squeeze %dma_wait3A_259 : memref<1x128xi32, #tpu.memory_space<vmem>> -> memref<128xi32, #tpu.memory_space<vmem>>
        %dma_wait3A_261 = arith.constant 0 : i32
        %dma_wait3A_262 = arith.constant 0 : i32
        %dma_wait3A_263 = tpu.memref_slice %arg8[%dma_wait3A_261, %dma_wait3A_262] : memref<10240x128xf32, #tpu.memory_space<vmem_shared>> -> memref<10240x128xf32, #tpu.memory_space<vmem_shared>>
        tpu.wait_indirect_dma semaphore(%run_scoped3A_251 : memref<!tpu.dma_semaphore, #tpu.memory_space<semaphore_mem>>) src(%arg11 : memref<128x128xf32, #tpu.memory_space<vmem>>) dst(%dma_wait3A_263 : memref<10240x128xf32, #tpu.memory_space<vmem_shared>>)
        tpu.yield
      }) : () -> ()
      %dma_wait3A_93 = arith.constant 5 : i32
      %dma_wait3A_94 = arith.constant 0 : i32
      %dma_wait3A_95 = tpu.memref_slice %arg9[%dma_wait3A_93, %dma_wait3A_94] : memref<16x128xi32, #tpu.memory_space<vmem>> -> memref<1x128xi32, #tpu.memory_space<vmem>>
      %dma_wait3A_96 = tpu.memref_squeeze %dma_wait3A_95 : memref<1x128xi32, #tpu.memory_space<vmem>> -> memref<128xi32, #tpu.memory_space<vmem>>
      %dma_wait3A_97 = arith.constant 0 : i32
      %dma_wait3A_98 = arith.constant 0 : i32
      %dma_wait3A_99 = tpu.memref_slice %arg2[%dma_wait3A_97, %dma_wait3A_98] : memref<10240x128xf32, #tpu.memory_space<hbm>> -> memref<10240x128xf32, #tpu.memory_space<hbm>>
      tpu.wait_indirect_dma semaphore(%arg13 : memref<!tpu.dma_semaphore, #tpu.memory_space<semaphore_mem>>) src(%dma_wait3A_99 : memref<10240x128xf32, #tpu.memory_space<hbm>>) dst(%arg12 : memref<128x128xf32, #tpu.memory_space<vmem>>)
      %dma_start3A_100 = arith.constant 6 : i32
      %dma_start3A_101 = arith.constant 0 : i32
      %dma_start3A_102 = tpu.memref_slice %arg9[%dma_start3A_100, %dma_start3A_101] : memref<16x128xi32, #tpu.memory_space<vmem>> -> memref<1x128xi32, #tpu.memory_space<vmem>>
      %dma_start3A_103 = tpu.memref_squeeze %dma_start3A_102 : memref<1x128xi32, #tpu.memory_space<vmem>> -> memref<128xi32, #tpu.memory_space<vmem>>
      %dma_start3A_104 = arith.constant 0 : i32
      %dma_start3A_105 = arith.constant 0 : i32
      %dma_start3A_106 = tpu.memref_slice %arg2[%dma_start3A_104, %dma_start3A_105] : memref<10240x128xf32, #tpu.memory_space<hbm>> -> memref<10240x128xf32, #tpu.memory_space<hbm>>
      tpu.enqueue_indirect_dma source(%dma_start3A_106 : memref<10240x128xf32, #tpu.memory_space<hbm>>) target(%arg11 : memref<128x128xf32, #tpu.memory_space<vmem>>) offsets(%dma_start3A_103 : memref<128xi32, #tpu.memory_space<vmem>>) semaphore(%arg13 : memref<!tpu.dma_semaphore, #tpu.memory_space<semaphore_mem>>)
      %run_scoped3A_107 = arith.constant 5 : i32
      "tpu.region"() ({
        %run_scoped3A_251 = tpu.sem_alloc : memref<!tpu.dma_semaphore, #tpu.memory_space<semaphore_mem>>
        %dma_start3A_252 = arith.constant 0 : i32
        %dma_start3A_253 = tpu.memref_slice %arg10[%run_scoped3A_107, %dma_start3A_252] : memref<16x128xi32, #tpu.memory_space<vmem>> -> memref<1x128xi32, #tpu.memory_space<vmem>>
        %dma_start3A_254 = tpu.memref_squeeze %dma_start3A_253 : memref<1x128xi32, #tpu.memory_space<vmem>> -> memref<128xi32, #tpu.memory_space<vmem>>
        %dma_start3A_255 = arith.constant 0 : i32
        %dma_start3A_256 = arith.constant 0 : i32
        %dma_start3A_257 = tpu.memref_slice %arg8[%dma_start3A_255, %dma_start3A_256] : memref<10240x128xf32, #tpu.memory_space<vmem_shared>> -> memref<10240x128xf32, #tpu.memory_space<vmem_shared>>
        tpu.enqueue_indirect_dma source(%arg12 : memref<128x128xf32, #tpu.memory_space<vmem>>) target(%dma_start3A_257 : memref<10240x128xf32, #tpu.memory_space<vmem_shared>>) offsets(%dma_start3A_254 : memref<128xi32, #tpu.memory_space<vmem>>) semaphore(%run_scoped3A_251 : memref<!tpu.dma_semaphore, #tpu.memory_space<semaphore_mem>>) {add = true}
        %dma_wait3A_258 = arith.constant 0 : i32
        %dma_wait3A_259 = tpu.memref_slice %arg10[%run_scoped3A_107, %dma_wait3A_258] : memref<16x128xi32, #tpu.memory_space<vmem>> -> memref<1x128xi32, #tpu.memory_space<vmem>>
        %dma_wait3A_260 = tpu.memref_squeeze %dma_wait3A_259 : memref<1x128xi32, #tpu.memory_space<vmem>> -> memref<128xi32, #tpu.memory_space<vmem>>
        %dma_wait3A_261 = arith.constant 0 : i32
        %dma_wait3A_262 = arith.constant 0 : i32
        %dma_wait3A_263 = tpu.memref_slice %arg8[%dma_wait3A_261, %dma_wait3A_262] : memref<10240x128xf32, #tpu.memory_space<vmem_shared>> -> memref<10240x128xf32, #tpu.memory_space<vmem_shared>>
        tpu.wait_indirect_dma semaphore(%run_scoped3A_251 : memref<!tpu.dma_semaphore, #tpu.memory_space<semaphore_mem>>) src(%arg12 : memref<128x128xf32, #tpu.memory_space<vmem>>) dst(%dma_wait3A_263 : memref<10240x128xf32, #tpu.memory_space<vmem_shared>>)
        tpu.yield
      }) : () -> ()
      %dma_wait3A_108 = arith.constant 6 : i32
      %dma_wait3A_109 = arith.constant 0 : i32
      %dma_wait3A_110 = tpu.memref_slice %arg9[%dma_wait3A_108, %dma_wait3A_109] : memref<16x128xi32, #tpu.memory_space<vmem>> -> memref<1x128xi32, #tpu.memory_space<vmem>>
      %dma_wait3A_111 = tpu.memref_squeeze %dma_wait3A_110 : memref<1x128xi32, #tpu.memory_space<vmem>> -> memref<128xi32, #tpu.memory_space<vmem>>
      %dma_wait3A_112 = arith.constant 0 : i32
      %dma_wait3A_113 = arith.constant 0 : i32
      %dma_wait3A_114 = tpu.memref_slice %arg2[%dma_wait3A_112, %dma_wait3A_113] : memref<10240x128xf32, #tpu.memory_space<hbm>> -> memref<10240x128xf32, #tpu.memory_space<hbm>>
      tpu.wait_indirect_dma semaphore(%arg13 : memref<!tpu.dma_semaphore, #tpu.memory_space<semaphore_mem>>) src(%dma_wait3A_114 : memref<10240x128xf32, #tpu.memory_space<hbm>>) dst(%arg11 : memref<128x128xf32, #tpu.memory_space<vmem>>)
      %dma_start3A_115 = arith.constant 7 : i32
      %dma_start3A_116 = arith.constant 0 : i32
      %dma_start3A_117 = tpu.memref_slice %arg9[%dma_start3A_115, %dma_start3A_116] : memref<16x128xi32, #tpu.memory_space<vmem>> -> memref<1x128xi32, #tpu.memory_space<vmem>>
      %dma_start3A_118 = tpu.memref_squeeze %dma_start3A_117 : memref<1x128xi32, #tpu.memory_space<vmem>> -> memref<128xi32, #tpu.memory_space<vmem>>
      %dma_start3A_119 = arith.constant 0 : i32
      %dma_start3A_120 = arith.constant 0 : i32
      %dma_start3A_121 = tpu.memref_slice %arg2[%dma_start3A_119, %dma_start3A_120] : memref<10240x128xf32, #tpu.memory_space<hbm>> -> memref<10240x128xf32, #tpu.memory_space<hbm>>
      tpu.enqueue_indirect_dma source(%dma_start3A_121 : memref<10240x128xf32, #tpu.memory_space<hbm>>) target(%arg12 : memref<128x128xf32, #tpu.memory_space<vmem>>) offsets(%dma_start3A_118 : memref<128xi32, #tpu.memory_space<vmem>>) semaphore(%arg13 : memref<!tpu.dma_semaphore, #tpu.memory_space<semaphore_mem>>)
      %run_scoped3A_122 = arith.constant 6 : i32
      "tpu.region"() ({
        %run_scoped3A_251 = tpu.sem_alloc : memref<!tpu.dma_semaphore, #tpu.memory_space<semaphore_mem>>
        %dma_start3A_252 = arith.constant 0 : i32
        %dma_start3A_253 = tpu.memref_slice %arg10[%run_scoped3A_122, %dma_start3A_252] : memref<16x128xi32, #tpu.memory_space<vmem>> -> memref<1x128xi32, #tpu.memory_space<vmem>>
        %dma_start3A_254 = tpu.memref_squeeze %dma_start3A_253 : memref<1x128xi32, #tpu.memory_space<vmem>> -> memref<128xi32, #tpu.memory_space<vmem>>
        %dma_start3A_255 = arith.constant 0 : i32
        %dma_start3A_256 = arith.constant 0 : i32
        %dma_start3A_257 = tpu.memref_slice %arg8[%dma_start3A_255, %dma_start3A_256] : memref<10240x128xf32, #tpu.memory_space<vmem_shared>> -> memref<10240x128xf32, #tpu.memory_space<vmem_shared>>
        tpu.enqueue_indirect_dma source(%arg11 : memref<128x128xf32, #tpu.memory_space<vmem>>) target(%dma_start3A_257 : memref<10240x128xf32, #tpu.memory_space<vmem_shared>>) offsets(%dma_start3A_254 : memref<128xi32, #tpu.memory_space<vmem>>) semaphore(%run_scoped3A_251 : memref<!tpu.dma_semaphore, #tpu.memory_space<semaphore_mem>>) {add = true}
        %dma_wait3A_258 = arith.constant 0 : i32
        %dma_wait3A_259 = tpu.memref_slice %arg10[%run_scoped3A_122, %dma_wait3A_258] : memref<16x128xi32, #tpu.memory_space<vmem>> -> memref<1x128xi32, #tpu.memory_space<vmem>>
        %dma_wait3A_260 = tpu.memref_squeeze %dma_wait3A_259 : memref<1x128xi32, #tpu.memory_space<vmem>> -> memref<128xi32, #tpu.memory_space<vmem>>
        %dma_wait3A_261 = arith.constant 0 : i32
        %dma_wait3A_262 = arith.constant 0 : i32
        %dma_wait3A_263 = tpu.memref_slice %arg8[%dma_wait3A_261, %dma_wait3A_262] : memref<10240x128xf32, #tpu.memory_space<vmem_shared>> -> memref<10240x128xf32, #tpu.memory_space<vmem_shared>>
        tpu.wait_indirect_dma semaphore(%run_scoped3A_251 : memref<!tpu.dma_semaphore, #tpu.memory_space<semaphore_mem>>) src(%arg11 : memref<128x128xf32, #tpu.memory_space<vmem>>) dst(%dma_wait3A_263 : memref<10240x128xf32, #tpu.memory_space<vmem_shared>>)
        tpu.yield
      }) : () -> ()
      %dma_wait3A_123 = arith.constant 7 : i32
      %dma_wait3A_124 = arith.constant 0 : i32
      %dma_wait3A_125 = tpu.memref_slice %arg9[%dma_wait3A_123, %dma_wait3A_124] : memref<16x128xi32, #tpu.memory_space<vmem>> -> memref<1x128xi32, #tpu.memory_space<vmem>>
      %dma_wait3A_126 = tpu.memref_squeeze %dma_wait3A_125 : memref<1x128xi32, #tpu.memory_space<vmem>> -> memref<128xi32, #tpu.memory_space<vmem>>
      %dma_wait3A_127 = arith.constant 0 : i32
      %dma_wait3A_128 = arith.constant 0 : i32
      %dma_wait3A_129 = tpu.memref_slice %arg2[%dma_wait3A_127, %dma_wait3A_128] : memref<10240x128xf32, #tpu.memory_space<hbm>> -> memref<10240x128xf32, #tpu.memory_space<hbm>>
      tpu.wait_indirect_dma semaphore(%arg13 : memref<!tpu.dma_semaphore, #tpu.memory_space<semaphore_mem>>) src(%dma_wait3A_129 : memref<10240x128xf32, #tpu.memory_space<hbm>>) dst(%arg12 : memref<128x128xf32, #tpu.memory_space<vmem>>)
      %dma_start3A_130 = arith.constant 8 : i32
      %dma_start3A_131 = arith.constant 0 : i32
      %dma_start3A_132 = tpu.memref_slice %arg9[%dma_start3A_130, %dma_start3A_131] : memref<16x128xi32, #tpu.memory_space<vmem>> -> memref<1x128xi32, #tpu.memory_space<vmem>>
      %dma_start3A_133 = tpu.memref_squeeze %dma_start3A_132 : memref<1x128xi32, #tpu.memory_space<vmem>> -> memref<128xi32, #tpu.memory_space<vmem>>
      %dma_start3A_134 = arith.constant 0 : i32
      %dma_start3A_135 = arith.constant 0 : i32
      %dma_start3A_136 = tpu.memref_slice %arg2[%dma_start3A_134, %dma_start3A_135] : memref<10240x128xf32, #tpu.memory_space<hbm>> -> memref<10240x128xf32, #tpu.memory_space<hbm>>
      tpu.enqueue_indirect_dma source(%dma_start3A_136 : memref<10240x128xf32, #tpu.memory_space<hbm>>) target(%arg11 : memref<128x128xf32, #tpu.memory_space<vmem>>) offsets(%dma_start3A_133 : memref<128xi32, #tpu.memory_space<vmem>>) semaphore(%arg13 : memref<!tpu.dma_semaphore, #tpu.memory_space<semaphore_mem>>)
      %run_scoped3A_137 = arith.constant 7 : i32
      "tpu.region"() ({
        %run_scoped3A_251 = tpu.sem_alloc : memref<!tpu.dma_semaphore, #tpu.memory_space<semaphore_mem>>
        %dma_start3A_252 = arith.constant 0 : i32
        %dma_start3A_253 = tpu.memref_slice %arg10[%run_scoped3A_137, %dma_start3A_252] : memref<16x128xi32, #tpu.memory_space<vmem>> -> memref<1x128xi32, #tpu.memory_space<vmem>>
        %dma_start3A_254 = tpu.memref_squeeze %dma_start3A_253 : memref<1x128xi32, #tpu.memory_space<vmem>> -> memref<128xi32, #tpu.memory_space<vmem>>
        %dma_start3A_255 = arith.constant 0 : i32
        %dma_start3A_256 = arith.constant 0 : i32
        %dma_start3A_257 = tpu.memref_slice %arg8[%dma_start3A_255, %dma_start3A_256] : memref<10240x128xf32, #tpu.memory_space<vmem_shared>> -> memref<10240x128xf32, #tpu.memory_space<vmem_shared>>
        tpu.enqueue_indirect_dma source(%arg12 : memref<128x128xf32, #tpu.memory_space<vmem>>) target(%dma_start3A_257 : memref<10240x128xf32, #tpu.memory_space<vmem_shared>>) offsets(%dma_start3A_254 : memref<128xi32, #tpu.memory_space<vmem>>) semaphore(%run_scoped3A_251 : memref<!tpu.dma_semaphore, #tpu.memory_space<semaphore_mem>>) {add = true}
        %dma_wait3A_258 = arith.constant 0 : i32
        %dma_wait3A_259 = tpu.memref_slice %arg10[%run_scoped3A_137, %dma_wait3A_258] : memref<16x128xi32, #tpu.memory_space<vmem>> -> memref<1x128xi32, #tpu.memory_space<vmem>>
        %dma_wait3A_260 = tpu.memref_squeeze %dma_wait3A_259 : memref<1x128xi32, #tpu.memory_space<vmem>> -> memref<128xi32, #tpu.memory_space<vmem>>
        %dma_wait3A_261 = arith.constant 0 : i32
        %dma_wait3A_262 = arith.constant 0 : i32
        %dma_wait3A_263 = tpu.memref_slice %arg8[%dma_wait3A_261, %dma_wait3A_262] : memref<10240x128xf32, #tpu.memory_space<vmem_shared>> -> memref<10240x128xf32, #tpu.memory_space<vmem_shared>>
        tpu.wait_indirect_dma semaphore(%run_scoped3A_251 : memref<!tpu.dma_semaphore, #tpu.memory_space<semaphore_mem>>) src(%arg12 : memref<128x128xf32, #tpu.memory_space<vmem>>) dst(%dma_wait3A_263 : memref<10240x128xf32, #tpu.memory_space<vmem_shared>>)
        tpu.yield
      }) : () -> ()
      %dma_wait3A_138 = arith.constant 8 : i32
      %dma_wait3A_139 = arith.constant 0 : i32
      %dma_wait3A_140 = tpu.memref_slice %arg9[%dma_wait3A_138, %dma_wait3A_139] : memref<16x128xi32, #tpu.memory_space<vmem>> -> memref<1x128xi32, #tpu.memory_space<vmem>>
      %dma_wait3A_141 = tpu.memref_squeeze %dma_wait3A_140 : memref<1x128xi32, #tpu.memory_space<vmem>> -> memref<128xi32, #tpu.memory_space<vmem>>
      %dma_wait3A_142 = arith.constant 0 : i32
      %dma_wait3A_143 = arith.constant 0 : i32
      %dma_wait3A_144 = tpu.memref_slice %arg2[%dma_wait3A_142, %dma_wait3A_143] : memref<10240x128xf32, #tpu.memory_space<hbm>> -> memref<10240x128xf32, #tpu.memory_space<hbm>>
      tpu.wait_indirect_dma semaphore(%arg13 : memref<!tpu.dma_semaphore, #tpu.memory_space<semaphore_mem>>) src(%dma_wait3A_144 : memref<10240x128xf32, #tpu.memory_space<hbm>>) dst(%arg11 : memref<128x128xf32, #tpu.memory_space<vmem>>)
      %dma_start3A_145 = arith.constant 9 : i32
      %dma_start3A_146 = arith.constant 0 : i32
      %dma_start3A_147 = tpu.memref_slice %arg9[%dma_start3A_145, %dma_start3A_146] : memref<16x128xi32, #tpu.memory_space<vmem>> -> memref<1x128xi32, #tpu.memory_space<vmem>>
      %dma_start3A_148 = tpu.memref_squeeze %dma_start3A_147 : memref<1x128xi32, #tpu.memory_space<vmem>> -> memref<128xi32, #tpu.memory_space<vmem>>
      %dma_start3A_149 = arith.constant 0 : i32
      %dma_start3A_150 = arith.constant 0 : i32
      %dma_start3A_151 = tpu.memref_slice %arg2[%dma_start3A_149, %dma_start3A_150] : memref<10240x128xf32, #tpu.memory_space<hbm>> -> memref<10240x128xf32, #tpu.memory_space<hbm>>
      tpu.enqueue_indirect_dma source(%dma_start3A_151 : memref<10240x128xf32, #tpu.memory_space<hbm>>) target(%arg12 : memref<128x128xf32, #tpu.memory_space<vmem>>) offsets(%dma_start3A_148 : memref<128xi32, #tpu.memory_space<vmem>>) semaphore(%arg13 : memref<!tpu.dma_semaphore, #tpu.memory_space<semaphore_mem>>)
      %run_scoped3A_152 = arith.constant 8 : i32
      "tpu.region"() ({
        %run_scoped3A_251 = tpu.sem_alloc : memref<!tpu.dma_semaphore, #tpu.memory_space<semaphore_mem>>
        %dma_start3A_252 = arith.constant 0 : i32
        %dma_start3A_253 = tpu.memref_slice %arg10[%run_scoped3A_152, %dma_start3A_252] : memref<16x128xi32, #tpu.memory_space<vmem>> -> memref<1x128xi32, #tpu.memory_space<vmem>>
        %dma_start3A_254 = tpu.memref_squeeze %dma_start3A_253 : memref<1x128xi32, #tpu.memory_space<vmem>> -> memref<128xi32, #tpu.memory_space<vmem>>
        %dma_start3A_255 = arith.constant 0 : i32
        %dma_start3A_256 = arith.constant 0 : i32
        %dma_start3A_257 = tpu.memref_slice %arg8[%dma_start3A_255, %dma_start3A_256] : memref<10240x128xf32, #tpu.memory_space<vmem_shared>> -> memref<10240x128xf32, #tpu.memory_space<vmem_shared>>
        tpu.enqueue_indirect_dma source(%arg11 : memref<128x128xf32, #tpu.memory_space<vmem>>) target(%dma_start3A_257 : memref<10240x128xf32, #tpu.memory_space<vmem_shared>>) offsets(%dma_start3A_254 : memref<128xi32, #tpu.memory_space<vmem>>) semaphore(%run_scoped3A_251 : memref<!tpu.dma_semaphore, #tpu.memory_space<semaphore_mem>>) {add = true}
        %dma_wait3A_258 = arith.constant 0 : i32
        %dma_wait3A_259 = tpu.memref_slice %arg10[%run_scoped3A_152, %dma_wait3A_258] : memref<16x128xi32, #tpu.memory_space<vmem>> -> memref<1x128xi32, #tpu.memory_space<vmem>>
        %dma_wait3A_260 = tpu.memref_squeeze %dma_wait3A_259 : memref<1x128xi32, #tpu.memory_space<vmem>> -> memref<128xi32, #tpu.memory_space<vmem>>
        %dma_wait3A_261 = arith.constant 0 : i32
        %dma_wait3A_262 = arith.constant 0 : i32
        %dma_wait3A_263 = tpu.memref_slice %arg8[%dma_wait3A_261, %dma_wait3A_262] : memref<10240x128xf32, #tpu.memory_space<vmem_shared>> -> memref<10240x128xf32, #tpu.memory_space<vmem_shared>>
        tpu.wait_indirect_dma semaphore(%run_scoped3A_251 : memref<!tpu.dma_semaphore, #tpu.memory_space<semaphore_mem>>) src(%arg11 : memref<128x128xf32, #tpu.memory_space<vmem>>) dst(%dma_wait3A_263 : memref<10240x128xf32, #tpu.memory_space<vmem_shared>>)
        tpu.yield
      }) : () -> ()
      %dma_wait3A_153 = arith.constant 9 : i32
      %dma_wait3A_154 = arith.constant 0 : i32
      %dma_wait3A_155 = tpu.memref_slice %arg9[%dma_wait3A_153, %dma_wait3A_154] : memref<16x128xi32, #tpu.memory_space<vmem>> -> memref<1x128xi32, #tpu.memory_space<vmem>>
      %dma_wait3A_156 = tpu.memref_squeeze %dma_wait3A_155 : memref<1x128xi32, #tpu.memory_space<vmem>> -> memref<128xi32, #tpu.memory_space<vmem>>
      %dma_wait3A_157 = arith.constant 0 : i32
      %dma_wait3A_158 = arith.constant 0 : i32
      %dma_wait3A_159 = tpu.memref_slice %arg2[%dma_wait3A_157, %dma_wait3A_158] : memref<10240x128xf32, #tpu.memory_space<hbm>> -> memref<10240x128xf32, #tpu.memory_space<hbm>>
      tpu.wait_indirect_dma semaphore(%arg13 : memref<!tpu.dma_semaphore, #tpu.memory_space<semaphore_mem>>) src(%dma_wait3A_159 : memref<10240x128xf32, #tpu.memory_space<hbm>>) dst(%arg12 : memref<128x128xf32, #tpu.memory_space<vmem>>)
      %dma_start3A_160 = arith.constant 10 : i32
      %dma_start3A_161 = arith.constant 0 : i32
      %dma_start3A_162 = tpu.memref_slice %arg9[%dma_start3A_160, %dma_start3A_161] : memref<16x128xi32, #tpu.memory_space<vmem>> -> memref<1x128xi32, #tpu.memory_space<vmem>>
      %dma_start3A_163 = tpu.memref_squeeze %dma_start3A_162 : memref<1x128xi32, #tpu.memory_space<vmem>> -> memref<128xi32, #tpu.memory_space<vmem>>
      %dma_start3A_164 = arith.constant 0 : i32
      %dma_start3A_165 = arith.constant 0 : i32
      %dma_start3A_166 = tpu.memref_slice %arg2[%dma_start3A_164, %dma_start3A_165] : memref<10240x128xf32, #tpu.memory_space<hbm>> -> memref<10240x128xf32, #tpu.memory_space<hbm>>
      tpu.enqueue_indirect_dma source(%dma_start3A_166 : memref<10240x128xf32, #tpu.memory_space<hbm>>) target(%arg11 : memref<128x128xf32, #tpu.memory_space<vmem>>) offsets(%dma_start3A_163 : memref<128xi32, #tpu.memory_space<vmem>>) semaphore(%arg13 : memref<!tpu.dma_semaphore, #tpu.memory_space<semaphore_mem>>)
      %run_scoped3A_167 = arith.constant 9 : i32
      "tpu.region"() ({
        %run_scoped3A_251 = tpu.sem_alloc : memref<!tpu.dma_semaphore, #tpu.memory_space<semaphore_mem>>
        %dma_start3A_252 = arith.constant 0 : i32
        %dma_start3A_253 = tpu.memref_slice %arg10[%run_scoped3A_167, %dma_start3A_252] : memref<16x128xi32, #tpu.memory_space<vmem>> -> memref<1x128xi32, #tpu.memory_space<vmem>>
        %dma_start3A_254 = tpu.memref_squeeze %dma_start3A_253 : memref<1x128xi32, #tpu.memory_space<vmem>> -> memref<128xi32, #tpu.memory_space<vmem>>
        %dma_start3A_255 = arith.constant 0 : i32
        %dma_start3A_256 = arith.constant 0 : i32
        %dma_start3A_257 = tpu.memref_slice %arg8[%dma_start3A_255, %dma_start3A_256] : memref<10240x128xf32, #tpu.memory_space<vmem_shared>> -> memref<10240x128xf32, #tpu.memory_space<vmem_shared>>
        tpu.enqueue_indirect_dma source(%arg12 : memref<128x128xf32, #tpu.memory_space<vmem>>) target(%dma_start3A_257 : memref<10240x128xf32, #tpu.memory_space<vmem_shared>>) offsets(%dma_start3A_254 : memref<128xi32, #tpu.memory_space<vmem>>) semaphore(%run_scoped3A_251 : memref<!tpu.dma_semaphore, #tpu.memory_space<semaphore_mem>>) {add = true}
        %dma_wait3A_258 = arith.constant 0 : i32
        %dma_wait3A_259 = tpu.memref_slice %arg10[%run_scoped3A_167, %dma_wait3A_258] : memref<16x128xi32, #tpu.memory_space<vmem>> -> memref<1x128xi32, #tpu.memory_space<vmem>>
        %dma_wait3A_260 = tpu.memref_squeeze %dma_wait3A_259 : memref<1x128xi32, #tpu.memory_space<vmem>> -> memref<128xi32, #tpu.memory_space<vmem>>
        %dma_wait3A_261 = arith.constant 0 : i32
        %dma_wait3A_262 = arith.constant 0 : i32
        %dma_wait3A_263 = tpu.memref_slice %arg8[%dma_wait3A_261, %dma_wait3A_262] : memref<10240x128xf32, #tpu.memory_space<vmem_shared>> -> memref<10240x128xf32, #tpu.memory_space<vmem_shared>>
        tpu.wait_indirect_dma semaphore(%run_scoped3A_251 : memref<!tpu.dma_semaphore, #tpu.memory_space<semaphore_mem>>) src(%arg12 : memref<128x128xf32, #tpu.memory_space<vmem>>) dst(%dma_wait3A_263 : memref<10240x128xf32, #tpu.memory_space<vmem_shared>>)
        tpu.yield
      }) : () -> ()
      %dma_wait3A_168 = arith.constant 10 : i32
      %dma_wait3A_169 = arith.constant 0 : i32
      %dma_wait3A_170 = tpu.memref_slice %arg9[%dma_wait3A_168, %dma_wait3A_169] : memref<16x128xi32, #tpu.memory_space<vmem>> -> memref<1x128xi32, #tpu.memory_space<vmem>>
      %dma_wait3A_171 = tpu.memref_squeeze %dma_wait3A_170 : memref<1x128xi32, #tpu.memory_space<vmem>> -> memref<128xi32, #tpu.memory_space<vmem>>
      %dma_wait3A_172 = arith.constant 0 : i32
      %dma_wait3A_173 = arith.constant 0 : i32
      %dma_wait3A_174 = tpu.memref_slice %arg2[%dma_wait3A_172, %dma_wait3A_173] : memref<10240x128xf32, #tpu.memory_space<hbm>> -> memref<10240x128xf32, #tpu.memory_space<hbm>>
      tpu.wait_indirect_dma semaphore(%arg13 : memref<!tpu.dma_semaphore, #tpu.memory_space<semaphore_mem>>) src(%dma_wait3A_174 : memref<10240x128xf32, #tpu.memory_space<hbm>>) dst(%arg11 : memref<128x128xf32, #tpu.memory_space<vmem>>)
      %dma_start3A_175 = arith.constant 11 : i32
      %dma_start3A_176 = arith.constant 0 : i32
      %dma_start3A_177 = tpu.memref_slice %arg9[%dma_start3A_175, %dma_start3A_176] : memref<16x128xi32, #tpu.memory_space<vmem>> -> memref<1x128xi32, #tpu.memory_space<vmem>>
      %dma_start3A_178 = tpu.memref_squeeze %dma_start3A_177 : memref<1x128xi32, #tpu.memory_space<vmem>> -> memref<128xi32, #tpu.memory_space<vmem>>
      %dma_start3A_179 = arith.constant 0 : i32
      %dma_start3A_180 = arith.constant 0 : i32
      %dma_start3A_181 = tpu.memref_slice %arg2[%dma_start3A_179, %dma_start3A_180] : memref<10240x128xf32, #tpu.memory_space<hbm>> -> memref<10240x128xf32, #tpu.memory_space<hbm>>
      tpu.enqueue_indirect_dma source(%dma_start3A_181 : memref<10240x128xf32, #tpu.memory_space<hbm>>) target(%arg12 : memref<128x128xf32, #tpu.memory_space<vmem>>) offsets(%dma_start3A_178 : memref<128xi32, #tpu.memory_space<vmem>>) semaphore(%arg13 : memref<!tpu.dma_semaphore, #tpu.memory_space<semaphore_mem>>)
      %run_scoped3A_182 = arith.constant 10 : i32
      "tpu.region"() ({
        %run_scoped3A_251 = tpu.sem_alloc : memref<!tpu.dma_semaphore, #tpu.memory_space<semaphore_mem>>
        %dma_start3A_252 = arith.constant 0 : i32
        %dma_start3A_253 = tpu.memref_slice %arg10[%run_scoped3A_182, %dma_start3A_252] : memref<16x128xi32, #tpu.memory_space<vmem>> -> memref<1x128xi32, #tpu.memory_space<vmem>>
        %dma_start3A_254 = tpu.memref_squeeze %dma_start3A_253 : memref<1x128xi32, #tpu.memory_space<vmem>> -> memref<128xi32, #tpu.memory_space<vmem>>
        %dma_start3A_255 = arith.constant 0 : i32
        %dma_start3A_256 = arith.constant 0 : i32
        %dma_start3A_257 = tpu.memref_slice %arg8[%dma_start3A_255, %dma_start3A_256] : memref<10240x128xf32, #tpu.memory_space<vmem_shared>> -> memref<10240x128xf32, #tpu.memory_space<vmem_shared>>
        tpu.enqueue_indirect_dma source(%arg11 : memref<128x128xf32, #tpu.memory_space<vmem>>) target(%dma_start3A_257 : memref<10240x128xf32, #tpu.memory_space<vmem_shared>>) offsets(%dma_start3A_254 : memref<128xi32, #tpu.memory_space<vmem>>) semaphore(%run_scoped3A_251 : memref<!tpu.dma_semaphore, #tpu.memory_space<semaphore_mem>>) {add = true}
        %dma_wait3A_258 = arith.constant 0 : i32
        %dma_wait3A_259 = tpu.memref_slice %arg10[%run_scoped3A_182, %dma_wait3A_258] : memref<16x128xi32, #tpu.memory_space<vmem>> -> memref<1x128xi32, #tpu.memory_space<vmem>>
        %dma_wait3A_260 = tpu.memref_squeeze %dma_wait3A_259 : memref<1x128xi32, #tpu.memory_space<vmem>> -> memref<128xi32, #tpu.memory_space<vmem>>
        %dma_wait3A_261 = arith.constant 0 : i32
        %dma_wait3A_262 = arith.constant 0 : i32
        %dma_wait3A_263 = tpu.memref_slice %arg8[%dma_wait3A_261, %dma_wait3A_262] : memref<10240x128xf32, #tpu.memory_space<vmem_shared>> -> memref<10240x128xf32, #tpu.memory_space<vmem_shared>>
        tpu.wait_indirect_dma semaphore(%run_scoped3A_251 : memref<!tpu.dma_semaphore, #tpu.memory_space<semaphore_mem>>) src(%arg11 : memref<128x128xf32, #tpu.memory_space<vmem>>) dst(%dma_wait3A_263 : memref<10240x128xf32, #tpu.memory_space<vmem_shared>>)
        tpu.yield
      }) : () -> ()
      %dma_wait3A_183 = arith.constant 11 : i32
      %dma_wait3A_184 = arith.constant 0 : i32
      %dma_wait3A_185 = tpu.memref_slice %arg9[%dma_wait3A_183, %dma_wait3A_184] : memref<16x128xi32, #tpu.memory_space<vmem>> -> memref<1x128xi32, #tpu.memory_space<vmem>>
      %dma_wait3A_186 = tpu.memref_squeeze %dma_wait3A_185 : memref<1x128xi32, #tpu.memory_space<vmem>> -> memref<128xi32, #tpu.memory_space<vmem>>
      %dma_wait3A_187 = arith.constant 0 : i32
      %dma_wait3A_188 = arith.constant 0 : i32
      %dma_wait3A_189 = tpu.memref_slice %arg2[%dma_wait3A_187, %dma_wait3A_188] : memref<10240x128xf32, #tpu.memory_space<hbm>> -> memref<10240x128xf32, #tpu.memory_space<hbm>>
      tpu.wait_indirect_dma semaphore(%arg13 : memref<!tpu.dma_semaphore, #tpu.memory_space<semaphore_mem>>) src(%dma_wait3A_189 : memref<10240x128xf32, #tpu.memory_space<hbm>>) dst(%arg12 : memref<128x128xf32, #tpu.memory_space<vmem>>)
      %dma_start3A_190 = arith.constant 12 : i32
      %dma_start3A_191 = arith.constant 0 : i32
      %dma_start3A_192 = tpu.memref_slice %arg9[%dma_start3A_190, %dma_start3A_191] : memref<16x128xi32, #tpu.memory_space<vmem>> -> memref<1x128xi32, #tpu.memory_space<vmem>>
      %dma_start3A_193 = tpu.memref_squeeze %dma_start3A_192 : memref<1x128xi32, #tpu.memory_space<vmem>> -> memref<128xi32, #tpu.memory_space<vmem>>
      %dma_start3A_194 = arith.constant 0 : i32
      %dma_start3A_195 = arith.constant 0 : i32
      %dma_start3A_196 = tpu.memref_slice %arg2[%dma_start3A_194, %dma_start3A_195] : memref<10240x128xf32, #tpu.memory_space<hbm>> -> memref<10240x128xf32, #tpu.memory_space<hbm>>
      tpu.enqueue_indirect_dma source(%dma_start3A_196 : memref<10240x128xf32, #tpu.memory_space<hbm>>) target(%arg11 : memref<128x128xf32, #tpu.memory_space<vmem>>) offsets(%dma_start3A_193 : memref<128xi32, #tpu.memory_space<vmem>>) semaphore(%arg13 : memref<!tpu.dma_semaphore, #tpu.memory_space<semaphore_mem>>)
      %run_scoped3A_197 = arith.constant 11 : i32
      "tpu.region"() ({
        %run_scoped3A_251 = tpu.sem_alloc : memref<!tpu.dma_semaphore, #tpu.memory_space<semaphore_mem>>
        %dma_start3A_252 = arith.constant 0 : i32
        %dma_start3A_253 = tpu.memref_slice %arg10[%run_scoped3A_197, %dma_start3A_252] : memref<16x128xi32, #tpu.memory_space<vmem>> -> memref<1x128xi32, #tpu.memory_space<vmem>>
        %dma_start3A_254 = tpu.memref_squeeze %dma_start3A_253 : memref<1x128xi32, #tpu.memory_space<vmem>> -> memref<128xi32, #tpu.memory_space<vmem>>
        %dma_start3A_255 = arith.constant 0 : i32
        %dma_start3A_256 = arith.constant 0 : i32
        %dma_start3A_257 = tpu.memref_slice %arg8[%dma_start3A_255, %dma_start3A_256] : memref<10240x128xf32, #tpu.memory_space<vmem_shared>> -> memref<10240x128xf32, #tpu.memory_space<vmem_shared>>
        tpu.enqueue_indirect_dma source(%arg12 : memref<128x128xf32, #tpu.memory_space<vmem>>) target(%dma_start3A_257 : memref<10240x128xf32, #tpu.memory_space<vmem_shared>>) offsets(%dma_start3A_254 : memref<128xi32, #tpu.memory_space<vmem>>) semaphore(%run_scoped3A_251 : memref<!tpu.dma_semaphore, #tpu.memory_space<semaphore_mem>>) {add = true}
        %dma_wait3A_258 = arith.constant 0 : i32
        %dma_wait3A_259 = tpu.memref_slice %arg10[%run_scoped3A_197, %dma_wait3A_258] : memref<16x128xi32, #tpu.memory_space<vmem>> -> memref<1x128xi32, #tpu.memory_space<vmem>>
        %dma_wait3A_260 = tpu.memref_squeeze %dma_wait3A_259 : memref<1x128xi32, #tpu.memory_space<vmem>> -> memref<128xi32, #tpu.memory_space<vmem>>
        %dma_wait3A_261 = arith.constant 0 : i32
        %dma_wait3A_262 = arith.constant 0 : i32
        %dma_wait3A_263 = tpu.memref_slice %arg8[%dma_wait3A_261, %dma_wait3A_262] : memref<10240x128xf32, #tpu.memory_space<vmem_shared>> -> memref<10240x128xf32, #tpu.memory_space<vmem_shared>>
        tpu.wait_indirect_dma semaphore(%run_scoped3A_251 : memref<!tpu.dma_semaphore, #tpu.memory_space<semaphore_mem>>) src(%arg12 : memref<128x128xf32, #tpu.memory_space<vmem>>) dst(%dma_wait3A_263 : memref<10240x128xf32, #tpu.memory_space<vmem_shared>>)
        tpu.yield
      }) : () -> ()
      %dma_wait3A_198 = arith.constant 12 : i32
      %dma_wait3A_199 = arith.constant 0 : i32
      %dma_wait3A_200 = tpu.memref_slice %arg9[%dma_wait3A_198, %dma_wait3A_199] : memref<16x128xi32, #tpu.memory_space<vmem>> -> memref<1x128xi32, #tpu.memory_space<vmem>>
      %dma_wait3A_201 = tpu.memref_squeeze %dma_wait3A_200 : memref<1x128xi32, #tpu.memory_space<vmem>> -> memref<128xi32, #tpu.memory_space<vmem>>
      %dma_wait3A_202 = arith.constant 0 : i32
      %dma_wait3A_203 = arith.constant 0 : i32
      %dma_wait3A_204 = tpu.memref_slice %arg2[%dma_wait3A_202, %dma_wait3A_203] : memref<10240x128xf32, #tpu.memory_space<hbm>> -> memref<10240x128xf32, #tpu.memory_space<hbm>>
      tpu.wait_indirect_dma semaphore(%arg13 : memref<!tpu.dma_semaphore, #tpu.memory_space<semaphore_mem>>) src(%dma_wait3A_204 : memref<10240x128xf32, #tpu.memory_space<hbm>>) dst(%arg11 : memref<128x128xf32, #tpu.memory_space<vmem>>)
      %dma_start3A_205 = arith.constant 13 : i32
      %dma_start3A_206 = arith.constant 0 : i32
      %dma_start3A_207 = tpu.memref_slice %arg9[%dma_start3A_205, %dma_start3A_206] : memref<16x128xi32, #tpu.memory_space<vmem>> -> memref<1x128xi32, #tpu.memory_space<vmem>>
      %dma_start3A_208 = tpu.memref_squeeze %dma_start3A_207 : memref<1x128xi32, #tpu.memory_space<vmem>> -> memref<128xi32, #tpu.memory_space<vmem>>
      %dma_start3A_209 = arith.constant 0 : i32
      %dma_start3A_210 = arith.constant 0 : i32
      %dma_start3A_211 = tpu.memref_slice %arg2[%dma_start3A_209, %dma_start3A_210] : memref<10240x128xf32, #tpu.memory_space<hbm>> -> memref<10240x128xf32, #tpu.memory_space<hbm>>
      tpu.enqueue_indirect_dma source(%dma_start3A_211 : memref<10240x128xf32, #tpu.memory_space<hbm>>) target(%arg12 : memref<128x128xf32, #tpu.memory_space<vmem>>) offsets(%dma_start3A_208 : memref<128xi32, #tpu.memory_space<vmem>>) semaphore(%arg13 : memref<!tpu.dma_semaphore, #tpu.memory_space<semaphore_mem>>)
      %run_scoped3A_212 = arith.constant 12 : i32
      "tpu.region"() ({
        %run_scoped3A_251 = tpu.sem_alloc : memref<!tpu.dma_semaphore, #tpu.memory_space<semaphore_mem>>
        %dma_start3A_252 = arith.constant 0 : i32
        %dma_start3A_253 = tpu.memref_slice %arg10[%run_scoped3A_212, %dma_start3A_252] : memref<16x128xi32, #tpu.memory_space<vmem>> -> memref<1x128xi32, #tpu.memory_space<vmem>>
        %dma_start3A_254 = tpu.memref_squeeze %dma_start3A_253 : memref<1x128xi32, #tpu.memory_space<vmem>> -> memref<128xi32, #tpu.memory_space<vmem>>
        %dma_start3A_255 = arith.constant 0 : i32
        %dma_start3A_256 = arith.constant 0 : i32
        %dma_start3A_257 = tpu.memref_slice %arg8[%dma_start3A_255, %dma_start3A_256] : memref<10240x128xf32, #tpu.memory_space<vmem_shared>> -> memref<10240x128xf32, #tpu.memory_space<vmem_shared>>
        tpu.enqueue_indirect_dma source(%arg11 : memref<128x128xf32, #tpu.memory_space<vmem>>) target(%dma_start3A_257 : memref<10240x128xf32, #tpu.memory_space<vmem_shared>>) offsets(%dma_start3A_254 : memref<128xi32, #tpu.memory_space<vmem>>) semaphore(%run_scoped3A_251 : memref<!tpu.dma_semaphore, #tpu.memory_space<semaphore_mem>>) {add = true}
        %dma_wait3A_258 = arith.constant 0 : i32
        %dma_wait3A_259 = tpu.memref_slice %arg10[%run_scoped3A_212, %dma_wait3A_258] : memref<16x128xi32, #tpu.memory_space<vmem>> -> memref<1x128xi32, #tpu.memory_space<vmem>>
        %dma_wait3A_260 = tpu.memref_squeeze %dma_wait3A_259 : memref<1x128xi32, #tpu.memory_space<vmem>> -> memref<128xi32, #tpu.memory_space<vmem>>
        %dma_wait3A_261 = arith.constant 0 : i32
        %dma_wait3A_262 = arith.constant 0 : i32
        %dma_wait3A_263 = tpu.memref_slice %arg8[%dma_wait3A_261, %dma_wait3A_262] : memref<10240x128xf32, #tpu.memory_space<vmem_shared>> -> memref<10240x128xf32, #tpu.memory_space<vmem_shared>>
        tpu.wait_indirect_dma semaphore(%run_scoped3A_251 : memref<!tpu.dma_semaphore, #tpu.memory_space<semaphore_mem>>) src(%arg11 : memref<128x128xf32, #tpu.memory_space<vmem>>) dst(%dma_wait3A_263 : memref<10240x128xf32, #tpu.memory_space<vmem_shared>>)
        tpu.yield
      }) : () -> ()
      %dma_wait3A_213 = arith.constant 13 : i32
      %dma_wait3A_214 = arith.constant 0 : i32
      %dma_wait3A_215 = tpu.memref_slice %arg9[%dma_wait3A_213, %dma_wait3A_214] : memref<16x128xi32, #tpu.memory_space<vmem>> -> memref<1x128xi32, #tpu.memory_space<vmem>>
      %dma_wait3A_216 = tpu.memref_squeeze %dma_wait3A_215 : memref<1x128xi32, #tpu.memory_space<vmem>> -> memref<128xi32, #tpu.memory_space<vmem>>
      %dma_wait3A_217 = arith.constant 0 : i32
      %dma_wait3A_218 = arith.constant 0 : i32
      %dma_wait3A_219 = tpu.memref_slice %arg2[%dma_wait3A_217, %dma_wait3A_218] : memref<10240x128xf32, #tpu.memory_space<hbm>> -> memref<10240x128xf32, #tpu.memory_space<hbm>>
      tpu.wait_indirect_dma semaphore(%arg13 : memref<!tpu.dma_semaphore, #tpu.memory_space<semaphore_mem>>) src(%dma_wait3A_219 : memref<10240x128xf32, #tpu.memory_space<hbm>>) dst(%arg12 : memref<128x128xf32, #tpu.memory_space<vmem>>)
      %dma_start3A_220 = arith.constant 14 : i32
      %dma_start3A_221 = arith.constant 0 : i32
      %dma_start3A_222 = tpu.memref_slice %arg9[%dma_start3A_220, %dma_start3A_221] : memref<16x128xi32, #tpu.memory_space<vmem>> -> memref<1x128xi32, #tpu.memory_space<vmem>>
      %dma_start3A_223 = tpu.memref_squeeze %dma_start3A_222 : memref<1x128xi32, #tpu.memory_space<vmem>> -> memref<128xi32, #tpu.memory_space<vmem>>
      %dma_start3A_224 = arith.constant 0 : i32
      %dma_start3A_225 = arith.constant 0 : i32
      %dma_start3A_226 = tpu.memref_slice %arg2[%dma_start3A_224, %dma_start3A_225] : memref<10240x128xf32, #tpu.memory_space<hbm>> -> memref<10240x128xf32, #tpu.memory_space<hbm>>
      tpu.enqueue_indirect_dma source(%dma_start3A_226 : memref<10240x128xf32, #tpu.memory_space<hbm>>) target(%arg11 : memref<128x128xf32, #tpu.memory_space<vmem>>) offsets(%dma_start3A_223 : memref<128xi32, #tpu.memory_space<vmem>>) semaphore(%arg13 : memref<!tpu.dma_semaphore, #tpu.memory_space<semaphore_mem>>)
      %run_scoped3A_227 = arith.constant 13 : i32
      "tpu.region"() ({
        %run_scoped3A_251 = tpu.sem_alloc : memref<!tpu.dma_semaphore, #tpu.memory_space<semaphore_mem>>
        %dma_start3A_252 = arith.constant 0 : i32
        %dma_start3A_253 = tpu.memref_slice %arg10[%run_scoped3A_227, %dma_start3A_252] : memref<16x128xi32, #tpu.memory_space<vmem>> -> memref<1x128xi32, #tpu.memory_space<vmem>>
        %dma_start3A_254 = tpu.memref_squeeze %dma_start3A_253 : memref<1x128xi32, #tpu.memory_space<vmem>> -> memref<128xi32, #tpu.memory_space<vmem>>
        %dma_start3A_255 = arith.constant 0 : i32
        %dma_start3A_256 = arith.constant 0 : i32
        %dma_start3A_257 = tpu.memref_slice %arg8[%dma_start3A_255, %dma_start3A_256] : memref<10240x128xf32, #tpu.memory_space<vmem_shared>> -> memref<10240x128xf32, #tpu.memory_space<vmem_shared>>
        tpu.enqueue_indirect_dma source(%arg12 : memref<128x128xf32, #tpu.memory_space<vmem>>) target(%dma_start3A_257 : memref<10240x128xf32, #tpu.memory_space<vmem_shared>>) offsets(%dma_start3A_254 : memref<128xi32, #tpu.memory_space<vmem>>) semaphore(%run_scoped3A_251 : memref<!tpu.dma_semaphore, #tpu.memory_space<semaphore_mem>>) {add = true}
        %dma_wait3A_258 = arith.constant 0 : i32
        %dma_wait3A_259 = tpu.memref_slice %arg10[%run_scoped3A_227, %dma_wait3A_258] : memref<16x128xi32, #tpu.memory_space<vmem>> -> memref<1x128xi32, #tpu.memory_space<vmem>>
        %dma_wait3A_260 = tpu.memref_squeeze %dma_wait3A_259 : memref<1x128xi32, #tpu.memory_space<vmem>> -> memref<128xi32, #tpu.memory_space<vmem>>
        %dma_wait3A_261 = arith.constant 0 : i32
        %dma_wait3A_262 = arith.constant 0 : i32
        %dma_wait3A_263 = tpu.memref_slice %arg8[%dma_wait3A_261, %dma_wait3A_262] : memref<10240x128xf32, #tpu.memory_space<vmem_shared>> -> memref<10240x128xf32, #tpu.memory_space<vmem_shared>>
        tpu.wait_indirect_dma semaphore(%run_scoped3A_251 : memref<!tpu.dma_semaphore, #tpu.memory_space<semaphore_mem>>) src(%arg12 : memref<128x128xf32, #tpu.memory_space<vmem>>) dst(%dma_wait3A_263 : memref<10240x128xf32, #tpu.memory_space<vmem_shared>>)
        tpu.yield
      }) : () -> ()
      %dma_wait3A_228 = arith.constant 14 : i32
      %dma_wait3A_229 = arith.constant 0 : i32
      %dma_wait3A_230 = tpu.memref_slice %arg9[%dma_wait3A_228, %dma_wait3A_229] : memref<16x128xi32, #tpu.memory_space<vmem>> -> memref<1x128xi32, #tpu.memory_space<vmem>>
      %dma_wait3A_231 = tpu.memref_squeeze %dma_wait3A_230 : memref<1x128xi32, #tpu.memory_space<vmem>> -> memref<128xi32, #tpu.memory_space<vmem>>
      %dma_wait3A_232 = arith.constant 0 : i32
      %dma_wait3A_233 = arith.constant 0 : i32
      %dma_wait3A_234 = tpu.memref_slice %arg2[%dma_wait3A_232, %dma_wait3A_233] : memref<10240x128xf32, #tpu.memory_space<hbm>> -> memref<10240x128xf32, #tpu.memory_space<hbm>>
      tpu.wait_indirect_dma semaphore(%arg13 : memref<!tpu.dma_semaphore, #tpu.memory_space<semaphore_mem>>) src(%dma_wait3A_234 : memref<10240x128xf32, #tpu.memory_space<hbm>>) dst(%arg11 : memref<128x128xf32, #tpu.memory_space<vmem>>)
      %dma_start3A_235 = arith.constant 15 : i32
      %dma_start3A_236 = arith.constant 0 : i32
      %dma_start3A_237 = tpu.memref_slice %arg9[%dma_start3A_235, %dma_start3A_236] : memref<16x128xi32, #tpu.memory_space<vmem>> -> memref<1x128xi32, #tpu.memory_space<vmem>>
      %dma_start3A_238 = tpu.memref_squeeze %dma_start3A_237 : memref<1x128xi32, #tpu.memory_space<vmem>> -> memref<128xi32, #tpu.memory_space<vmem>>
      %dma_start3A_239 = arith.constant 0 : i32
      %dma_start3A_240 = arith.constant 0 : i32
      %dma_start3A_241 = tpu.memref_slice %arg2[%dma_start3A_239, %dma_start3A_240] : memref<10240x128xf32, #tpu.memory_space<hbm>> -> memref<10240x128xf32, #tpu.memory_space<hbm>>
      tpu.enqueue_indirect_dma source(%dma_start3A_241 : memref<10240x128xf32, #tpu.memory_space<hbm>>) target(%arg12 : memref<128x128xf32, #tpu.memory_space<vmem>>) offsets(%dma_start3A_238 : memref<128xi32, #tpu.memory_space<vmem>>) semaphore(%arg13 : memref<!tpu.dma_semaphore, #tpu.memory_space<semaphore_mem>>)
      %run_scoped3A_242 = arith.constant 14 : i32
      "tpu.region"() ({
        %run_scoped3A_251 = tpu.sem_alloc : memref<!tpu.dma_semaphore, #tpu.memory_space<semaphore_mem>>
        %dma_start3A_252 = arith.constant 0 : i32
        %dma_start3A_253 = tpu.memref_slice %arg10[%run_scoped3A_242, %dma_start3A_252] : memref<16x128xi32, #tpu.memory_space<vmem>> -> memref<1x128xi32, #tpu.memory_space<vmem>>
        %dma_start3A_254 = tpu.memref_squeeze %dma_start3A_253 : memref<1x128xi32, #tpu.memory_space<vmem>> -> memref<128xi32, #tpu.memory_space<vmem>>
        %dma_start3A_255 = arith.constant 0 : i32
        %dma_start3A_256 = arith.constant 0 : i32
        %dma_start3A_257 = tpu.memref_slice %arg8[%dma_start3A_255, %dma_start3A_256] : memref<10240x128xf32, #tpu.memory_space<vmem_shared>> -> memref<10240x128xf32, #tpu.memory_space<vmem_shared>>
        tpu.enqueue_indirect_dma source(%arg11 : memref<128x128xf32, #tpu.memory_space<vmem>>) target(%dma_start3A_257 : memref<10240x128xf32, #tpu.memory_space<vmem_shared>>) offsets(%dma_start3A_254 : memref<128xi32, #tpu.memory_space<vmem>>) semaphore(%run_scoped3A_251 : memref<!tpu.dma_semaphore, #tpu.memory_space<semaphore_mem>>) {add = true}
        %dma_wait3A_258 = arith.constant 0 : i32
        %dma_wait3A_259 = tpu.memref_slice %arg10[%run_scoped3A_242, %dma_wait3A_258] : memref<16x128xi32, #tpu.memory_space<vmem>> -> memref<1x128xi32, #tpu.memory_space<vmem>>
        %dma_wait3A_260 = tpu.memref_squeeze %dma_wait3A_259 : memref<1x128xi32, #tpu.memory_space<vmem>> -> memref<128xi32, #tpu.memory_space<vmem>>
        %dma_wait3A_261 = arith.constant 0 : i32
        %dma_wait3A_262 = arith.constant 0 : i32
        %dma_wait3A_263 = tpu.memref_slice %arg8[%dma_wait3A_261, %dma_wait3A_262] : memref<10240x128xf32, #tpu.memory_space<vmem_shared>> -> memref<10240x128xf32, #tpu.memory_space<vmem_shared>>
        tpu.wait_indirect_dma semaphore(%run_scoped3A_251 : memref<!tpu.dma_semaphore, #tpu.memory_space<semaphore_mem>>) src(%arg11 : memref<128x128xf32, #tpu.memory_space<vmem>>) dst(%dma_wait3A_263 : memref<10240x128xf32, #tpu.memory_space<vmem_shared>>)
        tpu.yield
      }) : () -> ()
      %dma_wait3A_243 = arith.constant 15 : i32
      %dma_wait3A_244 = arith.constant 0 : i32
      %dma_wait3A_245 = tpu.memref_slice %arg9[%dma_wait3A_243, %dma_wait3A_244] : memref<16x128xi32, #tpu.memory_space<vmem>> -> memref<1x128xi32, #tpu.memory_space<vmem>>
      %dma_wait3A_246 = tpu.memref_squeeze %dma_wait3A_245 : memref<1x128xi32, #tpu.memory_space<vmem>> -> memref<128xi32, #tpu.memory_space<vmem>>
      %dma_wait3A_247 = arith.constant 0 : i32
      %dma_wait3A_248 = arith.constant 0 : i32
      %dma_wait3A_249 = tpu.memref_slice %arg2[%dma_wait3A_247, %dma_wait3A_248] : memref<10240x128xf32, #tpu.memory_space<hbm>> -> memref<10240x128xf32, #tpu.memory_space<hbm>>
      tpu.wait_indirect_dma semaphore(%arg13 : memref<!tpu.dma_semaphore, #tpu.memory_space<semaphore_mem>>) src(%dma_wait3A_249 : memref<10240x128xf32, #tpu.memory_space<hbm>>) dst(%arg12 : memref<128x128xf32, #tpu.memory_space<vmem>>)
      %run_scoped3A_250 = arith.constant 15 : i32
      "tpu.region"() ({
        %run_scoped3A_251 = tpu.sem_alloc : memref<!tpu.dma_semaphore, #tpu.memory_space<semaphore_mem>>
        %dma_start3A_252 = arith.constant 0 : i32
        %dma_start3A_253 = tpu.memref_slice %arg10[%run_scoped3A_250, %dma_start3A_252] : memref<16x128xi32, #tpu.memory_space<vmem>> -> memref<1x128xi32, #tpu.memory_space<vmem>>
        %dma_start3A_254 = tpu.memref_squeeze %dma_start3A_253 : memref<1x128xi32, #tpu.memory_space<vmem>> -> memref<128xi32, #tpu.memory_space<vmem>>
        %dma_start3A_255 = arith.constant 0 : i32
        %dma_start3A_256 = arith.constant 0 : i32
        %dma_start3A_257 = tpu.memref_slice %arg8[%dma_start3A_255, %dma_start3A_256] : memref<10240x128xf32, #tpu.memory_space<vmem_shared>> -> memref<10240x128xf32, #tpu.memory_space<vmem_shared>>
        tpu.enqueue_indirect_dma source(%arg12 : memref<128x128xf32, #tpu.memory_space<vmem>>) target(%dma_start3A_257 : memref<10240x128xf32, #tpu.memory_space<vmem_shared>>) offsets(%dma_start3A_254 : memref<128xi32, #tpu.memory_space<vmem>>) semaphore(%run_scoped3A_251 : memref<!tpu.dma_semaphore, #tpu.memory_space<semaphore_mem>>) {add = true}
        %dma_wait3A_258 = arith.constant 0 : i32
        %dma_wait3A_259 = tpu.memref_slice %arg10[%run_scoped3A_250, %dma_wait3A_258] : memref<16x128xi32, #tpu.memory_space<vmem>> -> memref<1x128xi32, #tpu.memory_space<vmem>>
        %dma_wait3A_260 = tpu.memref_squeeze %dma_wait3A_259 : memref<1x128xi32, #tpu.memory_space<vmem>> -> memref<128xi32, #tpu.memory_space<vmem>>
        %dma_wait3A_261 = arith.constant 0 : i32
        %dma_wait3A_262 = arith.constant 0 : i32
        %dma_wait3A_263 = tpu.memref_slice %arg8[%dma_wait3A_261, %dma_wait3A_262] : memref<10240x128xf32, #tpu.memory_space<vmem_shared>> -> memref<10240x128xf32, #tpu.memory_space<vmem_shared>>
        tpu.wait_indirect_dma semaphore(%run_scoped3A_251 : memref<!tpu.dma_semaphore, #tpu.memory_space<semaphore_mem>>) src(%arg12 : memref<128x128xf32, #tpu.memory_space<vmem>>) dst(%dma_wait3A_263 : memref<10240x128xf32, #tpu.memory_space<vmem_shared>>)
        tpu.yield
      }) : () -> ()
    }
    %scan3A_7 = arith.constant 5 : i32
    %barrier3A_8 = arith.constant 0 : index
    tpu.barrier barrier_id(%barrier3A_8)
    "tpu.region"() ({
      %run_scoped3A = tpu.sem_alloc : memref<!tpu.dma_semaphore, #tpu.memory_space<semaphore_mem>>
      %dma_start3A = arith.constant 0 : i32
      %dma_start3A_9 = tpu.memref_slice %arg7[%arg0, %mul3A_2, %dma_start3A] : memref<2x10240x128xf32, #tpu.memory_space<hbm>> -> memref<1x640x128xf32, #tpu.memory_space<hbm>>
      %dma_start3A_10 = tpu.memref_squeeze %dma_start3A_9 : memref<1x640x128xf32, #tpu.memory_space<hbm>> -> memref<640x128xf32, #tpu.memory_space<hbm>>
      %dma_start3A_11 = arith.constant 0 : i32
      %dma_start3A_12 = tpu.memref_slice %arg8[%mul3A_2, %dma_start3A_11] : memref<10240x128xf32, #tpu.memory_space<vmem_shared>> -> memref<640x128xf32, #tpu.memory_space<vmem_shared>>
      tpu.enqueue_dma source(%dma_start3A_12 : memref<640x128xf32, #tpu.memory_space<vmem_shared>>) target(%dma_start3A_10 : memref<640x128xf32, #tpu.memory_space<hbm>>) target_semaphore(%run_scoped3A : memref<!tpu.dma_semaphore, #tpu.memory_space<semaphore_mem>>)
      %dma_wait3A = arith.constant 0 : i32
      %dma_wait3A_13 = tpu.memref_slice %arg7[%arg0, %mul3A_2, %dma_wait3A] : memref<2x10240x128xf32, #tpu.memory_space<hbm>> -> memref<1x640x128xf32, #tpu.memory_space<hbm>>
      %dma_wait3A_14 = tpu.memref_squeeze %dma_wait3A_13 : memref<1x640x128xf32, #tpu.memory_space<hbm>> -> memref<640x128xf32, #tpu.memory_space<hbm>>
      %dma_wait3A_15 = arith.constant 0 : i32
      %dma_wait3A_16 = tpu.memref_slice %arg8[%mul3A_2, %dma_wait3A_15] : memref<10240x128xf32, #tpu.memory_space<vmem_shared>> -> memref<640x128xf32, #tpu.memory_space<vmem_shared>>
      tpu.wait_dma2 semaphore(%run_scoped3A : memref<!tpu.dma_semaphore, #tpu.memory_space<semaphore_mem>>) src(%dma_wait3A_16 : memref<640x128xf32, #tpu.memory_space<vmem_shared>>) dst(%dma_wait3A_14 : memref<640x128xf32, #tpu.memory_space<hbm>>)
      tpu.yield
    }) : () -> ()
    return
  }
}

module attributes {stable_mosaic.version = 14 : i64} {
  func.func @body(%arg0: i32, %arg1: memref<2x256x128xf32, #tpu.memory_space<vmem>>, %arg2: memref<2x256x128xf32, #tpu.memory_space<vmem>>, %arg3: memref<256x128xf32, #tpu.memory_space<vmem>>, %arg4: memref<128x128xf32, #tpu.memory_space<vmem>>, %arg5: memref<128x128xf32, #tpu.memory_space<vmem>>, %arg6: memref<1x128xf32, #tpu.memory_space<vmem>>, %arg7: memref<256x128xf32, #tpu.memory_space<vmem>>) attributes {dimension_semantics = [#tpu.dimension_semantics<arbitrary>], iteration_bounds = array<i64: 40>, scalar_prefetch = 0 : i64, scratch_operands = 0 : i64, tpu.core_type = #tpu.core_type<tc>, window_params = [{transform_indices = @transform_0, window_bounds = array<i64: 2, 256, 128>}, {transform_indices = @transform_1, window_bounds = array<i64: 2, 256, 128>}, {transform_indices = @transform_2, window_bounds = array<i64: 256, 128>}, {pipeline_mode = #tpu.pipeline_mode<synchronous>, transform_indices = @transform_3, window_bounds = array<i64: 128, 128>}, {pipeline_mode = #tpu.pipeline_mode<synchronous>, transform_indices = @transform_4, window_bounds = array<i64: 128, 128>}, {pipeline_mode = #tpu.pipeline_mode<synchronous>, transform_indices = @transform_5, window_bounds = array<i64: 1, 128>}, {transform_indices = @transform_6, window_bounds = array<i64: 256, 128>}]} {
    %get3A = arith.constant 0 : index
    %get3A_0 = arith.constant 0 : index
    %get3A_1 = arith.constant 0 : index
    %get3A_2 = vector.load %arg1[%get3A, %get3A_0, %get3A_1] : memref<2x256x128xf32, #tpu.memory_space<vmem>>, vector<1x256x128xf32>
    %get3A_3 = vector.shape_cast %get3A_2 : vector<1x256x128xf32> to vector<256x128xf32>
    %get3A_4 = arith.constant 1 : index
    %get3A_5 = arith.constant 0 : index
    %get3A_6 = arith.constant 0 : index
    %get3A_7 = vector.load %arg1[%get3A_4, %get3A_5, %get3A_6] : memref<2x256x128xf32, #tpu.memory_space<vmem>>, vector<1x256x128xf32>
    %get3A_8 = vector.shape_cast %get3A_7 : vector<1x256x128xf32> to vector<256x128xf32>
    %add3A = arith.addf %get3A_3, %get3A_8 : vector<256x128xf32>
    %get3A_9 = arith.constant 0 : index
    %get3A_10 = arith.constant 0 : index
    %get3A_11 = arith.constant 0 : index
    %get3A_12 = vector.load %arg2[%get3A_9, %get3A_10, %get3A_11] : memref<2x256x128xf32, #tpu.memory_space<vmem>>, vector<1x256x128xf32>
    %get3A_13 = vector.shape_cast %get3A_12 : vector<1x256x128xf32> to vector<256x128xf32>
    %slice3A = vector.extract_strided_slice %get3A_13 {offsets = [0, 0], sizes = [256, 1], strides = [1, 1]} : vector<256x128xf32> to vector<256x1xf32>
    %get3A_14 = arith.constant 1 : index
    %get3A_15 = arith.constant 0 : index
    %get3A_16 = arith.constant 0 : index
    %get3A_17 = vector.load %arg2[%get3A_14, %get3A_15, %get3A_16] : memref<2x256x128xf32, #tpu.memory_space<vmem>>, vector<1x256x128xf32>
    %get3A_18 = vector.shape_cast %get3A_17 : vector<1x256x128xf32> to vector<256x128xf32>
    %slice3A_19 = vector.extract_strided_slice %get3A_18 {offsets = [0, 0], sizes = [256, 1], strides = [1, 1]} : vector<256x128xf32> to vector<256x1xf32>
    %add3A_20 = arith.addf %slice3A, %slice3A_19 : vector<256x1xf32>
    %max3A = arith.constant 1.000000e+00 : f32
    %max3A_21 = vector.broadcast %max3A : f32 to vector<256x1xf32>
    %max3A_22 = arith.maximumf %add3A_20, %max3A_21 : vector<256x1xf32>
    %div3A = arith.constant 1.000000e+00 : f32
    %div3A_23 = vector.broadcast %div3A : f32 to vector<256x1xf32>
    %div3A_24 = arith.divf %div3A_23, %max3A_22 : vector<256x1xf32>
    %mul3A = vector.broadcast %div3A_24 : vector<256x1xf32> to vector<256x128xf32>
    %mul3A_25 = arith.mulf %add3A, %mul3A : vector<256x128xf32>
    %get3A_26 = arith.constant 0 : index
    %get3A_27 = arith.constant 0 : index
    %get3A_28 = vector.load %arg4[%get3A_26, %get3A_27] : memref<128x128xf32, #tpu.memory_space<vmem>>, vector<128x128xf32>
    %dot_general3A = arith.constant dense<0.000000e+00> : vector<256x128xf32>
    %dot_general3A_29 = tpu.matmul %mul3A_25, %get3A_28, %dot_general3A {dimension_numbers = #tpu.dot_dimension_numbers<[1], [0], [0], [1], [0, 0, 1, 1], [], []>, transpose_lhs_hint = false} : vector<256x128xf32>, vector<128x128xf32>, vector<256x128xf32> -> vector<256x128xf32>
    %get3A_30 = arith.constant 0 : index
    %get3A_31 = arith.constant 0 : index
    %get3A_32 = vector.load %arg3[%get3A_30, %get3A_31] : memref<256x128xf32, #tpu.memory_space<vmem>>, vector<256x128xf32>
    %get3A_33 = arith.constant 0 : index
    %get3A_34 = arith.constant 0 : index
    %get3A_35 = vector.load %arg5[%get3A_33, %get3A_34] : memref<128x128xf32, #tpu.memory_space<vmem>>, vector<128x128xf32>
    %dot_general3A_36 = arith.constant dense<0.000000e+00> : vector<256x128xf32>
    %dot_general3A_37 = tpu.matmul %get3A_32, %get3A_35, %dot_general3A_36 {dimension_numbers = #tpu.dot_dimension_numbers<[1], [0], [0], [1], [0, 0, 1, 1], [], []>, transpose_lhs_hint = false} : vector<256x128xf32>, vector<128x128xf32>, vector<256x128xf32> -> vector<256x128xf32>
    %add3A_38 = arith.addf %dot_general3A_29, %dot_general3A_37 : vector<256x128xf32>
    %get3A_39 = arith.constant 0 : index
    %get3A_40 = arith.constant 0 : index
    %get3A_41 = vector.load %arg6[%get3A_39, %get3A_40] : memref<1x128xf32, #tpu.memory_space<vmem>>, vector<1x128xf32>
    %add3A_42 = vector.broadcast %get3A_41 : vector<1x128xf32> to vector<256x128xf32>
    %add3A_43 = arith.addf %add3A_38, %add3A_42 : vector<256x128xf32>
    %max3A_44 = arith.constant 0.000000e+00 : f32
    %max3A_45 = vector.broadcast %max3A_44 : f32 to vector<256x128xf32>
    %max3A_46 = arith.maximumf %add3A_43, %max3A_45 : vector<256x128xf32>
    %swap3A = arith.constant 0 : index
    %swap3A_47 = arith.constant 0 : index
    %swap3A_48 = vector.load %arg7[%swap3A, %swap3A_47] : memref<256x128xf32, #tpu.memory_space<vmem>>, vector<256x128xf32>
    tpu.vector_store %arg7[%swap3A, %swap3A_47], %max3A_46 {strides = array<i32>} : memref<256x128xf32, #tpu.memory_space<vmem>>, vector<256x128xf32>,
    return
  }
  func.func @transform_0(%arg0: i32) -> (i32, i32, i32) {
    %c0_i32 = arith.constant 0 : i32
    %c0_i32_0 = arith.constant 0 : i32
    %c0_i32_1 = arith.constant 0 : i32
    return %c0_i32, %arg0, %c0_i32_0 : i32, i32, i32
  }
  func.func @transform_1(%arg0: i32) -> (i32, i32, i32) {
    %c0_i32 = arith.constant 0 : i32
    %c0_i32_0 = arith.constant 0 : i32
    %c0_i32_1 = arith.constant 0 : i32
    return %c0_i32, %arg0, %c0_i32_0 : i32, i32, i32
  }
  func.func @transform_2(%arg0: i32) -> (i32, i32) {
    %c0_i32 = arith.constant 0 : i32
    %c0_i32_0 = arith.constant 0 : i32
    return %arg0, %c0_i32 : i32, i32
  }
  func.func @transform_3(%arg0: i32) -> (i32, i32) {
    %c0_i32 = arith.constant 0 : i32
    %c0_i32_0 = arith.constant 0 : i32
    %c0_i32_1 = arith.constant 0 : i32
    return %c0_i32, %c0_i32_0 : i32, i32
  }
  func.func @transform_4(%arg0: i32) -> (i32, i32) {
    %c0_i32 = arith.constant 0 : i32
    %c0_i32_0 = arith.constant 0 : i32
    %c0_i32_1 = arith.constant 0 : i32
    return %c0_i32, %c0_i32_0 : i32, i32
  }
  func.func @transform_5(%arg0: i32) -> (i32, i32) {
    %c0_i32 = arith.constant 0 : i32
    %c0_i32_0 = arith.constant 0 : i32
    %c0_i32_1 = arith.constant 0 : i32
    return %c0_i32, %c0_i32_0 : i32, i32
  }
  func.func @transform_6(%arg0: i32) -> (i32, i32) {
    %c0_i32 = arith.constant 0 : i32
    %c0_i32_0 = arith.constant 0 : i32
    return %arg0, %c0_i32 : i32, i32
  }
}

module attributes {stable_mosaic.version = 14 : i64} {
  func.func @body(%arg0: i32, %arg1: memref<2x256x128xf32, #tpu.memory_space<vmem>>, %arg2: memref<2x256x128xf32, #tpu.memory_space<vmem>>, %arg3: memref<256x128xf32, #tpu.memory_space<vmem>>, %arg4: memref<128x128xf32, #tpu.memory_space<vmem>>, %arg5: memref<128x128xf32, #tpu.memory_space<vmem>>, %arg6: memref<1x128xf32, #tpu.memory_space<vmem>>, %arg7: memref<256x128xf32, #tpu.memory_space<vmem>>) attributes {dimension_semantics = [#tpu.dimension_semantics<arbitrary>], iteration_bounds = array<i64: 40>, scalar_prefetch = 0 : i64, scratch_operands = 0 : i64, tpu.core_type = #tpu.core_type<tc>, window_params = [{transform_indices = @transform_0, window_bounds = array<i64: 2, 256, 128>}, {transform_indices = @transform_1, window_bounds = array<i64: 2, 256, 128>}, {transform_indices = @transform_2, window_bounds = array<i64: 256, 128>}, {pipeline_mode = #tpu.pipeline_mode<synchronous>, transform_indices = @transform_3, window_bounds = array<i64: 128, 128>}, {pipeline_mode = #tpu.pipeline_mode<synchronous>, transform_indices = @transform_4, window_bounds = array<i64: 128, 128>}, {pipeline_mode = #tpu.pipeline_mode<synchronous>, transform_indices = @transform_5, window_bounds = array<i64: 1, 128>}, {transform_indices = @transform_6, window_bounds = array<i64: 256, 128>}]} {
    %get3A = arith.constant 0 : index
    %get3A_0 = arith.constant 0 : index
    %get3A_1 = arith.constant 0 : index
    %get3A_2 = vector.load %arg1[%get3A, %get3A_0, %get3A_1] : memref<2x256x128xf32, #tpu.memory_space<vmem>>, vector<1x256x128xf32>
    %get3A_3 = vector.shape_cast %get3A_2 : vector<1x256x128xf32> to vector<256x128xf32>
    %get3A_4 = arith.constant 1 : index
    %get3A_5 = arith.constant 0 : index
    %get3A_6 = arith.constant 0 : index
    %get3A_7 = vector.load %arg1[%get3A_4, %get3A_5, %get3A_6] : memref<2x256x128xf32, #tpu.memory_space<vmem>>, vector<1x256x128xf32>
    %get3A_8 = vector.shape_cast %get3A_7 : vector<1x256x128xf32> to vector<256x128xf32>
    %add3A = arith.addf %get3A_3, %get3A_8 : vector<256x128xf32>
    %get3A_9 = arith.constant 0 : index
    %get3A_10 = arith.constant 0 : index
    %get3A_11 = arith.constant 0 : index
    %get3A_12 = vector.load %arg2[%get3A_9, %get3A_10, %get3A_11] : memref<2x256x128xf32, #tpu.memory_space<vmem>>, vector<1x256x128xf32>
    %get3A_13 = vector.shape_cast %get3A_12 : vector<1x256x128xf32> to vector<256x128xf32>
    %slice3A = vector.extract_strided_slice %get3A_13 {offsets = [0, 0], sizes = [256, 1], strides = [1, 1]} : vector<256x128xf32> to vector<256x1xf32>
    %get3A_14 = arith.constant 1 : index
    %get3A_15 = arith.constant 0 : index
    %get3A_16 = arith.constant 0 : index
    %get3A_17 = vector.load %arg2[%get3A_14, %get3A_15, %get3A_16] : memref<2x256x128xf32, #tpu.memory_space<vmem>>, vector<1x256x128xf32>
    %get3A_18 = vector.shape_cast %get3A_17 : vector<1x256x128xf32> to vector<256x128xf32>
    %slice3A_19 = vector.extract_strided_slice %get3A_18 {offsets = [0, 0], sizes = [256, 1], strides = [1, 1]} : vector<256x128xf32> to vector<256x1xf32>
    %add3A_20 = arith.addf %slice3A, %slice3A_19 : vector<256x1xf32>
    %max3A = arith.constant 1.000000e+00 : f32
    %max3A_21 = vector.broadcast %max3A : f32 to vector<256x1xf32>
    %max3A_22 = arith.maximumf %add3A_20, %max3A_21 : vector<256x1xf32>
    %div3A = arith.constant 1.000000e+00 : f32
    %div3A_23 = vector.broadcast %div3A : f32 to vector<256x1xf32>
    %div3A_24 = arith.divf %div3A_23, %max3A_22 : vector<256x1xf32>
    %mul3A = vector.broadcast %div3A_24 : vector<256x1xf32> to vector<256x128xf32>
    %mul3A_25 = arith.mulf %add3A, %mul3A : vector<256x128xf32>
    %get3A_26 = arith.constant 0 : index
    %get3A_27 = arith.constant 0 : index
    %get3A_28 = vector.load %arg4[%get3A_26, %get3A_27] : memref<128x128xf32, #tpu.memory_space<vmem>>, vector<128x128xf32>
    %dot_general3A = arith.constant dense<0.000000e+00> : vector<256x128xf32>
    %dot_general3A_29 = tpu.matmul %mul3A_25, %get3A_28, %dot_general3A {dimension_numbers = #tpu.dot_dimension_numbers<[1], [0], [0], [1], [0, 0, 1, 1], [], []>, transpose_lhs_hint = false} : vector<256x128xf32>, vector<128x128xf32>, vector<256x128xf32> -> vector<256x128xf32>
    %get3A_30 = arith.constant 0 : index
    %get3A_31 = arith.constant 0 : index
    %get3A_32 = vector.load %arg3[%get3A_30, %get3A_31] : memref<256x128xf32, #tpu.memory_space<vmem>>, vector<256x128xf32>
    %get3A_33 = arith.constant 0 : index
    %get3A_34 = arith.constant 0 : index
    %get3A_35 = vector.load %arg5[%get3A_33, %get3A_34] : memref<128x128xf32, #tpu.memory_space<vmem>>, vector<128x128xf32>
    %dot_general3A_36 = arith.constant dense<0.000000e+00> : vector<256x128xf32>
    %dot_general3A_37 = tpu.matmul %get3A_32, %get3A_35, %dot_general3A_36 {dimension_numbers = #tpu.dot_dimension_numbers<[1], [0], [0], [1], [0, 0, 1, 1], [], []>, transpose_lhs_hint = false} : vector<256x128xf32>, vector<128x128xf32>, vector<256x128xf32> -> vector<256x128xf32>
    %add3A_38 = arith.addf %dot_general3A_29, %dot_general3A_37 : vector<256x128xf32>
    %get3A_39 = arith.constant 0 : index
    %get3A_40 = arith.constant 0 : index
    %get3A_41 = vector.load %arg6[%get3A_39, %get3A_40] : memref<1x128xf32, #tpu.memory_space<vmem>>, vector<1x128xf32>
    %add3A_42 = vector.broadcast %get3A_41 : vector<1x128xf32> to vector<256x128xf32>
    %add3A_43 = arith.addf %add3A_38, %add3A_42 : vector<256x128xf32>
    %swap3A = arith.constant 0 : index
    %swap3A_44 = arith.constant 0 : index
    %swap3A_45 = vector.load %arg7[%swap3A, %swap3A_44] : memref<256x128xf32, #tpu.memory_space<vmem>>, vector<256x128xf32>
    tpu.vector_store %arg7[%swap3A, %swap3A_44], %add3A_43 {strides = array<i32>} : memref<256x128xf32, #tpu.memory_space<vmem>>, vector<256x128xf32>,
    return
  }
  func.func @transform_0(%arg0: i32) -> (i32, i32, i32) {
    %c0_i32 = arith.constant 0 : i32
    %c0_i32_0 = arith.constant 0 : i32
    %c0_i32_1 = arith.constant 0 : i32
    return %c0_i32, %arg0, %c0_i32_0 : i32, i32, i32
  }
  func.func @transform_1(%arg0: i32) -> (i32, i32, i32) {
    %c0_i32 = arith.constant 0 : i32
    %c0_i32_0 = arith.constant 0 : i32
    %c0_i32_1 = arith.constant 0 : i32
    return %c0_i32, %arg0, %c0_i32_0 : i32, i32, i32
  }
  func.func @transform_2(%arg0: i32) -> (i32, i32) {
    %c0_i32 = arith.constant 0 : i32
    %c0_i32_0 = arith.constant 0 : i32
    return %arg0, %c0_i32 : i32, i32
  }
  func.func @transform_3(%arg0: i32) -> (i32, i32) {
    %c0_i32 = arith.constant 0 : i32
    %c0_i32_0 = arith.constant 0 : i32
    %c0_i32_1 = arith.constant 0 : i32
    return %c0_i32, %c0_i32_0 : i32, i32
  }
  func.func @transform_4(%arg0: i32) -> (i32, i32) {
    %c0_i32 = arith.constant 0 : i32
    %c0_i32_0 = arith.constant 0 : i32
    %c0_i32_1 = arith.constant 0 : i32
    return %c0_i32, %c0_i32_0 : i32, i32
  }
  func.func @transform_5(%arg0: i32) -> (i32, i32) {
    %c0_i32 = arith.constant 0 : i32
    %c0_i32_0 = arith.constant 0 : i32
    %c0_i32_1 = arith.constant 0 : i32
    return %c0_i32, %c0_i32_0 : i32, i32
  }
  func.func @transform_6(%arg0: i32) -> (i32, i32) {
    %c0_i32 = arith.constant 0 : i32
    %c0_i32_0 = arith.constant 0 : i32
    return %arg0, %c0_i32 : i32, i32
  }
}

</mosaic_0001>

<sc_bundles>
// kernel: kernel.11.cloned.1.call-start
scs
__scs_entry_jumppad:
0x0: {  	(pc) =	sbr.rel $0x88, $3  }
0x1: {  	(tag) =	ssettag $0x0;
	lr =	simm.s32 $0x1  }
0x2: {  	[smem:$0x3F96] =	sst lr;
	_ =	strace $0xD0000000  }
0x3: {  	_ = 	snop  }
0x4: {  	_ = 	snop  }
0x5: {  	_ = 	snop  }
0x6: {  	_ = 	snop  }
0x7: {  	_ = 	snop  }
__scs_overlays_trampoline_lowered:
0x8: {  	[smem:$0x3FA5] =	sst s0  }
0x9: {  	[smem:$0x3FA6] =	sst s1  }
0xa: {  	[smem:$0x3FA7] =	sst s2  }
0xb: {  	[smem:$0x3FA8] =	sst s3  }
0xc: {  	[smem:$0x3FA9] =	sst s4  }
0xd: {  	[smem:$0x3FAA] =	sst s5  }
0xe: {  	[smem:$0x3FAB] =	sst s6  }
0xf: {  	[smem:$0x3FAC] =	sst s7  }
0x10: {  	[smem:$0x3FAD] =	sst s8  }
0x11: {  	[smem:$0x3FAE] =	sst s9;
	s0 =	simm.s32 @!p0 $0x0  }
0x12: {  	s1 =	sld [smem:$0x3F94];
	s0 =	simm.s32 @p0 $0x1  }
0x13: {  	[smem:$0x3FAF] =	sst s0;
	s0 =	simm.s32 @!p1 $0x0  }
0x14: {  	s2 =	sld [smem:$0x3F93];
	s0 =	simm.s32 @p1 $0x1  }
0x15: {  	[smem:$0x3FB0] =	sst s0;
	s0 =	simm.s32 @!p2 $0x0  }
0x16: {  	s3 =	sld [smem:$0x3FDB];
	s0 =	simm.s32 @p2 $0x1  }
0x17: {  	s4 =	simm.s32 $0x1BF5;
	[smem:$0x3FB2] =	sst s0  }
0x18: {  	s0 =	sld [smem:$0x3F95];
	_ =	swait.ge [sflag:s4], $0x0  }
0x19: {  	s7 =	sld [smem:$0x3F96]  }
0x1a: {  	s8 =	sadd.s32 $0xFFFFE003, lr  }
0x1b: {  	s9 =	sadd.s32 $0xFFFFFEF7, lr;
	s5 =	simm.s32 $0xFFFFFFFF;
	p2 =	slt.u32 s8, $0xFFFFF086  }
0x1c: {  	p1 =	slt.u32 s9, $0xF7A;
	s5 =	simm.s32 @!p2 $0x0  }
0x1d: {  	s5 =	simm.s32 @p1 $0x1;
	p0 =	seq.s32 s7, s2  }
0x1e: {  	s7 =	smul.u32 @!p0 $0xF7A, s2;
	p2 =	seq.s32 @!p0 s5, $0x0  }
0x1f: {  	s9 =	smul.u32 $0xF7A, s1;
	s8 =	simm.s32 @!p0 $0x1BF5;
	p2 =	por !p2, p0  }
0x20: {  	[sflag:s8] =	ssyncset.s32 @!p0 $0xFFFFF086;
	s6 =	sadd.s32 @!p0 s3, s7;
	s7 =	simm.s32 @!p0 $0x108  }
0x21: {  	s3 =	sadd.s32 s3, s9;
	s6 =	sadd.s32 @!p0 $0x88, s6;
	s7 =	simm.s32 @p2 $0x1082  }
0x22: {  	[simem:s7], [sflag:s8] =	dma.local @!p0 [hbm:s6], $0xF7A  }
0x23: {  	s9 =	sor.u32 $0xD0000000, s2;
	s6 =	simm.s32 $0x108;
	_ =	swait.ge @!p0 [sflag:s8], $0x0  }
0x24: {  	s3 =	sadd.s32 $0x88, s3;
	s6 =	simm.s32 @!p1 $0x1082;
	[sflag:s4] =	ssyncset.s32 $0xFFFFF086  }
0x25: {  	[simem:s6], [sflag:s4] =	dma.local [hbm:s3], $0xF7A  }
0x26: {  	[smem:$0x3F96] =	sst s1;
	(tag) =	ssettag s2;
	_ =	strace s9  }
0x27: {  	s1 =	sld [smem:$0x3FA6]  }
0x28: {  	s2 =	sld [smem:$0x3FA7]  }
0x29: {  	s4 =	sld [smem:$0x3FA9]  }
0x2a: {  	p0 =	seq.s32 s5, $0x0;
	s5 =	sld [smem:$0x3FAA]  }
0x2b: {  	s6 =	sld [smem:$0x3FAB]  }
0x2c: {  	s7 =	sld [smem:$0x3FAC]  }
0x2d: {  	s3 =	simm.s32 $0x108;
	s8 =	sld [smem:$0x3FAD]  }
0x2e: {  	s3 =	simm.s32 @!p0 $0x1082;
	s9 =	sld [smem:$0x3FAE]  }
0x2f: {  	lr =	sadd.s32 s0, s3;
	s0 =	sld [smem:$0x3FA5]  }
0x30: {  	s3 =	sld [smem:$0x3FA8]  }
0x31: {  	[smem:$0x3FB1] =	sst s10  }
0x32: {  	s10 =	sld [smem:$0x3FAF];
	_ =	sdelay $0x3  }
0x33: {  	p0 =	seq.s32 s10, $0x1;
	s10 =	sld [smem:$0x3FB1];
	_ =	sdelay $0x3  }
0x34: {  	[smem:$0x3FB1] =	sst s10  }
0x35: {  	s10 =	sld [smem:$0x3FB0];
	_ =	sdelay $0x3  }
0x36: {  	p1 =	seq.s32 s10, $0x1;
	s10 =	sld [smem:$0x3FB1];
	_ =	sdelay $0x3  }
0x37: {  	[smem:$0x3FB1] =	sst s10  }
0x38: {  	s10 =	sld [smem:$0x3FB2]  }
0x39: {  	_ = 	snop;
	(pc) =	sbr.ind lr, $3  }
0x3a: {  	_ = 	snop  }
0x3b: {  	_ = 	snop  }
0x3c: {  	p2 =	seq.s32 s10, $0x1;
	s10 =	sld [smem:$0x3FB1]  }
0x3d: {  	_ =	shalt  }
0x3e: {  	_ =	shalt  }
0x3f: {  	_ =	shalt  }
0x40: {  	_ =	shalt  }
0x41: {  	_ =	shalt  }
0x42: {  	_ =	shalt  }
0x43: {  	_ =	shalt  }
0x44: {  	_ =	shalt  }
0x45: {  	_ =	shalt  }
0x46: {  	_ =	shalt  }
0x47: {  	_ =	shalt  }
0x48: {  	_ =	shalt  }
0x49: {  	_ =	shalt  }
0x4a: {  	_ =	shalt  }
0x4b: {  	_ =	shalt  }
0x4c: {  	_ =	shalt  }
0x4d: {  	_ =	shalt  }
0x4e: {  	_ =	shalt  }
0x4f: {  	_ =	shalt  }
0x50: {  	_ =	shalt  }
0x51: {  	_ =	shalt  }
0x52: {  	_ =	shalt  }
0x53: {  	_ =	shalt  }
0x54: {  	_ =	shalt  }
0x55: {  	_ =	shalt  }
0x56: {  	_ =	shalt  }
0x57: {  	_ =	shalt  }
0x58: {  	_ =	shalt  }
0x59: {  	_ =	shalt  }
0x5a: {  	_ =	shalt  }
0x5b: {  	_ =	shalt  }
0x5c: {  	_ =	shalt  }
0x5d: {  	_ =	shalt  }
0x5e: {  	_ =	shalt  }
0x5f: {  	_ =	shalt  }
0x60: {  	_ =	shalt  }
0x61: {  	_ =	shalt  }
0x62: {  	_ =	shalt  }
0x63: {  	_ =	shalt  }
0x64: {  	_ =	shalt  }
0x65: {  	_ =	shalt  }
0x66: {  	_ =	shalt  }
0x67: {  	_ =	shalt  }
0x68: {  	_ =	shalt  }
0x69: {  	_ =	shalt  }
0x6a: {  	_ =	shalt  }
0x6b: {  	_ =	shalt  }
0x6c: {  	_ =	shalt  }
0x6d: {  	_ =	shalt  }
0x6e: {  	_ =	shalt  }
0x6f: {  	_ =	shalt  }
0x70: {  	_ =	shalt  }
0x71: {  	_ =	shalt  }
0x72: {  	_ =	shalt  }
0x73: {  	_ =	shalt  }
0x74: {  	_ =	shalt  }
0x75: {  	_ =	shalt  }
0x76: {  	_ =	shalt  }
0x77: {  	_ =	shalt  }
0x78: {  	_ =	shalt  }
0x79: {  	_ =	shalt  }
0x7a: {  	_ =	shalt  }
0x7b: {  	_ =	shalt  }
0x7c: {  	_ =	shalt  }
0x7d: {  	_ =	shalt  }
0x7e: {  	_ =	shalt  }
0x7f: {  	_ =	shalt  }
0x80: {  	_ =	shalt  }
0x81: {  	_ =	shalt  }
0x82: {  	_ =	shalt  }
0x83: {  	_ =	shalt  }
0x84: {  	_ =	shalt  }
0x85: {  	_ =	shalt  }
0x86: {  	_ =	shalt  }
0x87: {  	_ =	shalt  }
.Lfunc_end0:
.L_simem_size_0:
called_computation.1_lowered:
.L_overlay_start_0:
0x88: {  	s2 =	sld [smem:$0x3FD9]  }
0x89: {  	s3 =	sld [smem:$0x3FFE];
	_ =	sdelay $0x1  }
0x8a: {  	s1 =	srdreg.scid  }
0x8b: {  	s0 =	sand.u32 $0x1, s1  }
0x8c: {  	s17 =	sshll.u32 s0, $0xA;
	s2 =	sadd.s32 s3, s2  }
0x8d: {  	s2 =	sadd.s32 s2, s17  }
0x8e: {  	[smem:$0x3FBD] =	sst s2  }
0x8f: {  	_ = 	snop  }
0x90: {  	s2 =	sld [smem:$0x3FD0];
	(tm) =	ssettm $0x1  }
0x91: {  	s18 =	sld [smem:$0x3FFB];
	_ =	sdelay $0x3  }
0x92: {  	_ =	strace s18  }
0x93: {  	s3 =	sld [smem:$0x3FFC];
	_ =	sdelay $0x3  }
0x94: {  	_ =	strace s3  }
0x95: {  	s3 =	sld [smem:$0x3FFD];
	_ =	sdelay $0x3  }
0x96: {  	_ =	strace s3  }
0x97: {  	_ =	strace $0x8FFFFFFF  }
0x98: {  	s19 =	sld [smem:$0x3FDB];
	_ =	sdelay $0x1  }
0x99: {  	s4 =	simm.s32 $_scs_section_size  }
0x9a: {  	s5 =	simm.s32 $_size__tile_overlayer_lowered;
	s6 =	simm.s32 $_tile_overlayer_lowered  }
0x9b: {  	s22 =	simm.s32 $0x1BFF;
	s21 =	sshll.u32 s6, $0x1;
	s3 =	sadd.s32 s4, s19  }
0x9c: {  	s7 =	simm.s32 $0x0;
	s20 =	sshll.u32 s5, $0x1;
	s5 =	sadd.s32 s21, s3  }
0x9d: {  	[timem:s7], [sflag:s22] =	dma.local [hbm:s5], s20  }
0x9e: {  	_ =	swait.ge [sflag:s22], s20  }
0x9f: {  	s4 =	ssub.s32 $0x0, s20;
	[sflag:s22] =	ssyncset.done $0x0  }
0xa0: {  	[sflag:s22] =	ssyncadd.s32 s4;
	_ =	sdelay $0x1  }
0xa1: {  	s23 =	simm.s32 $0x1B8B  }
0xa2: {  	_ =	swait.ge [sflag:s23], $0x1  }
0xa3: {  	[sflag:s23] =	ssyncset.done $0x0  }
0xa4: {  	s25 =	simm.s32 $0x1B8E;
	s24 =	sld [smem:$0x3FFE];
	[sflag:s23] =	ssyncadd.s32 $0xFFFFFFFF  }
0xa5: {  	s26 =	simm.s32 $execute0_lowered;
	[smem:$0x3FD2] =	sst s25  }
0xa6: {  	s5 =	sshll.u32 s26, $0x1;
	_ =	strace $0x80000049;
	[dreg:$0x1] =	wrdreg $0xFFFFFFFF  }
0xa7: {  	s28 =	simm.s32 $_size_execute0_lowered;
	s3 =	sadd.s32 s3, s5;
	[dreg:$0x0] =	wrdreg $0x0  }
0xa8: {  	s5 =	sshll.u32 s28, $0x1;
	[dreg:$0x2] =	wrdreg s3  }
0xa9: {  	[dreg:$0x3] =	wrdreg s5  }
0xaa: {  	[dreg:$0x4] =	wrdreg $0xC0  }
0xab: {  	_ =	task [dreg:s7], $0x5FFFF  }
0xac: {  	[dreg:$0x1] =	wrdreg $0xFFFFFFFF  }
0xad: {  	[dreg:$0x0] =	wrdreg $0x60  }
0xae: {  	[dreg:$0x2] =	wrdreg s24  }
0xaf: {  	[dreg:$0x3] =	wrdreg s2  }
0xb0: {  	[dreg:$0x4] =	wrdreg $0x0  }
0xb1: {  	[dreg:$0x5] =	wrdreg $0x9  }
0xb2: {  	_ =	task.clear_ibuf [dreg:s7], $0x6FFFF;
	_ =	strace $0x90000049  }
0xb3: {  	s29 =	simm.s32 $0x9;
	_ =	strace $0x8000004B  }
0xb4: {  	_ =	swait.ge [sflag:s29], $0x1  }
0xb5: {  	[sflag:s29] =	ssyncadd.s32 $0xFFFFFFFF  }
0xb6: {  	_ =	strace $0x9000004B  }
0xb7: {  	_ =	sfence  }
0xb8: {  	s30 =	sld [smem:$0x0];
	_ =	sdelay $0x2  }
0xb9: {  	s31 =	sshll.u32 s1, $0xD;
	s1 =	sshrl.u32 s1, $0x2  }
0xba: {  	s3 =	sand.u32 $0x4000, s31;
	s1 =	sadd.s32 s1, s30  }
0xbb: {  	s0 =	sor.u32 s3, s0;
	s1 =	sshll.u32 s1, $0x11  }
0xbc: {  	s0 =	sor.u32 s1, s0  }
0xbd: {  	s0 =	sadd.s32 $0x8F2B, s0  }
0xbe: {  	[sflag:s0] =	ssyncadd.remote.s32 $0x1  }
0xbf: {  	_ =	sfence.sel $0xFFFF  }
0xc0: {  	[dreg:$0x0] =	wrdreg $0xFFFFFFFF;
	(pc) =	sbr.abs _section_cstart, $3  }
0xc1: {  	[dreg:$0x1] =	wrdreg $0xFFFFFFFF  }
0xc2: {  	_ =	task.clear_ibuf [dreg:s7], $0x2FFFF;
	_ =	strace $0x9FFFFFFF  }
0xc3: {  	(tm) =	ssettm $0x7FFFFFFF  }
tec
execute0_lowered:
.L_overlay_start_1:
0x0: {  	(tag) =	ssettag $0x1  }
0x1: {  	s0 =	rddreg [dreg:$0x0]  }
0x2: {  	s1 =	srdreg.scid;
	s5 =	rddreg [dreg:$0x1]  }
0x3: {  	s10 =	stileid.u32;
	s2 =	rddreg [dreg:$0x2]  }
0x4: {  	s3 =	simm.s32 $0x0;
	s12 =	simm.s32 $0x14080;
	s14 =	simm.s32 $0x14100  }
0x5: {  	s15 =	simm.s32 $0x14880;
	[smem:$0x7FF] =	sst s3;
	s25 =	sadd.s32 $0x35800, s0  }
0x6: {  	s17 =	simm.s32 $0x14180;
	_ =	strace $0x8000004A;
	[dreg:$0x13] =	wrdreg s25  }
0x7: {  	s18 =	simm.s32 $0x14900;
	s19 =	simm.s32 $0x14200;
	[dreg:$0x6] =	wrdreg s12  }
0x8: {  	s20 =	simm.s32 $0x14980;
	s21 =	simm.s32 $0x14280;
	[dreg:$0x7] =	wrdreg s14  }
0x9: {  	s22 =	simm.s32 $0x14A00;
	s23 =	simm.s32 $0x14300;
	[dreg:$0x8] =	wrdreg s15  }
0xa: {  	s28 =	simm.s32 $0x14680;
	s29 =	simm.s32 $0x14E00;
	[dreg:$0x9] =	wrdreg s17  }
0xb: {  	s30 =	simm.s32 $0x14700;
	s6 =	smul.u32 $0x2800, s10;
	[dreg:$0xa] =	wrdreg s18  }
0xc: {  	s31 =	simm.s32 $0x14E80;
	s24 =	smul.u32 $0x14000, s10;
	[dreg:$0xb] =	wrdreg s19  }
0xd: {  	s1 =	sand.u32 $0x1, s1;
	s11 =	smul.u32 $0x50000, s10;
	[dreg:$0xc] =	wrdreg s20  }
0xe: {  	s16 =	sshll.u32 s10, $0x6;
	s4 =	smul.u32 $0x28000, s1;
	[dreg:$0xd] =	wrdreg s21  }
0xf: {  	s10 =	simm.s32 $0x2;
	s7 =	smul.u32 $0x140000, s1;
	[dreg:$0xe] =	wrdreg s22  }
0x10: {  	s1 =	ssub.s32 $0x2, s1;
	s12 =	simm.s32 $0x14800;
	[dreg:$0xf] =	wrdreg s23  }
0x11: {  	s25 =	simm.s32 $0x14380;
	s14 =	simm.s32 $0x15000;
	s15 =	simm.s32 $0x1  }
0x12: {  	s17 =	simm.s32 $0x14400;
	s18 =	simm.s32 $0x14B80;
	s19 =	simm.s32 $0x14480  }
0x13: {  	s20 =	simm.s32 $0x14C00;
	s21 =	simm.s32 $0x14500;
	s22 =	simm.s32 $0x14C80  }
0x14: {  	s23 =	simm.s32 $0x14580;
	s26 =	sshrl.u32 s1, $0x1;
	s13 =	sshrl.u32 s11, $0x2  }
0x15: {  	s11 =	simm.s32 $0x14000;
	[dreg:$0x11] =	wrdreg s25;
	s25 =	simm.s32 $0x14600  }
0x16: {  	s4 =	sadd.s32 s6, s4;
	s6 =	sadd.s32 s24, s7;
	s1 =	ssub.s32 s1, s26  }
0x17: {  	s7 =	sor.u32 $0x1C02, s16;
	s24 =	simm.s32 $0x14A80;
	s26 =	simm.s32 $0x14B00  }
0x18: {  	s16 =	simm.s32 $0x19000;
	s8 =	sshrl.u32 s4, $0x3;
	s4 =	sadd.s32 $0xD800, s0  }
0x19: {  	s6 =	sshrl.u32 s6, $0x3;
	s1 =	smax.u32 s1, $0x1;
	[dreg:$0x10] =	wrdreg s24  }
0x1a: {  	[dreg:$0x12] =	wrdreg s26;
	s24 =	simm.s32 $0x14D00;
	s26 =	simm.s32 $0x14D80  }
0x1b: {  	[dreg:$0x14] =	wrdreg s7;
	s9 =	sadd.s32 s8, s0;
	s0 =	sadd.s32 s6, s0  }
0x1c: {  	s5 =	sadd.s32 s8, s5;
	s6 =	sadd.s32 s13, s2;
	[dreg:$0x16] =	wrdreg s1  }
0x1d: {  	s13 =	simm.s32 $0x80;
	s9 =	sadd.s32 $0x3800, s9;
	[dreg:$0x5] =	wrdreg s5  }
0x1e: {  	s1 =	simm.s32 $0x14780;
	s0 =	sadd.s32 $0x38800, s0;
	[dreg:$0x4] =	wrdreg s9  }
0x1f: {  	s8 =	sshrl.u32 s6, $0x3;
	s5 =	simm.s32 $0x14F80;
	[dreg:$0x15] =	wrdreg s0  }
0x20: {  	s0 =	simm.s32 $0x14F00;
	s9 =	simm.s32 $0x0;
	[dreg:$0x17] =	wrdreg s8  }
.LBB2_1:
0x21: {  	[dreg:$0x18] =	wrdreg s9  }
0x22: {  	s6 =	rddreg [dreg:$0x13]  }
0x23: {  	[spmem:s8], [sflag:s7] =	dma.local [hbm:s6], $0x2800  }
0x24: {  	_ =	swait.ge [sflag:s10], $0x2800  }
0x25: {  	[sflag:s10] =	ssyncset.done $0x0  }
0x26: {  	[sflag:s10] =	ssyncadd.s32 $0xFFFFD800  }
0x27: {  	[bflag:$0x0] =	sbarrier.arrive $0xFFFF  }
0x28: {  	s9 =	rddreg [dreg:$0x5]  }
0x29: {  	s6 =	sadd.s32 $0x0, s9  }
0x2a: {  	[tilespmem:s11], [sflag:$0x2] =	stream.linear.gather [hbm4b:s6+s3], $0x800, $0x38;
	[tilespmem:$0x1D000] =	vst v63  }
0x2b: {  	_ =	swait.ge [sflag:s10], $0x800  }
0x2c: {  	s7 =	rddreg [dreg:$0x4];
	[sflag:s10] =	ssyncset.done $0x0  }
0x2d: {  	[sflag:s10] =	ssyncadd.s32 $0xFFFFF800;
	s6 =	sadd.s32 $0x0, s7  }
0x2e: {  	[tilespmem:s12], [sflag:$0x2] =	stream.linear.gather [hbm4b:s6+s3], $0x800, $0x38;
	[tilespmem:$0x1D000] =	vst v63  }
0x2f: {  	_ =	swait.ge [sflag:s10], $0x800  }
0x30: {  	[sflag:s10] =	ssyncset.done $0x0  }
0x31: {  	[sflag:s10] =	ssyncadd.s32 $0xFFFFF800  }
0x32: {  	[tilespmem:s14], [sflag:$0x1] =	stream.indirect.gather [hbm4b:s4+s13], $0x80, s11, s13, $0xb8;
	[tilespmem:$0x1D000] =	vst v63  }
0x33: {  	_ =	swait.ge [sflag:s15], $0x4000  }
0x34: {  	[sflag:s15] =	ssyncset.done $0x0  }
0x35: {  	s8 =	rddreg [dreg:$0x6];
	[sflag:s15] =	ssyncadd.s32 $0xFFFFC000  }
0x36: {  	[tilespmem:s16], [sflag:$0x1] =	stream.indirect.gather [hbm4b:s4+s13], $0x80, s8, s13, $0xb8;
	[tilespmem:$0x1D000] =	vst v63  }
0x37: {  	_ = 	snop  }
0x38: {  	[spmem:s2] =	stream.indirect.scatter.add.f32 [tilespmem:s14], [sflag:$0x2], $0x80, s12, s13, $0xb8;
	[tilespmem:$0x1D000] =	vst v63  }
0x39: {  	_ =	swait.ge [sflag:s10], $0x4000  }
0x3a: {  	[sflag:s10] =	ssyncset.done $0x0  }
0x3b: {  	[sflag:s10] =	ssyncadd.s32 $0xFFFFC000  }
0x3c: {  	_ =	swait.ge [sflag:s15], $0x4000  }
0x3d: {  	[sflag:s15] =	ssyncset.done $0x0  }
0x3e: {  	s9 =	rddreg [dreg:$0x7];
	[sflag:s15] =	ssyncadd.s32 $0xFFFFC000  }
0x3f: {  	[tilespmem:s14], [sflag:$0x1] =	stream.indirect.gather [hbm4b:s4+s13], $0x80, s9, s13, $0xb8;
	[tilespmem:$0x1D000] =	vst v63  }
0x40: {  	s7 =	rddreg [dreg:$0x8]  }
0x41: {  	[spmem:s2] =	stream.indirect.scatter.add.f32 [tilespmem:s16], [sflag:$0x2], $0x80, s7, s13, $0xb8;
	[tilespmem:$0x1D000] =	vst v63  }
0x42: {  	_ =	swait.ge [sflag:s10], $0x4000  }
0x43: {  	[sflag:s10] =	ssyncset.done $0x0  }
0x44: {  	[sflag:s10] =	ssyncadd.s32 $0xFFFFC000  }
0x45: {  	_ =	swait.ge [sflag:s15], $0x4000  }
0x46: {  	[sflag:s15] =	ssyncset.done $0x0  }
0x47: {  	s9 =	rddreg [dreg:$0x9];
	[sflag:s15] =	ssyncadd.s32 $0xFFFFC000  }
0x48: {  	[tilespmem:s16], [sflag:$0x1] =	stream.indirect.gather [hbm4b:s4+s13], $0x80, s9, s13, $0xb8;
	[tilespmem:$0x1D000] =	vst v63  }
0x49: {  	s7 =	rddreg [dreg:$0xa]  }
0x4a: {  	[spmem:s2] =	stream.indirect.scatter.add.f32 [tilespmem:s14], [sflag:$0x2], $0x80, s7, s13, $0xb8;
	[tilespmem:$0x1D000] =	vst v63  }
0x4b: {  	_ =	swait.ge [sflag:s10], $0x4000  }
0x4c: {  	[sflag:s10] =	ssyncset.done $0x0  }
0x4d: {  	[sflag:s10] =	ssyncadd.s32 $0xFFFFC000  }
0x4e: {  	_ =	swait.ge [sflag:s15], $0x4000  }
0x4f: {  	[sflag:s15] =	ssyncset.done $0x0  }
0x50: {  	s9 =	rddreg [dreg:$0xb];
	[sflag:s15] =	ssyncadd.s32 $0xFFFFC000  }
0x51: {  	[tilespmem:s14], [sflag:$0x1] =	stream.indirect.gather [hbm4b:s4+s13], $0x80, s9, s13, $0xb8;
	[tilespmem:$0x1D000] =	vst v63  }
0x52: {  	s7 =	rddreg [dreg:$0xc]  }
0x53: {  	[spmem:s2] =	stream.indirect.scatter.add.f32 [tilespmem:s16], [sflag:$0x2], $0x80, s7, s13, $0xb8;
	[tilespmem:$0x1D000] =	vst v63  }
0x54: {  	_ =	swait.ge [sflag:s10], $0x4000  }
0x55: {  	[sflag:s10] =	ssyncset.done $0x0  }
0x56: {  	[sflag:s10] =	ssyncadd.s32 $0xFFFFC000  }
0x57: {  	_ =	swait.ge [sflag:s15], $0x4000  }
0x58: {  	[sflag:s15] =	ssyncset.done $0x0  }
0x59: {  	s9 =	rddreg [dreg:$0xd];
	[sflag:s15] =	ssyncadd.s32 $0xFFFFC000  }
0x5a: {  	[tilespmem:s16], [sflag:$0x1] =	stream.indirect.gather [hbm4b:s4+s13], $0x80, s9, s13, $0xb8;
	[tilespmem:$0x1D000] =	vst v63  }
0x5b: {  	s7 =	rddreg [dreg:$0xe]  }
0x5c: {  	[spmem:s2] =	stream.indirect.scatter.add.f32 [tilespmem:s14], [sflag:$0x2], $0x80, s7, s13, $0xb8;
	[tilespmem:$0x1D000] =	vst v63  }
0x5d: {  	_ =	swait.ge [sflag:s10], $0x4000  }
0x5e: {  	[sflag:s10] =	ssyncset.done $0x0  }
0x5f: {  	[sflag:s10] =	ssyncadd.s32 $0xFFFFC000  }
0x60: {  	_ =	swait.ge [sflag:s15], $0x4000  }
0x61: {  	[sflag:s15] =	ssyncset.done $0x0  }
0x62: {  	s9 =	rddreg [dreg:$0xf];
	[sflag:s15] =	ssyncadd.s32 $0xFFFFC000  }
0x63: {  	[tilespmem:s14], [sflag:$0x1] =	stream.indirect.gather [hbm4b:s4+s13], $0x80, s9, s13, $0xb8;
	[tilespmem:$0x1D000] =	vst v63  }
0x64: {  	s7 =	rddreg [dreg:$0x10]  }
0x65: {  	[spmem:s2] =	stream.indirect.scatter.add.f32 [tilespmem:s16], [sflag:$0x2], $0x80, s7, s13, $0xb8;
	[tilespmem:$0x1D000] =	vst v63  }
0x66: {  	_ =	swait.ge [sflag:s10], $0x4000  }
0x67: {  	[sflag:s10] =	ssyncset.done $0x0  }
0x68: {  	[sflag:s10] =	ssyncadd.s32 $0xFFFFC000  }
0x69: {  	_ =	swait.ge [sflag:s15], $0x4000  }
0x6a: {  	[sflag:s15] =	ssyncset.done $0x0  }
0x6b: {  	s8 =	rddreg [dreg:$0x11];
	[sflag:s15] =	ssyncadd.s32 $0xFFFFC000  }
0x6c: {  	[tilespmem:s16], [sflag:$0x1] =	stream.indirect.gather [hbm4b:s4+s13], $0x80, s8, s13, $0xb8;
	[tilespmem:$0x1D000] =	vst v63  }
0x6d: {  	s9 =	rddreg [dreg:$0x12]  }
0x6e: {  	[spmem:s2] =	stream.indirect.scatter.add.f32 [tilespmem:s14], [sflag:$0x2], $0x80, s9, s13, $0xb8;
	[tilespmem:$0x1D000] =	vst v63  }
0x6f: {  	_ =	swait.ge [sflag:s10], $0x4000  }
0x70: {  	[sflag:s10] =	ssyncset.done $0x0  }
0x71: {  	[sflag:s10] =	ssyncadd.s32 $0xFFFFC000  }
0x72: {  	_ =	swait.ge [sflag:s15], $0x4000  }
0x73: {  	[sflag:s15] =	ssyncset.done $0x0  }
0x74: {  	[sflag:s15] =	ssyncadd.s32 $0xFFFFC000  }
0x75: {  	[tilespmem:s14], [sflag:$0x1] =	stream.indirect.gather [hbm4b:s4+s13], $0x80, s17, s13, $0xb8;
	[tilespmem:$0x1D000] =	vst v63  }
0x76: {  	_ = 	snop  }
0x77: {  	[spmem:s2] =	stream.indirect.scatter.add.f32 [tilespmem:s16], [sflag:$0x2], $0x80, s18, s13, $0xb8;
	[tilespmem:$0x1D000] =	vst v63  }
0x78: {  	_ =	swait.ge [sflag:s10], $0x4000  }
0x79: {  	[sflag:s10] =	ssyncset.done $0x0  }
0x7a: {  	[sflag:s10] =	ssyncadd.s32 $0xFFFFC000  }
0x7b: {  	_ =	swait.ge [sflag:s15], $0x4000  }
0x7c: {  	[sflag:s15] =	ssyncset.done $0x0  }
0x7d: {  	[sflag:s15] =	ssyncadd.s32 $0xFFFFC000  }
0x7e: {  	[tilespmem:s16], [sflag:$0x1] =	stream.indirect.gather [hbm4b:s4+s13], $0x80, s19, s13, $0xb8;
	[tilespmem:$0x1D000] =	vst v63  }
0x7f: {  	_ = 	snop  }
0x80: {  	[spmem:s2] =	stream.indirect.scatter.add.f32 [tilespmem:s14], [sflag:$0x2], $0x80, s20, s13, $0xb8;
	[tilespmem:$0x1D000] =	vst v63  }
0x81: {  	_ =	swait.ge [sflag:s10], $0x4000  }
0x82: {  	[sflag:s10] =	ssyncset.done $0x0  }
0x83: {  	[sflag:s10] =	ssyncadd.s32 $0xFFFFC000  }
0x84: {  	_ =	swait.ge [sflag:s15], $0x4000  }
0x85: {  	[sflag:s15] =	ssyncset.done $0x0  }
0x86: {  	[sflag:s15] =	ssyncadd.s32 $0xFFFFC000  }
0x87: {  	[tilespmem:s14], [sflag:$0x1] =	stream.indirect.gather [hbm4b:s4+s13], $0x80, s21, s13, $0xb8;
	[tilespmem:$0x1D000] =	vst v63  }
0x88: {  	_ = 	snop  }
0x89: {  	[spmem:s2] =	stream.indirect.scatter.add.f32 [tilespmem:s16], [sflag:$0x2], $0x80, s22, s13, $0xb8;
	[tilespmem:$0x1D000] =	vst v63  }
0x8a: {  	_ =	swait.ge [sflag:s10], $0x4000  }
0x8b: {  	[sflag:s10] =	ssyncset.done $0x0  }
0x8c: {  	[sflag:s10] =	ssyncadd.s32 $0xFFFFC000  }
0x8d: {  	_ =	swait.ge [sflag:s15], $0x4000  }
0x8e: {  	[sflag:s15] =	ssyncset.done $0x0  }
0x8f: {  	[sflag:s15] =	ssyncadd.s32 $0xFFFFC000  }
0x90: {  	[tilespmem:s16], [sflag:$0x1] =	stream.indirect.gather [hbm4b:s4+s13], $0x80, s23, s13, $0xb8;
	[tilespmem:$0x1D000] =	vst v63  }
0x91: {  	_ = 	snop  }
0x92: {  	[spmem:s2] =	stream.indirect.scatter.add.f32 [tilespmem:s14], [sflag:$0x2], $0x80, s24, s13, $0xb8;
	[tilespmem:$0x1D000] =	vst v63  }
0x93: {  	_ =	swait.ge [sflag:s10], $0x4000  }
0x94: {  	[sflag:s10] =	ssyncset.done $0x0  }
0x95: {  	[sflag:s10] =	ssyncadd.s32 $0xFFFFC000  }
0x96: {  	_ =	swait.ge [sflag:s15], $0x4000  }
0x97: {  	[sflag:s15] =	ssyncset.done $0x0  }
0x98: {  	[sflag:s15] =	ssyncadd.s32 $0xFFFFC000  }
0x99: {  	[tilespmem:s14], [sflag:$0x1] =	stream.indirect.gather [hbm4b:s4+s13], $0x80, s25, s13, $0xb8;
	[tilespmem:$0x1D000] =	vst v63  }
0x9a: {  	_ = 	snop  }
0x9b: {  	[spmem:s2] =	stream.indirect.scatter.add.f32 [tilespmem:s16], [sflag:$0x2], $0x80, s26, s13, $0xb8;
	[tilespmem:$0x1D000] =	vst v63  }
0x9c: {  	_ =	swait.ge [sflag:s10], $0x4000  }
0x9d: {  	[sflag:s10] =	ssyncset.done $0x0  }
0x9e: {  	[sflag:s10] =	ssyncadd.s32 $0xFFFFC000  }
0x9f: {  	_ =	swait.ge [sflag:s15], $0x4000  }
0xa0: {  	[sflag:s15] =	ssyncset.done $0x0  }
0xa1: {  	[sflag:s15] =	ssyncadd.s32 $0xFFFFC000  }
0xa2: {  	[tilespmem:s16], [sflag:$0x1] =	stream.indirect.gather [hbm4b:s4+s13], $0x80, s28, s13, $0xb8;
	[tilespmem:$0x1D000] =	vst v63  }
0xa3: {  	_ = 	snop  }
0xa4: {  	[spmem:s2] =	stream.indirect.scatter.add.f32 [tilespmem:s14], [sflag:$0x2], $0x80, s29, s13, $0xb8;
	[tilespmem:$0x1D000] =	vst v63  }
0xa5: {  	_ =	swait.ge [sflag:s10], $0x4000  }
0xa6: {  	[sflag:s10] =	ssyncset.done $0x0  }
0xa7: {  	[sflag:s10] =	ssyncadd.s32 $0xFFFFC000  }
0xa8: {  	_ =	swait.ge [sflag:s15], $0x4000  }
0xa9: {  	[sflag:s15] =	ssyncset.done $0x0  }
0xaa: {  	[sflag:s15] =	ssyncadd.s32 $0xFFFFC000  }
0xab: {  	[tilespmem:s14], [sflag:$0x1] =	stream.indirect.gather [hbm4b:s4+s13], $0x80, s30, s13, $0xb8;
	[tilespmem:$0x1D000] =	vst v63  }
0xac: {  	_ = 	snop  }
0xad: {  	[spmem:s2] =	stream.indirect.scatter.add.f32 [tilespmem:s16], [sflag:$0x2], $0x80, s31, s13, $0xb8;
	[tilespmem:$0x1D000] =	vst v63  }
0xae: {  	_ =	swait.ge [sflag:s10], $0x4000  }
0xaf: {  	[sflag:s10] =	ssyncset.done $0x0  }
0xb0: {  	[sflag:s10] =	ssyncadd.s32 $0xFFFFC000  }
0xb1: {  	_ =	swait.ge [sflag:s15], $0x4000  }
0xb2: {  	[sflag:s15] =	ssyncset.done $0x0  }
0xb3: {  	[sflag:s15] =	ssyncadd.s32 $0xFFFFC000  }
0xb4: {  	[tilespmem:s16], [sflag:$0x1] =	stream.indirect.gather [hbm4b:s4+s13], $0x80, s1, s13, $0xb8;
	[tilespmem:$0x1D000] =	vst v63  }
0xb5: {  	_ = 	snop  }
0xb6: {  	[spmem:s2] =	stream.indirect.scatter.add.f32 [tilespmem:s14], [sflag:$0x2], $0x80, s0, s13, $0xb8;
	[tilespmem:$0x1D000] =	vst v63  }
0xb7: {  	_ =	swait.ge [sflag:s10], $0x4000  }
0xb8: {  	[sflag:s10] =	ssyncset.done $0x0  }
0xb9: {  	[sflag:s10] =	ssyncadd.s32 $0xFFFFC000  }
0xba: {  	_ =	swait.ge [sflag:s15], $0x4000  }
0xbb: {  	[sflag:s15] =	ssyncset.done $0x0  }
0xbc: {  	[sflag:s15] =	ssyncadd.s32 $0xFFFFC000  }
0xbd: {  	[spmem:s2] =	stream.indirect.scatter.add.f32 [tilespmem:s16], [sflag:$0x2], $0x80, s5, s13, $0xb8;
	[tilespmem:$0x1D000] =	vst v63  }
0xbe: {  	s6 =	simm.s32 $0x200;
	_ =	swait.ge [sflag:s10], $0x4000  }
0xbf: {  	s8 =	simm.s32 $0x100;
	s9 =	rddreg [dreg:$0x5];
	[sflag:s10] =	ssyncset.done $0x0  }
.LBB2_2:
0xc0: {  	[sflag:s10] =	ssyncadd.s32 $0xFFFFC000;
	s9 =	sadd.s32 s8, s9  }
0xc1: {  	[tilespmem:s11], [sflag:$0x2] =	stream.linear.gather [hbm4b:s9+s3], $0x800, $0x38;
	[tilespmem:$0x1D000] =	vst v63  }
0xc2: {  	_ =	swait.ge [sflag:s10], $0x800  }
0xc3: {  	s9 =	rddreg [dreg:$0x4];
	[sflag:s10] =	ssyncset.done $0x0  }
0xc4: {  	[sflag:s10] =	ssyncadd.s32 $0xFFFFF800;
	s9 =	sadd.s32 s8, s9  }
0xc5: {  	[tilespmem:s12], [sflag:$0x2] =	stream.linear.gather [hbm4b:s9+s3], $0x800, $0x38;
	[tilespmem:$0x1D000] =	vst v63  }
0xc6: {  	_ =	swait.ge [sflag:s10], $0x800  }
0xc7: {  	[sflag:s10] =	ssyncset.done $0x0  }
0xc8: {  	[sflag:s10] =	ssyncadd.s32 $0xFFFFF800  }
0xc9: {  	[tilespmem:s14], [sflag:$0x1] =	stream.indirect.gather [hbm4b:s4+s13], $0x80, s11, s13, $0xb8;
	[tilespmem:$0x1D000] =	vst v63  }
0xca: {  	_ =	swait.ge [sflag:s15], $0x4000  }
0xcb: {  	[sflag:s15] =	ssyncset.done $0x0  }
0xcc: {  	s9 =	rddreg [dreg:$0x6];
	[sflag:s15] =	ssyncadd.s32 $0xFFFFC000  }
0xcd: {  	[tilespmem:s16], [sflag:$0x1] =	stream.indirect.gather [hbm4b:s4+s13], $0x80, s9, s13, $0xb8;
	[tilespmem:$0x1D000] =	vst v63  }
0xce: {  	_ = 	snop  }
0xcf: {  	[spmem:s2] =	stream.indirect.scatter.add.f32 [tilespmem:s14], [sflag:$0x2], $0x80, s12, s13, $0xb8;
	[tilespmem:$0x1D000] =	vst v63  }
0xd0: {  	_ =	swait.ge [sflag:s10], $0x4000  }
0xd1: {  	[sflag:s10] =	ssyncset.done $0x0  }
0xd2: {  	[sflag:s10] =	ssyncadd.s32 $0xFFFFC000  }
0xd3: {  	_ =	swait.ge [sflag:s15], $0x4000  }
0xd4: {  	s7 =	smov.u32 s6;
	[sflag:s15] =	ssyncset.done $0x0  }
0xd5: {  	s8 =	smov.u32 s7;
	s7 =	rddreg [dreg:$0x7];
	[sflag:s15] =	ssyncadd.s32 $0xFFFFC000  }
0xd6: {  	[tilespmem:s14], [sflag:$0x1] =	stream.indirect.gather [hbm4b:s4+s13], $0x80, s7, s13, $0xb8;
	[tilespmem:$0x1D000] =	vst v63  }
0xd7: {  	s9 =	rddreg [dreg:$0x8]  }
0xd8: {  	[spmem:s2] =	stream.indirect.scatter.add.f32 [tilespmem:s16], [sflag:$0x2], $0x80, s9, s13, $0xb8;
	[tilespmem:$0x1D000] =	vst v63  }
0xd9: {  	_ =	swait.ge [sflag:s10], $0x4000  }
0xda: {  	[sflag:s10] =	ssyncset.done $0x0  }
0xdb: {  	[sflag:s10] =	ssyncadd.s32 $0xFFFFC000  }
0xdc: {  	_ =	swait.ge [sflag:s15], $0x4000  }
0xdd: {  	[sflag:s15] =	ssyncset.done $0x0  }
0xde: {  	s7 =	rddreg [dreg:$0x9];
	[sflag:s15] =	ssyncadd.s32 $0xFFFFC000  }
0xdf: {  	[tilespmem:s16], [sflag:$0x1] =	stream.indirect.gather [hbm4b:s4+s13], $0x80, s7, s13, $0xb8;
	[tilespmem:$0x1D000] =	vst v63  }
0xe0: {  	s9 =	rddreg [dreg:$0xa]  }
0xe1: {  	[spmem:s2] =	stream.indirect.scatter.add.f32 [tilespmem:s14], [sflag:$0x2], $0x80, s9, s13, $0xb8;
	[tilespmem:$0x1D000] =	vst v63  }
0xe2: {  	_ =	swait.ge [sflag:s10], $0x4000  }
0xe3: {  	[sflag:s10] =	ssyncset.done $0x0  }
0xe4: {  	[sflag:s10] =	ssyncadd.s32 $0xFFFFC000  }
0xe5: {  	_ =	swait.ge [sflag:s15], $0x4000  }
0xe6: {  	[sflag:s15] =	ssyncset.done $0x0  }
0xe7: {  	s7 =	rddreg [dreg:$0xb];
	[sflag:s15] =	ssyncadd.s32 $0xFFFFC000  }
0xe8: {  	[tilespmem:s14], [sflag:$0x1] =	stream.indirect.gather [hbm4b:s4+s13], $0x80, s7, s13, $0xb8;
	[tilespmem:$0x1D000] =	vst v63  }
0xe9: {  	s9 =	rddreg [dreg:$0xc]  }
0xea: {  	[spmem:s2] =	stream.indirect.scatter.add.f32 [tilespmem:s16], [sflag:$0x2], $0x80, s9, s13, $0xb8;
	[tilespmem:$0x1D000] =	vst v63  }
0xeb: {  	_ =	swait.ge [sflag:s10], $0x4000  }
0xec: {  	[sflag:s10] =	ssyncset.done $0x0  }
0xed: {  	[sflag:s10] =	ssyncadd.s32 $0xFFFFC000  }
0xee: {  	_ =	swait.ge [sflag:s15], $0x4000  }
0xef: {  	[sflag:s15] =	ssyncset.done $0x0  }
0xf0: {  	s7 =	rddreg [dreg:$0xd];
	[sflag:s15] =	ssyncadd.s32 $0xFFFFC000  }
0xf1: {  	[tilespmem:s16], [sflag:$0x1] =	stream.indirect.gather [hbm4b:s4+s13], $0x80, s7, s13, $0xb8;
	[tilespmem:$0x1D000] =	vst v63  }
0xf2: {  	s9 =	rddreg [dreg:$0xe]  }
0xf3: {  	[spmem:s2] =	stream.indirect.scatter.add.f32 [tilespmem:s14], [sflag:$0x2], $0x80, s9, s13, $0xb8;
	[tilespmem:$0x1D000] =	vst v63  }
0xf4: {  	_ =	swait.ge [sflag:s10], $0x4000  }
0xf5: {  	[sflag:s10] =	ssyncset.done $0x0  }
0xf6: {  	[sflag:s10] =	ssyncadd.s32 $0xFFFFC000  }
0xf7: {  	_ =	swait.ge [sflag:s15], $0x4000  }
0xf8: {  	[sflag:s15] =	ssyncset.done $0x0  }
0xf9: {  	s7 =	rddreg [dreg:$0xf];
	[sflag:s15] =	ssyncadd.s32 $0xFFFFC000  }
0xfa: {  	[tilespmem:s14], [sflag:$0x1] =	stream.indirect.gather [hbm4b:s4+s13], $0x80, s7, s13, $0xb8;
	[tilespmem:$0x1D000] =	vst v63  }
0xfb: {  	s9 =	rddreg [dreg:$0x10]  }
0xfc: {  	[spmem:s2] =	stream.indirect.scatter.add.f32 [tilespmem:s16], [sflag:$0x2], $0x80, s9, s13, $0xb8;
	[tilespmem:$0x1D000] =	vst v63  }
0xfd: {  	_ =	swait.ge [sflag:s10], $0x4000  }
0xfe: {  	[sflag:s10] =	ssyncset.done $0x0  }
0xff: {  	[sflag:s10] =	ssyncadd.s32 $0xFFFFC000  }
0x100: {  	_ =	swait.ge [sflag:s15], $0x4000  }
0x101: {  	[sflag:s15] =	ssyncset.done $0x0  }
0x102: {  	s7 =	rddreg [dreg:$0x11];
	[sflag:s15] =	ssyncadd.s32 $0xFFFFC000  }
0x103: {  	[tilespmem:s16], [sflag:$0x1] =	stream.indirect.gather [hbm4b:s4+s13], $0x80, s7, s13, $0xb8;
	[tilespmem:$0x1D000] =	vst v63  }
0x104: {  	s9 =	rddreg [dreg:$0x12]  }
0x105: {  	[spmem:s2] =	stream.indirect.scatter.add.f32 [tilespmem:s14], [sflag:$0x2], $0x80, s9, s13, $0xb8;
	[tilespmem:$0x1D000] =	vst v63  }
0x106: {  	_ =	swait.ge [sflag:s10], $0x4000  }
0x107: {  	[sflag:s10] =	ssyncset.done $0x0  }
0x108: {  	[sflag:s10] =	ssyncadd.s32 $0xFFFFC000  }
0x109: {  	_ =	swait.ge [sflag:s15], $0x4000  }
0x10a: {  	[sflag:s15] =	ssyncset.done $0x0  }
0x10b: {  	[sflag:s15] =	ssyncadd.s32 $0xFFFFC000  }
0x10c: {  	[tilespmem:s14], [sflag:$0x1] =	stream.indirect.gather [hbm4b:s4+s13], $0x80, s17, s13, $0xb8;
	[tilespmem:$0x1D000] =	vst v63  }
0x10d: {  	_ = 	snop  }
0x10e: {  	[spmem:s2] =	stream.indirect.scatter.add.f32 [tilespmem:s16], [sflag:$0x2], $0x80, s18, s13, $0xb8;
	[tilespmem:$0x1D000] =	vst v63  }
0x10f: {  	_ =	swait.ge [sflag:s10], $0x4000  }
0x110: {  	[sflag:s10] =	ssyncset.done $0x0  }
0x111: {  	[sflag:s10] =	ssyncadd.s32 $0xFFFFC000  }
0x112: {  	_ =	swait.ge [sflag:s15], $0x4000  }
0x113: {  	[sflag:s15] =	ssyncset.done $0x0  }
0x114: {  	[sflag:s15] =	ssyncadd.s32 $0xFFFFC000  }
0x115: {  	[tilespmem:s16], [sflag:$0x1] =	stream.indirect.gather [hbm4b:s4+s13], $0x80, s19, s13, $0xb8;
	[tilespmem:$0x1D000] =	vst v63  }
0x116: {  	_ = 	snop  }
0x117: {  	[spmem:s2] =	stream.indirect.scatter.add.f32 [tilespmem:s14], [sflag:$0x2], $0x80, s20, s13, $0xb8;
	[tilespmem:$0x1D000] =	vst v63  }
0x118: {  	_ =	swait.ge [sflag:s10], $0x4000  }
0x119: {  	[sflag:s10] =	ssyncset.done $0x0  }
0x11a: {  	[sflag:s10] =	ssyncadd.s32 $0xFFFFC000  }
0x11b: {  	_ =	swait.ge [sflag:s15], $0x4000  }
0x11c: {  	[sflag:s15] =	ssyncset.done $0x0  }
0x11d: {  	[sflag:s15] =	ssyncadd.s32 $0xFFFFC000  }
0x11e: {  	[tilespmem:s14], [sflag:$0x1] =	stream.indirect.gather [hbm4b:s4+s13], $0x80, s21, s13, $0xb8;
	[tilespmem:$0x1D000] =	vst v63  }
0x11f: {  	_ = 	snop  }
0x120: {  	[spmem:s2] =	stream.indirect.scatter.add.f32 [tilespmem:s16], [sflag:$0x2], $0x80, s22, s13, $0xb8;
	[tilespmem:$0x1D000] =	vst v63  }
0x121: {  	_ =	swait.ge [sflag:s10], $0x4000  }
0x122: {  	[sflag:s10] =	ssyncset.done $0x0  }
0x123: {  	[sflag:s10] =	ssyncadd.s32 $0xFFFFC000  }
0x124: {  	_ =	swait.ge [sflag:s15], $0x4000  }
0x125: {  	[sflag:s15] =	ssyncset.done $0x0  }
0x126: {  	[sflag:s15] =	ssyncadd.s32 $0xFFFFC000  }
0x127: {  	[tilespmem:s16], [sflag:$0x1] =	stream.indirect.gather [hbm4b:s4+s13], $0x80, s23, s13, $0xb8;
	[tilespmem:$0x1D000] =	vst v63  }
0x128: {  	_ = 	snop  }
0x129: {  	[spmem:s2] =	stream.indirect.scatter.add.f32 [tilespmem:s14], [sflag:$0x2], $0x80, s24, s13, $0xb8;
	[tilespmem:$0x1D000] =	vst v63  }
0x12a: {  	_ =	swait.ge [sflag:s10], $0x4000  }
0x12b: {  	[sflag:s10] =	ssyncset.done $0x0  }
0x12c: {  	[sflag:s10] =	ssyncadd.s32 $0xFFFFC000  }
0x12d: {  	_ =	swait.ge [sflag:s15], $0x4000  }
0x12e: {  	[sflag:s15] =	ssyncset.done $0x0  }
0x12f: {  	[sflag:s15] =	ssyncadd.s32 $0xFFFFC000  }
0x130: {  	[tilespmem:s14], [sflag:$0x1] =	stream.indirect.gather [hbm4b:s4+s13], $0x80, s25, s13, $0xb8;
	[tilespmem:$0x1D000] =	vst v63  }
0x131: {  	_ = 	snop  }
0x132: {  	[spmem:s2] =	stream.indirect.scatter.add.f32 [tilespmem:s16], [sflag:$0x2], $0x80, s26, s13, $0xb8;
	[tilespmem:$0x1D000] =	vst v63  }
0x133: {  	_ =	swait.ge [sflag:s10], $0x4000  }
0x134: {  	[sflag:s10] =	ssyncset.done $0x0  }
0x135: {  	[sflag:s10] =	ssyncadd.s32 $0xFFFFC000  }
0x136: {  	_ =	swait.ge [sflag:s15], $0x4000  }
0x137: {  	[sflag:s15] =	ssyncset.done $0x0  }
0x138: {  	[sflag:s15] =	ssyncadd.s32 $0xFFFFC000  }
0x139: {  	[tilespmem:s16], [sflag:$0x1] =	stream.indirect.gather [hbm4b:s4+s13], $0x80, s28, s13, $0xb8;
	[tilespmem:$0x1D000] =	vst v63  }
0x13a: {  	_ = 	snop  }
0x13b: {  	[spmem:s2] =	stream.indirect.scatter.add.f32 [tilespmem:s14], [sflag:$0x2], $0x80, s29, s13, $0xb8;
	[tilespmem:$0x1D000] =	vst v63  }
0x13c: {  	_ =	swait.ge [sflag:s10], $0x4000  }
0x13d: {  	[sflag:s10] =	ssyncset.done $0x0  }
0x13e: {  	[sflag:s10] =	ssyncadd.s32 $0xFFFFC000  }
0x13f: {  	_ =	swait.ge [sflag:s15], $0x4000  }
0x140: {  	[sflag:s15] =	ssyncset.done $0x0  }
0x141: {  	[sflag:s15] =	ssyncadd.s32 $0xFFFFC000  }
0x142: {  	[tilespmem:s14], [sflag:$0x1] =	stream.indirect.gather [hbm4b:s4+s13], $0x80, s30, s13, $0xb8;
	[tilespmem:$0x1D000] =	vst v63  }
0x143: {  	_ = 	snop  }
0x144: {  	[spmem:s2] =	stream.indirect.scatter.add.f32 [tilespmem:s16], [sflag:$0x2], $0x80, s31, s13, $0xb8;
	[tilespmem:$0x1D000] =	vst v63  }
0x145: {  	_ =	swait.ge [sflag:s10], $0x4000  }
0x146: {  	[sflag:s10] =	ssyncset.done $0x0  }
0x147: {  	[sflag:s10] =	ssyncadd.s32 $0xFFFFC000  }
0x148: {  	_ =	swait.ge [sflag:s15], $0x4000  }
0x149: {  	[sflag:s15] =	ssyncset.done $0x0  }
0x14a: {  	[sflag:s15] =	ssyncadd.s32 $0xFFFFC000  }
0x14b: {  	[tilespmem:s16], [sflag:$0x1] =	stream.indirect.gather [hbm4b:s4+s13], $0x80, s1, s13, $0xb8;
	[tilespmem:$0x1D000] =	vst v63  }
0x14c: {  	_ = 	snop  }
0x14d: {  	[spmem:s2] =	stream.indirect.scatter.add.f32 [tilespmem:s14], [sflag:$0x2], $0x80, s0, s13, $0xb8;
	[tilespmem:$0x1D000] =	vst v63  }
0x14e: {  	_ =	swait.ge [sflag:s10], $0x4000  }
0x14f: {  	[sflag:s10] =	ssyncset.done $0x0  }
0x150: {  	[sflag:s10] =	ssyncadd.s32 $0xFFFFC000  }
0x151: {  	p0 =	sne.s32 s6, $0x400;
	_ =	swait.ge [sflag:s15], $0x4000  }
.Ltmp0:
0x152: {  	[sflag:s15] =	ssyncset.done $0x0;
	(pc) =	sbr.rel @p0 .LBB2_2-.Ltmp0, $4  }
0x153: {  	[sflag:s15] =	ssyncadd.s32 $0xFFFFC000  }
0x154: {  	[spmem:s2] =	stream.indirect.scatter.add.f32 [tilespmem:s16], [sflag:$0x2], $0x80, s5, s13, $0xb8;
	[tilespmem:$0x1D000] =	vst v63  }
0x155: {  	_ =	swait.ge [sflag:s10], $0x4000  }
0x156: {  	s6 =	sadd.s32 $0x100, s6;
	s9 =	rddreg [dreg:$0x5];
	[sflag:s10] =	ssyncset.done $0x0  }
0x157: {  	[sflag:s10] =	ssyncadd.s32 $0xFFFFC000;
	s6 =	sadd.s32 s8, s9  }
0x158: {  	[tilespmem:s11], [sflag:$0x2] =	stream.linear.gather [hbm4b:s6+s3], $0x800, $0x38;
	[tilespmem:$0x1D000] =	vst v63  }
0x159: {  	_ =	swait.ge [sflag:s10], $0x800  }
0x15a: {  	s7 =	rddreg [dreg:$0x4];
	[sflag:s10] =	ssyncset.done $0x0  }
0x15b: {  	[sflag:s10] =	ssyncadd.s32 $0xFFFFF800;
	s6 =	sadd.s32 s8, s7  }
0x15c: {  	[tilespmem:s12], [sflag:$0x2] =	stream.linear.gather [hbm4b:s6+s3], $0x800, $0x38;
	[tilespmem:$0x1D000] =	vst v63  }
0x15d: {  	_ =	swait.ge [sflag:s10], $0x800  }
0x15e: {  	[sflag:s10] =	ssyncset.done $0x0  }
0x15f: {  	[sflag:s10] =	ssyncadd.s32 $0xFFFFF800  }
0x160: {  	[tilespmem:s14], [sflag:$0x1] =	stream.indirect.gather [hbm4b:s4+s13], $0x80, s11, s13, $0xb8;
	[tilespmem:$0x1D000] =	vst v63  }
0x161: {  	_ =	swait.ge [sflag:s15], $0x4000  }
0x162: {  	[sflag:s15] =	ssyncset.done $0x0  }
0x163: {  	s8 =	rddreg [dreg:$0x6];
	[sflag:s15] =	ssyncadd.s32 $0xFFFFC000  }
0x164: {  	[tilespmem:s16], [sflag:$0x1] =	stream.indirect.gather [hbm4b:s4+s13], $0x80, s8, s13, $0xb8;
	[tilespmem:$0x1D000] =	vst v63  }
0x165: {  	_ = 	snop  }
0x166: {  	[spmem:s2] =	stream.indirect.scatter.add.f32 [tilespmem:s14], [sflag:$0x2], $0x80, s12, s13, $0xb8;
	[tilespmem:$0x1D000] =	vst v63  }
0x167: {  	_ =	swait.ge [sflag:s10], $0x4000  }
0x168: {  	[sflag:s10] =	ssyncset.done $0x0  }
0x169: {  	[sflag:s10] =	ssyncadd.s32 $0xFFFFC000  }
0x16a: {  	_ =	swait.ge [sflag:s15], $0x4000  }
0x16b: {  	[sflag:s15] =	ssyncset.done $0x0  }
0x16c: {  	s9 =	rddreg [dreg:$0x7];
	[sflag:s15] =	ssyncadd.s32 $0xFFFFC000  }
0x16d: {  	[tilespmem:s14], [sflag:$0x1] =	stream.indirect.gather [hbm4b:s4+s13], $0x80, s9, s13, $0xb8;
	[tilespmem:$0x1D000] =	vst v63  }
0x16e: {  	s7 =	rddreg [dreg:$0x8]  }
0x16f: {  	[spmem:s2] =	stream.indirect.scatter.add.f32 [tilespmem:s16], [sflag:$0x2], $0x80, s7, s13, $0xb8;
	[tilespmem:$0x1D000] =	vst v63  }
0x170: {  	_ =	swait.ge [sflag:s10], $0x4000  }
0x171: {  	[sflag:s10] =	ssyncset.done $0x0  }
0x172: {  	[sflag:s10] =	ssyncadd.s32 $0xFFFFC000  }
0x173: {  	_ =	swait.ge [sflag:s15], $0x4000  }
0x174: {  	[sflag:s15] =	ssyncset.done $0x0  }
0x175: {  	s8 =	rddreg [dreg:$0x9];
	[sflag:s15] =	ssyncadd.s32 $0xFFFFC000  }
0x176: {  	[tilespmem:s16], [sflag:$0x1] =	stream.indirect.gather [hbm4b:s4+s13], $0x80, s8, s13, $0xb8;
	[tilespmem:$0x1D000] =	vst v63  }
0x177: {  	s9 =	rddreg [dreg:$0xa]  }
0x178: {  	[spmem:s2] =	stream.indirect.scatter.add.f32 [tilespmem:s14], [sflag:$0x2], $0x80, s9, s13, $0xb8;
	[tilespmem:$0x1D000] =	vst v63  }
0x179: {  	_ =	swait.ge [sflag:s10], $0x4000  }
0x17a: {  	[sflag:s10] =	ssyncset.done $0x0  }
0x17b: {  	[sflag:s10] =	ssyncadd.s32 $0xFFFFC000  }
0x17c: {  	_ =	swait.ge [sflag:s15], $0x4000  }
0x17d: {  	[sflag:s15] =	ssyncset.done $0x0  }
0x17e: {  	s8 =	rddreg [dreg:$0xb];
	[sflag:s15] =	ssyncadd.s32 $0xFFFFC000  }
0x17f: {  	[tilespmem:s14], [sflag:$0x1] =	stream.indirect.gather [hbm4b:s4+s13], $0x80, s8, s13, $0xb8;
	[tilespmem:$0x1D000] =	vst v63  }
0x180: {  	s9 =	rddreg [dreg:$0xc]  }
0x181: {  	[spmem:s2] =	stream.indirect.scatter.add.f32 [tilespmem:s16], [sflag:$0x2], $0x80, s9, s13, $0xb8;
	[tilespmem:$0x1D000] =	vst v63  }
0x182: {  	_ =	swait.ge [sflag:s10], $0x4000  }
0x183: {  	[sflag:s10] =	ssyncset.done $0x0  }
0x184: {  	[sflag:s10] =	ssyncadd.s32 $0xFFFFC000  }
0x185: {  	_ =	swait.ge [sflag:s15], $0x4000  }
0x186: {  	[sflag:s15] =	ssyncset.done $0x0  }
0x187: {  	s8 =	rddreg [dreg:$0xd];
	[sflag:s15] =	ssyncadd.s32 $0xFFFFC000  }
0x188: {  	[tilespmem:s16], [sflag:$0x1] =	stream.indirect.gather [hbm4b:s4+s13], $0x80, s8, s13, $0xb8;
	[tilespmem:$0x1D000] =	vst v63  }
0x189: {  	s9 =	rddreg [dreg:$0xe]  }
0x18a: {  	[spmem:s2] =	stream.indirect.scatter.add.f32 [tilespmem:s14], [sflag:$0x2], $0x80, s9, s13, $0xb8;
	[tilespmem:$0x1D000] =	vst v63  }
0x18b: {  	_ =	swait.ge [sflag:s10], $0x4000  }
0x18c: {  	[sflag:s10] =	ssyncset.done $0x0  }
0x18d: {  	[sflag:s10] =	ssyncadd.s32 $0xFFFFC000  }
0x18e: {  	_ =	swait.ge [sflag:s15], $0x4000  }
0x18f: {  	[sflag:s15] =	ssyncset.done $0x0  }
0x190: {  	s8 =	rddreg [dreg:$0xf];
	[sflag:s15] =	ssyncadd.s32 $0xFFFFC000  }
0x191: {  	[tilespmem:s14], [sflag:$0x1] =	stream.indirect.gather [hbm4b:s4+s13], $0x80, s8, s13, $0xb8;
	[tilespmem:$0x1D000] =	vst v63  }
0x192: {  	s9 =	rddreg [dreg:$0x10]  }
0x193: {  	[spmem:s2] =	stream.indirect.scatter.add.f32 [tilespmem:s16], [sflag:$0x2], $0x80, s9, s13, $0xb8;
	[tilespmem:$0x1D000] =	vst v63  }
0x194: {  	_ =	swait.ge [sflag:s10], $0x4000  }
0x195: {  	[sflag:s10] =	ssyncset.done $0x0  }
0x196: {  	[sflag:s10] =	ssyncadd.s32 $0xFFFFC000  }
0x197: {  	_ =	swait.ge [sflag:s15], $0x4000  }
0x198: {  	[sflag:s15] =	ssyncset.done $0x0  }
0x199: {  	s7 =	rddreg [dreg:$0x11];
	[sflag:s15] =	ssyncadd.s32 $0xFFFFC000  }
0x19a: {  	[tilespmem:s16], [sflag:$0x1] =	stream.indirect.gather [hbm4b:s4+s13], $0x80, s7, s13, $0xb8;
	[tilespmem:$0x1D000] =	vst v63  }
0x19b: {  	s8 =	rddreg [dreg:$0x12]  }
0x19c: {  	[spmem:s2] =	stream.indirect.scatter.add.f32 [tilespmem:s14], [sflag:$0x2], $0x80, s8, s13, $0xb8;
	[tilespmem:$0x1D000] =	vst v63  }
0x19d: {  	_ =	swait.ge [sflag:s10], $0x4000  }
0x19e: {  	[sflag:s10] =	ssyncset.done $0x0  }
0x19f: {  	[sflag:s10] =	ssyncadd.s32 $0xFFFFC000  }
0x1a0: {  	_ =	swait.ge [sflag:s15], $0x4000  }
0x1a1: {  	[sflag:s15] =	ssyncset.done $0x0  }
0x1a2: {  	[sflag:s15] =	ssyncadd.s32 $0xFFFFC000  }
0x1a3: {  	[tilespmem:s14], [sflag:$0x1] =	stream.indirect.gather [hbm4b:s4+s13], $0x80, s17, s13, $0xb8;
	[tilespmem:$0x1D000] =	vst v63  }
0x1a4: {  	_ = 	snop  }
0x1a5: {  	[spmem:s2] =	stream.indirect.scatter.add.f32 [tilespmem:s16], [sflag:$0x2], $0x80, s18, s13, $0xb8;
	[tilespmem:$0x1D000] =	vst v63  }
0x1a6: {  	_ =	swait.ge [sflag:s10], $0x4000  }
0x1a7: {  	[sflag:s10] =	ssyncset.done $0x0  }
0x1a8: {  	[sflag:s10] =	ssyncadd.s32 $0xFFFFC000  }
0x1a9: {  	_ =	swait.ge [sflag:s15], $0x4000  }
0x1aa: {  	[sflag:s15] =	ssyncset.done $0x0  }
0x1ab: {  	[sflag:s15] =	ssyncadd.s32 $0xFFFFC000  }
0x1ac: {  	[tilespmem:s16], [sflag:$0x1] =	stream.indirect.gather [hbm4b:s4+s13], $0x80, s19, s13, $0xb8;
	[tilespmem:$0x1D000] =	vst v63  }
0x1ad: {  	_ = 	snop  }
0x1ae: {  	[spmem:s2] =	stream.indirect.scatter.add.f32 [tilespmem:s14], [sflag:$0x2], $0x80, s20, s13, $0xb8;
	[tilespmem:$0x1D000] =	vst v63  }
0x1af: {  	_ =	swait.ge [sflag:s10], $0x4000  }
0x1b0: {  	[sflag:s10] =	ssyncset.done $0x0  }
0x1b1: {  	[sflag:s10] =	ssyncadd.s32 $0xFFFFC000  }
0x1b2: {  	_ =	swait.ge [sflag:s15], $0x4000  }
0x1b3: {  	[sflag:s15] =	ssyncset.done $0x0  }
0x1b4: {  	[sflag:s15] =	ssyncadd.s32 $0xFFFFC000  }
0x1b5: {  	[tilespmem:s14], [sflag:$0x1] =	stream.indirect.gather [hbm4b:s4+s13], $0x80, s21, s13, $0xb8;
	[tilespmem:$0x1D000] =	vst v63  }
0x1b6: {  	_ = 	snop  }
0x1b7: {  	[spmem:s2] =	stream.indirect.scatter.add.f32 [tilespmem:s16], [sflag:$0x2], $0x80, s22, s13, $0xb8;
	[tilespmem:$0x1D000] =	vst v63  }
0x1b8: {  	_ =	swait.ge [sflag:s10], $0x4000  }
0x1b9: {  	[sflag:s10] =	ssyncset.done $0x0  }
0x1ba: {  	[sflag:s10] =	ssyncadd.s32 $0xFFFFC000  }
0x1bb: {  	_ =	swait.ge [sflag:s15], $0x4000  }
0x1bc: {  	[sflag:s15] =	ssyncset.done $0x0  }
0x1bd: {  	[sflag:s15] =	ssyncadd.s32 $0xFFFFC000  }
0x1be: {  	[tilespmem:s16], [sflag:$0x1] =	stream.indirect.gather [hbm4b:s4+s13], $0x80, s23, s13, $0xb8;
	[tilespmem:$0x1D000] =	vst v63  }
0x1bf: {  	_ = 	snop  }
0x1c0: {  	[spmem:s2] =	stream.indirect.scatter.add.f32 [tilespmem:s14], [sflag:$0x2], $0x80, s24, s13, $0xb8;
	[tilespmem:$0x1D000] =	vst v63  }
0x1c1: {  	_ =	swait.ge [sflag:s10], $0x4000  }
0x1c2: {  	[sflag:s10] =	ssyncset.done $0x0  }
0x1c3: {  	[sflag:s10] =	ssyncadd.s32 $0xFFFFC000  }
0x1c4: {  	_ =	swait.ge [sflag:s15], $0x4000  }
0x1c5: {  	[sflag:s15] =	ssyncset.done $0x0  }
0x1c6: {  	[sflag:s15] =	ssyncadd.s32 $0xFFFFC000  }
0x1c7: {  	[tilespmem:s14], [sflag:$0x1] =	stream.indirect.gather [hbm4b:s4+s13], $0x80, s25, s13, $0xb8;
	[tilespmem:$0x1D000] =	vst v63  }
0x1c8: {  	_ = 	snop  }
0x1c9: {  	[spmem:s2] =	stream.indirect.scatter.add.f32 [tilespmem:s16], [sflag:$0x2], $0x80, s26, s13, $0xb8;
	[tilespmem:$0x1D000] =	vst v63  }
0x1ca: {  	_ =	swait.ge [sflag:s10], $0x4000  }
0x1cb: {  	[sflag:s10] =	ssyncset.done $0x0  }
0x1cc: {  	[sflag:s10] =	ssyncadd.s32 $0xFFFFC000  }
0x1cd: {  	_ =	swait.ge [sflag:s15], $0x4000  }
0x1ce: {  	[sflag:s15] =	ssyncset.done $0x0  }
0x1cf: {  	[sflag:s15] =	ssyncadd.s32 $0xFFFFC000  }
0x1d0: {  	[tilespmem:s16], [sflag:$0x1] =	stream.indirect.gather [hbm4b:s4+s13], $0x80, s28, s13, $0xb8;
	[tilespmem:$0x1D000] =	vst v63  }
0x1d1: {  	_ = 	snop  }
0x1d2: {  	[spmem:s2] =	stream.indirect.scatter.add.f32 [tilespmem:s14], [sflag:$0x2], $0x80, s29, s13, $0xb8;
	[tilespmem:$0x1D000] =	vst v63  }
0x1d3: {  	_ =	swait.ge [sflag:s10], $0x4000  }
0x1d4: {  	[sflag:s10] =	ssyncset.done $0x0  }
0x1d5: {  	[sflag:s10] =	ssyncadd.s32 $0xFFFFC000  }
0x1d6: {  	_ =	swait.ge [sflag:s15], $0x4000  }
0x1d7: {  	[sflag:s15] =	ssyncset.done $0x0  }
0x1d8: {  	[sflag:s15] =	ssyncadd.s32 $0xFFFFC000  }
0x1d9: {  	[tilespmem:s14], [sflag:$0x1] =	stream.indirect.gather [hbm4b:s4+s13], $0x80, s30, s13, $0xb8;
	[tilespmem:$0x1D000] =	vst v63  }
0x1da: {  	_ = 	snop  }
0x1db: {  	[spmem:s2] =	stream.indirect.scatter.add.f32 [tilespmem:s16], [sflag:$0x2], $0x80, s31, s13, $0xb8;
	[tilespmem:$0x1D000] =	vst v63  }
0x1dc: {  	_ =	swait.ge [sflag:s10], $0x4000  }
0x1dd: {  	[sflag:s10] =	ssyncset.done $0x0  }
0x1de: {  	[sflag:s10] =	ssyncadd.s32 $0xFFFFC000  }
0x1df: {  	_ =	swait.ge [sflag:s15], $0x4000  }
0x1e0: {  	[sflag:s15] =	ssyncset.done $0x0  }
0x1e1: {  	[sflag:s15] =	ssyncadd.s32 $0xFFFFC000  }
0x1e2: {  	[tilespmem:s16], [sflag:$0x1] =	stream.indirect.gather [hbm4b:s4+s13], $0x80, s1, s13, $0xb8;
	[tilespmem:$0x1D000] =	vst v63  }
0x1e3: {  	_ = 	snop  }
0x1e4: {  	[spmem:s2] =	stream.indirect.scatter.add.f32 [tilespmem:s14], [sflag:$0x2], $0x80, s0, s13, $0xb8;
	[tilespmem:$0x1D000] =	vst v63  }
0x1e5: {  	_ =	swait.ge [sflag:s10], $0x4000  }
0x1e6: {  	[sflag:s10] =	ssyncset.done $0x0  }
0x1e7: {  	[sflag:s10] =	ssyncadd.s32 $0xFFFFC000  }
0x1e8: {  	_ =	swait.ge [sflag:s15], $0x4000  }
0x1e9: {  	[sflag:s15] =	ssyncset.done $0x0  }
0x1ea: {  	[sflag:s15] =	ssyncadd.s32 $0xFFFFC000  }
0x1eb: {  	[spmem:s2] =	stream.indirect.scatter.add.f32 [tilespmem:s16], [sflag:$0x2], $0x80, s5, s13, $0xb8;
	[tilespmem:$0x1D000] =	vst v63  }
0x1ec: {  	_ =	swait.ge [sflag:s10], $0x4000  }
0x1ed: {  	[sflag:s10] =	ssyncset.done $0x0  }
0x1ee: {  	[sflag:s10] =	ssyncadd.s32 $0xFFFFC000  }
0x1ef: {  	[bflag:$0x0] =	sbarrier.arrive $0xFFFF  }
0x1f0: {  	s7 =	rddreg [dreg:$0x14]  }
0x1f1: {  	s9 =	rddreg [dreg:$0x15]  }
0x1f2: {  	s8 =	rddreg [dreg:$0x17]  }
0x1f3: {  	[hbm:s9], [sflag:s7] =	dma.local [spmem:s8], $0x2800  }
0x1f4: {  	_ =	swait.ge [sflag:s10], $0x2800  }
0x1f5: {  	s6 =	rddreg [dreg:$0x18]  }
0x1f6: {  	s9 =	sadd.s32 $0x1, s6;
	s6 =	rddreg [dreg:$0x16]  }
0x1f7: {  	p0 =	sne.s32 s9, s6  }
.Ltmp1:
0x1f8: {  	_ = 	snop;
	(pc) =	sbr.rel @p0 .LBB2_1-.Ltmp1, $3  }
0x1f9: {  	_ =	sdelay $0x1  }
0x1fa: {  	[sflag:s10] =	ssyncset.done $0x0  }
0x1fb: {  	[sflag:s10] =	ssyncadd.s32 $0xFFFFD800  }
0x1fc: {  	_ =	sfence.sel $0x180000  }
0x1fd: {  	[bflag:$0x0] =	sbarrier.arrive $0xFFFF  }
0x1fe: {  	_ =	strace $0x9000004A  }
0x1ff: {  	s0 =	stileid.u32;
	[bflag:$0x2] =	sbarrier.arrive $0xFFFF  }
0x200: {  	p0 =	sne.s32 s0, $0x0;
	s0 =	rddreg [dreg:$0x3]  }
0x201: {  	s0 =	sadd.s32 @!p0 $0x100000, s0  }
0x202: {  	[sflag:s0] =	ssyncadd.tile.s32 @!p0 $0x1;
	_ =	shalt  }
.Lfunc_end2:
_tile_overlayer_lowered:
.L_overlay_start_2:
0x203: {  	(tag) =	ssettag $0x2  }
0x204: {  	s0 =	rddreg [dreg:$0x0];
	s2 =	stileid.u32  }
0x205: {  	s1 =	rddreg [dreg:$0x1];
	p0 =	sne.s32 s2, $0x0  }
0x206: {  	s3 =	rddreg [dreg:$0x2];
	[bflag:$0x3] =	sbarrier.arrive $0xFFFF;
	s2 =	simm.s32 @!p0 $0x1C02  }
0x207: {  	[timem:s3], [sflag:s2] =	dma.local @!p0 [hbm:s0], s1  }
0x208: {  	s0 =	simm.s32 @!p0 $0x2  }
0x209: {  	_ =	swait.ge @!p0 [sflag:s0], s1  }
0x20a: {  	s1 =	ssub.s32 @!p0 $0x0, s1;
	[sflag:s0] =	ssyncset.done @!p0 $0x0  }
0x20b: {  	[sflag:s0] =	ssyncadd.s32 @!p0 s1  }
0x20c: {  	[bflag:$0x3] =	sbarrier.arrive $0xFFFF  }
0x20d: {  	_ =	shalt  }

// kernel: kernel.14.cloned.1.call-start
scs
__scs_entry_jumppad:
0x0: {  	(pc) =	sbr.rel $0x88, $3  }
0x1: {  	(tag) =	ssettag $0x0;
	lr =	simm.s32 $0x1  }
0x2: {  	[smem:$0x3F96] =	sst lr;
	_ =	strace $0xD0000000  }
0x3: {  	_ = 	snop  }
0x4: {  	_ = 	snop  }
0x5: {  	_ = 	snop  }
0x6: {  	_ = 	snop  }
0x7: {  	_ = 	snop  }
__scs_overlays_trampoline_lowered:
0x8: {  	[smem:$0x3FA5] =	sst s0  }
0x9: {  	[smem:$0x3FA6] =	sst s1  }
0xa: {  	[smem:$0x3FA7] =	sst s2  }
0xb: {  	[smem:$0x3FA8] =	sst s3  }
0xc: {  	[smem:$0x3FA9] =	sst s4  }
0xd: {  	[smem:$0x3FAA] =	sst s5  }
0xe: {  	[smem:$0x3FAB] =	sst s6  }
0xf: {  	[smem:$0x3FAC] =	sst s7  }
0x10: {  	[smem:$0x3FAD] =	sst s8  }
0x11: {  	[smem:$0x3FAE] =	sst s9;
	s0 =	simm.s32 @!p0 $0x0  }
0x12: {  	s1 =	sld [smem:$0x3F94];
	s0 =	simm.s32 @p0 $0x1  }
0x13: {  	[smem:$0x3FAF] =	sst s0;
	s0 =	simm.s32 @!p1 $0x0  }
0x14: {  	s2 =	sld [smem:$0x3F93];
	s0 =	simm.s32 @p1 $0x1  }
0x15: {  	[smem:$0x3FB0] =	sst s0;
	s0 =	simm.s32 @!p2 $0x0  }
0x16: {  	s3 =	sld [smem:$0x3FDB];
	s0 =	simm.s32 @p2 $0x1  }
0x17: {  	s4 =	simm.s32 $0x1BF5;
	[smem:$0x3FB2] =	sst s0  }
0x18: {  	s0 =	sld [smem:$0x3F95];
	_ =	swait.ge [sflag:s4], $0x0  }
0x19: {  	s7 =	sld [smem:$0x3F96]  }
0x1a: {  	s8 =	sadd.s32 $0xFFFFE003, lr  }
0x1b: {  	s9 =	sadd.s32 $0xFFFFFEF7, lr;
	s5 =	simm.s32 $0xFFFFFFFF;
	p2 =	slt.u32 s8, $0xFFFFF086  }
0x1c: {  	p1 =	slt.u32 s9, $0xF7A;
	s5 =	simm.s32 @!p2 $0x0  }
0x1d: {  	s5 =	simm.s32 @p1 $0x1;
	p0 =	seq.s32 s7, s2  }
0x1e: {  	s7 =	smul.u32 @!p0 $0xF7A, s2;
	p2 =	seq.s32 @!p0 s5, $0x0  }
0x1f: {  	s9 =	smul.u32 $0xF7A, s1;
	s8 =	simm.s32 @!p0 $0x1BF5;
	p2 =	por !p2, p0  }
0x20: {  	[sflag:s8] =	ssyncset.s32 @!p0 $0xFFFFF086;
	s6 =	sadd.s32 @!p0 s3, s7;
	s7 =	simm.s32 @!p0 $0x108  }
0x21: {  	s3 =	sadd.s32 s3, s9;
	s6 =	sadd.s32 @!p0 $0x88, s6;
	s7 =	simm.s32 @p2 $0x1082  }
0x22: {  	[simem:s7], [sflag:s8] =	dma.local @!p0 [hbm:s6], $0xF7A  }
0x23: {  	s9 =	sor.u32 $0xD0000000, s2;
	s6 =	simm.s32 $0x108;
	_ =	swait.ge @!p0 [sflag:s8], $0x0  }
0x24: {  	s3 =	sadd.s32 $0x88, s3;
	s6 =	simm.s32 @!p1 $0x1082;
	[sflag:s4] =	ssyncset.s32 $0xFFFFF086  }
0x25: {  	[simem:s6], [sflag:s4] =	dma.local [hbm:s3], $0xF7A  }
0x26: {  	[smem:$0x3F96] =	sst s1;
	(tag) =	ssettag s2;
	_ =	strace s9  }
0x27: {  	s1 =	sld [smem:$0x3FA6]  }
0x28: {  	s2 =	sld [smem:$0x3FA7]  }
0x29: {  	s4 =	sld [smem:$0x3FA9]  }
0x2a: {  	p0 =	seq.s32 s5, $0x0;
	s5 =	sld [smem:$0x3FAA]  }
0x2b: {  	s6 =	sld [smem:$0x3FAB]  }
0x2c: {  	s7 =	sld [smem:$0x3FAC]  }
0x2d: {  	s3 =	simm.s32 $0x108;
	s8 =	sld [smem:$0x3FAD]  }
0x2e: {  	s3 =	simm.s32 @!p0 $0x1082;
	s9 =	sld [smem:$0x3FAE]  }
0x2f: {  	lr =	sadd.s32 s0, s3;
	s0 =	sld [smem:$0x3FA5]  }
0x30: {  	s3 =	sld [smem:$0x3FA8]  }
0x31: {  	[smem:$0x3FB1] =	sst s10  }
0x32: {  	s10 =	sld [smem:$0x3FAF];
	_ =	sdelay $0x3  }
0x33: {  	p0 =	seq.s32 s10, $0x1;
	s10 =	sld [smem:$0x3FB1];
	_ =	sdelay $0x3  }
0x34: {  	[smem:$0x3FB1] =	sst s10  }
0x35: {  	s10 =	sld [smem:$0x3FB0];
	_ =	sdelay $0x3  }
0x36: {  	p1 =	seq.s32 s10, $0x1;
	s10 =	sld [smem:$0x3FB1];
	_ =	sdelay $0x3  }
0x37: {  	[smem:$0x3FB1] =	sst s10  }
0x38: {  	s10 =	sld [smem:$0x3FB2]  }
0x39: {  	_ = 	snop;
	(pc) =	sbr.ind lr, $3  }
0x3a: {  	_ = 	snop  }
0x3b: {  	_ = 	snop  }
0x3c: {  	p2 =	seq.s32 s10, $0x1;
	s10 =	sld [smem:$0x3FB1]  }
0x3d: {  	_ =	shalt  }
0x3e: {  	_ =	shalt  }
0x3f: {  	_ =	shalt  }
0x40: {  	_ =	shalt  }
0x41: {  	_ =	shalt  }
0x42: {  	_ =	shalt  }
0x43: {  	_ =	shalt  }
0x44: {  	_ =	shalt  }
0x45: {  	_ =	shalt  }
0x46: {  	_ =	shalt  }
0x47: {  	_ =	shalt  }
0x48: {  	_ =	shalt  }
0x49: {  	_ =	shalt  }
0x4a: {  	_ =	shalt  }
0x4b: {  	_ =	shalt  }
0x4c: {  	_ =	shalt  }
0x4d: {  	_ =	shalt  }
0x4e: {  	_ =	shalt  }
0x4f: {  	_ =	shalt  }
0x50: {  	_ =	shalt  }
0x51: {  	_ =	shalt  }
0x52: {  	_ =	shalt  }
0x53: {  	_ =	shalt  }
0x54: {  	_ =	shalt  }
0x55: {  	_ =	shalt  }
0x56: {  	_ =	shalt  }
0x57: {  	_ =	shalt  }
0x58: {  	_ =	shalt  }
0x59: {  	_ =	shalt  }
0x5a: {  	_ =	shalt  }
0x5b: {  	_ =	shalt  }
0x5c: {  	_ =	shalt  }
0x5d: {  	_ =	shalt  }
0x5e: {  	_ =	shalt  }
0x5f: {  	_ =	shalt  }
0x60: {  	_ =	shalt  }
0x61: {  	_ =	shalt  }
0x62: {  	_ =	shalt  }
0x63: {  	_ =	shalt  }
0x64: {  	_ =	shalt  }
0x65: {  	_ =	shalt  }
0x66: {  	_ =	shalt  }
0x67: {  	_ =	shalt  }
0x68: {  	_ =	shalt  }
0x69: {  	_ =	shalt  }
0x6a: {  	_ =	shalt  }
0x6b: {  	_ =	shalt  }
0x6c: {  	_ =	shalt  }
0x6d: {  	_ =	shalt  }
0x6e: {  	_ =	shalt  }
0x6f: {  	_ =	shalt  }
0x70: {  	_ =	shalt  }
0x71: {  	_ =	shalt  }
0x72: {  	_ =	shalt  }
0x73: {  	_ =	shalt  }
0x74: {  	_ =	shalt  }
0x75: {  	_ =	shalt  }
0x76: {  	_ =	shalt  }
0x77: {  	_ =	shalt  }
0x78: {  	_ =	shalt  }
0x79: {  	_ =	shalt  }
0x7a: {  	_ =	shalt  }
0x7b: {  	_ =	shalt  }
0x7c: {  	_ =	shalt  }
0x7d: {  	_ =	shalt  }
0x7e: {  	_ =	shalt  }
0x7f: {  	_ =	shalt  }
0x80: {  	_ =	shalt  }
0x81: {  	_ =	shalt  }
0x82: {  	_ =	shalt  }
0x83: {  	_ =	shalt  }
0x84: {  	_ =	shalt  }
0x85: {  	_ =	shalt  }
0x86: {  	_ =	shalt  }
0x87: {  	_ =	shalt  }
.Lfunc_end0:
.L_simem_size_0:
called_computation.2_lowered:
.L_overlay_start_0:
0x88: {  	s2 =	sld [smem:$0x3FD9]  }
0x89: {  	s3 =	sld [smem:$0x3FFE];
	_ =	sdelay $0x1  }
0x8a: {  	s1 =	srdreg.scid  }
0x8b: {  	s0 =	sand.u32 $0x1, s1  }
0x8c: {  	s17 =	sshll.u32 s0, $0xA;
	s2 =	sadd.s32 s3, s2  }
0x8d: {  	s2 =	sadd.s32 s2, s17  }
0x8e: {  	[smem:$0x3FBD] =	sst s2  }
0x8f: {  	_ = 	snop  }
0x90: {  	s2 =	sld [smem:$0x3FD0];
	(tm) =	ssettm $0x1  }
0x91: {  	s18 =	sld [smem:$0x3FFB];
	_ =	sdelay $0x3  }
0x92: {  	_ =	strace s18  }
0x93: {  	s3 =	sld [smem:$0x3FFC];
	_ =	sdelay $0x3  }
0x94: {  	_ =	strace s3  }
0x95: {  	s3 =	sld [smem:$0x3FFD];
	_ =	sdelay $0x3  }
0x96: {  	_ =	strace s3  }
0x97: {  	_ =	strace $0x8FFFFFFF  }
0x98: {  	s19 =	sld [smem:$0x3FDB];
	_ =	sdelay $0x1  }
0x99: {  	s4 =	simm.s32 $_scs_section_size  }
0x9a: {  	s5 =	simm.s32 $_size__tile_overlayer_lowered;
	s6 =	simm.s32 $_tile_overlayer_lowered  }
0x9b: {  	s22 =	simm.s32 $0x1BFF;
	s21 =	sshll.u32 s6, $0x1;
	s3 =	sadd.s32 s4, s19  }
0x9c: {  	s7 =	simm.s32 $0x0;
	s20 =	sshll.u32 s5, $0x1;
	s5 =	sadd.s32 s21, s3  }
0x9d: {  	[timem:s7], [sflag:s22] =	dma.local [hbm:s5], s20  }
0x9e: {  	_ =	swait.ge [sflag:s22], s20  }
0x9f: {  	s4 =	ssub.s32 $0x0, s20;
	[sflag:s22] =	ssyncset.done $0x0  }
0xa0: {  	[sflag:s22] =	ssyncadd.s32 s4;
	_ =	sdelay $0x1  }
0xa1: {  	s23 =	simm.s32 $0x1B8B  }
0xa2: {  	_ =	swait.ge [sflag:s23], $0x1  }
0xa3: {  	[sflag:s23] =	ssyncset.done $0x0  }
0xa4: {  	s25 =	simm.s32 $0x1B8E;
	s24 =	sld [smem:$0x3FFE];
	[sflag:s23] =	ssyncadd.s32 $0xFFFFFFFF  }
0xa5: {  	s26 =	simm.s32 $execute0_lowered;
	[smem:$0x3FD2] =	sst s25  }
0xa6: {  	s5 =	sshll.u32 s26, $0x1;
	_ =	strace $0x8000004C;
	[dreg:$0x1] =	wrdreg $0xFFFFFFFF  }
0xa7: {  	s28 =	simm.s32 $_size_execute0_lowered;
	s3 =	sadd.s32 s3, s5;
	[dreg:$0x0] =	wrdreg $0x0  }
0xa8: {  	s5 =	sshll.u32 s28, $0x1;
	[dreg:$0x2] =	wrdreg s3  }
0xa9: {  	[dreg:$0x3] =	wrdreg s5  }
0xaa: {  	[dreg:$0x4] =	wrdreg $0xC0  }
0xab: {  	_ =	task [dreg:s7], $0x5FFFF  }
0xac: {  	[dreg:$0x1] =	wrdreg $0xFFFFFFFF  }
0xad: {  	[dreg:$0x0] =	wrdreg $0x60  }
0xae: {  	[dreg:$0x2] =	wrdreg s24  }
0xaf: {  	[dreg:$0x3] =	wrdreg s2  }
0xb0: {  	[dreg:$0x4] =	wrdreg $0x0  }
0xb1: {  	[dreg:$0x5] =	wrdreg $0x9  }
0xb2: {  	_ =	task.clear_ibuf [dreg:s7], $0x6FFFF;
	_ =	strace $0x9000004C  }
0xb3: {  	s29 =	simm.s32 $0x9;
	_ =	strace $0x8000004E  }
0xb4: {  	_ =	swait.ge [sflag:s29], $0x1  }
0xb5: {  	[sflag:s29] =	ssyncadd.s32 $0xFFFFFFFF  }
0xb6: {  	_ =	strace $0x9000004E  }
0xb7: {  	_ =	sfence  }
0xb8: {  	s30 =	sld [smem:$0x0];
	_ =	sdelay $0x2  }
0xb9: {  	s31 =	sshll.u32 s1, $0xD;
	s1 =	sshrl.u32 s1, $0x2  }
0xba: {  	s3 =	sand.u32 $0x4000, s31;
	s1 =	sadd.s32 s1, s30  }
0xbb: {  	s0 =	sor.u32 s3, s0;
	s1 =	sshll.u32 s1, $0x11  }
0xbc: {  	s0 =	sor.u32 s1, s0  }
0xbd: {  	s0 =	sadd.s32 $0x8F2B, s0  }
0xbe: {  	[sflag:s0] =	ssyncadd.remote.s32 $0x1  }
0xbf: {  	_ =	sfence.sel $0xFFFF  }
0xc0: {  	[dreg:$0x0] =	wrdreg $0xFFFFFFFF;
	(pc) =	sbr.abs _section_cstart, $3  }
0xc1: {  	[dreg:$0x1] =	wrdreg $0xFFFFFFFF  }
0xc2: {  	_ =	task.clear_ibuf [dreg:s7], $0x2FFFF;
	_ =	strace $0x9FFFFFFF  }
0xc3: {  	(tm) =	ssettm $0x7FFFFFFF  }
tec
execute0_lowered:
.L_overlay_start_1:
0x0: {  	(tag) =	ssettag $0x1  }
0x1: {  	s0 =	rddreg [dreg:$0x0]  }
0x2: {  	s1 =	srdreg.scid;
	s5 =	rddreg [dreg:$0x1]  }
0x3: {  	s10 =	stileid.u32;
	s2 =	rddreg [dreg:$0x2]  }
0x4: {  	s3 =	simm.s32 $0x0;
	s12 =	simm.s32 $0x14080;
	s14 =	simm.s32 $0x14100  }
0x5: {  	s15 =	simm.s32 $0x14880;
	[smem:$0x7FF] =	sst s3;
	s25 =	sadd.s32 $0x35800, s0  }
0x6: {  	s17 =	simm.s32 $0x14180;
	_ =	strace $0x8000004D;
	[dreg:$0x13] =	wrdreg s25  }
0x7: {  	s18 =	simm.s32 $0x14900;
	s19 =	simm.s32 $0x14200;
	[dreg:$0x6] =	wrdreg s12  }
0x8: {  	s20 =	simm.s32 $0x14980;
	s21 =	simm.s32 $0x14280;
	[dreg:$0x7] =	wrdreg s14  }
0x9: {  	s22 =	simm.s32 $0x14A00;
	s23 =	simm.s32 $0x14300;
	[dreg:$0x8] =	wrdreg s15  }
0xa: {  	s28 =	simm.s32 $0x14680;
	s29 =	simm.s32 $0x14E00;
	[dreg:$0x9] =	wrdreg s17  }
0xb: {  	s30 =	simm.s32 $0x14700;
	s6 =	smul.u32 $0x2800, s10;
	[dreg:$0xa] =	wrdreg s18  }
0xc: {  	s31 =	simm.s32 $0x14E80;
	s24 =	smul.u32 $0x14000, s10;
	[dreg:$0xb] =	wrdreg s19  }
0xd: {  	s1 =	sand.u32 $0x1, s1;
	s11 =	smul.u32 $0x50000, s10;
	[dreg:$0xc] =	wrdreg s20  }
0xe: {  	s16 =	sshll.u32 s10, $0x6;
	s4 =	smul.u32 $0x28000, s1;
	[dreg:$0xd] =	wrdreg s21  }
0xf: {  	s10 =	simm.s32 $0x2;
	s7 =	smul.u32 $0x140000, s1;
	[dreg:$0xe] =	wrdreg s22  }
0x10: {  	s1 =	ssub.s32 $0x2, s1;
	s12 =	simm.s32 $0x14800;
	[dreg:$0xf] =	wrdreg s23  }
0x11: {  	s25 =	simm.s32 $0x14380;
	s14 =	simm.s32 $0x15000;
	s15 =	simm.s32 $0x1  }
0x12: {  	s17 =	simm.s32 $0x14400;
	s18 =	simm.s32 $0x14B80;
	s19 =	simm.s32 $0x14480  }
0x13: {  	s20 =	simm.s32 $0x14C00;
	s21 =	simm.s32 $0x14500;
	s22 =	simm.s32 $0x14C80  }
0x14: {  	s23 =	simm.s32 $0x14580;
	s26 =	sshrl.u32 s1, $0x1;
	s13 =	sshrl.u32 s11, $0x2  }
0x15: {  	s11 =	simm.s32 $0x14000;
	[dreg:$0x11] =	wrdreg s25;
	s25 =	simm.s32 $0x14600  }
0x16: {  	s4 =	sadd.s32 s6, s4;
	s6 =	sadd.s32 s24, s7;
	s1 =	ssub.s32 s1, s26  }
0x17: {  	s7 =	sor.u32 $0x1C02, s16;
	s24 =	simm.s32 $0x14A80;
	s26 =	simm.s32 $0x14B00  }
0x18: {  	s16 =	simm.s32 $0x19000;
	s8 =	sshrl.u32 s4, $0x3;
	s4 =	sadd.s32 $0xD800, s0  }
0x19: {  	s6 =	sshrl.u32 s6, $0x3;
	s1 =	smax.u32 s1, $0x1;
	[dreg:$0x10] =	wrdreg s24  }
0x1a: {  	[dreg:$0x12] =	wrdreg s26;
	s24 =	simm.s32 $0x14D00;
	s26 =	simm.s32 $0x14D80  }
0x1b: {  	[dreg:$0x14] =	wrdreg s7;
	s9 =	sadd.s32 s8, s0;
	s0 =	sadd.s32 s6, s0  }
0x1c: {  	s5 =	sadd.s32 s8, s5;
	s6 =	sadd.s32 s13, s2;
	[dreg:$0x16] =	wrdreg s1  }
0x1d: {  	s13 =	simm.s32 $0x80;
	s9 =	sadd.s32 $0x3800, s9;
	[dreg:$0x5] =	wrdreg s5  }
0x1e: {  	s1 =	simm.s32 $0x14780;
	s0 =	sadd.s32 $0x38800, s0;
	[dreg:$0x4] =	wrdreg s9  }
0x1f: {  	s8 =	sshrl.u32 s6, $0x3;
	s5 =	simm.s32 $0x14F80;
	[dreg:$0x15] =	wrdreg s0  }
0x20: {  	s0 =	simm.s32 $0x14F00;
	s9 =	simm.s32 $0x0;
	[dreg:$0x17] =	wrdreg s8  }
.LBB2_1:
0x21: {  	[dreg:$0x18] =	wrdreg s9  }
0x22: {  	s6 =	rddreg [dreg:$0x13]  }
0x23: {  	[spmem:s8], [sflag:s7] =	dma.local [hbm:s6], $0x2800  }
0x24: {  	_ =	swait.ge [sflag:s10], $0x2800  }
0x25: {  	[sflag:s10] =	ssyncset.done $0x0  }
0x26: {  	[sflag:s10] =	ssyncadd.s32 $0xFFFFD800  }
0x27: {  	[bflag:$0x0] =	sbarrier.arrive $0xFFFF  }
0x28: {  	s9 =	rddreg [dreg:$0x5]  }
0x29: {  	s6 =	sadd.s32 $0x0, s9  }
0x2a: {  	[tilespmem:s11], [sflag:$0x2] =	stream.linear.gather [hbm4b:s6+s3], $0x800, $0x38;
	[tilespmem:$0x1D000] =	vst v63  }
0x2b: {  	_ =	swait.ge [sflag:s10], $0x800  }
0x2c: {  	s7 =	rddreg [dreg:$0x4];
	[sflag:s10] =	ssyncset.done $0x0  }
0x2d: {  	[sflag:s10] =	ssyncadd.s32 $0xFFFFF800;
	s6 =	sadd.s32 $0x0, s7  }
0x2e: {  	[tilespmem:s12], [sflag:$0x2] =	stream.linear.gather [hbm4b:s6+s3], $0x800, $0x38;
	[tilespmem:$0x1D000] =	vst v63  }
0x2f: {  	_ =	swait.ge [sflag:s10], $0x800  }
0x30: {  	[sflag:s10] =	ssyncset.done $0x0  }
0x31: {  	[sflag:s10] =	ssyncadd.s32 $0xFFFFF800  }
0x32: {  	[tilespmem:s14], [sflag:$0x1] =	stream.indirect.gather [hbm4b:s4+s13], $0x80, s11, s13, $0xb8;
	[tilespmem:$0x1D000] =	vst v63  }
0x33: {  	_ =	swait.ge [sflag:s15], $0x4000  }
0x34: {  	[sflag:s15] =	ssyncset.done $0x0  }
0x35: {  	s8 =	rddreg [dreg:$0x6];
	[sflag:s15] =	ssyncadd.s32 $0xFFFFC000  }
0x36: {  	[tilespmem:s16], [sflag:$0x1] =	stream.indirect.gather [hbm4b:s4+s13], $0x80, s8, s13, $0xb8;
	[tilespmem:$0x1D000] =	vst v63  }
0x37: {  	_ = 	snop  }
0x38: {  	[spmem:s2] =	stream.indirect.scatter.add.f32 [tilespmem:s14], [sflag:$0x2], $0x80, s12, s13, $0xb8;
	[tilespmem:$0x1D000] =	vst v63  }
0x39: {  	_ =	swait.ge [sflag:s10], $0x4000  }
0x3a: {  	[sflag:s10] =	ssyncset.done $0x0  }
0x3b: {  	[sflag:s10] =	ssyncadd.s32 $0xFFFFC000  }
0x3c: {  	_ =	swait.ge [sflag:s15], $0x4000  }
0x3d: {  	[sflag:s15] =	ssyncset.done $0x0  }
0x3e: {  	s9 =	rddreg [dreg:$0x7];
	[sflag:s15] =	ssyncadd.s32 $0xFFFFC000  }
0x3f: {  	[tilespmem:s14], [sflag:$0x1] =	stream.indirect.gather [hbm4b:s4+s13], $0x80, s9, s13, $0xb8;
	[tilespmem:$0x1D000] =	vst v63  }
0x40: {  	s7 =	rddreg [dreg:$0x8]  }
0x41: {  	[spmem:s2] =	stream.indirect.scatter.add.f32 [tilespmem:s16], [sflag:$0x2], $0x80, s7, s13, $0xb8;
	[tilespmem:$0x1D000] =	vst v63  }
0x42: {  	_ =	swait.ge [sflag:s10], $0x4000  }
0x43: {  	[sflag:s10] =	ssyncset.done $0x0  }
0x44: {  	[sflag:s10] =	ssyncadd.s32 $0xFFFFC000  }
0x45: {  	_ =	swait.ge [sflag:s15], $0x4000  }
0x46: {  	[sflag:s15] =	ssyncset.done $0x0  }
0x47: {  	s9 =	rddreg [dreg:$0x9];
	[sflag:s15] =	ssyncadd.s32 $0xFFFFC000  }
0x48: {  	[tilespmem:s16], [sflag:$0x1] =	stream.indirect.gather [hbm4b:s4+s13], $0x80, s9, s13, $0xb8;
	[tilespmem:$0x1D000] =	vst v63  }
0x49: {  	s7 =	rddreg [dreg:$0xa]  }
0x4a: {  	[spmem:s2] =	stream.indirect.scatter.add.f32 [tilespmem:s14], [sflag:$0x2], $0x80, s7, s13, $0xb8;
	[tilespmem:$0x1D000] =	vst v63  }
0x4b: {  	_ =	swait.ge [sflag:s10], $0x4000  }
0x4c: {  	[sflag:s10] =	ssyncset.done $0x0  }
0x4d: {  	[sflag:s10] =	ssyncadd.s32 $0xFFFFC000  }
0x4e: {  	_ =	swait.ge [sflag:s15], $0x4000  }
0x4f: {  	[sflag:s15] =	ssyncset.done $0x0  }
0x50: {  	s9 =	rddreg [dreg:$0xb];
	[sflag:s15] =	ssyncadd.s32 $0xFFFFC000  }
0x51: {  	[tilespmem:s14], [sflag:$0x1] =	stream.indirect.gather [hbm4b:s4+s13], $0x80, s9, s13, $0xb8;
	[tilespmem:$0x1D000] =	vst v63  }
0x52: {  	s7 =	rddreg [dreg:$0xc]  }
0x53: {  	[spmem:s2] =	stream.indirect.scatter.add.f32 [tilespmem:s16], [sflag:$0x2], $0x80, s7, s13, $0xb8;
	[tilespmem:$0x1D000] =	vst v63  }
0x54: {  	_ =	swait.ge [sflag:s10], $0x4000  }
0x55: {  	[sflag:s10] =	ssyncset.done $0x0  }
0x56: {  	[sflag:s10] =	ssyncadd.s32 $0xFFFFC000  }
0x57: {  	_ =	swait.ge [sflag:s15], $0x4000  }
0x58: {  	[sflag:s15] =	ssyncset.done $0x0  }
0x59: {  	s9 =	rddreg [dreg:$0xd];
	[sflag:s15] =	ssyncadd.s32 $0xFFFFC000  }
0x5a: {  	[tilespmem:s16], [sflag:$0x1] =	stream.indirect.gather [hbm4b:s4+s13], $0x80, s9, s13, $0xb8;
	[tilespmem:$0x1D000] =	vst v63  }
0x5b: {  	s7 =	rddreg [dreg:$0xe]  }
0x5c: {  	[spmem:s2] =	stream.indirect.scatter.add.f32 [tilespmem:s14], [sflag:$0x2], $0x80, s7, s13, $0xb8;
	[tilespmem:$0x1D000] =	vst v63  }
0x5d: {  	_ =	swait.ge [sflag:s10], $0x4000  }
0x5e: {  	[sflag:s10] =	ssyncset.done $0x0  }
0x5f: {  	[sflag:s10] =	ssyncadd.s32 $0xFFFFC000  }
0x60: {  	_ =	swait.ge [sflag:s15], $0x4000  }
0x61: {  	[sflag:s15] =	ssyncset.done $0x0  }
0x62: {  	s9 =	rddreg [dreg:$0xf];
	[sflag:s15] =	ssyncadd.s32 $0xFFFFC000  }
0x63: {  	[tilespmem:s14], [sflag:$0x1] =	stream.indirect.gather [hbm4b:s4+s13], $0x80, s9, s13, $0xb8;
	[tilespmem:$0x1D000] =	vst v63  }
0x64: {  	s7 =	rddreg [dreg:$0x10]  }
0x65: {  	[spmem:s2] =	stream.indirect.scatter.add.f32 [tilespmem:s16], [sflag:$0x2], $0x80, s7, s13, $0xb8;
	[tilespmem:$0x1D000] =	vst v63  }
0x66: {  	_ =	swait.ge [sflag:s10], $0x4000  }
0x67: {  	[sflag:s10] =	ssyncset.done $0x0  }
0x68: {  	[sflag:s10] =	ssyncadd.s32 $0xFFFFC000  }
0x69: {  	_ =	swait.ge [sflag:s15], $0x4000  }
0x6a: {  	[sflag:s15] =	ssyncset.done $0x0  }
0x6b: {  	s8 =	rddreg [dreg:$0x11];
	[sflag:s15] =	ssyncadd.s32 $0xFFFFC000  }
0x6c: {  	[tilespmem:s16], [sflag:$0x1] =	stream.indirect.gather [hbm4b:s4+s13], $0x80, s8, s13, $0xb8;
	[tilespmem:$0x1D000] =	vst v63  }
0x6d: {  	s9 =	rddreg [dreg:$0x12]  }
0x6e: {  	[spmem:s2] =	stream.indirect.scatter.add.f32 [tilespmem:s14], [sflag:$0x2], $0x80, s9, s13, $0xb8;
	[tilespmem:$0x1D000] =	vst v63  }
0x6f: {  	_ =	swait.ge [sflag:s10], $0x4000  }
0x70: {  	[sflag:s10] =	ssyncset.done $0x0  }
0x71: {  	[sflag:s10] =	ssyncadd.s32 $0xFFFFC000  }
0x72: {  	_ =	swait.ge [sflag:s15], $0x4000  }
0x73: {  	[sflag:s15] =	ssyncset.done $0x0  }
0x74: {  	[sflag:s15] =	ssyncadd.s32 $0xFFFFC000  }
0x75: {  	[tilespmem:s14], [sflag:$0x1] =	stream.indirect.gather [hbm4b:s4+s13], $0x80, s17, s13, $0xb8;
	[tilespmem:$0x1D000] =	vst v63  }
0x76: {  	_ = 	snop  }
0x77: {  	[spmem:s2] =	stream.indirect.scatter.add.f32 [tilespmem:s16], [sflag:$0x2], $0x80, s18, s13, $0xb8;
	[tilespmem:$0x1D000] =	vst v63  }
0x78: {  	_ =	swait.ge [sflag:s10], $0x4000  }
0x79: {  	[sflag:s10] =	ssyncset.done $0x0  }
0x7a: {  	[sflag:s10] =	ssyncadd.s32 $0xFFFFC000  }
0x7b: {  	_ =	swait.ge [sflag:s15], $0x4000  }
0x7c: {  	[sflag:s15] =	ssyncset.done $0x0  }
0x7d: {  	[sflag:s15] =	ssyncadd.s32 $0xFFFFC000  }
0x7e: {  	[tilespmem:s16], [sflag:$0x1] =	stream.indirect.gather [hbm4b:s4+s13], $0x80, s19, s13, $0xb8;
	[tilespmem:$0x1D000] =	vst v63  }
0x7f: {  	_ = 	snop  }
0x80: {  	[spmem:s2] =	stream.indirect.scatter.add.f32 [tilespmem:s14], [sflag:$0x2], $0x80, s20, s13, $0xb8;
	[tilespmem:$0x1D000] =	vst v63  }
0x81: {  	_ =	swait.ge [sflag:s10], $0x4000  }
0x82: {  	[sflag:s10] =	ssyncset.done $0x0  }
0x83: {  	[sflag:s10] =	ssyncadd.s32 $0xFFFFC000  }
0x84: {  	_ =	swait.ge [sflag:s15], $0x4000  }
0x85: {  	[sflag:s15] =	ssyncset.done $0x0  }
0x86: {  	[sflag:s15] =	ssyncadd.s32 $0xFFFFC000  }
0x87: {  	[tilespmem:s14], [sflag:$0x1] =	stream.indirect.gather [hbm4b:s4+s13], $0x80, s21, s13, $0xb8;
	[tilespmem:$0x1D000] =	vst v63  }
0x88: {  	_ = 	snop  }
0x89: {  	[spmem:s2] =	stream.indirect.scatter.add.f32 [tilespmem:s16], [sflag:$0x2], $0x80, s22, s13, $0xb8;
	[tilespmem:$0x1D000] =	vst v63  }
0x8a: {  	_ =	swait.ge [sflag:s10], $0x4000  }
0x8b: {  	[sflag:s10] =	ssyncset.done $0x0  }
0x8c: {  	[sflag:s10] =	ssyncadd.s32 $0xFFFFC000  }
0x8d: {  	_ =	swait.ge [sflag:s15], $0x4000  }
0x8e: {  	[sflag:s15] =	ssyncset.done $0x0  }
0x8f: {  	[sflag:s15] =	ssyncadd.s32 $0xFFFFC000  }
0x90: {  	[tilespmem:s16], [sflag:$0x1] =	stream.indirect.gather [hbm4b:s4+s13], $0x80, s23, s13, $0xb8;
	[tilespmem:$0x1D000] =	vst v63  }
0x91: {  	_ = 	snop  }
0x92: {  	[spmem:s2] =	stream.indirect.scatter.add.f32 [tilespmem:s14], [sflag:$0x2], $0x80, s24, s13, $0xb8;
	[tilespmem:$0x1D000] =	vst v63  }
0x93: {  	_ =	swait.ge [sflag:s10], $0x4000  }
0x94: {  	[sflag:s10] =	ssyncset.done $0x0  }
0x95: {  	[sflag:s10] =	ssyncadd.s32 $0xFFFFC000  }
0x96: {  	_ =	swait.ge [sflag:s15], $0x4000  }
0x97: {  	[sflag:s15] =	ssyncset.done $0x0  }
0x98: {  	[sflag:s15] =	ssyncadd.s32 $0xFFFFC000  }
0x99: {  	[tilespmem:s14], [sflag:$0x1] =	stream.indirect.gather [hbm4b:s4+s13], $0x80, s25, s13, $0xb8;
	[tilespmem:$0x1D000] =	vst v63  }
0x9a: {  	_ = 	snop  }
0x9b: {  	[spmem:s2] =	stream.indirect.scatter.add.f32 [tilespmem:s16], [sflag:$0x2], $0x80, s26, s13, $0xb8;
	[tilespmem:$0x1D000] =	vst v63  }
0x9c: {  	_ =	swait.ge [sflag:s10], $0x4000  }
0x9d: {  	[sflag:s10] =	ssyncset.done $0x0  }
0x9e: {  	[sflag:s10] =	ssyncadd.s32 $0xFFFFC000  }
0x9f: {  	_ =	swait.ge [sflag:s15], $0x4000  }
0xa0: {  	[sflag:s15] =	ssyncset.done $0x0  }
0xa1: {  	[sflag:s15] =	ssyncadd.s32 $0xFFFFC000  }
0xa2: {  	[tilespmem:s16], [sflag:$0x1] =	stream.indirect.gather [hbm4b:s4+s13], $0x80, s28, s13, $0xb8;
	[tilespmem:$0x1D000] =	vst v63  }
0xa3: {  	_ = 	snop  }
0xa4: {  	[spmem:s2] =	stream.indirect.scatter.add.f32 [tilespmem:s14], [sflag:$0x2], $0x80, s29, s13, $0xb8;
	[tilespmem:$0x1D000] =	vst v63  }
0xa5: {  	_ =	swait.ge [sflag:s10], $0x4000  }
0xa6: {  	[sflag:s10] =	ssyncset.done $0x0  }
0xa7: {  	[sflag:s10] =	ssyncadd.s32 $0xFFFFC000  }
0xa8: {  	_ =	swait.ge [sflag:s15], $0x4000  }
0xa9: {  	[sflag:s15] =	ssyncset.done $0x0  }
0xaa: {  	[sflag:s15] =	ssyncadd.s32 $0xFFFFC000  }
0xab: {  	[tilespmem:s14], [sflag:$0x1] =	stream.indirect.gather [hbm4b:s4+s13], $0x80, s30, s13, $0xb8;
	[tilespmem:$0x1D000] =	vst v63  }
0xac: {  	_ = 	snop  }
0xad: {  	[spmem:s2] =	stream.indirect.scatter.add.f32 [tilespmem:s16], [sflag:$0x2], $0x80, s31, s13, $0xb8;
	[tilespmem:$0x1D000] =	vst v63  }
0xae: {  	_ =	swait.ge [sflag:s10], $0x4000  }
0xaf: {  	[sflag:s10] =	ssyncset.done $0x0  }
0xb0: {  	[sflag:s10] =	ssyncadd.s32 $0xFFFFC000  }
0xb1: {  	_ =	swait.ge [sflag:s15], $0x4000  }
0xb2: {  	[sflag:s15] =	ssyncset.done $0x0  }
0xb3: {  	[sflag:s15] =	ssyncadd.s32 $0xFFFFC000  }
0xb4: {  	[tilespmem:s16], [sflag:$0x1] =	stream.indirect.gather [hbm4b:s4+s13], $0x80, s1, s13, $0xb8;
	[tilespmem:$0x1D000] =	vst v63  }
0xb5: {  	_ = 	snop  }
0xb6: {  	[spmem:s2] =	stream.indirect.scatter.add.f32 [tilespmem:s14], [sflag:$0x2], $0x80, s0, s13, $0xb8;
	[tilespmem:$0x1D000] =	vst v63  }
0xb7: {  	_ =	swait.ge [sflag:s10], $0x4000  }
0xb8: {  	[sflag:s10] =	ssyncset.done $0x0  }
0xb9: {  	[sflag:s10] =	ssyncadd.s32 $0xFFFFC000  }
0xba: {  	_ =	swait.ge [sflag:s15], $0x4000  }
0xbb: {  	[sflag:s15] =	ssyncset.done $0x0  }
0xbc: {  	[sflag:s15] =	ssyncadd.s32 $0xFFFFC000  }
0xbd: {  	[spmem:s2] =	stream.indirect.scatter.add.f32 [tilespmem:s16], [sflag:$0x2], $0x80, s5, s13, $0xb8;
	[tilespmem:$0x1D000] =	vst v63  }
0xbe: {  	s6 =	simm.s32 $0x200;
	_ =	swait.ge [sflag:s10], $0x4000  }
0xbf: {  	s8 =	simm.s32 $0x100;
	s9 =	rddreg [dreg:$0x5];
	[sflag:s10] =	ssyncset.done $0x0  }
.LBB2_2:
0xc0: {  	[sflag:s10] =	ssyncadd.s32 $0xFFFFC000;
	s9 =	sadd.s32 s8, s9  }
0xc1: {  	[tilespmem:s11], [sflag:$0x2] =	stream.linear.gather [hbm4b:s9+s3], $0x800, $0x38;
	[tilespmem:$0x1D000] =	vst v63  }
0xc2: {  	_ =	swait.ge [sflag:s10], $0x800  }
0xc3: {  	s9 =	rddreg [dreg:$0x4];
	[sflag:s10] =	ssyncset.done $0x0  }
0xc4: {  	[sflag:s10] =	ssyncadd.s32 $0xFFFFF800;
	s9 =	sadd.s32 s8, s9  }
0xc5: {  	[tilespmem:s12], [sflag:$0x2] =	stream.linear.gather [hbm4b:s9+s3], $0x800, $0x38;
	[tilespmem:$0x1D000] =	vst v63  }
0xc6: {  	_ =	swait.ge [sflag:s10], $0x800  }
0xc7: {  	[sflag:s10] =	ssyncset.done $0x0  }
0xc8: {  	[sflag:s10] =	ssyncadd.s32 $0xFFFFF800  }
0xc9: {  	[tilespmem:s14], [sflag:$0x1] =	stream.indirect.gather [hbm4b:s4+s13], $0x80, s11, s13, $0xb8;
	[tilespmem:$0x1D000] =	vst v63  }
0xca: {  	_ =	swait.ge [sflag:s15], $0x4000  }
0xcb: {  	[sflag:s15] =	ssyncset.done $0x0  }
0xcc: {  	s9 =	rddreg [dreg:$0x6];
	[sflag:s15] =	ssyncadd.s32 $0xFFFFC000  }
0xcd: {  	[tilespmem:s16], [sflag:$0x1] =	stream.indirect.gather [hbm4b:s4+s13], $0x80, s9, s13, $0xb8;
	[tilespmem:$0x1D000] =	vst v63  }
0xce: {  	_ = 	snop  }
0xcf: {  	[spmem:s2] =	stream.indirect.scatter.add.f32 [tilespmem:s14], [sflag:$0x2], $0x80, s12, s13, $0xb8;
	[tilespmem:$0x1D000] =	vst v63  }
0xd0: {  	_ =	swait.ge [sflag:s10], $0x4000  }
0xd1: {  	[sflag:s10] =	ssyncset.done $0x0  }
0xd2: {  	[sflag:s10] =	ssyncadd.s32 $0xFFFFC000  }
0xd3: {  	_ =	swait.ge [sflag:s15], $0x4000  }
0xd4: {  	s7 =	smov.u32 s6;
	[sflag:s15] =	ssyncset.done $0x0  }
0xd5: {  	s8 =	smov.u32 s7;
	s7 =	rddreg [dreg:$0x7];
	[sflag:s15] =	ssyncadd.s32 $0xFFFFC000  }
0xd6: {  	[tilespmem:s14], [sflag:$0x1] =	stream.indirect.gather [hbm4b:s4+s13], $0x80, s7, s13, $0xb8;
	[tilespmem:$0x1D000] =	vst v63  }
0xd7: {  	s9 =	rddreg [dreg:$0x8]  }
0xd8: {  	[spmem:s2] =	stream.indirect.scatter.add.f32 [tilespmem:s16], [sflag:$0x2], $0x80, s9, s13, $0xb8;
	[tilespmem:$0x1D000] =	vst v63  }
0xd9: {  	_ =	swait.ge [sflag:s10], $0x4000  }
0xda: {  	[sflag:s10] =	ssyncset.done $0x0  }
0xdb: {  	[sflag:s10] =	ssyncadd.s32 $0xFFFFC000  }
0xdc: {  	_ =	swait.ge [sflag:s15], $0x4000  }
0xdd: {  	[sflag:s15] =	ssyncset.done $0x0  }
0xde: {  	s7 =	rddreg [dreg:$0x9];
	[sflag:s15] =	ssyncadd.s32 $0xFFFFC000  }
0xdf: {  	[tilespmem:s16], [sflag:$0x1] =	stream.indirect.gather [hbm4b:s4+s13], $0x80, s7, s13, $0xb8;
	[tilespmem:$0x1D000] =	vst v63  }
0xe0: {  	s9 =	rddreg [dreg:$0xa]  }
0xe1: {  	[spmem:s2] =	stream.indirect.scatter.add.f32 [tilespmem:s14], [sflag:$0x2], $0x80, s9, s13, $0xb8;
	[tilespmem:$0x1D000] =	vst v63  }
0xe2: {  	_ =	swait.ge [sflag:s10], $0x4000  }
0xe3: {  	[sflag:s10] =	ssyncset.done $0x0  }
0xe4: {  	[sflag:s10] =	ssyncadd.s32 $0xFFFFC000  }
0xe5: {  	_ =	swait.ge [sflag:s15], $0x4000  }
0xe6: {  	[sflag:s15] =	ssyncset.done $0x0  }
0xe7: {  	s7 =	rddreg [dreg:$0xb];
	[sflag:s15] =	ssyncadd.s32 $0xFFFFC000  }
0xe8: {  	[tilespmem:s14], [sflag:$0x1] =	stream.indirect.gather [hbm4b:s4+s13], $0x80, s7, s13, $0xb8;
	[tilespmem:$0x1D000] =	vst v63  }
0xe9: {  	s9 =	rddreg [dreg:$0xc]  }
0xea: {  	[spmem:s2] =	stream.indirect.scatter.add.f32 [tilespmem:s16], [sflag:$0x2], $0x80, s9, s13, $0xb8;
	[tilespmem:$0x1D000] =	vst v63  }
0xeb: {  	_ =	swait.ge [sflag:s10], $0x4000  }
0xec: {  	[sflag:s10] =	ssyncset.done $0x0  }
0xed: {  	[sflag:s10] =	ssyncadd.s32 $0xFFFFC000  }
0xee: {  	_ =	swait.ge [sflag:s15], $0x4000  }
0xef: {  	[sflag:s15] =	ssyncset.done $0x0  }
0xf0: {  	s7 =	rddreg [dreg:$0xd];
	[sflag:s15] =	ssyncadd.s32 $0xFFFFC000  }
0xf1: {  	[tilespmem:s16], [sflag:$0x1] =	stream.indirect.gather [hbm4b:s4+s13], $0x80, s7, s13, $0xb8;
	[tilespmem:$0x1D000] =	vst v63  }
0xf2: {  	s9 =	rddreg [dreg:$0xe]  }
0xf3: {  	[spmem:s2] =	stream.indirect.scatter.add.f32 [tilespmem:s14], [sflag:$0x2], $0x80, s9, s13, $0xb8;
	[tilespmem:$0x1D000] =	vst v63  }
0xf4: {  	_ =	swait.ge [sflag:s10], $0x4000  }
0xf5: {  	[sflag:s10] =	ssyncset.done $0x0  }
0xf6: {  	[sflag:s10] =	ssyncadd.s32 $0xFFFFC000  }
0xf7: {  	_ =	swait.ge [sflag:s15], $0x4000  }
0xf8: {  	[sflag:s15] =	ssyncset.done $0x0  }
0xf9: {  	s7 =	rddreg [dreg:$0xf];
	[sflag:s15] =	ssyncadd.s32 $0xFFFFC000  }
0xfa: {  	[tilespmem:s14], [sflag:$0x1] =	stream.indirect.gather [hbm4b:s4+s13], $0x80, s7, s13, $0xb8;
	[tilespmem:$0x1D000] =	vst v63  }
0xfb: {  	s9 =	rddreg [dreg:$0x10]  }
0xfc: {  	[spmem:s2] =	stream.indirect.scatter.add.f32 [tilespmem:s16], [sflag:$0x2], $0x80, s9, s13, $0xb8;
	[tilespmem:$0x1D000] =	vst v63  }
0xfd: {  	_ =	swait.ge [sflag:s10], $0x4000  }
0xfe: {  	[sflag:s10] =	ssyncset.done $0x0  }
0xff: {  	[sflag:s10] =	ssyncadd.s32 $0xFFFFC000  }
0x100: {  	_ =	swait.ge [sflag:s15], $0x4000  }
0x101: {  	[sflag:s15] =	ssyncset.done $0x0  }
0x102: {  	s7 =	rddreg [dreg:$0x11];
	[sflag:s15] =	ssyncadd.s32 $0xFFFFC000  }
0x103: {  	[tilespmem:s16], [sflag:$0x1] =	stream.indirect.gather [hbm4b:s4+s13], $0x80, s7, s13, $0xb8;
	[tilespmem:$0x1D000] =	vst v63  }
0x104: {  	s9 =	rddreg [dreg:$0x12]  }
0x105: {  	[spmem:s2] =	stream.indirect.scatter.add.f32 [tilespmem:s14], [sflag:$0x2], $0x80, s9, s13, $0xb8;
	[tilespmem:$0x1D000] =	vst v63  }
0x106: {  	_ =	swait.ge [sflag:s10], $0x4000  }
0x107: {  	[sflag:s10] =	ssyncset.done $0x0  }
0x108: {  	[sflag:s10] =	ssyncadd.s32 $0xFFFFC000  }
0x109: {  	_ =	swait.ge [sflag:s15], $0x4000  }
0x10a: {  	[sflag:s15] =	ssyncset.done $0x0  }
0x10b: {  	[sflag:s15] =	ssyncadd.s32 $0xFFFFC000  }
0x10c: {  	[tilespmem:s14], [sflag:$0x1] =	stream.indirect.gather [hbm4b:s4+s13], $0x80, s17, s13, $0xb8;
	[tilespmem:$0x1D000] =	vst v63  }
0x10d: {  	_ = 	snop  }
0x10e: {  	[spmem:s2] =	stream.indirect.scatter.add.f32 [tilespmem:s16], [sflag:$0x2], $0x80, s18, s13, $0xb8;
	[tilespmem:$0x1D000] =	vst v63  }
0x10f: {  	_ =	swait.ge [sflag:s10], $0x4000  }
0x110: {  	[sflag:s10] =	ssyncset.done $0x0  }
0x111: {  	[sflag:s10] =	ssyncadd.s32 $0xFFFFC000  }
0x112: {  	_ =	swait.ge [sflag:s15], $0x4000  }
0x113: {  	[sflag:s15] =	ssyncset.done $0x0  }
0x114: {  	[sflag:s15] =	ssyncadd.s32 $0xFFFFC000  }
0x115: {  	[tilespmem:s16], [sflag:$0x1] =	stream.indirect.gather [hbm4b:s4+s13], $0x80, s19, s13, $0xb8;
	[tilespmem:$0x1D000] =	vst v63  }
0x116: {  	_ = 	snop  }
0x117: {  	[spmem:s2] =	stream.indirect.scatter.add.f32 [tilespmem:s14], [sflag:$0x2], $0x80, s20, s13, $0xb8;
	[tilespmem:$0x1D000] =	vst v63  }
0x118: {  	_ =	swait.ge [sflag:s10], $0x4000  }
0x119: {  	[sflag:s10] =	ssyncset.done $0x0  }
0x11a: {  	[sflag:s10] =	ssyncadd.s32 $0xFFFFC000  }
0x11b: {  	_ =	swait.ge [sflag:s15], $0x4000  }
0x11c: {  	[sflag:s15] =	ssyncset.done $0x0  }
0x11d: {  	[sflag:s15] =	ssyncadd.s32 $0xFFFFC000  }
0x11e: {  	[tilespmem:s14], [sflag:$0x1] =	stream.indirect.gather [hbm4b:s4+s13], $0x80, s21, s13, $0xb8;
	[tilespmem:$0x1D000] =	vst v63  }
0x11f: {  	_ = 	snop  }
0x120: {  	[spmem:s2] =	stream.indirect.scatter.add.f32 [tilespmem:s16], [sflag:$0x2], $0x80, s22, s13, $0xb8;
	[tilespmem:$0x1D000] =	vst v63  }
0x121: {  	_ =	swait.ge [sflag:s10], $0x4000  }
0x122: {  	[sflag:s10] =	ssyncset.done $0x0  }
0x123: {  	[sflag:s10] =	ssyncadd.s32 $0xFFFFC000  }
0x124: {  	_ =	swait.ge [sflag:s15], $0x4000  }
0x125: {  	[sflag:s15] =	ssyncset.done $0x0  }
0x126: {  	[sflag:s15] =	ssyncadd.s32 $0xFFFFC000  }
0x127: {  	[tilespmem:s16], [sflag:$0x1] =	stream.indirect.gather [hbm4b:s4+s13], $0x80, s23, s13, $0xb8;
	[tilespmem:$0x1D000] =	vst v63  }
0x128: {  	_ = 	snop  }
0x129: {  	[spmem:s2] =	stream.indirect.scatter.add.f32 [tilespmem:s14], [sflag:$0x2], $0x80, s24, s13, $0xb8;
	[tilespmem:$0x1D000] =	vst v63  }
0x12a: {  	_ =	swait.ge [sflag:s10], $0x4000  }
0x12b: {  	[sflag:s10] =	ssyncset.done $0x0  }
0x12c: {  	[sflag:s10] =	ssyncadd.s32 $0xFFFFC000  }
0x12d: {  	_ =	swait.ge [sflag:s15], $0x4000  }
0x12e: {  	[sflag:s15] =	ssyncset.done $0x0  }
0x12f: {  	[sflag:s15] =	ssyncadd.s32 $0xFFFFC000  }
0x130: {  	[tilespmem:s14], [sflag:$0x1] =	stream.indirect.gather [hbm4b:s4+s13], $0x80, s25, s13, $0xb8;
	[tilespmem:$0x1D000] =	vst v63  }
0x131: {  	_ = 	snop  }
0x132: {  	[spmem:s2] =	stream.indirect.scatter.add.f32 [tilespmem:s16], [sflag:$0x2], $0x80, s26, s13, $0xb8;
	[tilespmem:$0x1D000] =	vst v63  }
0x133: {  	_ =	swait.ge [sflag:s10], $0x4000  }
0x134: {  	[sflag:s10] =	ssyncset.done $0x0  }
0x135: {  	[sflag:s10] =	ssyncadd.s32 $0xFFFFC000  }
0x136: {  	_ =	swait.ge [sflag:s15], $0x4000  }
0x137: {  	[sflag:s15] =	ssyncset.done $0x0  }
0x138: {  	[sflag:s15] =	ssyncadd.s32 $0xFFFFC000  }
0x139: {  	[tilespmem:s16], [sflag:$0x1] =	stream.indirect.gather [hbm4b:s4+s13], $0x80, s28, s13, $0xb8;
	[tilespmem:$0x1D000] =	vst v63  }
0x13a: {  	_ = 	snop  }
0x13b: {  	[spmem:s2] =	stream.indirect.scatter.add.f32 [tilespmem:s14], [sflag:$0x2], $0x80, s29, s13, $0xb8;
	[tilespmem:$0x1D000] =	vst v63  }
0x13c: {  	_ =	swait.ge [sflag:s10], $0x4000  }
0x13d: {  	[sflag:s10] =	ssyncset.done $0x0  }
0x13e: {  	[sflag:s10] =	ssyncadd.s32 $0xFFFFC000  }
0x13f: {  	_ =	swait.ge [sflag:s15], $0x4000  }
0x140: {  	[sflag:s15] =	ssyncset.done $0x0  }
0x141: {  	[sflag:s15] =	ssyncadd.s32 $0xFFFFC000  }
0x142: {  	[tilespmem:s14], [sflag:$0x1] =	stream.indirect.gather [hbm4b:s4+s13], $0x80, s30, s13, $0xb8;
	[tilespmem:$0x1D000] =	vst v63  }
0x143: {  	_ = 	snop  }
0x144: {  	[spmem:s2] =	stream.indirect.scatter.add.f32 [tilespmem:s16], [sflag:$0x2], $0x80, s31, s13, $0xb8;
	[tilespmem:$0x1D000] =	vst v63  }
0x145: {  	_ =	swait.ge [sflag:s10], $0x4000  }
0x146: {  	[sflag:s10] =	ssyncset.done $0x0  }
0x147: {  	[sflag:s10] =	ssyncadd.s32 $0xFFFFC000  }
0x148: {  	_ =	swait.ge [sflag:s15], $0x4000  }
0x149: {  	[sflag:s15] =	ssyncset.done $0x0  }
0x14a: {  	[sflag:s15] =	ssyncadd.s32 $0xFFFFC000  }
0x14b: {  	[tilespmem:s16], [sflag:$0x1] =	stream.indirect.gather [hbm4b:s4+s13], $0x80, s1, s13, $0xb8;
	[tilespmem:$0x1D000] =	vst v63  }
0x14c: {  	_ = 	snop  }
0x14d: {  	[spmem:s2] =	stream.indirect.scatter.add.f32 [tilespmem:s14], [sflag:$0x2], $0x80, s0, s13, $0xb8;
	[tilespmem:$0x1D000] =	vst v63  }
0x14e: {  	_ =	swait.ge [sflag:s10], $0x4000  }
0x14f: {  	[sflag:s10] =	ssyncset.done $0x0  }
0x150: {  	[sflag:s10] =	ssyncadd.s32 $0xFFFFC000  }
0x151: {  	p0 =	sne.s32 s6, $0x400;
	_ =	swait.ge [sflag:s15], $0x4000  }
.Ltmp0:
0x152: {  	[sflag:s15] =	ssyncset.done $0x0;
	(pc) =	sbr.rel @p0 .LBB2_2-.Ltmp0, $4  }
0x153: {  	[sflag:s15] =	ssyncadd.s32 $0xFFFFC000  }
0x154: {  	[spmem:s2] =	stream.indirect.scatter.add.f32 [tilespmem:s16], [sflag:$0x2], $0x80, s5, s13, $0xb8;
	[tilespmem:$0x1D000] =	vst v63  }
0x155: {  	_ =	swait.ge [sflag:s10], $0x4000  }
0x156: {  	s6 =	sadd.s32 $0x100, s6;
	s9 =	rddreg [dreg:$0x5];
	[sflag:s10] =	ssyncset.done $0x0  }
0x157: {  	[sflag:s10] =	ssyncadd.s32 $0xFFFFC000;
	s6 =	sadd.s32 s8, s9  }
0x158: {  	[tilespmem:s11], [sflag:$0x2] =	stream.linear.gather [hbm4b:s6+s3], $0x800, $0x38;
	[tilespmem:$0x1D000] =	vst v63  }
0x159: {  	_ =	swait.ge [sflag:s10], $0x800  }
0x15a: {  	s7 =	rddreg [dreg:$0x4];
	[sflag:s10] =	ssyncset.done $0x0  }
0x15b: {  	[sflag:s10] =	ssyncadd.s32 $0xFFFFF800;
	s6 =	sadd.s32 s8, s7  }
0x15c: {  	[tilespmem:s12], [sflag:$0x2] =	stream.linear.gather [hbm4b:s6+s3], $0x800, $0x38;
	[tilespmem:$0x1D000] =	vst v63  }
0x15d: {  	_ =	swait.ge [sflag:s10], $0x800  }
0x15e: {  	[sflag:s10] =	ssyncset.done $0x0  }
0x15f: {  	[sflag:s10] =	ssyncadd.s32 $0xFFFFF800  }
0x160: {  	[tilespmem:s14], [sflag:$0x1] =	stream.indirect.gather [hbm4b:s4+s13], $0x80, s11, s13, $0xb8;
	[tilespmem:$0x1D000] =	vst v63  }
0x161: {  	_ =	swait.ge [sflag:s15], $0x4000  }
0x162: {  	[sflag:s15] =	ssyncset.done $0x0  }
0x163: {  	s8 =	rddreg [dreg:$0x6];
	[sflag:s15] =	ssyncadd.s32 $0xFFFFC000  }
0x164: {  	[tilespmem:s16], [sflag:$0x1] =	stream.indirect.gather [hbm4b:s4+s13], $0x80, s8, s13, $0xb8;
	[tilespmem:$0x1D000] =	vst v63  }
0x165: {  	_ = 	snop  }
0x166: {  	[spmem:s2] =	stream.indirect.scatter.add.f32 [tilespmem:s14], [sflag:$0x2], $0x80, s12, s13, $0xb8;
	[tilespmem:$0x1D000] =	vst v63  }
0x167: {  	_ =	swait.ge [sflag:s10], $0x4000  }
0x168: {  	[sflag:s10] =	ssyncset.done $0x0  }
0x169: {  	[sflag:s10] =	ssyncadd.s32 $0xFFFFC000  }
0x16a: {  	_ =	swait.ge [sflag:s15], $0x4000  }
0x16b: {  	[sflag:s15] =	ssyncset.done $0x0  }
0x16c: {  	s9 =	rddreg [dreg:$0x7];
	[sflag:s15] =	ssyncadd.s32 $0xFFFFC000  }
0x16d: {  	[tilespmem:s14], [sflag:$0x1] =	stream.indirect.gather [hbm4b:s4+s13], $0x80, s9, s13, $0xb8;
	[tilespmem:$0x1D000] =	vst v63  }
0x16e: {  	s7 =	rddreg [dreg:$0x8]  }
0x16f: {  	[spmem:s2] =	stream.indirect.scatter.add.f32 [tilespmem:s16], [sflag:$0x2], $0x80, s7, s13, $0xb8;
	[tilespmem:$0x1D000] =	vst v63  }
0x170: {  	_ =	swait.ge [sflag:s10], $0x4000  }
0x171: {  	[sflag:s10] =	ssyncset.done $0x0  }
0x172: {  	[sflag:s10] =	ssyncadd.s32 $0xFFFFC000  }
0x173: {  	_ =	swait.ge [sflag:s15], $0x4000  }
0x174: {  	[sflag:s15] =	ssyncset.done $0x0  }
0x175: {  	s8 =	rddreg [dreg:$0x9];
	[sflag:s15] =	ssyncadd.s32 $0xFFFFC000  }
0x176: {  	[tilespmem:s16], [sflag:$0x1] =	stream.indirect.gather [hbm4b:s4+s13], $0x80, s8, s13, $0xb8;
	[tilespmem:$0x1D000] =	vst v63  }
0x177: {  	s9 =	rddreg [dreg:$0xa]  }
0x178: {  	[spmem:s2] =	stream.indirect.scatter.add.f32 [tilespmem:s14], [sflag:$0x2], $0x80, s9, s13, $0xb8;
	[tilespmem:$0x1D000] =	vst v63  }
0x179: {  	_ =	swait.ge [sflag:s10], $0x4000  }
0x17a: {  	[sflag:s10] =	ssyncset.done $0x0  }
0x17b: {  	[sflag:s10] =	ssyncadd.s32 $0xFFFFC000  }
0x17c: {  	_ =	swait.ge [sflag:s15], $0x4000  }
0x17d: {  	[sflag:s15] =	ssyncset.done $0x0  }
0x17e: {  	s8 =	rddreg [dreg:$0xb];
	[sflag:s15] =	ssyncadd.s32 $0xFFFFC000  }
0x17f: {  	[tilespmem:s14], [sflag:$0x1] =	stream.indirect.gather [hbm4b:s4+s13], $0x80, s8, s13, $0xb8;
	[tilespmem:$0x1D000] =	vst v63  }
0x180: {  	s9 =	rddreg [dreg:$0xc]  }
0x181: {  	[spmem:s2] =	stream.indirect.scatter.add.f32 [tilespmem:s16], [sflag:$0x2], $0x80, s9, s13, $0xb8;
	[tilespmem:$0x1D000] =	vst v63  }
0x182: {  	_ =	swait.ge [sflag:s10], $0x4000  }
0x183: {  	[sflag:s10] =	ssyncset.done $0x0  }
0x184: {  	[sflag:s10] =	ssyncadd.s32 $0xFFFFC000  }
0x185: {  	_ =	swait.ge [sflag:s15], $0x4000  }
0x186: {  	[sflag:s15] =	ssyncset.done $0x0  }
0x187: {  	s8 =	rddreg [dreg:$0xd];
	[sflag:s15] =	ssyncadd.s32 $0xFFFFC000  }
0x188: {  	[tilespmem:s16], [sflag:$0x1] =	stream.indirect.gather [hbm4b:s4+s13], $0x80, s8, s13, $0xb8;
	[tilespmem:$0x1D000] =	vst v63  }
0x189: {  	s9 =	rddreg [dreg:$0xe]  }
0x18a: {  	[spmem:s2] =	stream.indirect.scatter.add.f32 [tilespmem:s14], [sflag:$0x2], $0x80, s9, s13, $0xb8;
	[tilespmem:$0x1D000] =	vst v63  }
0x18b: {  	_ =	swait.ge [sflag:s10], $0x4000  }
0x18c: {  	[sflag:s10] =	ssyncset.done $0x0  }
0x18d: {  	[sflag:s10] =	ssyncadd.s32 $0xFFFFC000  }
0x18e: {  	_ =	swait.ge [sflag:s15], $0x4000  }
0x18f: {  	[sflag:s15] =	ssyncset.done $0x0  }
0x190: {  	s8 =	rddreg [dreg:$0xf];
	[sflag:s15] =	ssyncadd.s32 $0xFFFFC000  }
0x191: {  	[tilespmem:s14], [sflag:$0x1] =	stream.indirect.gather [hbm4b:s4+s13], $0x80, s8, s13, $0xb8;
	[tilespmem:$0x1D000] =	vst v63  }
0x192: {  	s9 =	rddreg [dreg:$0x10]  }
0x193: {  	[spmem:s2] =	stream.indirect.scatter.add.f32 [tilespmem:s16], [sflag:$0x2], $0x80, s9, s13, $0xb8;
	[tilespmem:$0x1D000] =	vst v63  }
0x194: {  	_ =	swait.ge [sflag:s10], $0x4000  }
0x195: {  	[sflag:s10] =	ssyncset.done $0x0  }
0x196: {  	[sflag:s10] =	ssyncadd.s32 $0xFFFFC000  }
0x197: {  	_ =	swait.ge [sflag:s15], $0x4000  }
0x198: {  	[sflag:s15] =	ssyncset.done $0x0  }
0x199: {  	s7 =	rddreg [dreg:$0x11];
	[sflag:s15] =	ssyncadd.s32 $0xFFFFC000  }
0x19a: {  	[tilespmem:s16], [sflag:$0x1] =	stream.indirect.gather [hbm4b:s4+s13], $0x80, s7, s13, $0xb8;
	[tilespmem:$0x1D000] =	vst v63  }
0x19b: {  	s8 =	rddreg [dreg:$0x12]  }
0x19c: {  	[spmem:s2] =	stream.indirect.scatter.add.f32 [tilespmem:s14], [sflag:$0x2], $0x80, s8, s13, $0xb8;
	[tilespmem:$0x1D000] =	vst v63  }
0x19d: {  	_ =	swait.ge [sflag:s10], $0x4000  }
0x19e: {  	[sflag:s10] =	ssyncset.done $0x0  }
0x19f: {  	[sflag:s10] =	ssyncadd.s32 $0xFFFFC000  }
0x1a0: {  	_ =	swait.ge [sflag:s15], $0x4000  }
0x1a1: {  	[sflag:s15] =	ssyncset.done $0x0  }
0x1a2: {  	[sflag:s15] =	ssyncadd.s32 $0xFFFFC000  }
0x1a3: {  	[tilespmem:s14], [sflag:$0x1] =	stream.indirect.gather [hbm4b:s4+s13], $0x80, s17, s13, $0xb8;
	[tilespmem:$0x1D000] =	vst v63  }
0x1a4: {  	_ = 	snop  }
0x1a5: {  	[spmem:s2] =	stream.indirect.scatter.add.f32 [tilespmem:s16], [sflag:$0x2], $0x80, s18, s13, $0xb8;
	[tilespmem:$0x1D000] =	vst v63  }
0x1a6: {  	_ =	swait.ge [sflag:s10], $0x4000  }
0x1a7: {  	[sflag:s10] =	ssyncset.done $0x0  }
0x1a8: {  	[sflag:s10] =	ssyncadd.s32 $0xFFFFC000  }
0x1a9: {  	_ =	swait.ge [sflag:s15], $0x4000  }
0x1aa: {  	[sflag:s15] =	ssyncset.done $0x0  }
0x1ab: {  	[sflag:s15] =	ssyncadd.s32 $0xFFFFC000  }
0x1ac: {  	[tilespmem:s16], [sflag:$0x1] =	stream.indirect.gather [hbm4b:s4+s13], $0x80, s19, s13, $0xb8;
	[tilespmem:$0x1D000] =	vst v63  }
0x1ad: {  	_ = 	snop  }
0x1ae: {  	[spmem:s2] =	stream.indirect.scatter.add.f32 [tilespmem:s14], [sflag:$0x2], $0x80, s20, s13, $0xb8;
	[tilespmem:$0x1D000] =	vst v63  }
0x1af: {  	_ =	swait.ge [sflag:s10], $0x4000  }
0x1b0: {  	[sflag:s10] =	ssyncset.done $0x0  }
0x1b1: {  	[sflag:s10] =	ssyncadd.s32 $0xFFFFC000  }
0x1b2: {  	_ =	swait.ge [sflag:s15], $0x4000  }
0x1b3: {  	[sflag:s15] =	ssyncset.done $0x0  }
0x1b4: {  	[sflag:s15] =	ssyncadd.s32 $0xFFFFC000  }
0x1b5: {  	[tilespmem:s14], [sflag:$0x1] =	stream.indirect.gather [hbm4b:s4+s13], $0x80, s21, s13, $0xb8;
	[tilespmem:$0x1D000] =	vst v63  }
0x1b6: {  	_ = 	snop  }
0x1b7: {  	[spmem:s2] =	stream.indirect.scatter.add.f32 [tilespmem:s16], [sflag:$0x2], $0x80, s22, s13, $0xb8;
	[tilespmem:$0x1D000] =	vst v63  }
0x1b8: {  	_ =	swait.ge [sflag:s10], $0x4000  }
0x1b9: {  	[sflag:s10] =	ssyncset.done $0x0  }
0x1ba: {  	[sflag:s10] =	ssyncadd.s32 $0xFFFFC000  }
0x1bb: {  	_ =	swait.ge [sflag:s15], $0x4000  }
0x1bc: {  	[sflag:s15] =	ssyncset.done $0x0  }
0x1bd: {  	[sflag:s15] =	ssyncadd.s32 $0xFFFFC000  }
0x1be: {  	[tilespmem:s16], [sflag:$0x1] =	stream.indirect.gather [hbm4b:s4+s13], $0x80, s23, s13, $0xb8;
	[tilespmem:$0x1D000] =	vst v63  }
0x1bf: {  	_ = 	snop  }
0x1c0: {  	[spmem:s2] =	stream.indirect.scatter.add.f32 [tilespmem:s14], [sflag:$0x2], $0x80, s24, s13, $0xb8;
	[tilespmem:$0x1D000] =	vst v63  }
0x1c1: {  	_ =	swait.ge [sflag:s10], $0x4000  }
0x1c2: {  	[sflag:s10] =	ssyncset.done $0x0  }
0x1c3: {  	[sflag:s10] =	ssyncadd.s32 $0xFFFFC000  }
0x1c4: {  	_ =	swait.ge [sflag:s15], $0x4000  }
0x1c5: {  	[sflag:s15] =	ssyncset.done $0x0  }
0x1c6: {  	[sflag:s15] =	ssyncadd.s32 $0xFFFFC000  }
0x1c7: {  	[tilespmem:s14], [sflag:$0x1] =	stream.indirect.gather [hbm4b:s4+s13], $0x80, s25, s13, $0xb8;
	[tilespmem:$0x1D000] =	vst v63  }
0x1c8: {  	_ = 	snop  }
0x1c9: {  	[spmem:s2] =	stream.indirect.scatter.add.f32 [tilespmem:s16], [sflag:$0x2], $0x80, s26, s13, $0xb8;
	[tilespmem:$0x1D000] =	vst v63  }
0x1ca: {  	_ =	swait.ge [sflag:s10], $0x4000  }
0x1cb: {  	[sflag:s10] =	ssyncset.done $0x0  }
0x1cc: {  	[sflag:s10] =	ssyncadd.s32 $0xFFFFC000  }
0x1cd: {  	_ =	swait.ge [sflag:s15], $0x4000  }
0x1ce: {  	[sflag:s15] =	ssyncset.done $0x0  }
0x1cf: {  	[sflag:s15] =	ssyncadd.s32 $0xFFFFC000  }
0x1d0: {  	[tilespmem:s16], [sflag:$0x1] =	stream.indirect.gather [hbm4b:s4+s13], $0x80, s28, s13, $0xb8;
	[tilespmem:$0x1D000] =	vst v63  }
0x1d1: {  	_ = 	snop  }
0x1d2: {  	[spmem:s2] =	stream.indirect.scatter.add.f32 [tilespmem:s14], [sflag:$0x2], $0x80, s29, s13, $0xb8;
	[tilespmem:$0x1D000] =	vst v63  }
0x1d3: {  	_ =	swait.ge [sflag:s10], $0x4000  }
0x1d4: {  	[sflag:s10] =	ssyncset.done $0x0  }
0x1d5: {  	[sflag:s10] =	ssyncadd.s32 $0xFFFFC000  }
0x1d6: {  	_ =	swait.ge [sflag:s15], $0x4000  }
0x1d7: {  	[sflag:s15] =	ssyncset.done $0x0  }
0x1d8: {  	[sflag:s15] =	ssyncadd.s32 $0xFFFFC000  }
0x1d9: {  	[tilespmem:s14], [sflag:$0x1] =	stream.indirect.gather [hbm4b:s4+s13], $0x80, s30, s13, $0xb8;
	[tilespmem:$0x1D000] =	vst v63  }
0x1da: {  	_ = 	snop  }
0x1db: {  	[spmem:s2] =	stream.indirect.scatter.add.f32 [tilespmem:s16], [sflag:$0x2], $0x80, s31, s13, $0xb8;
	[tilespmem:$0x1D000] =	vst v63  }
0x1dc: {  	_ =	swait.ge [sflag:s10], $0x4000  }
0x1dd: {  	[sflag:s10] =	ssyncset.done $0x0  }
0x1de: {  	[sflag:s10] =	ssyncadd.s32 $0xFFFFC000  }
0x1df: {  	_ =	swait.ge [sflag:s15], $0x4000  }
0x1e0: {  	[sflag:s15] =	ssyncset.done $0x0  }
0x1e1: {  	[sflag:s15] =	ssyncadd.s32 $0xFFFFC000  }
0x1e2: {  	[tilespmem:s16], [sflag:$0x1] =	stream.indirect.gather [hbm4b:s4+s13], $0x80, s1, s13, $0xb8;
	[tilespmem:$0x1D000] =	vst v63  }
0x1e3: {  	_ = 	snop  }
0x1e4: {  	[spmem:s2] =	stream.indirect.scatter.add.f32 [tilespmem:s14], [sflag:$0x2], $0x80, s0, s13, $0xb8;
	[tilespmem:$0x1D000] =	vst v63  }
0x1e5: {  	_ =	swait.ge [sflag:s10], $0x4000  }
0x1e6: {  	[sflag:s10] =	ssyncset.done $0x0  }
0x1e7: {  	[sflag:s10] =	ssyncadd.s32 $0xFFFFC000  }
0x1e8: {  	_ =	swait.ge [sflag:s15], $0x4000  }
0x1e9: {  	[sflag:s15] =	ssyncset.done $0x0  }
0x1ea: {  	[sflag:s15] =	ssyncadd.s32 $0xFFFFC000  }
0x1eb: {  	[spmem:s2] =	stream.indirect.scatter.add.f32 [tilespmem:s16], [sflag:$0x2], $0x80, s5, s13, $0xb8;
	[tilespmem:$0x1D000] =	vst v63  }
0x1ec: {  	_ =	swait.ge [sflag:s10], $0x4000  }
0x1ed: {  	[sflag:s10] =	ssyncset.done $0x0  }
0x1ee: {  	[sflag:s10] =	ssyncadd.s32 $0xFFFFC000  }
0x1ef: {  	[bflag:$0x0] =	sbarrier.arrive $0xFFFF  }
0x1f0: {  	s7 =	rddreg [dreg:$0x14]  }
0x1f1: {  	s9 =	rddreg [dreg:$0x15]  }
0x1f2: {  	s8 =	rddreg [dreg:$0x17]  }
0x1f3: {  	[hbm:s9], [sflag:s7] =	dma.local [spmem:s8], $0x2800  }
0x1f4: {  	_ =	swait.ge [sflag:s10], $0x2800  }
0x1f5: {  	s6 =	rddreg [dreg:$0x18]  }
0x1f6: {  	s9 =	sadd.s32 $0x1, s6;
	s6 =	rddreg [dreg:$0x16]  }
0x1f7: {  	p0 =	sne.s32 s9, s6  }
.Ltmp1:
0x1f8: {  	_ = 	snop;
	(pc) =	sbr.rel @p0 .LBB2_1-.Ltmp1, $3  }
0x1f9: {  	_ =	sdelay $0x1  }
0x1fa: {  	[sflag:s10] =	ssyncset.done $0x0  }
0x1fb: {  	[sflag:s10] =	ssyncadd.s32 $0xFFFFD800  }
0x1fc: {  	_ =	sfence.sel $0x180000  }
0x1fd: {  	[bflag:$0x0] =	sbarrier.arrive $0xFFFF  }
0x1fe: {  	_ =	strace $0x9000004D  }
0x1ff: {  	s0 =	stileid.u32;
	[bflag:$0x2] =	sbarrier.arrive $0xFFFF  }
0x200: {  	p0 =	sne.s32 s0, $0x0;
	s0 =	rddreg [dreg:$0x3]  }
0x201: {  	s0 =	sadd.s32 @!p0 $0x100000, s0  }
0x202: {  	[sflag:s0] =	ssyncadd.tile.s32 @!p0 $0x1;
	_ =	shalt  }
.Lfunc_end2:
_tile_overlayer_lowered:
.L_overlay_start_2:
0x203: {  	(tag) =	ssettag $0x2  }
0x204: {  	s0 =	rddreg [dreg:$0x0];
	s2 =	stileid.u32  }
0x205: {  	s1 =	rddreg [dreg:$0x1];
	p0 =	sne.s32 s2, $0x0  }
0x206: {  	s3 =	rddreg [dreg:$0x2];
	[bflag:$0x3] =	sbarrier.arrive $0xFFFF;
	s2 =	simm.s32 @!p0 $0x1C02  }
0x207: {  	[timem:s3], [sflag:s2] =	dma.local @!p0 [hbm:s0], s1  }
0x208: {  	s0 =	simm.s32 @!p0 $0x2  }
0x209: {  	_ =	swait.ge @!p0 [sflag:s0], s1  }
0x20a: {  	s1 =	ssub.s32 @!p0 $0x0, s1;
	[sflag:s0] =	ssyncset.done @!p0 $0x0  }
0x20b: {  	[sflag:s0] =	ssyncadd.s32 @!p0 s1  }
0x20c: {  	[bflag:$0x3] =	sbarrier.arrive $0xFFFF  }
0x20d: {  	_ =	shalt  }

// kernel: kernel.8.cloned.1.call-start
scs
__scs_entry_jumppad:
0x0: {  	(pc) =	sbr.rel $0x88, $3  }
0x1: {  	(tag) =	ssettag $0x0;
	lr =	simm.s32 $0x1  }
0x2: {  	[smem:$0x3F96] =	sst lr;
	_ =	strace $0xD0000000  }
0x3: {  	_ = 	snop  }
0x4: {  	_ = 	snop  }
0x5: {  	_ = 	snop  }
0x6: {  	_ = 	snop  }
0x7: {  	_ = 	snop  }
__scs_overlays_trampoline_lowered:
0x8: {  	[smem:$0x3FA5] =	sst s0  }
0x9: {  	[smem:$0x3FA6] =	sst s1  }
0xa: {  	[smem:$0x3FA7] =	sst s2  }
0xb: {  	[smem:$0x3FA8] =	sst s3  }
0xc: {  	[smem:$0x3FA9] =	sst s4  }
0xd: {  	[smem:$0x3FAA] =	sst s5  }
0xe: {  	[smem:$0x3FAB] =	sst s6  }
0xf: {  	[smem:$0x3FAC] =	sst s7  }
0x10: {  	[smem:$0x3FAD] =	sst s8  }
0x11: {  	[smem:$0x3FAE] =	sst s9;
	s0 =	simm.s32 @!p0 $0x0  }
0x12: {  	s1 =	sld [smem:$0x3F94];
	s0 =	simm.s32 @p0 $0x1  }
0x13: {  	[smem:$0x3FAF] =	sst s0;
	s0 =	simm.s32 @!p1 $0x0  }
0x14: {  	s2 =	sld [smem:$0x3F93];
	s0 =	simm.s32 @p1 $0x1  }
0x15: {  	[smem:$0x3FB0] =	sst s0;
	s0 =	simm.s32 @!p2 $0x0  }
0x16: {  	s3 =	sld [smem:$0x3FDB];
	s0 =	simm.s32 @p2 $0x1  }
0x17: {  	s4 =	simm.s32 $0x1BF5;
	[smem:$0x3FB2] =	sst s0  }
0x18: {  	s0 =	sld [smem:$0x3F95];
	_ =	swait.ge [sflag:s4], $0x0  }
0x19: {  	s7 =	sld [smem:$0x3F96]  }
0x1a: {  	s8 =	sadd.s32 $0xFFFFE003, lr  }
0x1b: {  	s9 =	sadd.s32 $0xFFFFFEF7, lr;
	s5 =	simm.s32 $0xFFFFFFFF;
	p2 =	slt.u32 s8, $0xFFFFF086  }
0x1c: {  	p1 =	slt.u32 s9, $0xF7A;
	s5 =	simm.s32 @!p2 $0x0  }
0x1d: {  	s5 =	simm.s32 @p1 $0x1;
	p0 =	seq.s32 s7, s2  }
0x1e: {  	s7 =	smul.u32 @!p0 $0xF7A, s2;
	p2 =	seq.s32 @!p0 s5, $0x0  }
0x1f: {  	s9 =	smul.u32 $0xF7A, s1;
	s8 =	simm.s32 @!p0 $0x1BF5;
	p2 =	por !p2, p0  }
0x20: {  	[sflag:s8] =	ssyncset.s32 @!p0 $0xFFFFF086;
	s6 =	sadd.s32 @!p0 s3, s7;
	s7 =	simm.s32 @!p0 $0x108  }
0x21: {  	s3 =	sadd.s32 s3, s9;
	s6 =	sadd.s32 @!p0 $0x88, s6;
	s7 =	simm.s32 @p2 $0x1082  }
0x22: {  	[simem:s7], [sflag:s8] =	dma.local @!p0 [hbm:s6], $0xF7A  }
0x23: {  	s9 =	sor.u32 $0xD0000000, s2;
	s6 =	simm.s32 $0x108;
	_ =	swait.ge @!p0 [sflag:s8], $0x0  }
0x24: {  	s3 =	sadd.s32 $0x88, s3;
	s6 =	simm.s32 @!p1 $0x1082;
	[sflag:s4] =	ssyncset.s32 $0xFFFFF086  }
0x25: {  	[simem:s6], [sflag:s4] =	dma.local [hbm:s3], $0xF7A  }
0x26: {  	[smem:$0x3F96] =	sst s1;
	(tag) =	ssettag s2;
	_ =	strace s9  }
0x27: {  	s1 =	sld [smem:$0x3FA6]  }
0x28: {  	s2 =	sld [smem:$0x3FA7]  }
0x29: {  	s4 =	sld [smem:$0x3FA9]  }
0x2a: {  	p0 =	seq.s32 s5, $0x0;
	s5 =	sld [smem:$0x3FAA]  }
0x2b: {  	s6 =	sld [smem:$0x3FAB]  }
0x2c: {  	s7 =	sld [smem:$0x3FAC]  }
0x2d: {  	s3 =	simm.s32 $0x108;
	s8 =	sld [smem:$0x3FAD]  }
0x2e: {  	s3 =	simm.s32 @!p0 $0x1082;
	s9 =	sld [smem:$0x3FAE]  }
0x2f: {  	lr =	sadd.s32 s0, s3;
	s0 =	sld [smem:$0x3FA5]  }
0x30: {  	s3 =	sld [smem:$0x3FA8]  }
0x31: {  	[smem:$0x3FB1] =	sst s10  }
0x32: {  	s10 =	sld [smem:$0x3FAF];
	_ =	sdelay $0x3  }
0x33: {  	p0 =	seq.s32 s10, $0x1;
	s10 =	sld [smem:$0x3FB1];
	_ =	sdelay $0x3  }
0x34: {  	[smem:$0x3FB1] =	sst s10  }
0x35: {  	s10 =	sld [smem:$0x3FB0];
	_ =	sdelay $0x3  }
0x36: {  	p1 =	seq.s32 s10, $0x1;
	s10 =	sld [smem:$0x3FB1];
	_ =	sdelay $0x3  }
0x37: {  	[smem:$0x3FB1] =	sst s10  }
0x38: {  	s10 =	sld [smem:$0x3FB2]  }
0x39: {  	_ = 	snop;
	(pc) =	sbr.ind lr, $3  }
0x3a: {  	_ = 	snop  }
0x3b: {  	_ = 	snop  }
0x3c: {  	p2 =	seq.s32 s10, $0x1;
	s10 =	sld [smem:$0x3FB1]  }
0x3d: {  	_ =	shalt  }
0x3e: {  	_ =	shalt  }
0x3f: {  	_ =	shalt  }
0x40: {  	_ =	shalt  }
0x41: {  	_ =	shalt  }
0x42: {  	_ =	shalt  }
0x43: {  	_ =	shalt  }
0x44: {  	_ =	shalt  }
0x45: {  	_ =	shalt  }
0x46: {  	_ =	shalt  }
0x47: {  	_ =	shalt  }
0x48: {  	_ =	shalt  }
0x49: {  	_ =	shalt  }
0x4a: {  	_ =	shalt  }
0x4b: {  	_ =	shalt  }
0x4c: {  	_ =	shalt  }
0x4d: {  	_ =	shalt  }
0x4e: {  	_ =	shalt  }
0x4f: {  	_ =	shalt  }
0x50: {  	_ =	shalt  }
0x51: {  	_ =	shalt  }
0x52: {  	_ =	shalt  }
0x53: {  	_ =	shalt  }
0x54: {  	_ =	shalt  }
0x55: {  	_ =	shalt  }
0x56: {  	_ =	shalt  }
0x57: {  	_ =	shalt  }
0x58: {  	_ =	shalt  }
0x59: {  	_ =	shalt  }
0x5a: {  	_ =	shalt  }
0x5b: {  	_ =	shalt  }
0x5c: {  	_ =	shalt  }
0x5d: {  	_ =	shalt  }
0x5e: {  	_ =	shalt  }
0x5f: {  	_ =	shalt  }
0x60: {  	_ =	shalt  }
0x61: {  	_ =	shalt  }
0x62: {  	_ =	shalt  }
0x63: {  	_ =	shalt  }
0x64: {  	_ =	shalt  }
0x65: {  	_ =	shalt  }
0x66: {  	_ =	shalt  }
0x67: {  	_ =	shalt  }
0x68: {  	_ =	shalt  }
0x69: {  	_ =	shalt  }
0x6a: {  	_ =	shalt  }
0x6b: {  	_ =	shalt  }
0x6c: {  	_ =	shalt  }
0x6d: {  	_ =	shalt  }
0x6e: {  	_ =	shalt  }
0x6f: {  	_ =	shalt  }
0x70: {  	_ =	shalt  }
0x71: {  	_ =	shalt  }
0x72: {  	_ =	shalt  }
0x73: {  	_ =	shalt  }
0x74: {  	_ =	shalt  }
0x75: {  	_ =	shalt  }
0x76: {  	_ =	shalt  }
0x77: {  	_ =	shalt  }
0x78: {  	_ =	shalt  }
0x79: {  	_ =	shalt  }
0x7a: {  	_ =	shalt  }
0x7b: {  	_ =	shalt  }
0x7c: {  	_ =	shalt  }
0x7d: {  	_ =	shalt  }
0x7e: {  	_ =	shalt  }
0x7f: {  	_ =	shalt  }
0x80: {  	_ =	shalt  }
0x81: {  	_ =	shalt  }
0x82: {  	_ =	shalt  }
0x83: {  	_ =	shalt  }
0x84: {  	_ =	shalt  }
0x85: {  	_ =	shalt  }
0x86: {  	_ =	shalt  }
0x87: {  	_ =	shalt  }
.Lfunc_end0:
.L_simem_size_0:
called_computation_lowered:
.L_overlay_start_0:
0x88: {  	s2 =	sld [smem:$0x3FD9]  }
0x89: {  	s3 =	sld [smem:$0x3FFE];
	_ =	sdelay $0x1  }
0x8a: {  	s1 =	srdreg.scid  }
0x8b: {  	s0 =	sand.u32 $0x1, s1  }
0x8c: {  	s17 =	sshll.u32 s0, $0xA;
	s2 =	sadd.s32 s3, s2  }
0x8d: {  	s2 =	sadd.s32 s2, s17  }
0x8e: {  	[smem:$0x3FBD] =	sst s2  }
0x8f: {  	_ = 	snop  }
0x90: {  	s2 =	sld [smem:$0x3FD0];
	(tm) =	ssettm $0x1  }
0x91: {  	s18 =	sld [smem:$0x3FFB];
	_ =	sdelay $0x3  }
0x92: {  	_ =	strace s18  }
0x93: {  	s3 =	sld [smem:$0x3FFC];
	_ =	sdelay $0x3  }
0x94: {  	_ =	strace s3  }
0x95: {  	s3 =	sld [smem:$0x3FFD];
	_ =	sdelay $0x3  }
0x96: {  	_ =	strace s3  }
0x97: {  	_ =	strace $0x8FFFFFFF  }
0x98: {  	s19 =	sld [smem:$0x3FDB];
	_ =	sdelay $0x1  }
0x99: {  	s4 =	simm.s32 $_scs_section_size  }
0x9a: {  	s5 =	simm.s32 $_size__tile_overlayer_lowered;
	s6 =	simm.s32 $_tile_overlayer_lowered  }
0x9b: {  	s22 =	simm.s32 $0x1BFF;
	s21 =	sshll.u32 s6, $0x1;
	s3 =	sadd.s32 s4, s19  }
0x9c: {  	s7 =	simm.s32 $0x0;
	s20 =	sshll.u32 s5, $0x1;
	s5 =	sadd.s32 s21, s3  }
0x9d: {  	[timem:s7], [sflag:s22] =	dma.local [hbm:s5], s20  }
0x9e: {  	_ =	swait.ge [sflag:s22], s20  }
0x9f: {  	s4 =	ssub.s32 $0x0, s20;
	[sflag:s22] =	ssyncset.done $0x0  }
0xa0: {  	[sflag:s22] =	ssyncadd.s32 s4;
	_ =	sdelay $0x1  }
0xa1: {  	s23 =	simm.s32 $0x1B8B  }
0xa2: {  	_ =	swait.ge [sflag:s23], $0x1  }
0xa3: {  	[sflag:s23] =	ssyncset.done $0x0  }
0xa4: {  	s25 =	simm.s32 $0x1B8E;
	s24 =	sld [smem:$0x3FFE];
	[sflag:s23] =	ssyncadd.s32 $0xFFFFFFFF  }
0xa5: {  	s26 =	simm.s32 $execute0_lowered;
	[smem:$0x3FD2] =	sst s25  }
0xa6: {  	s5 =	sshll.u32 s26, $0x1;
	_ =	strace $0x80000046;
	[dreg:$0x1] =	wrdreg $0xFFFFFFFF  }
0xa7: {  	s28 =	simm.s32 $_size_execute0_lowered;
	s3 =	sadd.s32 s3, s5;
	[dreg:$0x0] =	wrdreg $0x0  }
0xa8: {  	s5 =	sshll.u32 s28, $0x1;
	[dreg:$0x2] =	wrdreg s3  }
0xa9: {  	[dreg:$0x3] =	wrdreg s5  }
0xaa: {  	[dreg:$0x4] =	wrdreg $0xC0  }
0xab: {  	_ =	task [dreg:s7], $0x5FFFF  }
0xac: {  	[dreg:$0x1] =	wrdreg $0xFFFFFFFF  }
0xad: {  	[dreg:$0x0] =	wrdreg $0x60  }
0xae: {  	[dreg:$0x2] =	wrdreg s24  }
0xaf: {  	[dreg:$0x3] =	wrdreg s2  }
0xb0: {  	[dreg:$0x4] =	wrdreg $0x0  }
0xb1: {  	[dreg:$0x5] =	wrdreg $0x9  }
0xb2: {  	_ =	task.clear_ibuf [dreg:s7], $0x6FFFF;
	_ =	strace $0x90000046  }
0xb3: {  	s29 =	simm.s32 $0x9;
	_ =	strace $0x80000048  }
0xb4: {  	_ =	swait.ge [sflag:s29], $0x1  }
0xb5: {  	[sflag:s29] =	ssyncadd.s32 $0xFFFFFFFF  }
0xb6: {  	_ =	strace $0x90000048  }
0xb7: {  	_ =	sfence  }
0xb8: {  	s30 =	sld [smem:$0x0];
	_ =	sdelay $0x2  }
0xb9: {  	s31 =	sshll.u32 s1, $0xD;
	s1 =	sshrl.u32 s1, $0x2  }
0xba: {  	s3 =	sand.u32 $0x4000, s31;
	s1 =	sadd.s32 s1, s30  }
0xbb: {  	s0 =	sor.u32 s3, s0;
	s1 =	sshll.u32 s1, $0x11  }
0xbc: {  	s0 =	sor.u32 s1, s0  }
0xbd: {  	s0 =	sadd.s32 $0x8F2B, s0  }
0xbe: {  	[sflag:s0] =	ssyncadd.remote.s32 $0x1  }
0xbf: {  	_ =	sfence.sel $0xFFFF  }
0xc0: {  	[dreg:$0x0] =	wrdreg $0xFFFFFFFF;
	(pc) =	sbr.abs _section_cstart, $3  }
0xc1: {  	[dreg:$0x1] =	wrdreg $0xFFFFFFFF  }
0xc2: {  	_ =	task.clear_ibuf [dreg:s7], $0x2FFFF;
	_ =	strace $0x9FFFFFFF  }
0xc3: {  	(tm) =	ssettm $0x7FFFFFFF  }
tec
execute0_lowered:
.L_overlay_start_1:
0x0: {  	(tag) =	ssettag $0x1  }
0x1: {  	s0 =	rddreg [dreg:$0x0]  }
0x2: {  	s1 =	srdreg.scid;
	s5 =	rddreg [dreg:$0x1]  }
0x3: {  	s10 =	stileid.u32;
	s2 =	rddreg [dreg:$0x2];
	s3 =	simm.s32 $0x0  }
0x4: {  	s13 =	simm.s32 $0x14080;
	s14 =	simm.s32 $0x14100;
	s15 =	simm.s32 $0x14180  }
0x5: {  	s16 =	simm.s32 $0x14200;
	s17 =	simm.s32 $0x14280;
	s18 =	simm.s32 $0x14300  }
0x6: {  	s19 =	simm.s32 $0x14380;
	[smem:$0x7FF] =	sst s3;
	s11 =	sadd.s32 $0x35800, s0  }
0x7: {  	s24 =	sadd.s32 $0x38000, s0;
	_ =	strace $0x80000047;
	[dreg:$0x13] =	wrdreg s11  }
0x8: {  	s20 =	simm.s32 $0x14400;
	s21 =	simm.s32 $0x14480;
	[dreg:$0x14] =	wrdreg s24  }
0x9: {  	s28 =	simm.s32 $0x14D80;
	s6 =	smul.u32 $0x2800, s10;
	[dreg:$0x5] =	wrdreg s13  }
0xa: {  	s29 =	simm.s32 $0x14E00;
	s8 =	smul.u32 $0x14000, s10;
	[dreg:$0x6] =	wrdreg s14  }
0xb: {  	s1 =	sand.u32 $0x1, s1;
	s23 =	smul.u32 $0x50000, s10;
	[dreg:$0x7] =	wrdreg s15  }
0xc: {  	s30 =	simm.s32 $0x14E80;
	s4 =	smul.u32 $0x28000, s1;
	[dreg:$0x8] =	wrdreg s16  }
0xd: {  	s31 =	simm.s32 $0x14F00;
	s22 =	smul.u32 $0x140000, s1;
	[dreg:$0x9] =	wrdreg s17  }
0xe: {  	s1 =	ssub.s32 $0x2, s1;
	s11 =	sshll.u32 s10, $0x6;
	[dreg:$0xa] =	wrdreg s18  }
0xf: {  	s13 =	simm.s32 $0x2;
	s14 =	simm.s32 $0x15000;
	[dreg:$0xb] =	wrdreg s19  }
0x10: {  	s15 =	simm.s32 $0x14800;
	s16 =	simm.s32 $0x80;
	[dreg:$0xc] =	wrdreg s20  }
0x11: {  	s17 =	simm.s32 $0x14880;
	s18 =	simm.s32 $0x14900;
	[dreg:$0xd] =	wrdreg s21  }
0x12: {  	s19 =	simm.s32 $0x14980;
	s20 =	simm.s32 $0x14A00;
	s24 =	simm.s32 $0x14600  }
0x13: {  	s21 =	simm.s32 $0x14A80;
	s25 =	sshrl.u32 s1, $0x1;
	s10 =	sor.u32 $0x1C02, s11  }
0x14: {  	[dreg:$0x10] =	wrdreg s24;
	s24 =	simm.s32 $0x14C00;
	s4 =	sadd.s32 s6, s4  }
0x15: {  	s6 =	sadd.s32 s8, s22;
	s8 =	sshrl.u32 s23, $0x2;
	s1 =	ssub.s32 s1, s25  }
0x16: {  	s22 =	simm.s32 $0x14500;
	s23 =	simm.s32 $0x14580;
	s25 =	simm.s32 $0x14680  }
0x17: {  	[dreg:$0x15] =	wrdreg s10;
	s7 =	sshrl.u32 s4, $0x3;
	s4 =	sadd.s32 $0xD800, s0  }
0x18: {  	s6 =	sshrl.u32 s6, $0x3;
	s26 =	sadd.s32 s8, s2;
	[dreg:$0xe] =	wrdreg s22  }
0x19: {  	s1 =	smax.u32 s1, $0x1;
	[dreg:$0xf] =	wrdreg s23;
	s22 =	simm.s32 $0x14B00  }
0x1a: {  	[dreg:$0x11] =	wrdreg s25;
	s23 =	simm.s32 $0x14B80;
	s25 =	simm.s32 $0x14C80  }
0x1b: {  	s8 =	simm.s32 $0x19000;
	s9 =	sadd.s32 s7, s0;
	s0 =	sadd.s32 s6, s0  }
0x1c: {  	s5 =	sadd.s32 s7, s5;
	[dreg:$0x18] =	wrdreg s1;
	s7 =	sshrl.u32 s26, $0x3  }
0x1d: {  	s26 =	simm.s32 $0x14700;
	s1 =	simm.s32 $0x14F80;
	[dreg:$0x4] =	wrdreg s5  }
0x1e: {  	s6 =	simm.s32 $0x1;
	s12 =	sadd.s32 $0x88800, s0;
	[dreg:$0x12] =	wrdreg s26  }
0x1f: {  	s0 =	sadd.s32 $0x38800, s0;
	s11 =	sadd.s32 $0x3800, s9;
	[dreg:$0x19] =	wrdreg s7  }
0x20: {  	s26 =	simm.s32 $0x14D00;
	s9 =	simm.s32 $0x14780;
	[dreg:$0x16] =	wrdreg s12  }
0x21: {  	[dreg:$0x17] =	wrdreg s0;
	s0 =	simm.s32 $0x14000;
	s12 =	simm.s32 $0x0  }
.LBB2_1:
0x22: {  	[dreg:$0x1a] =	wrdreg s12  }
0x23: {  	s5 =	rddreg [dreg:$0x13]  }
0x24: {  	[spmem:s7], [sflag:s10] =	dma.local [hbm:s5], $0x2800  }
0x25: {  	_ =	swait.ge [sflag:s13], $0x2800  }
0x26: {  	[sflag:s13] =	ssyncset.done $0x0  }
0x27: {  	s10 =	rddreg [dreg:$0x14];
	[sflag:s13] =	ssyncadd.s32 $0xFFFFD800  }
0x28: {  	[tilespmem:s14], [sflag:$0x2] =	stream.linear.gather [hbm4b:s10+s3], $0x4000, $0x38;
	[tilespmem:$0x1D000] =	vst v63  }
0x29: {  	_ =	swait.ge [sflag:s13], $0x4000  }
0x2a: {  	[sflag:s13] =	ssyncset.done $0x0  }
0x2b: {  	[sflag:s13] =	ssyncadd.s32 $0xFFFFC000  }
0x2c: {  	s12 =	sadd.s32 $0x0, s11;
	[bflag:$0x0] =	sbarrier.arrive $0xFFFF  }
0x2d: {  	[tilespmem:s15], [sflag:$0x2] =	stream.linear.gather [hbm4b:s12+s3], $0x800, $0x38;
	[tilespmem:$0x1D000] =	vst v63  }
0x2e: {  	_ =	swait.ge [sflag:s13], $0x800  }
0x2f: {  	[sflag:s13] =	ssyncset.done $0x0  }
0x30: {  	[sflag:s13] =	ssyncadd.s32 $0xFFFFF800  }
0x31: {  	[spmem:s2] =	stream.indirect.scatter.add.f32 [tilespmem:s14], [sflag:$0x2], $0x80, s15, s16, $0xb8;
	[tilespmem:$0x1D000] =	vst v63  }
0x32: {  	_ =	swait.ge [sflag:s13], $0x4000  }
0x33: {  	[sflag:s13] =	ssyncset.done $0x0  }
0x34: {  	[sflag:s13] =	ssyncadd.s32 $0xFFFFC000  }
0x35: {  	[spmem:s2] =	stream.indirect.scatter.add.f32 [tilespmem:s14], [sflag:$0x2], $0x80, s17, s16, $0xb8;
	[tilespmem:$0x1D000] =	vst v63  }
0x36: {  	_ =	swait.ge [sflag:s13], $0x4000  }
0x37: {  	[sflag:s13] =	ssyncset.done $0x0  }
0x38: {  	[sflag:s13] =	ssyncadd.s32 $0xFFFFC000  }
0x39: {  	[spmem:s2] =	stream.indirect.scatter.add.f32 [tilespmem:s14], [sflag:$0x2], $0x80, s18, s16, $0xb8;
	[tilespmem:$0x1D000] =	vst v63  }
0x3a: {  	_ =	swait.ge [sflag:s13], $0x4000  }
0x3b: {  	[sflag:s13] =	ssyncset.done $0x0  }
0x3c: {  	[sflag:s13] =	ssyncadd.s32 $0xFFFFC000  }
0x3d: {  	[spmem:s2] =	stream.indirect.scatter.add.f32 [tilespmem:s14], [sflag:$0x2], $0x80, s19, s16, $0xb8;
	[tilespmem:$0x1D000] =	vst v63  }
0x3e: {  	_ =	swait.ge [sflag:s13], $0x4000  }
0x3f: {  	[sflag:s13] =	ssyncset.done $0x0  }
0x40: {  	[sflag:s13] =	ssyncadd.s32 $0xFFFFC000  }
0x41: {  	[spmem:s2] =	stream.indirect.scatter.add.f32 [tilespmem:s14], [sflag:$0x2], $0x80, s20, s16, $0xb8;
	[tilespmem:$0x1D000] =	vst v63  }
0x42: {  	_ =	swait.ge [sflag:s13], $0x4000  }
0x43: {  	[sflag:s13] =	ssyncset.done $0x0  }
0x44: {  	[sflag:s13] =	ssyncadd.s32 $0xFFFFC000  }
0x45: {  	[spmem:s2] =	stream.indirect.scatter.add.f32 [tilespmem:s14], [sflag:$0x2], $0x80, s21, s16, $0xb8;
	[tilespmem:$0x1D000] =	vst v63  }
0x46: {  	_ =	swait.ge [sflag:s13], $0x4000  }
0x47: {  	[sflag:s13] =	ssyncset.done $0x0  }
0x48: {  	[sflag:s13] =	ssyncadd.s32 $0xFFFFC000  }
0x49: {  	[spmem:s2] =	stream.indirect.scatter.add.f32 [tilespmem:s14], [sflag:$0x2], $0x80, s22, s16, $0xb8;
	[tilespmem:$0x1D000] =	vst v63  }
0x4a: {  	_ =	swait.ge [sflag:s13], $0x4000  }
0x4b: {  	[sflag:s13] =	ssyncset.done $0x0  }
0x4c: {  	[sflag:s13] =	ssyncadd.s32 $0xFFFFC000  }
0x4d: {  	[spmem:s2] =	stream.indirect.scatter.add.f32 [tilespmem:s14], [sflag:$0x2], $0x80, s23, s16, $0xb8;
	[tilespmem:$0x1D000] =	vst v63  }
0x4e: {  	_ =	swait.ge [sflag:s13], $0x4000  }
0x4f: {  	[sflag:s13] =	ssyncset.done $0x0  }
0x50: {  	[sflag:s13] =	ssyncadd.s32 $0xFFFFC000  }
0x51: {  	[spmem:s2] =	stream.indirect.scatter.add.f32 [tilespmem:s14], [sflag:$0x2], $0x80, s24, s16, $0xb8;
	[tilespmem:$0x1D000] =	vst v63  }
0x52: {  	_ =	swait.ge [sflag:s13], $0x4000  }
0x53: {  	[sflag:s13] =	ssyncset.done $0x0  }
0x54: {  	[sflag:s13] =	ssyncadd.s32 $0xFFFFC000  }
0x55: {  	[spmem:s2] =	stream.indirect.scatter.add.f32 [tilespmem:s14], [sflag:$0x2], $0x80, s25, s16, $0xb8;
	[tilespmem:$0x1D000] =	vst v63  }
0x56: {  	_ =	swait.ge [sflag:s13], $0x4000  }
0x57: {  	[sflag:s13] =	ssyncset.done $0x0  }
0x58: {  	[sflag:s13] =	ssyncadd.s32 $0xFFFFC000  }
0x59: {  	[spmem:s2] =	stream.indirect.scatter.add.f32 [tilespmem:s14], [sflag:$0x2], $0x80, s26, s16, $0xb8;
	[tilespmem:$0x1D000] =	vst v63  }
0x5a: {  	_ =	swait.ge [sflag:s13], $0x4000  }
0x5b: {  	[sflag:s13] =	ssyncset.done $0x0  }
0x5c: {  	[sflag:s13] =	ssyncadd.s32 $0xFFFFC000  }
0x5d: {  	[spmem:s2] =	stream.indirect.scatter.add.f32 [tilespmem:s14], [sflag:$0x2], $0x80, s28, s16, $0xb8;
	[tilespmem:$0x1D000] =	vst v63  }
0x5e: {  	_ =	swait.ge [sflag:s13], $0x4000  }
0x5f: {  	[sflag:s13] =	ssyncset.done $0x0  }
0x60: {  	[sflag:s13] =	ssyncadd.s32 $0xFFFFC000  }
0x61: {  	[spmem:s2] =	stream.indirect.scatter.add.f32 [tilespmem:s14], [sflag:$0x2], $0x80, s29, s16, $0xb8;
	[tilespmem:$0x1D000] =	vst v63  }
0x62: {  	_ =	swait.ge [sflag:s13], $0x4000  }
0x63: {  	[sflag:s13] =	ssyncset.done $0x0  }
0x64: {  	[sflag:s13] =	ssyncadd.s32 $0xFFFFC000  }
0x65: {  	[spmem:s2] =	stream.indirect.scatter.add.f32 [tilespmem:s14], [sflag:$0x2], $0x80, s30, s16, $0xb8;
	[tilespmem:$0x1D000] =	vst v63  }
0x66: {  	_ =	swait.ge [sflag:s13], $0x4000  }
0x67: {  	[sflag:s13] =	ssyncset.done $0x0  }
0x68: {  	[sflag:s13] =	ssyncadd.s32 $0xFFFFC000  }
0x69: {  	[spmem:s2] =	stream.indirect.scatter.add.f32 [tilespmem:s14], [sflag:$0x2], $0x80, s31, s16, $0xb8;
	[tilespmem:$0x1D000] =	vst v63  }
0x6a: {  	_ =	swait.ge [sflag:s13], $0x4000  }
0x6b: {  	[sflag:s13] =	ssyncset.done $0x0  }
0x6c: {  	[sflag:s13] =	ssyncadd.s32 $0xFFFFC000  }
0x6d: {  	[spmem:s2] =	stream.indirect.scatter.add.f32 [tilespmem:s14], [sflag:$0x2], $0x80, s1, s16, $0xb8;
	[tilespmem:$0x1D000] =	vst v63  }
0x6e: {  	_ =	swait.ge [sflag:s13], $0x4000  }
0x6f: {  	s5 =	simm.s32 $0x100;
	s12 =	simm.s32 $0x200;
	[sflag:s13] =	ssyncset.done $0x0  }
.LBB2_2:
0x70: {  	s10 =	sadd.s32 s5, s11  }
0x71: {  	[sflag:s13] =	ssyncadd.s32 $0xFFFFC000;
	s5 =	smov.u32 s12;
	s7 =	sadd.s32 $0x100, s12  }
0x72: {  	[tilespmem:s15], [sflag:$0x2] =	stream.linear.gather [hbm4b:s10+s3], $0x800, $0x38;
	[tilespmem:$0x1D000] =	vst v63  }
0x73: {  	p0 =	sne.s32 s12, $0x400;
	_ =	swait.ge [sflag:s13], $0x800  }
0x74: {  	[sflag:s13] =	ssyncset.done $0x0  }
0x75: {  	[sflag:s13] =	ssyncadd.s32 $0xFFFFF800  }
0x76: {  	[spmem:s2] =	stream.indirect.scatter.add.f32 [tilespmem:s14], [sflag:$0x2], $0x80, s15, s16, $0xb8;
	[tilespmem:$0x1D000] =	vst v63  }
0x77: {  	_ =	swait.ge [sflag:s13], $0x4000  }
0x78: {  	[sflag:s13] =	ssyncset.done $0x0  }
0x79: {  	[sflag:s13] =	ssyncadd.s32 $0xFFFFC000  }
0x7a: {  	[spmem:s2] =	stream.indirect.scatter.add.f32 [tilespmem:s14], [sflag:$0x2], $0x80, s17, s16, $0xb8;
	[tilespmem:$0x1D000] =	vst v63  }
0x7b: {  	_ =	swait.ge [sflag:s13], $0x4000  }
0x7c: {  	[sflag:s13] =	ssyncset.done $0x0  }
0x7d: {  	[sflag:s13] =	ssyncadd.s32 $0xFFFFC000  }
0x7e: {  	[spmem:s2] =	stream.indirect.scatter.add.f32 [tilespmem:s14], [sflag:$0x2], $0x80, s18, s16, $0xb8;
	[tilespmem:$0x1D000] =	vst v63  }
0x7f: {  	_ =	swait.ge [sflag:s13], $0x4000  }
0x80: {  	[sflag:s13] =	ssyncset.done $0x0  }
0x81: {  	[sflag:s13] =	ssyncadd.s32 $0xFFFFC000  }
0x82: {  	[spmem:s2] =	stream.indirect.scatter.add.f32 [tilespmem:s14], [sflag:$0x2], $0x80, s19, s16, $0xb8;
	[tilespmem:$0x1D000] =	vst v63  }
0x83: {  	_ =	swait.ge [sflag:s13], $0x4000  }
0x84: {  	[sflag:s13] =	ssyncset.done $0x0  }
0x85: {  	[sflag:s13] =	ssyncadd.s32 $0xFFFFC000  }
0x86: {  	[spmem:s2] =	stream.indirect.scatter.add.f32 [tilespmem:s14], [sflag:$0x2], $0x80, s20, s16, $0xb8;
	[tilespmem:$0x1D000] =	vst v63  }
0x87: {  	_ =	swait.ge [sflag:s13], $0x4000  }
0x88: {  	[sflag:s13] =	ssyncset.done $0x0  }
0x89: {  	[sflag:s13] =	ssyncadd.s32 $0xFFFFC000  }
0x8a: {  	[spmem:s2] =	stream.indirect.scatter.add.f32 [tilespmem:s14], [sflag:$0x2], $0x80, s21, s16, $0xb8;
	[tilespmem:$0x1D000] =	vst v63  }
0x8b: {  	_ =	swait.ge [sflag:s13], $0x4000  }
0x8c: {  	[sflag:s13] =	ssyncset.done $0x0  }
0x8d: {  	[sflag:s13] =	ssyncadd.s32 $0xFFFFC000  }
0x8e: {  	[spmem:s2] =	stream.indirect.scatter.add.f32 [tilespmem:s14], [sflag:$0x2], $0x80, s22, s16, $0xb8;
	[tilespmem:$0x1D000] =	vst v63  }
0x8f: {  	_ =	swait.ge [sflag:s13], $0x4000  }
0x90: {  	[sflag:s13] =	ssyncset.done $0x0  }
0x91: {  	[sflag:s13] =	ssyncadd.s32 $0xFFFFC000  }
0x92: {  	[spmem:s2] =	stream.indirect.scatter.add.f32 [tilespmem:s14], [sflag:$0x2], $0x80, s23, s16, $0xb8;
	[tilespmem:$0x1D000] =	vst v63  }
0x93: {  	_ =	swait.ge [sflag:s13], $0x4000  }
0x94: {  	[sflag:s13] =	ssyncset.done $0x0  }
0x95: {  	[sflag:s13] =	ssyncadd.s32 $0xFFFFC000  }
0x96: {  	[spmem:s2] =	stream.indirect.scatter.add.f32 [tilespmem:s14], [sflag:$0x2], $0x80, s24, s16, $0xb8;
	[tilespmem:$0x1D000] =	vst v63  }
0x97: {  	_ =	swait.ge [sflag:s13], $0x4000  }
0x98: {  	[sflag:s13] =	ssyncset.done $0x0  }
0x99: {  	[sflag:s13] =	ssyncadd.s32 $0xFFFFC000  }
0x9a: {  	[spmem:s2] =	stream.indirect.scatter.add.f32 [tilespmem:s14], [sflag:$0x2], $0x80, s25, s16, $0xb8;
	[tilespmem:$0x1D000] =	vst v63  }
0x9b: {  	_ =	swait.ge [sflag:s13], $0x4000  }
0x9c: {  	[sflag:s13] =	ssyncset.done $0x0  }
0x9d: {  	[sflag:s13] =	ssyncadd.s32 $0xFFFFC000  }
0x9e: {  	[spmem:s2] =	stream.indirect.scatter.add.f32 [tilespmem:s14], [sflag:$0x2], $0x80, s26, s16, $0xb8;
	[tilespmem:$0x1D000] =	vst v63  }
0x9f: {  	_ =	swait.ge [sflag:s13], $0x4000  }
0xa0: {  	[sflag:s13] =	ssyncset.done $0x0  }
0xa1: {  	[sflag:s13] =	ssyncadd.s32 $0xFFFFC000  }
0xa2: {  	[spmem:s2] =	stream.indirect.scatter.add.f32 [tilespmem:s14], [sflag:$0x2], $0x80, s28, s16, $0xb8;
	[tilespmem:$0x1D000] =	vst v63  }
0xa3: {  	_ =	swait.ge [sflag:s13], $0x4000  }
0xa4: {  	[sflag:s13] =	ssyncset.done $0x0  }
0xa5: {  	[sflag:s13] =	ssyncadd.s32 $0xFFFFC000  }
0xa6: {  	[spmem:s2] =	stream.indirect.scatter.add.f32 [tilespmem:s14], [sflag:$0x2], $0x80, s29, s16, $0xb8;
	[tilespmem:$0x1D000] =	vst v63  }
0xa7: {  	_ =	swait.ge [sflag:s13], $0x4000  }
0xa8: {  	[sflag:s13] =	ssyncset.done $0x0  }
0xa9: {  	[sflag:s13] =	ssyncadd.s32 $0xFFFFC000  }
0xaa: {  	[spmem:s2] =	stream.indirect.scatter.add.f32 [tilespmem:s14], [sflag:$0x2], $0x80, s30, s16, $0xb8;
	[tilespmem:$0x1D000] =	vst v63  }
0xab: {  	_ =	swait.ge [sflag:s13], $0x4000  }
0xac: {  	[sflag:s13] =	ssyncset.done $0x0  }
0xad: {  	[sflag:s13] =	ssyncadd.s32 $0xFFFFC000  }
0xae: {  	[spmem:s2] =	stream.indirect.scatter.add.f32 [tilespmem:s14], [sflag:$0x2], $0x80, s31, s16, $0xb8;
	[tilespmem:$0x1D000] =	vst v63  }
0xaf: {  	_ =	swait.ge [sflag:s13], $0x4000  }
.Ltmp0:
0xb0: {  	[sflag:s13] =	ssyncset.done $0x0;
	(pc) =	sbr.rel @p0 .LBB2_2-.Ltmp0, $4  }
0xb1: {  	[sflag:s13] =	ssyncadd.s32 $0xFFFFC000  }
0xb2: {  	[spmem:s2] =	stream.indirect.scatter.add.f32 [tilespmem:s14], [sflag:$0x2], $0x80, s1, s16, $0xb8;
	[tilespmem:$0x1D000] =	vst v63  }
0xb3: {  	_ =	swait.ge [sflag:s13], $0x4000  }
0xb4: {  	s12 =	smov.u32 s7;
	[sflag:s13] =	ssyncset.done $0x0  }
0xb5: {  	s5 =	sadd.s32 s5, s11;
	[sflag:s13] =	ssyncadd.s32 $0xFFFFC000  }
0xb6: {  	[tilespmem:s15], [sflag:$0x2] =	stream.linear.gather [hbm4b:s5+s3], $0x800, $0x38;
	[tilespmem:$0x1D000] =	vst v63  }
0xb7: {  	_ =	swait.ge [sflag:s13], $0x800  }
0xb8: {  	[sflag:s13] =	ssyncset.done $0x0  }
0xb9: {  	[sflag:s13] =	ssyncadd.s32 $0xFFFFF800  }
0xba: {  	[spmem:s2] =	stream.indirect.scatter.add.f32 [tilespmem:s14], [sflag:$0x2], $0x80, s15, s16, $0xb8;
	[tilespmem:$0x1D000] =	vst v63  }
0xbb: {  	_ =	swait.ge [sflag:s13], $0x4000  }
0xbc: {  	[sflag:s13] =	ssyncset.done $0x0  }
0xbd: {  	[sflag:s13] =	ssyncadd.s32 $0xFFFFC000  }
0xbe: {  	[spmem:s2] =	stream.indirect.scatter.add.f32 [tilespmem:s14], [sflag:$0x2], $0x80, s17, s16, $0xb8;
	[tilespmem:$0x1D000] =	vst v63  }
0xbf: {  	_ =	swait.ge [sflag:s13], $0x4000  }
0xc0: {  	[sflag:s13] =	ssyncset.done $0x0  }
0xc1: {  	[sflag:s13] =	ssyncadd.s32 $0xFFFFC000  }
0xc2: {  	[spmem:s2] =	stream.indirect.scatter.add.f32 [tilespmem:s14], [sflag:$0x2], $0x80, s18, s16, $0xb8;
	[tilespmem:$0x1D000] =	vst v63  }
0xc3: {  	_ =	swait.ge [sflag:s13], $0x4000  }
0xc4: {  	[sflag:s13] =	ssyncset.done $0x0  }
0xc5: {  	[sflag:s13] =	ssyncadd.s32 $0xFFFFC000  }
0xc6: {  	[spmem:s2] =	stream.indirect.scatter.add.f32 [tilespmem:s14], [sflag:$0x2], $0x80, s19, s16, $0xb8;
	[tilespmem:$0x1D000] =	vst v63  }
0xc7: {  	_ =	swait.ge [sflag:s13], $0x4000  }
0xc8: {  	[sflag:s13] =	ssyncset.done $0x0  }
0xc9: {  	[sflag:s13] =	ssyncadd.s32 $0xFFFFC000  }
0xca: {  	[spmem:s2] =	stream.indirect.scatter.add.f32 [tilespmem:s14], [sflag:$0x2], $0x80, s20, s16, $0xb8;
	[tilespmem:$0x1D000] =	vst v63  }
0xcb: {  	_ =	swait.ge [sflag:s13], $0x4000  }
0xcc: {  	[sflag:s13] =	ssyncset.done $0x0  }
0xcd: {  	[sflag:s13] =	ssyncadd.s32 $0xFFFFC000  }
0xce: {  	[spmem:s2] =	stream.indirect.scatter.add.f32 [tilespmem:s14], [sflag:$0x2], $0x80, s21, s16, $0xb8;
	[tilespmem:$0x1D000] =	vst v63  }
0xcf: {  	_ =	swait.ge [sflag:s13], $0x4000  }
0xd0: {  	[sflag:s13] =	ssyncset.done $0x0  }
0xd1: {  	[sflag:s13] =	ssyncadd.s32 $0xFFFFC000  }
0xd2: {  	[spmem:s2] =	stream.indirect.scatter.add.f32 [tilespmem:s14], [sflag:$0x2], $0x80, s22, s16, $0xb8;
	[tilespmem:$0x1D000] =	vst v63  }
0xd3: {  	_ =	swait.ge [sflag:s13], $0x4000  }
0xd4: {  	[sflag:s13] =	ssyncset.done $0x0  }
0xd5: {  	[sflag:s13] =	ssyncadd.s32 $0xFFFFC000  }
0xd6: {  	[spmem:s2] =	stream.indirect.scatter.add.f32 [tilespmem:s14], [sflag:$0x2], $0x80, s23, s16, $0xb8;
	[tilespmem:$0x1D000] =	vst v63  }
0xd7: {  	_ =	swait.ge [sflag:s13], $0x4000  }
0xd8: {  	[sflag:s13] =	ssyncset.done $0x0  }
0xd9: {  	[sflag:s13] =	ssyncadd.s32 $0xFFFFC000  }
0xda: {  	[spmem:s2] =	stream.indirect.scatter.add.f32 [tilespmem:s14], [sflag:$0x2], $0x80, s24, s16, $0xb8;
	[tilespmem:$0x1D000] =	vst v63  }
0xdb: {  	_ =	swait.ge [sflag:s13], $0x4000  }
0xdc: {  	[sflag:s13] =	ssyncset.done $0x0  }
0xdd: {  	[sflag:s13] =	ssyncadd.s32 $0xFFFFC000  }
0xde: {  	[spmem:s2] =	stream.indirect.scatter.add.f32 [tilespmem:s14], [sflag:$0x2], $0x80, s25, s16, $0xb8;
	[tilespmem:$0x1D000] =	vst v63  }
0xdf: {  	_ =	swait.ge [sflag:s13], $0x4000  }
0xe0: {  	[sflag:s13] =	ssyncset.done $0x0  }
0xe1: {  	[sflag:s13] =	ssyncadd.s32 $0xFFFFC000  }
0xe2: {  	[spmem:s2] =	stream.indirect.scatter.add.f32 [tilespmem:s14], [sflag:$0x2], $0x80, s26, s16, $0xb8;
	[tilespmem:$0x1D000] =	vst v63  }
0xe3: {  	_ =	swait.ge [sflag:s13], $0x4000  }
0xe4: {  	[sflag:s13] =	ssyncset.done $0x0  }
0xe5: {  	[sflag:s13] =	ssyncadd.s32 $0xFFFFC000  }
0xe6: {  	[spmem:s2] =	stream.indirect.scatter.add.f32 [tilespmem:s14], [sflag:$0x2], $0x80, s28, s16, $0xb8;
	[tilespmem:$0x1D000] =	vst v63  }
0xe7: {  	_ =	swait.ge [sflag:s13], $0x4000  }
0xe8: {  	[sflag:s13] =	ssyncset.done $0x0  }
0xe9: {  	[sflag:s13] =	ssyncadd.s32 $0xFFFFC000  }
0xea: {  	[spmem:s2] =	stream.indirect.scatter.add.f32 [tilespmem:s14], [sflag:$0x2], $0x80, s29, s16, $0xb8;
	[tilespmem:$0x1D000] =	vst v63  }
0xeb: {  	_ =	swait.ge [sflag:s13], $0x4000  }
0xec: {  	[sflag:s13] =	ssyncset.done $0x0  }
0xed: {  	[sflag:s13] =	ssyncadd.s32 $0xFFFFC000  }
0xee: {  	[spmem:s2] =	stream.indirect.scatter.add.f32 [tilespmem:s14], [sflag:$0x2], $0x80, s30, s16, $0xb8;
	[tilespmem:$0x1D000] =	vst v63  }
0xef: {  	_ =	swait.ge [sflag:s13], $0x4000  }
0xf0: {  	[sflag:s13] =	ssyncset.done $0x0  }
0xf1: {  	[sflag:s13] =	ssyncadd.s32 $0xFFFFC000  }
0xf2: {  	[spmem:s2] =	stream.indirect.scatter.add.f32 [tilespmem:s14], [sflag:$0x2], $0x80, s31, s16, $0xb8;
	[tilespmem:$0x1D000] =	vst v63  }
0xf3: {  	_ =	swait.ge [sflag:s13], $0x4000  }
0xf4: {  	[sflag:s13] =	ssyncset.done $0x0  }
0xf5: {  	[sflag:s13] =	ssyncadd.s32 $0xFFFFC000  }
0xf6: {  	[spmem:s2] =	stream.indirect.scatter.add.f32 [tilespmem:s14], [sflag:$0x2], $0x80, s1, s16, $0xb8;
	[tilespmem:$0x1D000] =	vst v63  }
0xf7: {  	_ =	swait.ge [sflag:s13], $0x4000  }
0xf8: {  	[sflag:s13] =	ssyncset.done $0x0  }
0xf9: {  	[sflag:s13] =	ssyncadd.s32 $0xFFFFC000  }
0xfa: {  	[bflag:$0x0] =	sbarrier.arrive $0xFFFF  }
0xfb: {  	s7 =	rddreg [dreg:$0x15]  }
0xfc: {  	s12 =	rddreg [dreg:$0x16]  }
0xfd: {  	s10 =	rddreg [dreg:$0x19]  }
0xfe: {  	[hbm:s12], [sflag:s7] =	dma.local [spmem:s10], $0x2800  }
0xff: {  	_ =	swait.ge [sflag:s13], $0x2800  }
0x100: {  	[sflag:s13] =	ssyncset.done $0x0  }
0x101: {  	s12 =	rddreg [dreg:$0x13];
	[sflag:s13] =	ssyncadd.s32 $0xFFFFD800  }
0x102: {  	[spmem:s10], [sflag:s7] =	dma.local [hbm:s12], $0x2800  }
0x103: {  	_ =	swait.ge [sflag:s13], $0x2800  }
0x104: {  	[sflag:s13] =	ssyncset.done $0x0  }
0x105: {  	[sflag:s13] =	ssyncadd.s32 $0xFFFFD800  }
0x106: {  	[bflag:$0x0] =	sbarrier.arrive $0xFFFF  }
0x107: {  	s12 =	rddreg [dreg:$0x4]  }
0x108: {  	s5 =	sadd.s32 $0x0, s12  }
0x109: {  	[tilespmem:s0], [sflag:$0x2] =	stream.linear.gather [hbm4b:s5+s3], $0x800, $0x38;
	[tilespmem:$0x1D000] =	vst v63  }
0x10a: {  	_ =	swait.ge [sflag:s13], $0x800  }
0x10b: {  	[sflag:s13] =	ssyncset.done $0x0  }
0x10c: {  	s7 =	sadd.s32 $0x0, s11;
	[sflag:s13] =	ssyncadd.s32 $0xFFFFF800  }
0x10d: {  	[tilespmem:s15], [sflag:$0x2] =	stream.linear.gather [hbm4b:s7+s3], $0x800, $0x38;
	[tilespmem:$0x1D000] =	vst v63  }
0x10e: {  	_ =	swait.ge [sflag:s13], $0x800  }
0x10f: {  	[sflag:s13] =	ssyncset.done $0x0  }
0x110: {  	[sflag:s13] =	ssyncadd.s32 $0xFFFFF800  }
0x111: {  	[tilespmem:s14], [sflag:$0x1] =	stream.indirect.gather [hbm4b:s4+s16], $0x80, s0, s16, $0xb8;
	[tilespmem:$0x1D000] =	vst v63  }
0x112: {  	_ =	swait.ge [sflag:s6], $0x4000  }
0x113: {  	[sflag:s6] =	ssyncset.done $0x0  }
0x114: {  	s10 =	rddreg [dreg:$0x5];
	[sflag:s6] =	ssyncadd.s32 $0xFFFFC000  }
0x115: {  	[tilespmem:s8], [sflag:$0x1] =	stream.indirect.gather [hbm4b:s4+s16], $0x80, s10, s16, $0xb8;
	[tilespmem:$0x1D000] =	vst v63  }
0x116: {  	_ = 	snop  }
0x117: {  	[spmem:s2] =	stream.indirect.scatter.add.f32 [tilespmem:s14], [sflag:$0x2], $0x80, s15, s16, $0xb8;
	[tilespmem:$0x1D000] =	vst v63  }
0x118: {  	_ =	swait.ge [sflag:s13], $0x4000  }
0x119: {  	[sflag:s13] =	ssyncset.done $0x0  }
0x11a: {  	[sflag:s13] =	ssyncadd.s32 $0xFFFFC000  }
0x11b: {  	_ =	swait.ge [sflag:s6], $0x4000  }
0x11c: {  	[sflag:s6] =	ssyncset.done $0x0  }
0x11d: {  	s12 =	rddreg [dreg:$0x6];
	[sflag:s6] =	ssyncadd.s32 $0xFFFFC000  }
0x11e: {  	[tilespmem:s14], [sflag:$0x1] =	stream.indirect.gather [hbm4b:s4+s16], $0x80, s12, s16, $0xb8;
	[tilespmem:$0x1D000] =	vst v63  }
0x11f: {  	_ = 	snop  }
0x120: {  	[spmem:s2] =	stream.indirect.scatter.add.f32 [tilespmem:s8], [sflag:$0x2], $0x80, s17, s16, $0xb8;
	[tilespmem:$0x1D000] =	vst v63  }
0x121: {  	_ =	swait.ge [sflag:s13], $0x4000  }
0x122: {  	[sflag:s13] =	ssyncset.done $0x0  }
0x123: {  	[sflag:s13] =	ssyncadd.s32 $0xFFFFC000  }
0x124: {  	_ =	swait.ge [sflag:s6], $0x4000  }
0x125: {  	[sflag:s6] =	ssyncset.done $0x0  }
0x126: {  	s7 =	rddreg [dreg:$0x7];
	[sflag:s6] =	ssyncadd.s32 $0xFFFFC000  }
0x127: {  	[tilespmem:s8], [sflag:$0x1] =	stream.indirect.gather [hbm4b:s4+s16], $0x80, s7, s16, $0xb8;
	[tilespmem:$0x1D000] =	vst v63  }
0x128: {  	_ = 	snop  }
0x129: {  	[spmem:s2] =	stream.indirect.scatter.add.f32 [tilespmem:s14], [sflag:$0x2], $0x80, s18, s16, $0xb8;
	[tilespmem:$0x1D000] =	vst v63  }
0x12a: {  	_ =	swait.ge [sflag:s13], $0x4000  }
0x12b: {  	[sflag:s13] =	ssyncset.done $0x0  }
0x12c: {  	[sflag:s13] =	ssyncadd.s32 $0xFFFFC000  }
0x12d: {  	_ =	swait.ge [sflag:s6], $0x4000  }
0x12e: {  	[sflag:s6] =	ssyncset.done $0x0  }
0x12f: {  	s10 =	rddreg [dreg:$0x8];
	[sflag:s6] =	ssyncadd.s32 $0xFFFFC000  }
0x130: {  	[tilespmem:s14], [sflag:$0x1] =	stream.indirect.gather [hbm4b:s4+s16], $0x80, s10, s16, $0xb8;
	[tilespmem:$0x1D000] =	vst v63  }
0x131: {  	_ = 	snop  }
0x132: {  	[spmem:s2] =	stream.indirect.scatter.add.f32 [tilespmem:s8], [sflag:$0x2], $0x80, s19, s16, $0xb8;
	[tilespmem:$0x1D000] =	vst v63  }
0x133: {  	_ =	swait.ge [sflag:s13], $0x4000  }
0x134: {  	[sflag:s13] =	ssyncset.done $0x0  }
0x135: {  	[sflag:s13] =	ssyncadd.s32 $0xFFFFC000  }
0x136: {  	_ =	swait.ge [sflag:s6], $0x4000  }
0x137: {  	[sflag:s6] =	ssyncset.done $0x0  }
0x138: {  	s12 =	rddreg [dreg:$0x9];
	[sflag:s6] =	ssyncadd.s32 $0xFFFFC000  }
0x139: {  	[tilespmem:s8], [sflag:$0x1] =	stream.indirect.gather [hbm4b:s4+s16], $0x80, s12, s16, $0xb8;
	[tilespmem:$0x1D000] =	vst v63  }
0x13a: {  	_ = 	snop  }
0x13b: {  	[spmem:s2] =	stream.indirect.scatter.add.f32 [tilespmem:s14], [sflag:$0x2], $0x80, s20, s16, $0xb8;
	[tilespmem:$0x1D000] =	vst v63  }
0x13c: {  	_ =	swait.ge [sflag:s13], $0x4000  }
0x13d: {  	[sflag:s13] =	ssyncset.done $0x0  }
0x13e: {  	[sflag:s13] =	ssyncadd.s32 $0xFFFFC000  }
0x13f: {  	_ =	swait.ge [sflag:s6], $0x4000  }
0x140: {  	[sflag:s6] =	ssyncset.done $0x0  }
0x141: {  	s7 =	rddreg [dreg:$0xa];
	[sflag:s6] =	ssyncadd.s32 $0xFFFFC000  }
0x142: {  	[tilespmem:s14], [sflag:$0x1] =	stream.indirect.gather [hbm4b:s4+s16], $0x80, s7, s16, $0xb8;
	[tilespmem:$0x1D000] =	vst v63  }
0x143: {  	_ = 	snop  }
0x144: {  	[spmem:s2] =	stream.indirect.scatter.add.f32 [tilespmem:s8], [sflag:$0x2], $0x80, s21, s16, $0xb8;
	[tilespmem:$0x1D000] =	vst v63  }
0x145: {  	_ =	swait.ge [sflag:s13], $0x4000  }
0x146: {  	[sflag:s13] =	ssyncset.done $0x0  }
0x147: {  	[sflag:s13] =	ssyncadd.s32 $0xFFFFC000  }
0x148: {  	_ =	swait.ge [sflag:s6], $0x4000  }
0x149: {  	[sflag:s6] =	ssyncset.done $0x0  }
0x14a: {  	s10 =	rddreg [dreg:$0xb];
	[sflag:s6] =	ssyncadd.s32 $0xFFFFC000  }
0x14b: {  	[tilespmem:s8], [sflag:$0x1] =	stream.indirect.gather [hbm4b:s4+s16], $0x80, s10, s16, $0xb8;
	[tilespmem:$0x1D000] =	vst v63  }
0x14c: {  	_ = 	snop  }
0x14d: {  	[spmem:s2] =	stream.indirect.scatter.add.f32 [tilespmem:s14], [sflag:$0x2], $0x80, s22, s16, $0xb8;
	[tilespmem:$0x1D000] =	vst v63  }
0x14e: {  	_ =	swait.ge [sflag:s13], $0x4000  }
0x14f: {  	[sflag:s13] =	ssyncset.done $0x0  }
0x150: {  	[sflag:s13] =	ssyncadd.s32 $0xFFFFC000  }
0x151: {  	_ =	swait.ge [sflag:s6], $0x4000  }
0x152: {  	[sflag:s6] =	ssyncset.done $0x0  }
0x153: {  	s12 =	rddreg [dreg:$0xc];
	[sflag:s6] =	ssyncadd.s32 $0xFFFFC000  }
0x154: {  	[tilespmem:s14], [sflag:$0x1] =	stream.indirect.gather [hbm4b:s4+s16], $0x80, s12, s16, $0xb8;
	[tilespmem:$0x1D000] =	vst v63  }
0x155: {  	_ = 	snop  }
0x156: {  	[spmem:s2] =	stream.indirect.scatter.add.f32 [tilespmem:s8], [sflag:$0x2], $0x80, s23, s16, $0xb8;
	[tilespmem:$0x1D000] =	vst v63  }
0x157: {  	_ =	swait.ge [sflag:s13], $0x4000  }
0x158: {  	[sflag:s13] =	ssyncset.done $0x0  }
0x159: {  	[sflag:s13] =	ssyncadd.s32 $0xFFFFC000  }
0x15a: {  	_ =	swait.ge [sflag:s6], $0x4000  }
0x15b: {  	[sflag:s6] =	ssyncset.done $0x0  }
0x15c: {  	s7 =	rddreg [dreg:$0xd];
	[sflag:s6] =	ssyncadd.s32 $0xFFFFC000  }
0x15d: {  	[tilespmem:s8], [sflag:$0x1] =	stream.indirect.gather [hbm4b:s4+s16], $0x80, s7, s16, $0xb8;
	[tilespmem:$0x1D000] =	vst v63  }
0x15e: {  	_ = 	snop  }
0x15f: {  	[spmem:s2] =	stream.indirect.scatter.add.f32 [tilespmem:s14], [sflag:$0x2], $0x80, s24, s16, $0xb8;
	[tilespmem:$0x1D000] =	vst v63  }
0x160: {  	_ =	swait.ge [sflag:s13], $0x4000  }
0x161: {  	[sflag:s13] =	ssyncset.done $0x0  }
0x162: {  	[sflag:s13] =	ssyncadd.s32 $0xFFFFC000  }
0x163: {  	_ =	swait.ge [sflag:s6], $0x4000  }
0x164: {  	[sflag:s6] =	ssyncset.done $0x0  }
0x165: {  	s10 =	rddreg [dreg:$0xe];
	[sflag:s6] =	ssyncadd.s32 $0xFFFFC000  }
0x166: {  	[tilespmem:s14], [sflag:$0x1] =	stream.indirect.gather [hbm4b:s4+s16], $0x80, s10, s16, $0xb8;
	[tilespmem:$0x1D000] =	vst v63  }
0x167: {  	_ = 	snop  }
0x168: {  	[spmem:s2] =	stream.indirect.scatter.add.f32 [tilespmem:s8], [sflag:$0x2], $0x80, s25, s16, $0xb8;
	[tilespmem:$0x1D000] =	vst v63  }
0x169: {  	_ =	swait.ge [sflag:s13], $0x4000  }
0x16a: {  	[sflag:s13] =	ssyncset.done $0x0  }
0x16b: {  	[sflag:s13] =	ssyncadd.s32 $0xFFFFC000  }
0x16c: {  	_ =	swait.ge [sflag:s6], $0x4000  }
0x16d: {  	[sflag:s6] =	ssyncset.done $0x0  }
0x16e: {  	s12 =	rddreg [dreg:$0xf];
	[sflag:s6] =	ssyncadd.s32 $0xFFFFC000  }
0x16f: {  	[tilespmem:s8], [sflag:$0x1] =	stream.indirect.gather [hbm4b:s4+s16], $0x80, s12, s16, $0xb8;
	[tilespmem:$0x1D000] =	vst v63  }
0x170: {  	_ = 	snop  }
0x171: {  	[spmem:s2] =	stream.indirect.scatter.add.f32 [tilespmem:s14], [sflag:$0x2], $0x80, s26, s16, $0xb8;
	[tilespmem:$0x1D000] =	vst v63  }
0x172: {  	_ =	swait.ge [sflag:s13], $0x4000  }
0x173: {  	[sflag:s13] =	ssyncset.done $0x0  }
0x174: {  	[sflag:s13] =	ssyncadd.s32 $0xFFFFC000  }
0x175: {  	_ =	swait.ge [sflag:s6], $0x4000  }
0x176: {  	[sflag:s6] =	ssyncset.done $0x0  }
0x177: {  	s7 =	rddreg [dreg:$0x10];
	[sflag:s6] =	ssyncadd.s32 $0xFFFFC000  }
0x178: {  	[tilespmem:s14], [sflag:$0x1] =	stream.indirect.gather [hbm4b:s4+s16], $0x80, s7, s16, $0xb8;
	[tilespmem:$0x1D000] =	vst v63  }
0x179: {  	_ = 	snop  }
0x17a: {  	[spmem:s2] =	stream.indirect.scatter.add.f32 [tilespmem:s8], [sflag:$0x2], $0x80, s28, s16, $0xb8;
	[tilespmem:$0x1D000] =	vst v63  }
0x17b: {  	_ =	swait.ge [sflag:s13], $0x4000  }
0x17c: {  	[sflag:s13] =	ssyncset.done $0x0  }
0x17d: {  	[sflag:s13] =	ssyncadd.s32 $0xFFFFC000  }
0x17e: {  	_ =	swait.ge [sflag:s6], $0x4000  }
0x17f: {  	[sflag:s6] =	ssyncset.done $0x0  }
0x180: {  	s10 =	rddreg [dreg:$0x11];
	[sflag:s6] =	ssyncadd.s32 $0xFFFFC000  }
0x181: {  	[tilespmem:s8], [sflag:$0x1] =	stream.indirect.gather [hbm4b:s4+s16], $0x80, s10, s16, $0xb8;
	[tilespmem:$0x1D000] =	vst v63  }
0x182: {  	_ = 	snop  }
0x183: {  	[spmem:s2] =	stream.indirect.scatter.add.f32 [tilespmem:s14], [sflag:$0x2], $0x80, s29, s16, $0xb8;
	[tilespmem:$0x1D000] =	vst v63  }
0x184: {  	_ =	swait.ge [sflag:s13], $0x4000  }
0x185: {  	[sflag:s13] =	ssyncset.done $0x0  }
0x186: {  	[sflag:s13] =	ssyncadd.s32 $0xFFFFC000  }
0x187: {  	_ =	swait.ge [sflag:s6], $0x4000  }
0x188: {  	[sflag:s6] =	ssyncset.done $0x0  }
0x189: {  	s12 =	rddreg [dreg:$0x12];
	[sflag:s6] =	ssyncadd.s32 $0xFFFFC000  }
0x18a: {  	[tilespmem:s14], [sflag:$0x1] =	stream.indirect.gather [hbm4b:s4+s16], $0x80, s12, s16, $0xb8;
	[tilespmem:$0x1D000] =	vst v63  }
0x18b: {  	_ = 	snop  }
0x18c: {  	[spmem:s2] =	stream.indirect.scatter.add.f32 [tilespmem:s8], [sflag:$0x2], $0x80, s30, s16, $0xb8;
	[tilespmem:$0x1D000] =	vst v63  }
0x18d: {  	_ =	swait.ge [sflag:s13], $0x4000  }
0x18e: {  	[sflag:s13] =	ssyncset.done $0x0  }
0x18f: {  	[sflag:s13] =	ssyncadd.s32 $0xFFFFC000  }
0x190: {  	_ =	swait.ge [sflag:s6], $0x4000  }
0x191: {  	[sflag:s6] =	ssyncset.done $0x0  }
0x192: {  	[sflag:s6] =	ssyncadd.s32 $0xFFFFC000  }
0x193: {  	[tilespmem:s8], [sflag:$0x1] =	stream.indirect.gather [hbm4b:s4+s16], $0x80, s9, s16, $0xb8;
	[tilespmem:$0x1D000] =	vst v63  }
0x194: {  	_ = 	snop  }
0x195: {  	[spmem:s2] =	stream.indirect.scatter.add.f32 [tilespmem:s14], [sflag:$0x2], $0x80, s31, s16, $0xb8;
	[tilespmem:$0x1D000] =	vst v63  }
0x196: {  	_ =	swait.ge [sflag:s13], $0x4000  }
0x197: {  	[sflag:s13] =	ssyncset.done $0x0  }
0x198: {  	[sflag:s13] =	ssyncadd.s32 $0xFFFFC000  }
0x199: {  	_ =	swait.ge [sflag:s6], $0x4000  }
0x19a: {  	[sflag:s6] =	ssyncset.done $0x0  }
0x19b: {  	[sflag:s6] =	ssyncadd.s32 $0xFFFFC000  }
0x19c: {  	[spmem:s2] =	stream.indirect.scatter.add.f32 [tilespmem:s8], [sflag:$0x2], $0x80, s1, s16, $0xb8;
	[tilespmem:$0x1D000] =	vst v63  }
0x19d: {  	s5 =	simm.s32 $0x100;
	_ =	swait.ge [sflag:s13], $0x4000  }
0x19e: {  	s7 =	simm.s32 $0x200;
	s12 =	rddreg [dreg:$0x4];
	[sflag:s13] =	ssyncset.done $0x0  }
.LBB2_4:
0x19f: {  	[sflag:s13] =	ssyncadd.s32 $0xFFFFC000;
	s12 =	sadd.s32 s5, s12  }
0x1a0: {  	[tilespmem:s0], [sflag:$0x2] =	stream.linear.gather [hbm4b:s12+s3], $0x800, $0x38;
	[tilespmem:$0x1D000] =	vst v63  }
0x1a1: {  	_ =	swait.ge [sflag:s13], $0x800  }
0x1a2: {  	[sflag:s13] =	ssyncset.done $0x0  }
0x1a3: {  	s12 =	sadd.s32 s5, s11;
	[sflag:s13] =	ssyncadd.s32 $0xFFFFF800  }
0x1a4: {  	[tilespmem:s15], [sflag:$0x2] =	stream.linear.gather [hbm4b:s12+s3], $0x800, $0x38;
	[tilespmem:$0x1D000] =	vst v63  }
0x1a5: {  	_ =	swait.ge [sflag:s13], $0x800  }
0x1a6: {  	[sflag:s13] =	ssyncset.done $0x0  }
0x1a7: {  	[sflag:s13] =	ssyncadd.s32 $0xFFFFF800  }
0x1a8: {  	[tilespmem:s14], [sflag:$0x1] =	stream.indirect.gather [hbm4b:s4+s16], $0x80, s0, s16, $0xb8;
	[tilespmem:$0x1D000] =	vst v63  }
0x1a9: {  	_ =	swait.ge [sflag:s6], $0x4000  }
0x1aa: {  	[sflag:s6] =	ssyncset.done $0x0  }
0x1ab: {  	s12 =	rddreg [dreg:$0x5];
	[sflag:s6] =	ssyncadd.s32 $0xFFFFC000  }
0x1ac: {  	[tilespmem:s8], [sflag:$0x1] =	stream.indirect.gather [hbm4b:s4+s16], $0x80, s12, s16, $0xb8;
	[tilespmem:$0x1D000] =	vst v63  }
0x1ad: {  	_ = 	snop  }
0x1ae: {  	[spmem:s2] =	stream.indirect.scatter.add.f32 [tilespmem:s14], [sflag:$0x2], $0x80, s15, s16, $0xb8;
	[tilespmem:$0x1D000] =	vst v63  }
0x1af: {  	_ =	swait.ge [sflag:s13], $0x4000  }
0x1b0: {  	[sflag:s13] =	ssyncset.done $0x0  }
0x1b1: {  	[sflag:s13] =	ssyncadd.s32 $0xFFFFC000  }
0x1b2: {  	_ =	swait.ge [sflag:s6], $0x4000  }
0x1b3: {  	[sflag:s6] =	ssyncset.done $0x0  }
0x1b4: {  	s12 =	rddreg [dreg:$0x6];
	[sflag:s6] =	ssyncadd.s32 $0xFFFFC000  }
0x1b5: {  	[tilespmem:s14], [sflag:$0x1] =	stream.indirect.gather [hbm4b:s4+s16], $0x80, s12, s16, $0xb8;
	[tilespmem:$0x1D000] =	vst v63  }
0x1b6: {  	_ = 	snop  }
0x1b7: {  	[spmem:s2] =	stream.indirect.scatter.add.f32 [tilespmem:s8], [sflag:$0x2], $0x80, s17, s16, $0xb8;
	[tilespmem:$0x1D000] =	vst v63  }
0x1b8: {  	_ =	swait.ge [sflag:s13], $0x4000  }
0x1b9: {  	[sflag:s13] =	ssyncset.done $0x0  }
0x1ba: {  	[sflag:s13] =	ssyncadd.s32 $0xFFFFC000  }
0x1bb: {  	_ =	swait.ge [sflag:s6], $0x4000  }
0x1bc: {  	[sflag:s6] =	ssyncset.done $0x0  }
0x1bd: {  	s12 =	rddreg [dreg:$0x7];
	[sflag:s6] =	ssyncadd.s32 $0xFFFFC000  }
0x1be: {  	[tilespmem:s8], [sflag:$0x1] =	stream.indirect.gather [hbm4b:s4+s16], $0x80, s12, s16, $0xb8;
	[tilespmem:$0x1D000] =	vst v63  }
0x1bf: {  	_ = 	snop  }
0x1c0: {  	[spmem:s2] =	stream.indirect.scatter.add.f32 [tilespmem:s14], [sflag:$0x2], $0x80, s18, s16, $0xb8;
	[tilespmem:$0x1D000] =	vst v63  }
0x1c1: {  	_ =	swait.ge [sflag:s13], $0x4000  }
0x1c2: {  	[sflag:s13] =	ssyncset.done $0x0  }
0x1c3: {  	[sflag:s13] =	ssyncadd.s32 $0xFFFFC000  }
0x1c4: {  	_ =	swait.ge [sflag:s6], $0x4000  }
0x1c5: {  	[sflag:s6] =	ssyncset.done $0x0  }
0x1c6: {  	s12 =	rddreg [dreg:$0x8];
	[sflag:s6] =	ssyncadd.s32 $0xFFFFC000  }
0x1c7: {  	[tilespmem:s14], [sflag:$0x1] =	stream.indirect.gather [hbm4b:s4+s16], $0x80, s12, s16, $0xb8;
	[tilespmem:$0x1D000] =	vst v63  }
0x1c8: {  	_ = 	snop  }
0x1c9: {  	[spmem:s2] =	stream.indirect.scatter.add.f32 [tilespmem:s8], [sflag:$0x2], $0x80, s19, s16, $0xb8;
	[tilespmem:$0x1D000] =	vst v63  }
0x1ca: {  	_ =	swait.ge [sflag:s13], $0x4000  }
0x1cb: {  	[sflag:s13] =	ssyncset.done $0x0  }
0x1cc: {  	[sflag:s13] =	ssyncadd.s32 $0xFFFFC000  }
0x1cd: {  	_ =	swait.ge [sflag:s6], $0x4000  }
0x1ce: {  	[sflag:s6] =	ssyncset.done $0x0  }
0x1cf: {  	s12 =	rddreg [dreg:$0x9];
	[sflag:s6] =	ssyncadd.s32 $0xFFFFC000  }
0x1d0: {  	[tilespmem:s8], [sflag:$0x1] =	stream.indirect.gather [hbm4b:s4+s16], $0x80, s12, s16, $0xb8;
	[tilespmem:$0x1D000] =	vst v63  }
0x1d1: {  	_ = 	snop  }
0x1d2: {  	[spmem:s2] =	stream.indirect.scatter.add.f32 [tilespmem:s14], [sflag:$0x2], $0x80, s20, s16, $0xb8;
	[tilespmem:$0x1D000] =	vst v63  }
0x1d3: {  	_ =	swait.ge [sflag:s13], $0x4000  }
0x1d4: {  	[sflag:s13] =	ssyncset.done $0x0  }
0x1d5: {  	[sflag:s13] =	ssyncadd.s32 $0xFFFFC000  }
0x1d6: {  	_ =	swait.ge [sflag:s6], $0x4000  }
0x1d7: {  	[sflag:s6] =	ssyncset.done $0x0  }
0x1d8: {  	s12 =	rddreg [dreg:$0xa];
	[sflag:s6] =	ssyncadd.s32 $0xFFFFC000  }
0x1d9: {  	[tilespmem:s14], [sflag:$0x1] =	stream.indirect.gather [hbm4b:s4+s16], $0x80, s12, s16, $0xb8;
	[tilespmem:$0x1D000] =	vst v63  }
0x1da: {  	_ = 	snop  }
0x1db: {  	[spmem:s2] =	stream.indirect.scatter.add.f32 [tilespmem:s8], [sflag:$0x2], $0x80, s21, s16, $0xb8;
	[tilespmem:$0x1D000] =	vst v63  }
0x1dc: {  	_ =	swait.ge [sflag:s13], $0x4000  }
0x1dd: {  	[sflag:s13] =	ssyncset.done $0x0  }
0x1de: {  	[sflag:s13] =	ssyncadd.s32 $0xFFFFC000  }
0x1df: {  	_ =	swait.ge [sflag:s6], $0x4000  }
0x1e0: {  	[sflag:s6] =	ssyncset.done $0x0  }
0x1e1: {  	s12 =	rddreg [dreg:$0xb];
	[sflag:s6] =	ssyncadd.s32 $0xFFFFC000  }
0x1e2: {  	[tilespmem:s8], [sflag:$0x1] =	stream.indirect.gather [hbm4b:s4+s16], $0x80, s12, s16, $0xb8;
	[tilespmem:$0x1D000] =	vst v63  }
0x1e3: {  	_ = 	snop  }
0x1e4: {  	[spmem:s2] =	stream.indirect.scatter.add.f32 [tilespmem:s14], [sflag:$0x2], $0x80, s22, s16, $0xb8;
	[tilespmem:$0x1D000] =	vst v63  }
0x1e5: {  	_ =	swait.ge [sflag:s13], $0x4000  }
0x1e6: {  	[sflag:s13] =	ssyncset.done $0x0  }
0x1e7: {  	[sflag:s13] =	ssyncadd.s32 $0xFFFFC000  }
0x1e8: {  	_ =	swait.ge [sflag:s6], $0x4000  }
0x1e9: {  	[sflag:s6] =	ssyncset.done $0x0  }
0x1ea: {  	s12 =	rddreg [dreg:$0xc];
	[sflag:s6] =	ssyncadd.s32 $0xFFFFC000  }
0x1eb: {  	[tilespmem:s14], [sflag:$0x1] =	stream.indirect.gather [hbm4b:s4+s16], $0x80, s12, s16, $0xb8;
	[tilespmem:$0x1D000] =	vst v63  }
0x1ec: {  	_ = 	snop  }
0x1ed: {  	[spmem:s2] =	stream.indirect.scatter.add.f32 [tilespmem:s8], [sflag:$0x2], $0x80, s23, s16, $0xb8;
	[tilespmem:$0x1D000] =	vst v63  }
0x1ee: {  	_ =	swait.ge [sflag:s13], $0x4000  }
0x1ef: {  	[sflag:s13] =	ssyncset.done $0x0  }
0x1f0: {  	[sflag:s13] =	ssyncadd.s32 $0xFFFFC000  }
0x1f1: {  	_ =	swait.ge [sflag:s6], $0x4000  }
0x1f2: {  	[sflag:s6] =	ssyncset.done $0x0  }
0x1f3: {  	s12 =	rddreg [dreg:$0xd];
	[sflag:s6] =	ssyncadd.s32 $0xFFFFC000  }
0x1f4: {  	[tilespmem:s8], [sflag:$0x1] =	stream.indirect.gather [hbm4b:s4+s16], $0x80, s12, s16, $0xb8;
	[tilespmem:$0x1D000] =	vst v63  }
0x1f5: {  	_ = 	snop  }
0x1f6: {  	[spmem:s2] =	stream.indirect.scatter.add.f32 [tilespmem:s14], [sflag:$0x2], $0x80, s24, s16, $0xb8;
	[tilespmem:$0x1D000] =	vst v63  }
0x1f7: {  	_ =	swait.ge [sflag:s13], $0x4000  }
0x1f8: {  	[sflag:s13] =	ssyncset.done $0x0  }
0x1f9: {  	[sflag:s13] =	ssyncadd.s32 $0xFFFFC000  }
0x1fa: {  	_ =	swait.ge [sflag:s6], $0x4000  }
0x1fb: {  	[sflag:s6] =	ssyncset.done $0x0  }
0x1fc: {  	s12 =	rddreg [dreg:$0xe];
	[sflag:s6] =	ssyncadd.s32 $0xFFFFC000  }
0x1fd: {  	[tilespmem:s14], [sflag:$0x1] =	stream.indirect.gather [hbm4b:s4+s16], $0x80, s12, s16, $0xb8;
	[tilespmem:$0x1D000] =	vst v63  }
0x1fe: {  	_ = 	snop  }
0x1ff: {  	[spmem:s2] =	stream.indirect.scatter.add.f32 [tilespmem:s8], [sflag:$0x2], $0x80, s25, s16, $0xb8;
	[tilespmem:$0x1D000] =	vst v63  }
0x200: {  	_ =	swait.ge [sflag:s13], $0x4000  }
0x201: {  	[sflag:s13] =	ssyncset.done $0x0  }
0x202: {  	[sflag:s13] =	ssyncadd.s32 $0xFFFFC000  }
0x203: {  	_ =	swait.ge [sflag:s6], $0x4000  }
0x204: {  	[sflag:s6] =	ssyncset.done $0x0  }
0x205: {  	s12 =	rddreg [dreg:$0xf];
	[sflag:s6] =	ssyncadd.s32 $0xFFFFC000  }
0x206: {  	[tilespmem:s8], [sflag:$0x1] =	stream.indirect.gather [hbm4b:s4+s16], $0x80, s12, s16, $0xb8;
	[tilespmem:$0x1D000] =	vst v63  }
0x207: {  	_ = 	snop  }
0x208: {  	[spmem:s2] =	stream.indirect.scatter.add.f32 [tilespmem:s14], [sflag:$0x2], $0x80, s26, s16, $0xb8;
	[tilespmem:$0x1D000] =	vst v63  }
0x209: {  	_ =	swait.ge [sflag:s13], $0x4000  }
0x20a: {  	[sflag:s13] =	ssyncset.done $0x0  }
0x20b: {  	[sflag:s13] =	ssyncadd.s32 $0xFFFFC000  }
0x20c: {  	_ =	swait.ge [sflag:s6], $0x4000  }
0x20d: {  	[sflag:s6] =	ssyncset.done $0x0  }
0x20e: {  	s12 =	rddreg [dreg:$0x10];
	[sflag:s6] =	ssyncadd.s32 $0xFFFFC000  }
0x20f: {  	[tilespmem:s14], [sflag:$0x1] =	stream.indirect.gather [hbm4b:s4+s16], $0x80, s12, s16, $0xb8;
	[tilespmem:$0x1D000] =	vst v63  }
0x210: {  	_ = 	snop  }
0x211: {  	[spmem:s2] =	stream.indirect.scatter.add.f32 [tilespmem:s8], [sflag:$0x2], $0x80, s28, s16, $0xb8;
	[tilespmem:$0x1D000] =	vst v63  }
0x212: {  	_ =	swait.ge [sflag:s13], $0x4000  }
0x213: {  	[sflag:s13] =	ssyncset.done $0x0  }
0x214: {  	[sflag:s13] =	ssyncadd.s32 $0xFFFFC000  }
0x215: {  	_ =	swait.ge [sflag:s6], $0x4000  }
0x216: {  	[sflag:s6] =	ssyncset.done $0x0  }
0x217: {  	s12 =	rddreg [dreg:$0x11];
	[sflag:s6] =	ssyncadd.s32 $0xFFFFC000  }
0x218: {  	[tilespmem:s8], [sflag:$0x1] =	stream.indirect.gather [hbm4b:s4+s16], $0x80, s12, s16, $0xb8;
	[tilespmem:$0x1D000] =	vst v63  }
0x219: {  	_ = 	snop  }
0x21a: {  	[spmem:s2] =	stream.indirect.scatter.add.f32 [tilespmem:s14], [sflag:$0x2], $0x80, s29, s16, $0xb8;
	[tilespmem:$0x1D000] =	vst v63  }
0x21b: {  	_ =	swait.ge [sflag:s13], $0x4000  }
0x21c: {  	[sflag:s13] =	ssyncset.done $0x0  }
0x21d: {  	[sflag:s13] =	ssyncadd.s32 $0xFFFFC000  }
0x21e: {  	_ =	swait.ge [sflag:s6], $0x4000  }
0x21f: {  	[sflag:s6] =	ssyncset.done $0x0  }
0x220: {  	s12 =	rddreg [dreg:$0x12];
	[sflag:s6] =	ssyncadd.s32 $0xFFFFC000  }
0x221: {  	[tilespmem:s14], [sflag:$0x1] =	stream.indirect.gather [hbm4b:s4+s16], $0x80, s12, s16, $0xb8;
	[tilespmem:$0x1D000] =	vst v63  }
0x222: {  	_ = 	snop  }
0x223: {  	[spmem:s2] =	stream.indirect.scatter.add.f32 [tilespmem:s8], [sflag:$0x2], $0x80, s30, s16, $0xb8;
	[tilespmem:$0x1D000] =	vst v63  }
0x224: {  	_ =	swait.ge [sflag:s13], $0x4000  }
0x225: {  	[sflag:s13] =	ssyncset.done $0x0  }
0x226: {  	[sflag:s13] =	ssyncadd.s32 $0xFFFFC000  }
0x227: {  	_ =	swait.ge [sflag:s6], $0x4000  }
0x228: {  	[sflag:s6] =	ssyncset.done $0x0  }
0x229: {  	[sflag:s6] =	ssyncadd.s32 $0xFFFFC000  }
0x22a: {  	[tilespmem:s8], [sflag:$0x1] =	stream.indirect.gather [hbm4b:s4+s16], $0x80, s9, s16, $0xb8;
	[tilespmem:$0x1D000] =	vst v63  }
0x22b: {  	_ = 	snop  }
0x22c: {  	[spmem:s2] =	stream.indirect.scatter.add.f32 [tilespmem:s14], [sflag:$0x2], $0x80, s31, s16, $0xb8;
	[tilespmem:$0x1D000] =	vst v63  }
0x22d: {  	_ =	swait.ge [sflag:s13], $0x4000  }
0x22e: {  	[sflag:s13] =	ssyncset.done $0x0  }
0x22f: {  	[sflag:s13] =	ssyncadd.s32 $0xFFFFC000  }
0x230: {  	p0 =	sne.s32 s7, $0x400;
	_ =	swait.ge [sflag:s6], $0x4000  }
.Ltmp1:
0x231: {  	[sflag:s6] =	ssyncset.done $0x0;
	(pc) =	sbr.rel @p0 .LBB2_4-.Ltmp1, $4  }
0x232: {  	[sflag:s6] =	ssyncadd.s32 $0xFFFFC000  }
0x233: {  	[spmem:s2] =	stream.indirect.scatter.add.f32 [tilespmem:s8], [sflag:$0x2], $0x80, s1, s16, $0xb8;
	[tilespmem:$0x1D000] =	vst v63  }
0x234: {  	s10 =	smov.u32 s7;
	s7 =	sadd.s32 $0x100, s7;
	_ =	swait.ge [sflag:s13], $0x4000  }
0x235: {  	s5 =	smov.u32 s10;
	s12 =	rddreg [dreg:$0x4];
	[sflag:s13] =	ssyncset.done $0x0  }
0x236: {  	[sflag:s13] =	ssyncadd.s32 $0xFFFFC000;
	s7 =	sadd.s32 s5, s12  }
0x237: {  	[tilespmem:s0], [sflag:$0x2] =	stream.linear.gather [hbm4b:s7+s3], $0x800, $0x38;
	[tilespmem:$0x1D000] =	vst v63  }
0x238: {  	_ =	swait.ge [sflag:s13], $0x800  }
0x239: {  	[sflag:s13] =	ssyncset.done $0x0  }
0x23a: {  	s12 =	sadd.s32 s5, s11;
	[sflag:s13] =	ssyncadd.s32 $0xFFFFF800  }
0x23b: {  	[tilespmem:s15], [sflag:$0x2] =	stream.linear.gather [hbm4b:s12+s3], $0x800, $0x38;
	[tilespmem:$0x1D000] =	vst v63  }
0x23c: {  	_ =	swait.ge [sflag:s13], $0x800  }
0x23d: {  	[sflag:s13] =	ssyncset.done $0x0  }
0x23e: {  	[sflag:s13] =	ssyncadd.s32 $0xFFFFF800  }
0x23f: {  	[tilespmem:s14], [sflag:$0x1] =	stream.indirect.gather [hbm4b:s4+s16], $0x80, s0, s16, $0xb8;
	[tilespmem:$0x1D000] =	vst v63  }
0x240: {  	_ =	swait.ge [sflag:s6], $0x4000  }
0x241: {  	[sflag:s6] =	ssyncset.done $0x0  }
0x242: {  	s7 =	rddreg [dreg:$0x5];
	[sflag:s6] =	ssyncadd.s32 $0xFFFFC000  }
0x243: {  	[tilespmem:s8], [sflag:$0x1] =	stream.indirect.gather [hbm4b:s4+s16], $0x80, s7, s16, $0xb8;
	[tilespmem:$0x1D000] =	vst v63  }
0x244: {  	_ = 	snop  }
0x245: {  	[spmem:s2] =	stream.indirect.scatter.add.f32 [tilespmem:s14], [sflag:$0x2], $0x80, s15, s16, $0xb8;
	[tilespmem:$0x1D000] =	vst v63  }
0x246: {  	_ =	swait.ge [sflag:s13], $0x4000  }
0x247: {  	[sflag:s13] =	ssyncset.done $0x0  }
0x248: {  	[sflag:s13] =	ssyncadd.s32 $0xFFFFC000  }
0x249: {  	_ =	swait.ge [sflag:s6], $0x4000  }
0x24a: {  	[sflag:s6] =	ssyncset.done $0x0  }
0x24b: {  	s10 =	rddreg [dreg:$0x6];
	[sflag:s6] =	ssyncadd.s32 $0xFFFFC000  }
0x24c: {  	[tilespmem:s14], [sflag:$0x1] =	stream.indirect.gather [hbm4b:s4+s16], $0x80, s10, s16, $0xb8;
	[tilespmem:$0x1D000] =	vst v63  }
0x24d: {  	_ = 	snop  }
0x24e: {  	[spmem:s2] =	stream.indirect.scatter.add.f32 [tilespmem:s8], [sflag:$0x2], $0x80, s17, s16, $0xb8;
	[tilespmem:$0x1D000] =	vst v63  }
0x24f: {  	_ =	swait.ge [sflag:s13], $0x4000  }
0x250: {  	[sflag:s13] =	ssyncset.done $0x0  }
0x251: {  	[sflag:s13] =	ssyncadd.s32 $0xFFFFC000  }
0x252: {  	_ =	swait.ge [sflag:s6], $0x4000  }
0x253: {  	[sflag:s6] =	ssyncset.done $0x0  }
0x254: {  	s12 =	rddreg [dreg:$0x7];
	[sflag:s6] =	ssyncadd.s32 $0xFFFFC000  }
0x255: {  	[tilespmem:s8], [sflag:$0x1] =	stream.indirect.gather [hbm4b:s4+s16], $0x80, s12, s16, $0xb8;
	[tilespmem:$0x1D000] =	vst v63  }
0x256: {  	_ = 	snop  }
0x257: {  	[spmem:s2] =	stream.indirect.scatter.add.f32 [tilespmem:s14], [sflag:$0x2], $0x80, s18, s16, $0xb8;
	[tilespmem:$0x1D000] =	vst v63  }
0x258: {  	_ =	swait.ge [sflag:s13], $0x4000  }
0x259: {  	[sflag:s13] =	ssyncset.done $0x0  }
0x25a: {  	[sflag:s13] =	ssyncadd.s32 $0xFFFFC000  }
0x25b: {  	_ =	swait.ge [sflag:s6], $0x4000  }
0x25c: {  	[sflag:s6] =	ssyncset.done $0x0  }
0x25d: {  	s7 =	rddreg [dreg:$0x8];
	[sflag:s6] =	ssyncadd.s32 $0xFFFFC000  }
0x25e: {  	[tilespmem:s14], [sflag:$0x1] =	stream.indirect.gather [hbm4b:s4+s16], $0x80, s7, s16, $0xb8;
	[tilespmem:$0x1D000] =	vst v63  }
0x25f: {  	_ = 	snop  }
0x260: {  	[spmem:s2] =	stream.indirect.scatter.add.f32 [tilespmem:s8], [sflag:$0x2], $0x80, s19, s16, $0xb8;
	[tilespmem:$0x1D000] =	vst v63  }
0x261: {  	_ =	swait.ge [sflag:s13], $0x4000  }
0x262: {  	[sflag:s13] =	ssyncset.done $0x0  }
0x263: {  	[sflag:s13] =	ssyncadd.s32 $0xFFFFC000  }
0x264: {  	_ =	swait.ge [sflag:s6], $0x4000  }
0x265: {  	[sflag:s6] =	ssyncset.done $0x0  }
0x266: {  	s10 =	rddreg [dreg:$0x9];
	[sflag:s6] =	ssyncadd.s32 $0xFFFFC000  }
0x267: {  	[tilespmem:s8], [sflag:$0x1] =	stream.indirect.gather [hbm4b:s4+s16], $0x80, s10, s16, $0xb8;
	[tilespmem:$0x1D000] =	vst v63  }
0x268: {  	_ = 	snop  }
0x269: {  	[spmem:s2] =	stream.indirect.scatter.add.f32 [tilespmem:s14], [sflag:$0x2], $0x80, s20, s16, $0xb8;
	[tilespmem:$0x1D000] =	vst v63  }
0x26a: {  	_ =	swait.ge [sflag:s13], $0x4000  }
0x26b: {  	[sflag:s13] =	ssyncset.done $0x0  }
0x26c: {  	[sflag:s13] =	ssyncadd.s32 $0xFFFFC000  }
0x26d: {  	_ =	swait.ge [sflag:s6], $0x4000  }
0x26e: {  	[sflag:s6] =	ssyncset.done $0x0  }
0x26f: {  	s12 =	rddreg [dreg:$0xa];
	[sflag:s6] =	ssyncadd.s32 $0xFFFFC000  }
0x270: {  	[tilespmem:s14], [sflag:$0x1] =	stream.indirect.gather [hbm4b:s4+s16], $0x80, s12, s16, $0xb8;
	[tilespmem:$0x1D000] =	vst v63  }
0x271: {  	_ = 	snop  }
0x272: {  	[spmem:s2] =	stream.indirect.scatter.add.f32 [tilespmem:s8], [sflag:$0x2], $0x80, s21, s16, $0xb8;
	[tilespmem:$0x1D000] =	vst v63  }
0x273: {  	_ =	swait.ge [sflag:s13], $0x4000  }
0x274: {  	[sflag:s13] =	ssyncset.done $0x0  }
0x275: {  	[sflag:s13] =	ssyncadd.s32 $0xFFFFC000  }
0x276: {  	_ =	swait.ge [sflag:s6], $0x4000  }
0x277: {  	[sflag:s6] =	ssyncset.done $0x0  }
0x278: {  	s7 =	rddreg [dreg:$0xb];
	[sflag:s6] =	ssyncadd.s32 $0xFFFFC000  }
0x279: {  	[tilespmem:s8], [sflag:$0x1] =	stream.indirect.gather [hbm4b:s4+s16], $0x80, s7, s16, $0xb8;
	[tilespmem:$0x1D000] =	vst v63  }
0x27a: {  	_ = 	snop  }
0x27b: {  	[spmem:s2] =	stream.indirect.scatter.add.f32 [tilespmem:s14], [sflag:$0x2], $0x80, s22, s16, $0xb8;
	[tilespmem:$0x1D000] =	vst v63  }
0x27c: {  	_ =	swait.ge [sflag:s13], $0x4000  }
0x27d: {  	[sflag:s13] =	ssyncset.done $0x0  }
0x27e: {  	[sflag:s13] =	ssyncadd.s32 $0xFFFFC000  }
0x27f: {  	_ =	swait.ge [sflag:s6], $0x4000  }
0x280: {  	[sflag:s6] =	ssyncset.done $0x0  }
0x281: {  	s10 =	rddreg [dreg:$0xc];
	[sflag:s6] =	ssyncadd.s32 $0xFFFFC000  }
0x282: {  	[tilespmem:s14], [sflag:$0x1] =	stream.indirect.gather [hbm4b:s4+s16], $0x80, s10, s16, $0xb8;
	[tilespmem:$0x1D000] =	vst v63  }
0x283: {  	_ = 	snop  }
0x284: {  	[spmem:s2] =	stream.indirect.scatter.add.f32 [tilespmem:s8], [sflag:$0x2], $0x80, s23, s16, $0xb8;
	[tilespmem:$0x1D000] =	vst v63  }
0x285: {  	_ =	swait.ge [sflag:s13], $0x4000  }
0x286: {  	[sflag:s13] =	ssyncset.done $0x0  }
0x287: {  	[sflag:s13] =	ssyncadd.s32 $0xFFFFC000  }
0x288: {  	_ =	swait.ge [sflag:s6], $0x4000  }
0x289: {  	[sflag:s6] =	ssyncset.done $0x0  }
0x28a: {  	s12 =	rddreg [dreg:$0xd];
	[sflag:s6] =	ssyncadd.s32 $0xFFFFC000  }
0x28b: {  	[tilespmem:s8], [sflag:$0x1] =	stream.indirect.gather [hbm4b:s4+s16], $0x80, s12, s16, $0xb8;
	[tilespmem:$0x1D000] =	vst v63  }
0x28c: {  	_ = 	snop  }
0x28d: {  	[spmem:s2] =	stream.indirect.scatter.add.f32 [tilespmem:s14], [sflag:$0x2], $0x80, s24, s16, $0xb8;
	[tilespmem:$0x1D000] =	vst v63  }
0x28e: {  	_ =	swait.ge [sflag:s13], $0x4000  }
0x28f: {  	[sflag:s13] =	ssyncset.done $0x0  }
0x290: {  	[sflag:s13] =	ssyncadd.s32 $0xFFFFC000  }
0x291: {  	_ =	swait.ge [sflag:s6], $0x4000  }
0x292: {  	[sflag:s6] =	ssyncset.done $0x0  }
0x293: {  	s7 =	rddreg [dreg:$0xe];
	[sflag:s6] =	ssyncadd.s32 $0xFFFFC000  }
0x294: {  	[tilespmem:s14], [sflag:$0x1] =	stream.indirect.gather [hbm4b:s4+s16], $0x80, s7, s16, $0xb8;
	[tilespmem:$0x1D000] =	vst v63  }
0x295: {  	_ = 	snop  }
0x296: {  	[spmem:s2] =	stream.indirect.scatter.add.f32 [tilespmem:s8], [sflag:$0x2], $0x80, s25, s16, $0xb8;
	[tilespmem:$0x1D000] =	vst v63  }
0x297: {  	_ =	swait.ge [sflag:s13], $0x4000  }
0x298: {  	[sflag:s13] =	ssyncset.done $0x0  }
0x299: {  	[sflag:s13] =	ssyncadd.s32 $0xFFFFC000  }
0x29a: {  	_ =	swait.ge [sflag:s6], $0x4000  }
0x29b: {  	[sflag:s6] =	ssyncset.done $0x0  }
0x29c: {  	s10 =	rddreg [dreg:$0xf];
	[sflag:s6] =	ssyncadd.s32 $0xFFFFC000  }
0x29d: {  	[tilespmem:s8], [sflag:$0x1] =	stream.indirect.gather [hbm4b:s4+s16], $0x80, s10, s16, $0xb8;
	[tilespmem:$0x1D000] =	vst v63  }
0x29e: {  	_ = 	snop  }
0x29f: {  	[spmem:s2] =	stream.indirect.scatter.add.f32 [tilespmem:s14], [sflag:$0x2], $0x80, s26, s16, $0xb8;
	[tilespmem:$0x1D000] =	vst v63  }
0x2a0: {  	_ =	swait.ge [sflag:s13], $0x4000  }
0x2a1: {  	[sflag:s13] =	ssyncset.done $0x0  }
0x2a2: {  	[sflag:s13] =	ssyncadd.s32 $0xFFFFC000  }
0x2a3: {  	_ =	swait.ge [sflag:s6], $0x4000  }
0x2a4: {  	[sflag:s6] =	ssyncset.done $0x0  }
0x2a5: {  	s12 =	rddreg [dreg:$0x10];
	[sflag:s6] =	ssyncadd.s32 $0xFFFFC000  }
0x2a6: {  	[tilespmem:s14], [sflag:$0x1] =	stream.indirect.gather [hbm4b:s4+s16], $0x80, s12, s16, $0xb8;
	[tilespmem:$0x1D000] =	vst v63  }
0x2a7: {  	_ = 	snop  }
0x2a8: {  	[spmem:s2] =	stream.indirect.scatter.add.f32 [tilespmem:s8], [sflag:$0x2], $0x80, s28, s16, $0xb8;
	[tilespmem:$0x1D000] =	vst v63  }
0x2a9: {  	_ =	swait.ge [sflag:s13], $0x4000  }
0x2aa: {  	[sflag:s13] =	ssyncset.done $0x0  }
0x2ab: {  	[sflag:s13] =	ssyncadd.s32 $0xFFFFC000  }
0x2ac: {  	_ =	swait.ge [sflag:s6], $0x4000  }
0x2ad: {  	[sflag:s6] =	ssyncset.done $0x0  }
0x2ae: {  	s7 =	rddreg [dreg:$0x11];
	[sflag:s6] =	ssyncadd.s32 $0xFFFFC000  }
0x2af: {  	[tilespmem:s8], [sflag:$0x1] =	stream.indirect.gather [hbm4b:s4+s16], $0x80, s7, s16, $0xb8;
	[tilespmem:$0x1D000] =	vst v63  }
0x2b0: {  	_ = 	snop  }
0x2b1: {  	[spmem:s2] =	stream.indirect.scatter.add.f32 [tilespmem:s14], [sflag:$0x2], $0x80, s29, s16, $0xb8;
	[tilespmem:$0x1D000] =	vst v63  }
0x2b2: {  	_ =	swait.ge [sflag:s13], $0x4000  }
0x2b3: {  	[sflag:s13] =	ssyncset.done $0x0  }
0x2b4: {  	[sflag:s13] =	ssyncadd.s32 $0xFFFFC000  }
0x2b5: {  	_ =	swait.ge [sflag:s6], $0x4000  }
0x2b6: {  	[sflag:s6] =	ssyncset.done $0x0  }
0x2b7: {  	s10 =	rddreg [dreg:$0x12];
	[sflag:s6] =	ssyncadd.s32 $0xFFFFC000  }
0x2b8: {  	[tilespmem:s14], [sflag:$0x1] =	stream.indirect.gather [hbm4b:s4+s16], $0x80, s10, s16, $0xb8;
	[tilespmem:$0x1D000] =	vst v63  }
0x2b9: {  	_ = 	snop  }
0x2ba: {  	[spmem:s2] =	stream.indirect.scatter.add.f32 [tilespmem:s8], [sflag:$0x2], $0x80, s30, s16, $0xb8;
	[tilespmem:$0x1D000] =	vst v63  }
0x2bb: {  	_ =	swait.ge [sflag:s13], $0x4000  }
0x2bc: {  	[sflag:s13] =	ssyncset.done $0x0  }
0x2bd: {  	[sflag:s13] =	ssyncadd.s32 $0xFFFFC000  }
0x2be: {  	_ =	swait.ge [sflag:s6], $0x4000  }
0x2bf: {  	[sflag:s6] =	ssyncset.done $0x0  }
0x2c0: {  	[sflag:s6] =	ssyncadd.s32 $0xFFFFC000  }
0x2c1: {  	[tilespmem:s8], [sflag:$0x1] =	stream.indirect.gather [hbm4b:s4+s16], $0x80, s9, s16, $0xb8;
	[tilespmem:$0x1D000] =	vst v63  }
0x2c2: {  	_ = 	snop  }
0x2c3: {  	[spmem:s2] =	stream.indirect.scatter.add.f32 [tilespmem:s14], [sflag:$0x2], $0x80, s31, s16, $0xb8;
	[tilespmem:$0x1D000] =	vst v63  }
0x2c4: {  	_ =	swait.ge [sflag:s13], $0x4000  }
0x2c5: {  	[sflag:s13] =	ssyncset.done $0x0  }
0x2c6: {  	[sflag:s13] =	ssyncadd.s32 $0xFFFFC000  }
0x2c7: {  	_ =	swait.ge [sflag:s6], $0x4000  }
0x2c8: {  	[sflag:s6] =	ssyncset.done $0x0  }
0x2c9: {  	[sflag:s6] =	ssyncadd.s32 $0xFFFFC000  }
0x2ca: {  	[spmem:s2] =	stream.indirect.scatter.add.f32 [tilespmem:s8], [sflag:$0x2], $0x80, s1, s16, $0xb8;
	[tilespmem:$0x1D000] =	vst v63  }
0x2cb: {  	_ =	swait.ge [sflag:s13], $0x4000  }
0x2cc: {  	[sflag:s13] =	ssyncset.done $0x0  }
0x2cd: {  	[sflag:s13] =	ssyncadd.s32 $0xFFFFC000  }
0x2ce: {  	[bflag:$0x0] =	sbarrier.arrive $0xFFFF  }
0x2cf: {  	s10 =	rddreg [dreg:$0x15]  }
0x2d0: {  	s12 =	rddreg [dreg:$0x17]  }
0x2d1: {  	s7 =	rddreg [dreg:$0x19]  }
0x2d2: {  	[hbm:s12], [sflag:s10] =	dma.local [spmem:s7], $0x2800  }
0x2d3: {  	_ =	swait.ge [sflag:s13], $0x2800  }
0x2d4: {  	s5 =	rddreg [dreg:$0x1a]  }
0x2d5: {  	s12 =	sadd.s32 $0x1, s5;
	s5 =	rddreg [dreg:$0x18]  }
0x2d6: {  	p0 =	sne.s32 s12, s5  }
.Ltmp2:
0x2d7: {  	_ = 	snop;
	(pc) =	sbr.rel @p0 .LBB2_1-.Ltmp2, $3  }
0x2d8: {  	_ =	sdelay $0x1  }
0x2d9: {  	[sflag:s13] =	ssyncset.done $0x0  }
0x2da: {  	[sflag:s13] =	ssyncadd.s32 $0xFFFFD800  }
0x2db: {  	_ =	sfence.sel $0x180000  }
0x2dc: {  	[bflag:$0x0] =	sbarrier.arrive $0xFFFF  }
0x2dd: {  	_ =	strace $0x90000047  }
0x2de: {  	s0 =	stileid.u32;
	[bflag:$0x2] =	sbarrier.arrive $0xFFFF  }
0x2df: {  	p0 =	sne.s32 s0, $0x0;
	s0 =	rddreg [dreg:$0x3]  }
0x2e0: {  	s0 =	sadd.s32 @!p0 $0x100000, s0  }
0x2e1: {  	[sflag:s0] =	ssyncadd.tile.s32 @!p0 $0x1;
	_ =	shalt  }
.Lfunc_end2:
_tile_overlayer_lowered:
.L_overlay_start_2:
0x2e2: {  	(tag) =	ssettag $0x2  }
0x2e3: {  	s0 =	rddreg [dreg:$0x0];
	s2 =	stileid.u32  }
0x2e4: {  	s1 =	rddreg [dreg:$0x1];
	p0 =	sne.s32 s2, $0x0  }
0x2e5: {  	s3 =	rddreg [dreg:$0x2];
	[bflag:$0x3] =	sbarrier.arrive $0xFFFF;
	s2 =	simm.s32 @!p0 $0x1C02  }
0x2e6: {  	[timem:s3], [sflag:s2] =	dma.local @!p0 [hbm:s0], s1  }
0x2e7: {  	s0 =	simm.s32 @!p0 $0x2  }
0x2e8: {  	_ =	swait.ge @!p0 [sflag:s0], s1  }
0x2e9: {  	s1 =	ssub.s32 @!p0 $0x0, s1;
	[sflag:s0] =	ssyncset.done @!p0 $0x0  }
0x2ea: {  	[sflag:s0] =	ssyncadd.s32 @!p0 s1  }
0x2eb: {  	[bflag:$0x3] =	sbarrier.arrive $0xFFFF  }
0x2ec: {  	_ =	shalt  }

</sc_bundles>
